<compile_context>
chip_gen: v7x
topology: tpu7x:2x2x1
jax: 0.10.2.dev20260603
libtpu: 0.0.44.dev20260713+nightly
codegen_flags: <defaults>
</compile_context>

<pallas_src>
import functools

import jax
import jax.numpy as jnp
from jax import lax
from jax.experimental import pallas as pl
from jax.experimental.pallas import tpu as pltpu
from jax.experimental.pallas import tpu_sc as plsc

_NC = 25
_B = 1024
_S = 1024
_IH = _B // 8
_JH = _S // 128
_NCHUNK = _IH * _JH
_NW = 32
_CPW = _NCHUNK // _NW
_W = 512
_NBATCH = _CPW * 1024 // _W
_OUTW = _NC * _W
_NBUF = 8
_PLANE = _NCHUNK * 1024


def _sc_call(idx_flat):
    mesh = plsc.VectorSubcoreMesh(core_axis_name="c", subcore_axis_name="s")

    @functools.partial(
        pl.kernel,
        mesh=mesh,
        compiler_params=pltpu.CompilerParams(needs_layout_passes=False),
        out_type=jax.ShapeDtypeStruct((_NC * _PLANE,), jnp.float32),
        scratch_types=[
            pltpu.VMEM((_NBUF, _W), jnp.int32),
            pltpu.VMEM((_OUTW,), jnp.float32),
            pltpu.VMEM((_OUTW,), jnp.float32),
            pltpu.VMEM((_OUTW,), jnp.float32),
            pltpu.VMEM((_OUTW,), jnp.float32),
            pltpu.VMEM((_OUTW,), jnp.float32),
            pltpu.VMEM((_OUTW,), jnp.float32),
            pltpu.VMEM((_OUTW,), jnp.float32),
            pltpu.VMEM((_OUTW,), jnp.float32),
            pltpu.VMEM((_NBUF, _W), jnp.int32),
        ] + [pltpu.SemaphoreType.DMA] * 16,
    )
    def k(idx_hbm, out_hbm, idxs, ob0, ob1, ob2, ob3, ob4, ob5, ob6, ob7, olds, *sems):
        outs = (ob0, ob1, ob2, ob3, ob4, ob5, ob6, ob7)
        wid = lax.axis_index("s") * 2 + lax.axis_index("c")
        base_chunk = wid * _CPW
        zeros16f = jnp.zeros((16,), jnp.float32)
        ones16f = jnp.ones((16,), jnp.float32)
        iota16 = lax.iota(jnp.int32, 16)
        isem = sems[:_NBUF]
        osem = sems[_NBUF:]

        base_word = base_chunk * 1024
        for b in range(_NBUF):
            pltpu.async_copy(
                idx_hbm.at[pl.ds(base_word + b * _W, _W)],
                idxs.at[b], isem[b],
            )

        def zinit(t, _):
            for b in range(_NBUF):
                outs[b][pl.ds(t * 16, 16)] = zeros16f
            return 0

        lax.fori_loop(0, _OUTW // 16, zinit, 0, unroll=8)

        def cinit(g, _):
            init16 = g * 16 + iota16
            for b in range(_NBUF):
                olds[b, pl.ds(g * 16, 16)] = init16
            return 0

        lax.fori_loop(0, _W // 16, cinit, 0, unroll=8)

        def run_batch(o, b):
            p = o * _NBUF + b
            word0 = base_word + p * _W
            pltpu.make_async_copy(
                idx_hbm.at[pl.ds(word0, _W)], idxs.at[b], isem[b]
            ).wait()

            @pl.when(o >= 1)
            def _():
                pltpu.make_async_copy(
                    out_hbm.at[pl.ds(0, _OUTW)], outs[b], osem[b]
                ).wait()

            def group(g, _):
                base = g * 16
                idx16 = idxs[b, pl.ds(base, 16)]
                old16 = olds[b, pl.ds(base, 16)]
                plsc.store_scatter(outs[b], [old16], zeros16f)
                off16 = idx16 * _W + (base + iota16)
                olds[b, pl.ds(base, 16)] = off16
                plsc.store_scatter(outs[b], [off16], ones16f)
                return 0

            lax.fori_loop(0, _W // 16, group, 0, unroll=4)

            @pl.when(o < _NBATCH // _NBUF - 1)
            def _():
                pltpu.async_copy(
                    idx_hbm.at[pl.ds(word0 + _NBUF * _W, _W)],
                    idxs.at[b], isem[b],
                )

            for c in range(_NC):
                pltpu.async_copy(
                    outs[b].at[pl.ds(c * _W, _W)],
                    out_hbm.at[pl.ds(c * _PLANE + word0, _W)],
                    osem[b],
                )
            return 0

        def outer(o, _):
            for b in range(_NBUF):
                run_batch(o, b)
            return 0

        lax.fori_loop(0, _NBATCH // _NBUF, outer, 0)

        for b in range(_NBUF):
            pltpu.make_async_copy(
                out_hbm.at[pl.ds(0, _OUTW)], outs[b], osem[b]
            ).wait()

    return k(idx_flat)


def kernel(inputs):
    t = (
        inputs.reshape(_IH, 8, _JH, 128)
        .transpose(0, 2, 1, 3)
        .reshape(_NCHUNK * 1024)
    )
    y = _sc_call(t)
    y5 = y.reshape(_NC, _IH, _JH, 8, 128)
    return y5.transpose(1, 3, 2, 4, 0).reshape(_B, _S, _NC)

# --- scband reference (transcript-rebuilt; emitter-appended) ---
"""Pipeline reference for scband-prot-res-net-1-d-83167746719826 (READ-ONLY COPY).

The authoritative reference and input builder live on the scoring server;
editing this copy changes nothing except your own understanding.
"""

import jax, jax.numpy as jnp
import numpy as np

NUM_CHAR = 25
BATCH = 1024
SEQ = 1024

def setup_inputs(seed: int = 0) -> dict:
    key = jax.random.key(seed)
    inputs = jax.random.randint(key, (BATCH, SEQ), 0, NUM_CHAR, dtype=jnp.int32)
    return {"inputs": inputs}

def reference(inputs) -> jnp.ndarray:
    # Faithful translation of tf.one_hot(inputs, depth=num_char)
    out = jax.nn.one_hot(inputs, NUM_CHAR, dtype=jnp.float32)
    return out

if __name__ == "__main__":
    import jax
    _d = setup_inputs()
    print(jax.jit(kernel)(*tuple(_d.values())))

</pallas_src>

<mosaic_0001>
#map = affine_map<(d0, d1) -> (0)>
module attributes {stable_mosaic.version = 14 : i64} {
  func.func @k(%arg0: i32, %arg1: i32, %arg2: memref<1048576xi32, #tpu.memory_space<hbm>>, %arg3: memref<26214400xf32, #tpu.memory_space<hbm>>, %arg4: memref<8x512xi32, #tpu.memory_space<vmem>>, %arg5: memref<12800xf32, #tpu.memory_space<vmem>>, %arg6: memref<12800xf32, #tpu.memory_space<vmem>>, %arg7: memref<12800xf32, #tpu.memory_space<vmem>>, %arg8: memref<12800xf32, #tpu.memory_space<vmem>>, %arg9: memref<12800xf32, #tpu.memory_space<vmem>>, %arg10: memref<12800xf32, #tpu.memory_space<vmem>>, %arg11: memref<12800xf32, #tpu.memory_space<vmem>>, %arg12: memref<12800xf32, #tpu.memory_space<vmem>>, %arg13: memref<8x512xi32, #tpu.memory_space<vmem>>, %arg14: memref<!tpu.dma_semaphore, #tpu.memory_space<semaphore_mem>>, %arg15: memref<!tpu.dma_semaphore, #tpu.memory_space<semaphore_mem>>, %arg16: memref<!tpu.dma_semaphore, #tpu.memory_space<semaphore_mem>>, %arg17: memref<!tpu.dma_semaphore, #tpu.memory_space<semaphore_mem>>, %arg18: memref<!tpu.dma_semaphore, #tpu.memory_space<semaphore_mem>>, %arg19: memref<!tpu.dma_semaphore, #tpu.memory_space<semaphore_mem>>, %arg20: memref<!tpu.dma_semaphore, #tpu.memory_space<semaphore_mem>>, %arg21: memref<!tpu.dma_semaphore, #tpu.memory_space<semaphore_mem>>, %arg22: memref<!tpu.dma_semaphore, #tpu.memory_space<semaphore_mem>>, %arg23: memref<!tpu.dma_semaphore, #tpu.memory_space<semaphore_mem>>, %arg24: memref<!tpu.dma_semaphore, #tpu.memory_space<semaphore_mem>>, %arg25: memref<!tpu.dma_semaphore, #tpu.memory_space<semaphore_mem>>, %arg26: memref<!tpu.dma_semaphore, #tpu.memory_space<semaphore_mem>>, %arg27: memref<!tpu.dma_semaphore, #tpu.memory_space<semaphore_mem>>, %arg28: memref<!tpu.dma_semaphore, #tpu.memory_space<semaphore_mem>>, %arg29: memref<!tpu.dma_semaphore, #tpu.memory_space<semaphore_mem>>) attributes {dimension_semantics = [#tpu.dimension_semantics<core_parallel>, #tpu.dimension_semantics<subcore_parallel>], iteration_bounds = array<i64: 2, 16>, scalar_prefetch = 0 : i64, scratch_operands = 26 : i64, tpu.core_type = #tpu.core_type<sc_vector_subcore>, window_params = [{transform_indices = #map}, {transform_indices = #map}]} {
    %mul3A = arith.constant 2 : i32
    %mul3A_0 = arith.muli %arg1, %mul3A : i32
    %add3A = arith.addi %mul3A_0, %arg0 : i32
    %mul3A_1 = arith.constant 32 : i32
    %mul3A_2 = arith.muli %add3A, %mul3A_1 : i32
    %broadcast_in_dim3A = arith.constant 0.000000e+00 : f32
    %broadcast_in_dim3A_3 = vector.broadcast %broadcast_in_dim3A : f32 to vector<16xf32>
    %broadcast_in_dim3A_4 = arith.constant 1.000000e+00 : f32
    %broadcast_in_dim3A_5 = vector.broadcast %broadcast_in_dim3A_4 : f32 to vector<16xf32>
    %iota3A = tpu.iota {dimensions = array<i32: 0>} : vector<16xi32>
    %mul3A_6 = arith.constant 1024 : i32
    %mul3A_7 = arith.muli %mul3A_2, %mul3A_6 : i32
    %add3A_8 = arith.constant 0 : i32
    %add3A_9 = arith.addi %mul3A_7, %add3A_8 : i32
    %dma_start3A = arith.constant 0 : i32
    %dma_start3A_10 = arith.constant 0 : i32
    %dma_start3A_11 = tpu.memref_slice %arg4[%dma_start3A, %dma_start3A_10] : memref<8x512xi32, #tpu.memory_space<vmem>> -> memref<1x512xi32, #tpu.memory_space<vmem>>
    %dma_start3A_12 = tpu.memref_squeeze %dma_start3A_11 : memref<1x512xi32, #tpu.memory_space<vmem>> -> memref<512xi32, #tpu.memory_space<vmem>>
    %dma_start3A_13 = tpu.memref_slice %arg2[%add3A_9] : memref<1048576xi32, #tpu.memory_space<hbm>> -> memref<512xi32, #tpu.memory_space<hbm>>
    %dma_start3A_14 = arith.constant 0 : i32
    %dma_start3A_15 = tpu.memref_slice %arg4[%dma_start3A, %dma_start3A_14] : memref<8x512xi32, #tpu.memory_space<vmem>> -> memref<1x512xi32, #tpu.memory_space<vmem>>
    %dma_start3A_16 = tpu.memref_squeeze %dma_start3A_15 : memref<1x512xi32, #tpu.memory_space<vmem>> -> memref<512xi32, #tpu.memory_space<vmem>>
    %dma_start3A_17 = tpu.memref_slice %arg2[%add3A_9] : memref<1048576xi32, #tpu.memory_space<hbm>> -> memref<512xi32, #tpu.memory_space<hbm>>
    tpu.enqueue_dma source(%dma_start3A_17 : memref<512xi32, #tpu.memory_space<hbm>>) target(%dma_start3A_16 : memref<512xi32, #tpu.memory_space<vmem>>) target_semaphore(%arg14 : memref<!tpu.dma_semaphore, #tpu.memory_space<semaphore_mem>>)
    %add3A_18 = arith.constant 512 : i32
    %add3A_19 = arith.addi %mul3A_7, %add3A_18 : i32
    %dma_start3A_20 = arith.constant 1 : i32
    %dma_start3A_21 = arith.constant 0 : i32
    %dma_start3A_22 = tpu.memref_slice %arg4[%dma_start3A_20, %dma_start3A_21] : memref<8x512xi32, #tpu.memory_space<vmem>> -> memref<1x512xi32, #tpu.memory_space<vmem>>
    %dma_start3A_23 = tpu.memref_squeeze %dma_start3A_22 : memref<1x512xi32, #tpu.memory_space<vmem>> -> memref<512xi32, #tpu.memory_space<vmem>>
    %dma_start3A_24 = tpu.memref_slice %arg2[%add3A_19] : memref<1048576xi32, #tpu.memory_space<hbm>> -> memref<512xi32, #tpu.memory_space<hbm>>
    %dma_start3A_25 = arith.constant 0 : i32
    %dma_start3A_26 = tpu.memref_slice %arg4[%dma_start3A_20, %dma_start3A_25] : memref<8x512xi32, #tpu.memory_space<vmem>> -> memref<1x512xi32, #tpu.memory_space<vmem>>
    %dma_start3A_27 = tpu.memref_squeeze %dma_start3A_26 : memref<1x512xi32, #tpu.memory_space<vmem>> -> memref<512xi32, #tpu.memory_space<vmem>>
    %dma_start3A_28 = tpu.memref_slice %arg2[%add3A_19] : memref<1048576xi32, #tpu.memory_space<hbm>> -> memref<512xi32, #tpu.memory_space<hbm>>
    tpu.enqueue_dma source(%dma_start3A_28 : memref<512xi32, #tpu.memory_space<hbm>>) target(%dma_start3A_27 : memref<512xi32, #tpu.memory_space<vmem>>) target_semaphore(%arg15 : memref<!tpu.dma_semaphore, #tpu.memory_space<semaphore_mem>>)
    %add3A_29 = arith.constant 1024 : i32
    %add3A_30 = arith.addi %mul3A_7, %add3A_29 : i32
    %dma_start3A_31 = arith.constant 2 : i32
    %dma_start3A_32 = arith.constant 0 : i32
    %dma_start3A_33 = tpu.memref_slice %arg4[%dma_start3A_31, %dma_start3A_32] : memref<8x512xi32, #tpu.memory_space<vmem>> -> memref<1x512xi32, #tpu.memory_space<vmem>>
    %dma_start3A_34 = tpu.memref_squeeze %dma_start3A_33 : memref<1x512xi32, #tpu.memory_space<vmem>> -> memref<512xi32, #tpu.memory_space<vmem>>
    %dma_start3A_35 = tpu.memref_slice %arg2[%add3A_30] : memref<1048576xi32, #tpu.memory_space<hbm>> -> memref<512xi32, #tpu.memory_space<hbm>>
    %dma_start3A_36 = arith.constant 0 : i32
    %dma_start3A_37 = tpu.memref_slice %arg4[%dma_start3A_31, %dma_start3A_36] : memref<8x512xi32, #tpu.memory_space<vmem>> -> memref<1x512xi32, #tpu.memory_space<vmem>>
    %dma_start3A_38 = tpu.memref_squeeze %dma_start3A_37 : memref<1x512xi32, #tpu.memory_space<vmem>> -> memref<512xi32, #tpu.memory_space<vmem>>
    %dma_start3A_39 = tpu.memref_slice %arg2[%add3A_30] : memref<1048576xi32, #tpu.memory_space<hbm>> -> memref<512xi32, #tpu.memory_space<hbm>>
    tpu.enqueue_dma source(%dma_start3A_39 : memref<512xi32, #tpu.memory_space<hbm>>) target(%dma_start3A_38 : memref<512xi32, #tpu.memory_space<vmem>>) target_semaphore(%arg16 : memref<!tpu.dma_semaphore, #tpu.memory_space<semaphore_mem>>)
    %add3A_40 = arith.constant 1536 : i32
    %add3A_41 = arith.addi %mul3A_7, %add3A_40 : i32
    %dma_start3A_42 = arith.constant 3 : i32
    %dma_start3A_43 = arith.constant 0 : i32
    %dma_start3A_44 = tpu.memref_slice %arg4[%dma_start3A_42, %dma_start3A_43] : memref<8x512xi32, #tpu.memory_space<vmem>> -> memref<1x512xi32, #tpu.memory_space<vmem>>
    %dma_start3A_45 = tpu.memref_squeeze %dma_start3A_44 : memref<1x512xi32, #tpu.memory_space<vmem>> -> memref<512xi32, #tpu.memory_space<vmem>>
    %dma_start3A_46 = tpu.memref_slice %arg2[%add3A_41] : memref<1048576xi32, #tpu.memory_space<hbm>> -> memref<512xi32, #tpu.memory_space<hbm>>
    %dma_start3A_47 = arith.constant 0 : i32
    %dma_start3A_48 = tpu.memref_slice %arg4[%dma_start3A_42, %dma_start3A_47] : memref<8x512xi32, #tpu.memory_space<vmem>> -> memref<1x512xi32, #tpu.memory_space<vmem>>
    %dma_start3A_49 = tpu.memref_squeeze %dma_start3A_48 : memref<1x512xi32, #tpu.memory_space<vmem>> -> memref<512xi32, #tpu.memory_space<vmem>>
    %dma_start3A_50 = tpu.memref_slice %arg2[%add3A_41] : memref<1048576xi32, #tpu.memory_space<hbm>> -> memref<512xi32, #tpu.memory_space<hbm>>
    tpu.enqueue_dma source(%dma_start3A_50 : memref<512xi32, #tpu.memory_space<hbm>>) target(%dma_start3A_49 : memref<512xi32, #tpu.memory_space<vmem>>) target_semaphore(%arg17 : memref<!tpu.dma_semaphore, #tpu.memory_space<semaphore_mem>>)
    %add3A_51 = arith.constant 2048 : i32
    %add3A_52 = arith.addi %mul3A_7, %add3A_51 : i32
    %dma_start3A_53 = arith.constant 4 : i32
    %dma_start3A_54 = arith.constant 0 : i32
    %dma_start3A_55 = tpu.memref_slice %arg4[%dma_start3A_53, %dma_start3A_54] : memref<8x512xi32, #tpu.memory_space<vmem>> -> memref<1x512xi32, #tpu.memory_space<vmem>>
    %dma_start3A_56 = tpu.memref_squeeze %dma_start3A_55 : memref<1x512xi32, #tpu.memory_space<vmem>> -> memref<512xi32, #tpu.memory_space<vmem>>
    %dma_start3A_57 = tpu.memref_slice %arg2[%add3A_52] : memref<1048576xi32, #tpu.memory_space<hbm>> -> memref<512xi32, #tpu.memory_space<hbm>>
    %dma_start3A_58 = arith.constant 0 : i32
    %dma_start3A_59 = tpu.memref_slice %arg4[%dma_start3A_53, %dma_start3A_58] : memref<8x512xi32, #tpu.memory_space<vmem>> -> memref<1x512xi32, #tpu.memory_space<vmem>>
    %dma_start3A_60 = tpu.memref_squeeze %dma_start3A_59 : memref<1x512xi32, #tpu.memory_space<vmem>> -> memref<512xi32, #tpu.memory_space<vmem>>
    %dma_start3A_61 = tpu.memref_slice %arg2[%add3A_52] : memref<1048576xi32, #tpu.memory_space<hbm>> -> memref<512xi32, #tpu.memory_space<hbm>>
    tpu.enqueue_dma source(%dma_start3A_61 : memref<512xi32, #tpu.memory_space<hbm>>) target(%dma_start3A_60 : memref<512xi32, #tpu.memory_space<vmem>>) target_semaphore(%arg18 : memref<!tpu.dma_semaphore, #tpu.memory_space<semaphore_mem>>)
    %add3A_62 = arith.constant 2560 : i32
    %add3A_63 = arith.addi %mul3A_7, %add3A_62 : i32
    %dma_start3A_64 = arith.constant 5 : i32
    %dma_start3A_65 = arith.constant 0 : i32
    %dma_start3A_66 = tpu.memref_slice %arg4[%dma_start3A_64, %dma_start3A_65] : memref<8x512xi32, #tpu.memory_space<vmem>> -> memref<1x512xi32, #tpu.memory_space<vmem>>
    %dma_start3A_67 = tpu.memref_squeeze %dma_start3A_66 : memref<1x512xi32, #tpu.memory_space<vmem>> -> memref<512xi32, #tpu.memory_space<vmem>>
    %dma_start3A_68 = tpu.memref_slice %arg2[%add3A_63] : memref<1048576xi32, #tpu.memory_space<hbm>> -> memref<512xi32, #tpu.memory_space<hbm>>
    %dma_start3A_69 = arith.constant 0 : i32
    %dma_start3A_70 = tpu.memref_slice %arg4[%dma_start3A_64, %dma_start3A_69] : memref<8x512xi32, #tpu.memory_space<vmem>> -> memref<1x512xi32, #tpu.memory_space<vmem>>
    %dma_start3A_71 = tpu.memref_squeeze %dma_start3A_70 : memref<1x512xi32, #tpu.memory_space<vmem>> -> memref<512xi32, #tpu.memory_space<vmem>>
    %dma_start3A_72 = tpu.memref_slice %arg2[%add3A_63] : memref<1048576xi32, #tpu.memory_space<hbm>> -> memref<512xi32, #tpu.memory_space<hbm>>
    tpu.enqueue_dma source(%dma_start3A_72 : memref<512xi32, #tpu.memory_space<hbm>>) target(%dma_start3A_71 : memref<512xi32, #tpu.memory_space<vmem>>) target_semaphore(%arg19 : memref<!tpu.dma_semaphore, #tpu.memory_space<semaphore_mem>>)
    %add3A_73 = arith.constant 3072 : i32
    %add3A_74 = arith.addi %mul3A_7, %add3A_73 : i32
    %dma_start3A_75 = arith.constant 6 : i32
    %dma_start3A_76 = arith.constant 0 : i32
    %dma_start3A_77 = tpu.memref_slice %arg4[%dma_start3A_75, %dma_start3A_76] : memref<8x512xi32, #tpu.memory_space<vmem>> -> memref<1x512xi32, #tpu.memory_space<vmem>>
    %dma_start3A_78 = tpu.memref_squeeze %dma_start3A_77 : memref<1x512xi32, #tpu.memory_space<vmem>> -> memref<512xi32, #tpu.memory_space<vmem>>
    %dma_start3A_79 = tpu.memref_slice %arg2[%add3A_74] : memref<1048576xi32, #tpu.memory_space<hbm>> -> memref<512xi32, #tpu.memory_space<hbm>>
    %dma_start3A_80 = arith.constant 0 : i32
    %dma_start3A_81 = tpu.memref_slice %arg4[%dma_start3A_75, %dma_start3A_80] : memref<8x512xi32, #tpu.memory_space<vmem>> -> memref<1x512xi32, #tpu.memory_space<vmem>>
    %dma_start3A_82 = tpu.memref_squeeze %dma_start3A_81 : memref<1x512xi32, #tpu.memory_space<vmem>> -> memref<512xi32, #tpu.memory_space<vmem>>
    %dma_start3A_83 = tpu.memref_slice %arg2[%add3A_74] : memref<1048576xi32, #tpu.memory_space<hbm>> -> memref<512xi32, #tpu.memory_space<hbm>>
    tpu.enqueue_dma source(%dma_start3A_83 : memref<512xi32, #tpu.memory_space<hbm>>) target(%dma_start3A_82 : memref<512xi32, #tpu.memory_space<vmem>>) target_semaphore(%arg20 : memref<!tpu.dma_semaphore, #tpu.memory_space<semaphore_mem>>)
    %add3A_84 = arith.constant 3584 : i32
    %add3A_85 = arith.addi %mul3A_7, %add3A_84 : i32
    %dma_start3A_86 = arith.constant 7 : i32
    %dma_start3A_87 = arith.constant 0 : i32
    %dma_start3A_88 = tpu.memref_slice %arg4[%dma_start3A_86, %dma_start3A_87] : memref<8x512xi32, #tpu.memory_space<vmem>> -> memref<1x512xi32, #tpu.memory_space<vmem>>
    %dma_start3A_89 = tpu.memref_squeeze %dma_start3A_88 : memref<1x512xi32, #tpu.memory_space<vmem>> -> memref<512xi32, #tpu.memory_space<vmem>>
    %dma_start3A_90 = tpu.memref_slice %arg2[%add3A_85] : memref<1048576xi32, #tpu.memory_space<hbm>> -> memref<512xi32, #tpu.memory_space<hbm>>
    %dma_start3A_91 = arith.constant 0 : i32
    %dma_start3A_92 = tpu.memref_slice %arg4[%dma_start3A_86, %dma_start3A_91] : memref<8x512xi32, #tpu.memory_space<vmem>> -> memref<1x512xi32, #tpu.memory_space<vmem>>
    %dma_start3A_93 = tpu.memref_squeeze %dma_start3A_92 : memref<1x512xi32, #tpu.memory_space<vmem>> -> memref<512xi32, #tpu.memory_space<vmem>>
    %dma_start3A_94 = tpu.memref_slice %arg2[%add3A_85] : memref<1048576xi32, #tpu.memory_space<hbm>> -> memref<512xi32, #tpu.memory_space<hbm>>
    tpu.enqueue_dma source(%dma_start3A_94 : memref<512xi32, #tpu.memory_space<hbm>>) target(%dma_start3A_93 : memref<512xi32, #tpu.memory_space<vmem>>) target_semaphore(%arg21 : memref<!tpu.dma_semaphore, #tpu.memory_space<semaphore_mem>>)
    %scan3A = arith.constant 0 : i32
    %scan3A_95 = arith.constant 0 : i32
    %scan3A_96 = arith.constant 800 : i32
    %scan3A_97 = arith.addi %scan3A_95, %scan3A_96 : i32
    %scan3A_98 = arith.constant 8 : i32
    %scan3A_99 = scf.for %scan3A_146 = %scan3A_95 to %scan3A_97 step %scan3A_98 iter_args(%scan3A_147 = %scan3A) -> (i32)  : i32 {
      %mul3A_148 = arith.constant 16 : i32
      %mul3A_149 = arith.muli %scan3A_146, %mul3A_148 : i32
      %swap3A = arith.index_cast %mul3A_149 : i32 to index
      %swap3A_150 = tpu.vector_load %arg5[%swap3A] {strides = array<i32>} : memref<12800xf32, #tpu.memory_space<vmem>>, vector<16xf32>,
      tpu.vector_store %arg5[%swap3A], %broadcast_in_dim3A_3 {strides = array<i32>} : memref<12800xf32, #tpu.memory_space<vmem>>, vector<16xf32>,
      %mul3A_151 = arith.constant 16 : i32
      %mul3A_152 = arith.muli %scan3A_146, %mul3A_151 : i32
      %swap3A_153 = arith.index_cast %mul3A_152 : i32 to index
      %swap3A_154 = tpu.vector_load %arg6[%swap3A_153] {strides = array<i32>} : memref<12800xf32, #tpu.memory_space<vmem>>, vector<16xf32>,
      tpu.vector_store %arg6[%swap3A_153], %broadcast_in_dim3A_3 {strides = array<i32>} : memref<12800xf32, #tpu.memory_space<vmem>>, vector<16xf32>,
      %mul3A_155 = arith.constant 16 : i32
      %mul3A_156 = arith.muli %scan3A_146, %mul3A_155 : i32
      %swap3A_157 = arith.index_cast %mul3A_156 : i32 to index
      %swap3A_158 = tpu.vector_load %arg7[%swap3A_157] {strides = array<i32>} : memref<12800xf32, #tpu.memory_space<vmem>>, vector<16xf32>,
      tpu.vector_store %arg7[%swap3A_157], %broadcast_in_dim3A_3 {strides = array<i32>} : memref<12800xf32, #tpu.memory_space<vmem>>, vector<16xf32>,
      %mul3A_159 = arith.constant 16 : i32
      %mul3A_160 = arith.muli %scan3A_146, %mul3A_159 : i32
      %swap3A_161 = arith.index_cast %mul3A_160 : i32 to index
      %swap3A_162 = tpu.vector_load %arg8[%swap3A_161] {strides = array<i32>} : memref<12800xf32, #tpu.memory_space<vmem>>, vector<16xf32>,
      tpu.vector_store %arg8[%swap3A_161], %broadcast_in_dim3A_3 {strides = array<i32>} : memref<12800xf32, #tpu.memory_space<vmem>>, vector<16xf32>,
      %mul3A_163 = arith.constant 16 : i32
      %mul3A_164 = arith.muli %scan3A_146, %mul3A_163 : i32
      %swap3A_165 = arith.index_cast %mul3A_164 : i32 to index
      %swap3A_166 = tpu.vector_load %arg9[%swap3A_165] {strides = array<i32>} : memref<12800xf32, #tpu.memory_space<vmem>>, vector<16xf32>,
      tpu.vector_store %arg9[%swap3A_165], %broadcast_in_dim3A_3 {strides = array<i32>} : memref<12800xf32, #tpu.memory_space<vmem>>, vector<16xf32>,
      %mul3A_167 = arith.constant 16 : i32
      %mul3A_168 = arith.muli %scan3A_146, %mul3A_167 : i32
      %swap3A_169 = arith.index_cast %mul3A_168 : i32 to index
      %swap3A_170 = tpu.vector_load %arg10[%swap3A_169] {strides = array<i32>} : memref<12800xf32, #tpu.memory_space<vmem>>, vector<16xf32>,
      tpu.vector_store %arg10[%swap3A_169], %broadcast_in_dim3A_3 {strides = array<i32>} : memref<12800xf32, #tpu.memory_space<vmem>>, vector<16xf32>,
      %mul3A_171 = arith.constant 16 : i32
      %mul3A_172 = arith.muli %scan3A_146, %mul3A_171 : i32
      %swap3A_173 = arith.index_cast %mul3A_172 : i32 to index
      %swap3A_174 = tpu.vector_load %arg11[%swap3A_173] {strides = array<i32>} : memref<12800xf32, #tpu.memory_space<vmem>>, vector<16xf32>,
      tpu.vector_store %arg11[%swap3A_173], %broadcast_in_dim3A_3 {strides = array<i32>} : memref<12800xf32, #tpu.memory_space<vmem>>, vector<16xf32>,
      %mul3A_175 = arith.constant 16 : i32
      %mul3A_176 = arith.muli %scan3A_146, %mul3A_175 : i32
      %swap3A_177 = arith.index_cast %mul3A_176 : i32 to index
      %swap3A_178 = tpu.vector_load %arg12[%swap3A_177] {strides = array<i32>} : memref<12800xf32, #tpu.memory_space<vmem>>, vector<16xf32>,
      tpu.vector_store %arg12[%swap3A_177], %broadcast_in_dim3A_3 {strides = array<i32>} : memref<12800xf32, #tpu.memory_space<vmem>>, vector<16xf32>,
      %scan3A_179 = arith.constant 0 : i32
      %scan3A_180 = arith.constant 1 : i32
      %scan3A_181 = arith.addi %scan3A_146, %scan3A_180 : i32
      %mul3A_182 = arith.constant 16 : i32
      %mul3A_183 = arith.muli %scan3A_181, %mul3A_182 : i32
      %swap3A_184 = arith.index_cast %mul3A_183 : i32 to index
      %swap3A_185 = tpu.vector_load %arg5[%swap3A_184] {strides = array<i32>} : memref<12800xf32, #tpu.memory_space<vmem>>, vector<16xf32>,
      tpu.vector_store %arg5[%swap3A_184], %broadcast_in_dim3A_3 {strides = array<i32>} : memref<12800xf32, #tpu.memory_space<vmem>>, vector<16xf32>,
      %mul3A_186 = arith.constant 16 : i32
      %mul3A_187 = arith.muli %scan3A_181, %mul3A_186 : i32
      %swap3A_188 = arith.index_cast %mul3A_187 : i32 to index
      %swap3A_189 = tpu.vector_load %arg6[%swap3A_188] {strides = array<i32>} : memref<12800xf32, #tpu.memory_space<vmem>>, vector<16xf32>,
      tpu.vector_store %arg6[%swap3A_188], %broadcast_in_dim3A_3 {strides = array<i32>} : memref<12800xf32, #tpu.memory_space<vmem>>, vector<16xf32>,
      %mul3A_190 = arith.constant 16 : i32
      %mul3A_191 = arith.muli %scan3A_181, %mul3A_190 : i32
      %swap3A_192 = arith.index_cast %mul3A_191 : i32 to index
      %swap3A_193 = tpu.vector_load %arg7[%swap3A_192] {strides = array<i32>} : memref<12800xf32, #tpu.memory_space<vmem>>, vector<16xf32>,
      tpu.vector_store %arg7[%swap3A_192], %broadcast_in_dim3A_3 {strides = array<i32>} : memref<12800xf32, #tpu.memory_space<vmem>>, vector<16xf32>,
      %mul3A_194 = arith.constant 16 : i32
      %mul3A_195 = arith.muli %scan3A_181, %mul3A_194 : i32
      %swap3A_196 = arith.index_cast %mul3A_195 : i32 to index
      %swap3A_197 = tpu.vector_load %arg8[%swap3A_196] {strides = array<i32>} : memref<12800xf32, #tpu.memory_space<vmem>>, vector<16xf32>,
      tpu.vector_store %arg8[%swap3A_196], %broadcast_in_dim3A_3 {strides = array<i32>} : memref<12800xf32, #tpu.memory_space<vmem>>, vector<16xf32>,
      %mul3A_198 = arith.constant 16 : i32
      %mul3A_199 = arith.muli %scan3A_181, %mul3A_198 : i32
      %swap3A_200 = arith.index_cast %mul3A_199 : i32 to index
      %swap3A_201 = tpu.vector_load %arg9[%swap3A_200] {strides = array<i32>} : memref<12800xf32, #tpu.memory_space<vmem>>, vector<16xf32>,
      tpu.vector_store %arg9[%swap3A_200], %broadcast_in_dim3A_3 {strides = array<i32>} : memref<12800xf32, #tpu.memory_space<vmem>>, vector<16xf32>,
      %mul3A_202 = arith.constant 16 : i32
      %mul3A_203 = arith.muli %scan3A_181, %mul3A_202 : i32
      %swap3A_204 = arith.index_cast %mul3A_203 : i32 to index
      %swap3A_205 = tpu.vector_load %arg10[%swap3A_204] {strides = array<i32>} : memref<12800xf32, #tpu.memory_space<vmem>>, vector<16xf32>,
      tpu.vector_store %arg10[%swap3A_204], %broadcast_in_dim3A_3 {strides = array<i32>} : memref<12800xf32, #tpu.memory_space<vmem>>, vector<16xf32>,
      %mul3A_206 = arith.constant 16 : i32
      %mul3A_207 = arith.muli %scan3A_181, %mul3A_206 : i32
      %swap3A_208 = arith.index_cast %mul3A_207 : i32 to index
      %swap3A_209 = tpu.vector_load %arg11[%swap3A_208] {strides = array<i32>} : memref<12800xf32, #tpu.memory_space<vmem>>, vector<16xf32>,
      tpu.vector_store %arg11[%swap3A_208], %broadcast_in_dim3A_3 {strides = array<i32>} : memref<12800xf32, #tpu.memory_space<vmem>>, vector<16xf32>,
      %mul3A_210 = arith.constant 16 : i32
      %mul3A_211 = arith.muli %scan3A_181, %mul3A_210 : i32
      %swap3A_212 = arith.index_cast %mul3A_211 : i32 to index
      %swap3A_213 = tpu.vector_load %arg12[%swap3A_212] {strides = array<i32>} : memref<12800xf32, #tpu.memory_space<vmem>>, vector<16xf32>,
      tpu.vector_store %arg12[%swap3A_212], %broadcast_in_dim3A_3 {strides = array<i32>} : memref<12800xf32, #tpu.memory_space<vmem>>, vector<16xf32>,
      %scan3A_214 = arith.constant 0 : i32
      %scan3A_215 = arith.constant 2 : i32
      %scan3A_216 = arith.addi %scan3A_146, %scan3A_215 : i32
      %mul3A_217 = arith.constant 16 : i32
      %mul3A_218 = arith.muli %scan3A_216, %mul3A_217 : i32
      %swap3A_219 = arith.index_cast %mul3A_218 : i32 to index
      %swap3A_220 = tpu.vector_load %arg5[%swap3A_219] {strides = array<i32>} : memref<12800xf32, #tpu.memory_space<vmem>>, vector<16xf32>,
      tpu.vector_store %arg5[%swap3A_219], %broadcast_in_dim3A_3 {strides = array<i32>} : memref<12800xf32, #tpu.memory_space<vmem>>, vector<16xf32>,
      %mul3A_221 = arith.constant 16 : i32
      %mul3A_222 = arith.muli %scan3A_216, %mul3A_221 : i32
      %swap3A_223 = arith.index_cast %mul3A_222 : i32 to index
      %swap3A_224 = tpu.vector_load %arg6[%swap3A_223] {strides = array<i32>} : memref<12800xf32, #tpu.memory_space<vmem>>, vector<16xf32>,
      tpu.vector_store %arg6[%swap3A_223], %broadcast_in_dim3A_3 {strides = array<i32>} : memref<12800xf32, #tpu.memory_space<vmem>>, vector<16xf32>,
      %mul3A_225 = arith.constant 16 : i32
      %mul3A_226 = arith.muli %scan3A_216, %mul3A_225 : i32
      %swap3A_227 = arith.index_cast %mul3A_226 : i32 to index
      %swap3A_228 = tpu.vector_load %arg7[%swap3A_227] {strides = array<i32>} : memref<12800xf32, #tpu.memory_space<vmem>>, vector<16xf32>,
      tpu.vector_store %arg7[%swap3A_227], %broadcast_in_dim3A_3 {strides = array<i32>} : memref<12800xf32, #tpu.memory_space<vmem>>, vector<16xf32>,
      %mul3A_229 = arith.constant 16 : i32
      %mul3A_230 = arith.muli %scan3A_216, %mul3A_229 : i32
      %swap3A_231 = arith.index_cast %mul3A_230 : i32 to index
      %swap3A_232 = tpu.vector_load %arg8[%swap3A_231] {strides = array<i32>} : memref<12800xf32, #tpu.memory_space<vmem>>, vector<16xf32>,
      tpu.vector_store %arg8[%swap3A_231], %broadcast_in_dim3A_3 {strides = array<i32>} : memref<12800xf32, #tpu.memory_space<vmem>>, vector<16xf32>,
      %mul3A_233 = arith.constant 16 : i32
      %mul3A_234 = arith.muli %scan3A_216, %mul3A_233 : i32
      %swap3A_235 = arith.index_cast %mul3A_234 : i32 to index
      %swap3A_236 = tpu.vector_load %arg9[%swap3A_235] {strides = array<i32>} : memref<12800xf32, #tpu.memory_space<vmem>>, vector<16xf32>,
      tpu.vector_store %arg9[%swap3A_235], %broadcast_in_dim3A_3 {strides = array<i32>} : memref<12800xf32, #tpu.memory_space<vmem>>, vector<16xf32>,
      %mul3A_237 = arith.constant 16 : i32
      %mul3A_238 = arith.muli %scan3A_216, %mul3A_237 : i32
      %swap3A_239 = arith.index_cast %mul3A_238 : i32 to index
      %swap3A_240 = tpu.vector_load %arg10[%swap3A_239] {strides = array<i32>} : memref<12800xf32, #tpu.memory_space<vmem>>, vector<16xf32>,
      tpu.vector_store %arg10[%swap3A_239], %broadcast_in_dim3A_3 {strides = array<i32>} : memref<12800xf32, #tpu.memory_space<vmem>>, vector<16xf32>,
      %mul3A_241 = arith.constant 16 : i32
      %mul3A_242 = arith.muli %scan3A_216, %mul3A_241 : i32
      %swap3A_243 = arith.index_cast %mul3A_242 : i32 to index
      %swap3A_244 = tpu.vector_load %arg11[%swap3A_243] {strides = array<i32>} : memref<12800xf32, #tpu.memory_space<vmem>>, vector<16xf32>,
      tpu.vector_store %arg11[%swap3A_243], %broadcast_in_dim3A_3 {strides = array<i32>} : memref<12800xf32, #tpu.memory_space<vmem>>, vector<16xf32>,
      %mul3A_245 = arith.constant 16 : i32
      %mul3A_246 = arith.muli %scan3A_216, %mul3A_245 : i32
      %swap3A_247 = arith.index_cast %mul3A_246 : i32 to index
      %swap3A_248 = tpu.vector_load %arg12[%swap3A_247] {strides = array<i32>} : memref<12800xf32, #tpu.memory_space<vmem>>, vector<16xf32>,
      tpu.vector_store %arg12[%swap3A_247], %broadcast_in_dim3A_3 {strides = array<i32>} : memref<12800xf32, #tpu.memory_space<vmem>>, vector<16xf32>,
      %scan3A_249 = arith.constant 0 : i32
      %scan3A_250 = arith.constant 3 : i32
      %scan3A_251 = arith.addi %scan3A_146, %scan3A_250 : i32
      %mul3A_252 = arith.constant 16 : i32
      %mul3A_253 = arith.muli %scan3A_251, %mul3A_252 : i32
      %swap3A_254 = arith.index_cast %mul3A_253 : i32 to index
      %swap3A_255 = tpu.vector_load %arg5[%swap3A_254] {strides = array<i32>} : memref<12800xf32, #tpu.memory_space<vmem>>, vector<16xf32>,
      tpu.vector_store %arg5[%swap3A_254], %broadcast_in_dim3A_3 {strides = array<i32>} : memref<12800xf32, #tpu.memory_space<vmem>>, vector<16xf32>,
      %mul3A_256 = arith.constant 16 : i32
      %mul3A_257 = arith.muli %scan3A_251, %mul3A_256 : i32
      %swap3A_258 = arith.index_cast %mul3A_257 : i32 to index
      %swap3A_259 = tpu.vector_load %arg6[%swap3A_258] {strides = array<i32>} : memref<12800xf32, #tpu.memory_space<vmem>>, vector<16xf32>,
      tpu.vector_store %arg6[%swap3A_258], %broadcast_in_dim3A_3 {strides = array<i32>} : memref<12800xf32, #tpu.memory_space<vmem>>, vector<16xf32>,
      %mul3A_260 = arith.constant 16 : i32
      %mul3A_261 = arith.muli %scan3A_251, %mul3A_260 : i32
      %swap3A_262 = arith.index_cast %mul3A_261 : i32 to index
      %swap3A_263 = tpu.vector_load %arg7[%swap3A_262] {strides = array<i32>} : memref<12800xf32, #tpu.memory_space<vmem>>, vector<16xf32>,
      tpu.vector_store %arg7[%swap3A_262], %broadcast_in_dim3A_3 {strides = array<i32>} : memref<12800xf32, #tpu.memory_space<vmem>>, vector<16xf32>,
      %mul3A_264 = arith.constant 16 : i32
      %mul3A_265 = arith.muli %scan3A_251, %mul3A_264 : i32
      %swap3A_266 = arith.index_cast %mul3A_265 : i32 to index
      %swap3A_267 = tpu.vector_load %arg8[%swap3A_266] {strides = array<i32>} : memref<12800xf32, #tpu.memory_space<vmem>>, vector<16xf32>,
      tpu.vector_store %arg8[%swap3A_266], %broadcast_in_dim3A_3 {strides = array<i32>} : memref<12800xf32, #tpu.memory_space<vmem>>, vector<16xf32>,
      %mul3A_268 = arith.constant 16 : i32
      %mul3A_269 = arith.muli %scan3A_251, %mul3A_268 : i32
      %swap3A_270 = arith.index_cast %mul3A_269 : i32 to index
      %swap3A_271 = tpu.vector_load %arg9[%swap3A_270] {strides = array<i32>} : memref<12800xf32, #tpu.memory_space<vmem>>, vector<16xf32>,
      tpu.vector_store %arg9[%swap3A_270], %broadcast_in_dim3A_3 {strides = array<i32>} : memref<12800xf32, #tpu.memory_space<vmem>>, vector<16xf32>,
      %mul3A_272 = arith.constant 16 : i32
      %mul3A_273 = arith.muli %scan3A_251, %mul3A_272 : i32
      %swap3A_274 = arith.index_cast %mul3A_273 : i32 to index
      %swap3A_275 = tpu.vector_load %arg10[%swap3A_274] {strides = array<i32>} : memref<12800xf32, #tpu.memory_space<vmem>>, vector<16xf32>,
      tpu.vector_store %arg10[%swap3A_274], %broadcast_in_dim3A_3 {strides = array<i32>} : memref<12800xf32, #tpu.memory_space<vmem>>, vector<16xf32>,
      %mul3A_276 = arith.constant 16 : i32
      %mul3A_277 = arith.muli %scan3A_251, %mul3A_276 : i32
      %swap3A_278 = arith.index_cast %mul3A_277 : i32 to index
      %swap3A_279 = tpu.vector_load %arg11[%swap3A_278] {strides = array<i32>} : memref<12800xf32, #tpu.memory_space<vmem>>, vector<16xf32>,
      tpu.vector_store %arg11[%swap3A_278], %broadcast_in_dim3A_3 {strides = array<i32>} : memref<12800xf32, #tpu.memory_space<vmem>>, vector<16xf32>,
      %mul3A_280 = arith.constant 16 : i32
      %mul3A_281 = arith.muli %scan3A_251, %mul3A_280 : i32
      %swap3A_282 = arith.index_cast %mul3A_281 : i32 to index
      %swap3A_283 = tpu.vector_load %arg12[%swap3A_282] {strides = array<i32>} : memref<12800xf32, #tpu.memory_space<vmem>>, vector<16xf32>,
      tpu.vector_store %arg12[%swap3A_282], %broadcast_in_dim3A_3 {strides = array<i32>} : memref<12800xf32, #tpu.memory_space<vmem>>, vector<16xf32>,
      %scan3A_284 = arith.constant 0 : i32
      %scan3A_285 = arith.constant 4 : i32
      %scan3A_286 = arith.addi %scan3A_146, %scan3A_285 : i32
      %mul3A_287 = arith.constant 16 : i32
      %mul3A_288 = arith.muli %scan3A_286, %mul3A_287 : i32
      %swap3A_289 = arith.index_cast %mul3A_288 : i32 to index
      %swap3A_290 = tpu.vector_load %arg5[%swap3A_289] {strides = array<i32>} : memref<12800xf32, #tpu.memory_space<vmem>>, vector<16xf32>,
      tpu.vector_store %arg5[%swap3A_289], %broadcast_in_dim3A_3 {strides = array<i32>} : memref<12800xf32, #tpu.memory_space<vmem>>, vector<16xf32>,
      %mul3A_291 = arith.constant 16 : i32
      %mul3A_292 = arith.muli %scan3A_286, %mul3A_291 : i32
      %swap3A_293 = arith.index_cast %mul3A_292 : i32 to index
      %swap3A_294 = tpu.vector_load %arg6[%swap3A_293] {strides = array<i32>} : memref<12800xf32, #tpu.memory_space<vmem>>, vector<16xf32>,
      tpu.vector_store %arg6[%swap3A_293], %broadcast_in_dim3A_3 {strides = array<i32>} : memref<12800xf32, #tpu.memory_space<vmem>>, vector<16xf32>,
      %mul3A_295 = arith.constant 16 : i32
      %mul3A_296 = arith.muli %scan3A_286, %mul3A_295 : i32
      %swap3A_297 = arith.index_cast %mul3A_296 : i32 to index
      %swap3A_298 = tpu.vector_load %arg7[%swap3A_297] {strides = array<i32>} : memref<12800xf32, #tpu.memory_space<vmem>>, vector<16xf32>,
      tpu.vector_store %arg7[%swap3A_297], %broadcast_in_dim3A_3 {strides = array<i32>} : memref<12800xf32, #tpu.memory_space<vmem>>, vector<16xf32>,
      %mul3A_299 = arith.constant 16 : i32
      %mul3A_300 = arith.muli %scan3A_286, %mul3A_299 : i32
      %swap3A_301 = arith.index_cast %mul3A_300 : i32 to index
      %swap3A_302 = tpu.vector_load %arg8[%swap3A_301] {strides = array<i32>} : memref<12800xf32, #tpu.memory_space<vmem>>, vector<16xf32>,
      tpu.vector_store %arg8[%swap3A_301], %broadcast_in_dim3A_3 {strides = array<i32>} : memref<12800xf32, #tpu.memory_space<vmem>>, vector<16xf32>,
      %mul3A_303 = arith.constant 16 : i32
      %mul3A_304 = arith.muli %scan3A_286, %mul3A_303 : i32
      %swap3A_305 = arith.index_cast %mul3A_304 : i32 to index
      %swap3A_306 = tpu.vector_load %arg9[%swap3A_305] {strides = array<i32>} : memref<12800xf32, #tpu.memory_space<vmem>>, vector<16xf32>,
      tpu.vector_store %arg9[%swap3A_305], %broadcast_in_dim3A_3 {strides = array<i32>} : memref<12800xf32, #tpu.memory_space<vmem>>, vector<16xf32>,
      %mul3A_307 = arith.constant 16 : i32
      %mul3A_308 = arith.muli %scan3A_286, %mul3A_307 : i32
      %swap3A_309 = arith.index_cast %mul3A_308 : i32 to index
      %swap3A_310 = tpu.vector_load %arg10[%swap3A_309] {strides = array<i32>} : memref<12800xf32, #tpu.memory_space<vmem>>, vector<16xf32>,
      tpu.vector_store %arg10[%swap3A_309], %broadcast_in_dim3A_3 {strides = array<i32>} : memref<12800xf32, #tpu.memory_space<vmem>>, vector<16xf32>,
      %mul3A_311 = arith.constant 16 : i32
      %mul3A_312 = arith.muli %scan3A_286, %mul3A_311 : i32
      %swap3A_313 = arith.index_cast %mul3A_312 : i32 to index
      %swap3A_314 = tpu.vector_load %arg11[%swap3A_313] {strides = array<i32>} : memref<12800xf32, #tpu.memory_space<vmem>>, vector<16xf32>,
      tpu.vector_store %arg11[%swap3A_313], %broadcast_in_dim3A_3 {strides = array<i32>} : memref<12800xf32, #tpu.memory_space<vmem>>, vector<16xf32>,
      %mul3A_315 = arith.constant 16 : i32
      %mul3A_316 = arith.muli %scan3A_286, %mul3A_315 : i32
      %swap3A_317 = arith.index_cast %mul3A_316 : i32 to index
      %swap3A_318 = tpu.vector_load %arg12[%swap3A_317] {strides = array<i32>} : memref<12800xf32, #tpu.memory_space<vmem>>, vector<16xf32>,
      tpu.vector_store %arg12[%swap3A_317], %broadcast_in_dim3A_3 {strides = array<i32>} : memref<12800xf32, #tpu.memory_space<vmem>>, vector<16xf32>,
      %scan3A_319 = arith.constant 0 : i32
      %scan3A_320 = arith.constant 5 : i32
      %scan3A_321 = arith.addi %scan3A_146, %scan3A_320 : i32
      %mul3A_322 = arith.constant 16 : i32
      %mul3A_323 = arith.muli %scan3A_321, %mul3A_322 : i32
      %swap3A_324 = arith.index_cast %mul3A_323 : i32 to index
      %swap3A_325 = tpu.vector_load %arg5[%swap3A_324] {strides = array<i32>} : memref<12800xf32, #tpu.memory_space<vmem>>, vector<16xf32>,
      tpu.vector_store %arg5[%swap3A_324], %broadcast_in_dim3A_3 {strides = array<i32>} : memref<12800xf32, #tpu.memory_space<vmem>>, vector<16xf32>,
      %mul3A_326 = arith.constant 16 : i32
      %mul3A_327 = arith.muli %scan3A_321, %mul3A_326 : i32
      %swap3A_328 = arith.index_cast %mul3A_327 : i32 to index
      %swap3A_329 = tpu.vector_load %arg6[%swap3A_328] {strides = array<i32>} : memref<12800xf32, #tpu.memory_space<vmem>>, vector<16xf32>,
      tpu.vector_store %arg6[%swap3A_328], %broadcast_in_dim3A_3 {strides = array<i32>} : memref<12800xf32, #tpu.memory_space<vmem>>, vector<16xf32>,
      %mul3A_330 = arith.constant 16 : i32
      %mul3A_331 = arith.muli %scan3A_321, %mul3A_330 : i32
      %swap3A_332 = arith.index_cast %mul3A_331 : i32 to index
      %swap3A_333 = tpu.vector_load %arg7[%swap3A_332] {strides = array<i32>} : memref<12800xf32, #tpu.memory_space<vmem>>, vector<16xf32>,
      tpu.vector_store %arg7[%swap3A_332], %broadcast_in_dim3A_3 {strides = array<i32>} : memref<12800xf32, #tpu.memory_space<vmem>>, vector<16xf32>,
      %mul3A_334 = arith.constant 16 : i32
      %mul3A_335 = arith.muli %scan3A_321, %mul3A_334 : i32
      %swap3A_336 = arith.index_cast %mul3A_335 : i32 to index
      %swap3A_337 = tpu.vector_load %arg8[%swap3A_336] {strides = array<i32>} : memref<12800xf32, #tpu.memory_space<vmem>>, vector<16xf32>,
      tpu.vector_store %arg8[%swap3A_336], %broadcast_in_dim3A_3 {strides = array<i32>} : memref<12800xf32, #tpu.memory_space<vmem>>, vector<16xf32>,
      %mul3A_338 = arith.constant 16 : i32
      %mul3A_339 = arith.muli %scan3A_321, %mul3A_338 : i32
      %swap3A_340 = arith.index_cast %mul3A_339 : i32 to index
      %swap3A_341 = tpu.vector_load %arg9[%swap3A_340] {strides = array<i32>} : memref<12800xf32, #tpu.memory_space<vmem>>, vector<16xf32>,
      tpu.vector_store %arg9[%swap3A_340], %broadcast_in_dim3A_3 {strides = array<i32>} : memref<12800xf32, #tpu.memory_space<vmem>>, vector<16xf32>,
      %mul3A_342 = arith.constant 16 : i32
      %mul3A_343 = arith.muli %scan3A_321, %mul3A_342 : i32
      %swap3A_344 = arith.index_cast %mul3A_343 : i32 to index
      %swap3A_345 = tpu.vector_load %arg10[%swap3A_344] {strides = array<i32>} : memref<12800xf32, #tpu.memory_space<vmem>>, vector<16xf32>,
      tpu.vector_store %arg10[%swap3A_344], %broadcast_in_dim3A_3 {strides = array<i32>} : memref<12800xf32, #tpu.memory_space<vmem>>, vector<16xf32>,
      %mul3A_346 = arith.constant 16 : i32
      %mul3A_347 = arith.muli %scan3A_321, %mul3A_346 : i32
      %swap3A_348 = arith.index_cast %mul3A_347 : i32 to index
      %swap3A_349 = tpu.vector_load %arg11[%swap3A_348] {strides = array<i32>} : memref<12800xf32, #tpu.memory_space<vmem>>, vector<16xf32>,
      tpu.vector_store %arg11[%swap3A_348], %broadcast_in_dim3A_3 {strides = array<i32>} : memref<12800xf32, #tpu.memory_space<vmem>>, vector<16xf32>,
      %mul3A_350 = arith.constant 16 : i32
      %mul3A_351 = arith.muli %scan3A_321, %mul3A_350 : i32
      %swap3A_352 = arith.index_cast %mul3A_351 : i32 to index
      %swap3A_353 = tpu.vector_load %arg12[%swap3A_352] {strides = array<i32>} : memref<12800xf32, #tpu.memory_space<vmem>>, vector<16xf32>,
      tpu.vector_store %arg12[%swap3A_352], %broadcast_in_dim3A_3 {strides = array<i32>} : memref<12800xf32, #tpu.memory_space<vmem>>, vector<16xf32>,
      %scan3A_354 = arith.constant 0 : i32
      %scan3A_355 = arith.constant 6 : i32
      %scan3A_356 = arith.addi %scan3A_146, %scan3A_355 : i32
      %mul3A_357 = arith.constant 16 : i32
      %mul3A_358 = arith.muli %scan3A_356, %mul3A_357 : i32
      %swap3A_359 = arith.index_cast %mul3A_358 : i32 to index
      %swap3A_360 = tpu.vector_load %arg5[%swap3A_359] {strides = array<i32>} : memref<12800xf32, #tpu.memory_space<vmem>>, vector<16xf32>,
      tpu.vector_store %arg5[%swap3A_359], %broadcast_in_dim3A_3 {strides = array<i32>} : memref<12800xf32, #tpu.memory_space<vmem>>, vector<16xf32>,
      %mul3A_361 = arith.constant 16 : i32
      %mul3A_362 = arith.muli %scan3A_356, %mul3A_361 : i32
      %swap3A_363 = arith.index_cast %mul3A_362 : i32 to index
      %swap3A_364 = tpu.vector_load %arg6[%swap3A_363] {strides = array<i32>} : memref<12800xf32, #tpu.memory_space<vmem>>, vector<16xf32>,
      tpu.vector_store %arg6[%swap3A_363], %broadcast_in_dim3A_3 {strides = array<i32>} : memref<12800xf32, #tpu.memory_space<vmem>>, vector<16xf32>,
      %mul3A_365 = arith.constant 16 : i32
      %mul3A_366 = arith.muli %scan3A_356, %mul3A_365 : i32
      %swap3A_367 = arith.index_cast %mul3A_366 : i32 to index
      %swap3A_368 = tpu.vector_load %arg7[%swap3A_367] {strides = array<i32>} : memref<12800xf32, #tpu.memory_space<vmem>>, vector<16xf32>,
      tpu.vector_store %arg7[%swap3A_367], %broadcast_in_dim3A_3 {strides = array<i32>} : memref<12800xf32, #tpu.memory_space<vmem>>, vector<16xf32>,
      %mul3A_369 = arith.constant 16 : i32
      %mul3A_370 = arith.muli %scan3A_356, %mul3A_369 : i32
      %swap3A_371 = arith.index_cast %mul3A_370 : i32 to index
      %swap3A_372 = tpu.vector_load %arg8[%swap3A_371] {strides = array<i32>} : memref<12800xf32, #tpu.memory_space<vmem>>, vector<16xf32>,
      tpu.vector_store %arg8[%swap3A_371], %broadcast_in_dim3A_3 {strides = array<i32>} : memref<12800xf32, #tpu.memory_space<vmem>>, vector<16xf32>,
      %mul3A_373 = arith.constant 16 : i32
      %mul3A_374 = arith.muli %scan3A_356, %mul3A_373 : i32
      %swap3A_375 = arith.index_cast %mul3A_374 : i32 to index
      %swap3A_376 = tpu.vector_load %arg9[%swap3A_375] {strides = array<i32>} : memref<12800xf32, #tpu.memory_space<vmem>>, vector<16xf32>,
      tpu.vector_store %arg9[%swap3A_375], %broadcast_in_dim3A_3 {strides = array<i32>} : memref<12800xf32, #tpu.memory_space<vmem>>, vector<16xf32>,
      %mul3A_377 = arith.constant 16 : i32
      %mul3A_378 = arith.muli %scan3A_356, %mul3A_377 : i32
      %swap3A_379 = arith.index_cast %mul3A_378 : i32 to index
      %swap3A_380 = tpu.vector_load %arg10[%swap3A_379] {strides = array<i32>} : memref<12800xf32, #tpu.memory_space<vmem>>, vector<16xf32>,
      tpu.vector_store %arg10[%swap3A_379], %broadcast_in_dim3A_3 {strides = array<i32>} : memref<12800xf32, #tpu.memory_space<vmem>>, vector<16xf32>,
      %mul3A_381 = arith.constant 16 : i32
      %mul3A_382 = arith.muli %scan3A_356, %mul3A_381 : i32
      %swap3A_383 = arith.index_cast %mul3A_382 : i32 to index
      %swap3A_384 = tpu.vector_load %arg11[%swap3A_383] {strides = array<i32>} : memref<12800xf32, #tpu.memory_space<vmem>>, vector<16xf32>,
      tpu.vector_store %arg11[%swap3A_383], %broadcast_in_dim3A_3 {strides = array<i32>} : memref<12800xf32, #tpu.memory_space<vmem>>, vector<16xf32>,
      %mul3A_385 = arith.constant 16 : i32
      %mul3A_386 = arith.muli %scan3A_356, %mul3A_385 : i32
      %swap3A_387 = arith.index_cast %mul3A_386 : i32 to index
      %swap3A_388 = tpu.vector_load %arg12[%swap3A_387] {strides = array<i32>} : memref<12800xf32, #tpu.memory_space<vmem>>, vector<16xf32>,
      tpu.vector_store %arg12[%swap3A_387], %broadcast_in_dim3A_3 {strides = array<i32>} : memref<12800xf32, #tpu.memory_space<vmem>>, vector<16xf32>,
      %scan3A_389 = arith.constant 0 : i32
      %scan3A_390 = arith.constant 7 : i32
      %scan3A_391 = arith.addi %scan3A_146, %scan3A_390 : i32
      %mul3A_392 = arith.constant 16 : i32
      %mul3A_393 = arith.muli %scan3A_391, %mul3A_392 : i32
      %swap3A_394 = arith.index_cast %mul3A_393 : i32 to index
      %swap3A_395 = tpu.vector_load %arg5[%swap3A_394] {strides = array<i32>} : memref<12800xf32, #tpu.memory_space<vmem>>, vector<16xf32>,
      tpu.vector_store %arg5[%swap3A_394], %broadcast_in_dim3A_3 {strides = array<i32>} : memref<12800xf32, #tpu.memory_space<vmem>>, vector<16xf32>,
      %mul3A_396 = arith.constant 16 : i32
      %mul3A_397 = arith.muli %scan3A_391, %mul3A_396 : i32
      %swap3A_398 = arith.index_cast %mul3A_397 : i32 to index
      %swap3A_399 = tpu.vector_load %arg6[%swap3A_398] {strides = array<i32>} : memref<12800xf32, #tpu.memory_space<vmem>>, vector<16xf32>,
      tpu.vector_store %arg6[%swap3A_398], %broadcast_in_dim3A_3 {strides = array<i32>} : memref<12800xf32, #tpu.memory_space<vmem>>, vector<16xf32>,
      %mul3A_400 = arith.constant 16 : i32
      %mul3A_401 = arith.muli %scan3A_391, %mul3A_400 : i32
      %swap3A_402 = arith.index_cast %mul3A_401 : i32 to index
      %swap3A_403 = tpu.vector_load %arg7[%swap3A_402] {strides = array<i32>} : memref<12800xf32, #tpu.memory_space<vmem>>, vector<16xf32>,
      tpu.vector_store %arg7[%swap3A_402], %broadcast_in_dim3A_3 {strides = array<i32>} : memref<12800xf32, #tpu.memory_space<vmem>>, vector<16xf32>,
      %mul3A_404 = arith.constant 16 : i32
      %mul3A_405 = arith.muli %scan3A_391, %mul3A_404 : i32
      %swap3A_406 = arith.index_cast %mul3A_405 : i32 to index
      %swap3A_407 = tpu.vector_load %arg8[%swap3A_406] {strides = array<i32>} : memref<12800xf32, #tpu.memory_space<vmem>>, vector<16xf32>,
      tpu.vector_store %arg8[%swap3A_406], %broadcast_in_dim3A_3 {strides = array<i32>} : memref<12800xf32, #tpu.memory_space<vmem>>, vector<16xf32>,
      %mul3A_408 = arith.constant 16 : i32
      %mul3A_409 = arith.muli %scan3A_391, %mul3A_408 : i32
      %swap3A_410 = arith.index_cast %mul3A_409 : i32 to index
      %swap3A_411 = tpu.vector_load %arg9[%swap3A_410] {strides = array<i32>} : memref<12800xf32, #tpu.memory_space<vmem>>, vector<16xf32>,
      tpu.vector_store %arg9[%swap3A_410], %broadcast_in_dim3A_3 {strides = array<i32>} : memref<12800xf32, #tpu.memory_space<vmem>>, vector<16xf32>,
      %mul3A_412 = arith.constant 16 : i32
      %mul3A_413 = arith.muli %scan3A_391, %mul3A_412 : i32
      %swap3A_414 = arith.index_cast %mul3A_413 : i32 to index
      %swap3A_415 = tpu.vector_load %arg10[%swap3A_414] {strides = array<i32>} : memref<12800xf32, #tpu.memory_space<vmem>>, vector<16xf32>,
      tpu.vector_store %arg10[%swap3A_414], %broadcast_in_dim3A_3 {strides = array<i32>} : memref<12800xf32, #tpu.memory_space<vmem>>, vector<16xf32>,
      %mul3A_416 = arith.constant 16 : i32
      %mul3A_417 = arith.muli %scan3A_391, %mul3A_416 : i32
      %swap3A_418 = arith.index_cast %mul3A_417 : i32 to index
      %swap3A_419 = tpu.vector_load %arg11[%swap3A_418] {strides = array<i32>} : memref<12800xf32, #tpu.memory_space<vmem>>, vector<16xf32>,
      tpu.vector_store %arg11[%swap3A_418], %broadcast_in_dim3A_3 {strides = array<i32>} : memref<12800xf32, #tpu.memory_space<vmem>>, vector<16xf32>,
      %mul3A_420 = arith.constant 16 : i32
      %mul3A_421 = arith.muli %scan3A_391, %mul3A_420 : i32
      %swap3A_422 = arith.index_cast %mul3A_421 : i32 to index
      %swap3A_423 = tpu.vector_load %arg12[%swap3A_422] {strides = array<i32>} : memref<12800xf32, #tpu.memory_space<vmem>>, vector<16xf32>,
      tpu.vector_store %arg12[%swap3A_422], %broadcast_in_dim3A_3 {strides = array<i32>} : memref<12800xf32, #tpu.memory_space<vmem>>, vector<16xf32>,
      %scan3A_424 = arith.constant 0 : i32
      scf.yield %scan3A_424 : i32
    }
    %scan3A_100 = arith.constant 800 : i32
    %scan3A_101 = arith.constant 0 : i32
    %scan3A_102 = arith.constant 0 : i32
    %scan3A_103 = arith.constant 32 : i32
    %scan3A_104 = arith.addi %scan3A_102, %scan3A_103 : i32
    %scan3A_105 = arith.constant 8 : i32
    %scan3A_106 = scf.for %scan3A_146 = %scan3A_102 to %scan3A_104 step %scan3A_105 iter_args(%scan3A_147 = %scan3A_101) -> (i32)  : i32 {
      %mul3A_148 = arith.constant 16 : i32
      %mul3A_149 = arith.muli %scan3A_146, %mul3A_148 : i32
      %add3A_150 = vector.broadcast %mul3A_149 : i32 to vector<16xi32>
      %add3A_151 = arith.addi %add3A_150, %iota3A : vector<16xi32>
      %mul3A_152 = arith.constant 16 : i32
      %mul3A_153 = arith.muli %scan3A_146, %mul3A_152 : i32
      %swap3A = arith.constant 0 : i32
      %swap3A_154 = arith.index_cast %swap3A : i32 to index
      %swap3A_155 = arith.index_cast %mul3A_153 : i32 to index
      %swap3A_156 = tpu.vector_load %arg13[%swap3A_154, %swap3A_155] {strides = array<i32>} : memref<8x512xi32, #tpu.memory_space<vmem>>, vector<16xi32>,
      tpu.vector_store %arg13[%swap3A_154, %swap3A_155], %add3A_151 {strides = array<i32>} : memref<8x512xi32, #tpu.memory_space<vmem>>, vector<16xi32>,
      %mul3A_157 = arith.constant 16 : i32
      %mul3A_158 = arith.muli %scan3A_146, %mul3A_157 : i32
      %swap3A_159 = arith.constant 1 : i32
      %swap3A_160 = arith.index_cast %swap3A_159 : i32 to index
      %swap3A_161 = arith.index_cast %mul3A_158 : i32 to index
      %swap3A_162 = tpu.vector_load %arg13[%swap3A_160, %swap3A_161] {strides = array<i32>} : memref<8x512xi32, #tpu.memory_space<vmem>>, vector<16xi32>,
      tpu.vector_store %arg13[%swap3A_160, %swap3A_161], %add3A_151 {strides = array<i32>} : memref<8x512xi32, #tpu.memory_space<vmem>>, vector<16xi32>,
      %mul3A_163 = arith.constant 16 : i32
      %mul3A_164 = arith.muli %scan3A_146, %mul3A_163 : i32
      %swap3A_165 = arith.constant 2 : i32
      %swap3A_166 = arith.index_cast %swap3A_165 : i32 to index
      %swap3A_167 = arith.index_cast %mul3A_164 : i32 to index
      %swap3A_168 = tpu.vector_load %arg13[%swap3A_166, %swap3A_167] {strides = array<i32>} : memref<8x512xi32, #tpu.memory_space<vmem>>, vector<16xi32>,
      tpu.vector_store %arg13[%swap3A_166, %swap3A_167], %add3A_151 {strides = array<i32>} : memref<8x512xi32, #tpu.memory_space<vmem>>, vector<16xi32>,
      %mul3A_169 = arith.constant 16 : i32
      %mul3A_170 = arith.muli %scan3A_146, %mul3A_169 : i32
      %swap3A_171 = arith.constant 3 : i32
      %swap3A_172 = arith.index_cast %swap3A_171 : i32 to index
      %swap3A_173 = arith.index_cast %mul3A_170 : i32 to index
      %swap3A_174 = tpu.vector_load %arg13[%swap3A_172, %swap3A_173] {strides = array<i32>} : memref<8x512xi32, #tpu.memory_space<vmem>>, vector<16xi32>,
      tpu.vector_store %arg13[%swap3A_172, %swap3A_173], %add3A_151 {strides = array<i32>} : memref<8x512xi32, #tpu.memory_space<vmem>>, vector<16xi32>,
      %mul3A_175 = arith.constant 16 : i32
      %mul3A_176 = arith.muli %scan3A_146, %mul3A_175 : i32
      %swap3A_177 = arith.constant 4 : i32
      %swap3A_178 = arith.index_cast %swap3A_177 : i32 to index
      %swap3A_179 = arith.index_cast %mul3A_176 : i32 to index
      %swap3A_180 = tpu.vector_load %arg13[%swap3A_178, %swap3A_179] {strides = array<i32>} : memref<8x512xi32, #tpu.memory_space<vmem>>, vector<16xi32>,
      tpu.vector_store %arg13[%swap3A_178, %swap3A_179], %add3A_151 {strides = array<i32>} : memref<8x512xi32, #tpu.memory_space<vmem>>, vector<16xi32>,
      %mul3A_181 = arith.constant 16 : i32
      %mul3A_182 = arith.muli %scan3A_146, %mul3A_181 : i32
      %swap3A_183 = arith.constant 5 : i32
      %swap3A_184 = arith.index_cast %swap3A_183 : i32 to index
      %swap3A_185 = arith.index_cast %mul3A_182 : i32 to index
      %swap3A_186 = tpu.vector_load %arg13[%swap3A_184, %swap3A_185] {strides = array<i32>} : memref<8x512xi32, #tpu.memory_space<vmem>>, vector<16xi32>,
      tpu.vector_store %arg13[%swap3A_184, %swap3A_185], %add3A_151 {strides = array<i32>} : memref<8x512xi32, #tpu.memory_space<vmem>>, vector<16xi32>,
      %mul3A_187 = arith.constant 16 : i32
      %mul3A_188 = arith.muli %scan3A_146, %mul3A_187 : i32
      %swap3A_189 = arith.constant 6 : i32
      %swap3A_190 = arith.index_cast %swap3A_189 : i32 to index
      %swap3A_191 = arith.index_cast %mul3A_188 : i32 to index
      %swap3A_192 = tpu.vector_load %arg13[%swap3A_190, %swap3A_191] {strides = array<i32>} : memref<8x512xi32, #tpu.memory_space<vmem>>, vector<16xi32>,
      tpu.vector_store %arg13[%swap3A_190, %swap3A_191], %add3A_151 {strides = array<i32>} : memref<8x512xi32, #tpu.memory_space<vmem>>, vector<16xi32>,
      %mul3A_193 = arith.constant 16 : i32
      %mul3A_194 = arith.muli %scan3A_146, %mul3A_193 : i32
      %swap3A_195 = arith.constant 7 : i32
      %swap3A_196 = arith.index_cast %swap3A_195 : i32 to index
      %swap3A_197 = arith.index_cast %mul3A_194 : i32 to index
      %swap3A_198 = tpu.vector_load %arg13[%swap3A_196, %swap3A_197] {strides = array<i32>} : memref<8x512xi32, #tpu.memory_space<vmem>>, vector<16xi32>,
      tpu.vector_store %arg13[%swap3A_196, %swap3A_197], %add3A_151 {strides = array<i32>} : memref<8x512xi32, #tpu.memory_space<vmem>>, vector<16xi32>,
      %scan3A_199 = arith.constant 0 : i32
      %scan3A_200 = arith.constant 1 : i32
      %scan3A_201 = arith.addi %scan3A_146, %scan3A_200 : i32
      %mul3A_202 = arith.constant 16 : i32
      %mul3A_203 = arith.muli %scan3A_201, %mul3A_202 : i32
      %add3A_204 = vector.broadcast %mul3A_203 : i32 to vector<16xi32>
      %add3A_205 = arith.addi %add3A_204, %iota3A : vector<16xi32>
      %mul3A_206 = arith.constant 16 : i32
      %mul3A_207 = arith.muli %scan3A_201, %mul3A_206 : i32
      %swap3A_208 = arith.constant 0 : i32
      %swap3A_209 = arith.index_cast %swap3A_208 : i32 to index
      %swap3A_210 = arith.index_cast %mul3A_207 : i32 to index
      %swap3A_211 = tpu.vector_load %arg13[%swap3A_209, %swap3A_210] {strides = array<i32>} : memref<8x512xi32, #tpu.memory_space<vmem>>, vector<16xi32>,
      tpu.vector_store %arg13[%swap3A_209, %swap3A_210], %add3A_205 {strides = array<i32>} : memref<8x512xi32, #tpu.memory_space<vmem>>, vector<16xi32>,
      %mul3A_212 = arith.constant 16 : i32
      %mul3A_213 = arith.muli %scan3A_201, %mul3A_212 : i32
      %swap3A_214 = arith.constant 1 : i32
      %swap3A_215 = arith.index_cast %swap3A_214 : i32 to index
      %swap3A_216 = arith.index_cast %mul3A_213 : i32 to index
      %swap3A_217 = tpu.vector_load %arg13[%swap3A_215, %swap3A_216] {strides = array<i32>} : memref<8x512xi32, #tpu.memory_space<vmem>>, vector<16xi32>,
      tpu.vector_store %arg13[%swap3A_215, %swap3A_216], %add3A_205 {strides = array<i32>} : memref<8x512xi32, #tpu.memory_space<vmem>>, vector<16xi32>,
      %mul3A_218 = arith.constant 16 : i32
      %mul3A_219 = arith.muli %scan3A_201, %mul3A_218 : i32
      %swap3A_220 = arith.constant 2 : i32
      %swap3A_221 = arith.index_cast %swap3A_220 : i32 to index
      %swap3A_222 = arith.index_cast %mul3A_219 : i32 to index
      %swap3A_223 = tpu.vector_load %arg13[%swap3A_221, %swap3A_222] {strides = array<i32>} : memref<8x512xi32, #tpu.memory_space<vmem>>, vector<16xi32>,
      tpu.vector_store %arg13[%swap3A_221, %swap3A_222], %add3A_205 {strides = array<i32>} : memref<8x512xi32, #tpu.memory_space<vmem>>, vector<16xi32>,
      %mul3A_224 = arith.constant 16 : i32
      %mul3A_225 = arith.muli %scan3A_201, %mul3A_224 : i32
      %swap3A_226 = arith.constant 3 : i32
      %swap3A_227 = arith.index_cast %swap3A_226 : i32 to index
      %swap3A_228 = arith.index_cast %mul3A_225 : i32 to index
      %swap3A_229 = tpu.vector_load %arg13[%swap3A_227, %swap3A_228] {strides = array<i32>} : memref<8x512xi32, #tpu.memory_space<vmem>>, vector<16xi32>,
      tpu.vector_store %arg13[%swap3A_227, %swap3A_228], %add3A_205 {strides = array<i32>} : memref<8x512xi32, #tpu.memory_space<vmem>>, vector<16xi32>,
      %mul3A_230 = arith.constant 16 : i32
      %mul3A_231 = arith.muli %scan3A_201, %mul3A_230 : i32
      %swap3A_232 = arith.constant 4 : i32
      %swap3A_233 = arith.index_cast %swap3A_232 : i32 to index
      %swap3A_234 = arith.index_cast %mul3A_231 : i32 to index
      %swap3A_235 = tpu.vector_load %arg13[%swap3A_233, %swap3A_234] {strides = array<i32>} : memref<8x512xi32, #tpu.memory_space<vmem>>, vector<16xi32>,
      tpu.vector_store %arg13[%swap3A_233, %swap3A_234], %add3A_205 {strides = array<i32>} : memref<8x512xi32, #tpu.memory_space<vmem>>, vector<16xi32>,
      %mul3A_236 = arith.constant 16 : i32
      %mul3A_237 = arith.muli %scan3A_201, %mul3A_236 : i32
      %swap3A_238 = arith.constant 5 : i32
      %swap3A_239 = arith.index_cast %swap3A_238 : i32 to index
      %swap3A_240 = arith.index_cast %mul3A_237 : i32 to index
      %swap3A_241 = tpu.vector_load %arg13[%swap3A_239, %swap3A_240] {strides = array<i32>} : memref<8x512xi32, #tpu.memory_space<vmem>>, vector<16xi32>,
      tpu.vector_store %arg13[%swap3A_239, %swap3A_240], %add3A_205 {strides = array<i32>} : memref<8x512xi32, #tpu.memory_space<vmem>>, vector<16xi32>,
      %mul3A_242 = arith.constant 16 : i32
      %mul3A_243 = arith.muli %scan3A_201, %mul3A_242 : i32
      %swap3A_244 = arith.constant 6 : i32
      %swap3A_245 = arith.index_cast %swap3A_244 : i32 to index
      %swap3A_246 = arith.index_cast %mul3A_243 : i32 to index
      %swap3A_247 = tpu.vector_load %arg13[%swap3A_245, %swap3A_246] {strides = array<i32>} : memref<8x512xi32, #tpu.memory_space<vmem>>, vector<16xi32>,
      tpu.vector_store %arg13[%swap3A_245, %swap3A_246], %add3A_205 {strides = array<i32>} : memref<8x512xi32, #tpu.memory_space<vmem>>, vector<16xi32>,
      %mul3A_248 = arith.constant 16 : i32
      %mul3A_249 = arith.muli %scan3A_201, %mul3A_248 : i32
      %swap3A_250 = arith.constant 7 : i32
      %swap3A_251 = arith.index_cast %swap3A_250 : i32 to index
      %swap3A_252 = arith.index_cast %mul3A_249 : i32 to index
      %swap3A_253 = tpu.vector_load %arg13[%swap3A_251, %swap3A_252] {strides = array<i32>} : memref<8x512xi32, #tpu.memory_space<vmem>>, vector<16xi32>,
      tpu.vector_store %arg13[%swap3A_251, %swap3A_252], %add3A_205 {strides = array<i32>} : memref<8x512xi32, #tpu.memory_space<vmem>>, vector<16xi32>,
      %scan3A_254 = arith.constant 0 : i32
      %scan3A_255 = arith.constant 2 : i32
      %scan3A_256 = arith.addi %scan3A_146, %scan3A_255 : i32
      %mul3A_257 = arith.constant 16 : i32
      %mul3A_258 = arith.muli %scan3A_256, %mul3A_257 : i32
      %add3A_259 = vector.broadcast %mul3A_258 : i32 to vector<16xi32>
      %add3A_260 = arith.addi %add3A_259, %iota3A : vector<16xi32>
      %mul3A_261 = arith.constant 16 : i32
      %mul3A_262 = arith.muli %scan3A_256, %mul3A_261 : i32
      %swap3A_263 = arith.constant 0 : i32
      %swap3A_264 = arith.index_cast %swap3A_263 : i32 to index
      %swap3A_265 = arith.index_cast %mul3A_262 : i32 to index
      %swap3A_266 = tpu.vector_load %arg13[%swap3A_264, %swap3A_265] {strides = array<i32>} : memref<8x512xi32, #tpu.memory_space<vmem>>, vector<16xi32>,
      tpu.vector_store %arg13[%swap3A_264, %swap3A_265], %add3A_260 {strides = array<i32>} : memref<8x512xi32, #tpu.memory_space<vmem>>, vector<16xi32>,
      %mul3A_267 = arith.constant 16 : i32
      %mul3A_268 = arith.muli %scan3A_256, %mul3A_267 : i32
      %swap3A_269 = arith.constant 1 : i32
      %swap3A_270 = arith.index_cast %swap3A_269 : i32 to index
      %swap3A_271 = arith.index_cast %mul3A_268 : i32 to index
      %swap3A_272 = tpu.vector_load %arg13[%swap3A_270, %swap3A_271] {strides = array<i32>} : memref<8x512xi32, #tpu.memory_space<vmem>>, vector<16xi32>,
      tpu.vector_store %arg13[%swap3A_270, %swap3A_271], %add3A_260 {strides = array<i32>} : memref<8x512xi32, #tpu.memory_space<vmem>>, vector<16xi32>,
      %mul3A_273 = arith.constant 16 : i32
      %mul3A_274 = arith.muli %scan3A_256, %mul3A_273 : i32
      %swap3A_275 = arith.constant 2 : i32
      %swap3A_276 = arith.index_cast %swap3A_275 : i32 to index
      %swap3A_277 = arith.index_cast %mul3A_274 : i32 to index
      %swap3A_278 = tpu.vector_load %arg13[%swap3A_276, %swap3A_277] {strides = array<i32>} : memref<8x512xi32, #tpu.memory_space<vmem>>, vector<16xi32>,
      tpu.vector_store %arg13[%swap3A_276, %swap3A_277], %add3A_260 {strides = array<i32>} : memref<8x512xi32, #tpu.memory_space<vmem>>, vector<16xi32>,
      %mul3A_279 = arith.constant 16 : i32
      %mul3A_280 = arith.muli %scan3A_256, %mul3A_279 : i32
      %swap3A_281 = arith.constant 3 : i32
      %swap3A_282 = arith.index_cast %swap3A_281 : i32 to index
      %swap3A_283 = arith.index_cast %mul3A_280 : i32 to index
      %swap3A_284 = tpu.vector_load %arg13[%swap3A_282, %swap3A_283] {strides = array<i32>} : memref<8x512xi32, #tpu.memory_space<vmem>>, vector<16xi32>,
      tpu.vector_store %arg13[%swap3A_282, %swap3A_283], %add3A_260 {strides = array<i32>} : memref<8x512xi32, #tpu.memory_space<vmem>>, vector<16xi32>,
      %mul3A_285 = arith.constant 16 : i32
      %mul3A_286 = arith.muli %scan3A_256, %mul3A_285 : i32
      %swap3A_287 = arith.constant 4 : i32
      %swap3A_288 = arith.index_cast %swap3A_287 : i32 to index
      %swap3A_289 = arith.index_cast %mul3A_286 : i32 to index
      %swap3A_290 = tpu.vector_load %arg13[%swap3A_288, %swap3A_289] {strides = array<i32>} : memref<8x512xi32, #tpu.memory_space<vmem>>, vector<16xi32>,
      tpu.vector_store %arg13[%swap3A_288, %swap3A_289], %add3A_260 {strides = array<i32>} : memref<8x512xi32, #tpu.memory_space<vmem>>, vector<16xi32>,
      %mul3A_291 = arith.constant 16 : i32
      %mul3A_292 = arith.muli %scan3A_256, %mul3A_291 : i32
      %swap3A_293 = arith.constant 5 : i32
      %swap3A_294 = arith.index_cast %swap3A_293 : i32 to index
      %swap3A_295 = arith.index_cast %mul3A_292 : i32 to index
      %swap3A_296 = tpu.vector_load %arg13[%swap3A_294, %swap3A_295] {strides = array<i32>} : memref<8x512xi32, #tpu.memory_space<vmem>>, vector<16xi32>,
      tpu.vector_store %arg13[%swap3A_294, %swap3A_295], %add3A_260 {strides = array<i32>} : memref<8x512xi32, #tpu.memory_space<vmem>>, vector<16xi32>,
      %mul3A_297 = arith.constant 16 : i32
      %mul3A_298 = arith.muli %scan3A_256, %mul3A_297 : i32
      %swap3A_299 = arith.constant 6 : i32
      %swap3A_300 = arith.index_cast %swap3A_299 : i32 to index
      %swap3A_301 = arith.index_cast %mul3A_298 : i32 to index
      %swap3A_302 = tpu.vector_load %arg13[%swap3A_300, %swap3A_301] {strides = array<i32>} : memref<8x512xi32, #tpu.memory_space<vmem>>, vector<16xi32>,
      tpu.vector_store %arg13[%swap3A_300, %swap3A_301], %add3A_260 {strides = array<i32>} : memref<8x512xi32, #tpu.memory_space<vmem>>, vector<16xi32>,
      %mul3A_303 = arith.constant 16 : i32
      %mul3A_304 = arith.muli %scan3A_256, %mul3A_303 : i32
      %swap3A_305 = arith.constant 7 : i32
      %swap3A_306 = arith.index_cast %swap3A_305 : i32 to index
      %swap3A_307 = arith.index_cast %mul3A_304 : i32 to index
      %swap3A_308 = tpu.vector_load %arg13[%swap3A_306, %swap3A_307] {strides = array<i32>} : memref<8x512xi32, #tpu.memory_space<vmem>>, vector<16xi32>,
      tpu.vector_store %arg13[%swap3A_306, %swap3A_307], %add3A_260 {strides = array<i32>} : memref<8x512xi32, #tpu.memory_space<vmem>>, vector<16xi32>,
      %scan3A_309 = arith.constant 0 : i32
      %scan3A_310 = arith.constant 3 : i32
      %scan3A_311 = arith.addi %scan3A_146, %scan3A_310 : i32
      %mul3A_312 = arith.constant 16 : i32
      %mul3A_313 = arith.muli %scan3A_311, %mul3A_312 : i32
      %add3A_314 = vector.broadcast %mul3A_313 : i32 to vector<16xi32>
      %add3A_315 = arith.addi %add3A_314, %iota3A : vector<16xi32>
      %mul3A_316 = arith.constant 16 : i32
      %mul3A_317 = arith.muli %scan3A_311, %mul3A_316 : i32
      %swap3A_318 = arith.constant 0 : i32
      %swap3A_319 = arith.index_cast %swap3A_318 : i32 to index
      %swap3A_320 = arith.index_cast %mul3A_317 : i32 to index
      %swap3A_321 = tpu.vector_load %arg13[%swap3A_319, %swap3A_320] {strides = array<i32>} : memref<8x512xi32, #tpu.memory_space<vmem>>, vector<16xi32>,
      tpu.vector_store %arg13[%swap3A_319, %swap3A_320], %add3A_315 {strides = array<i32>} : memref<8x512xi32, #tpu.memory_space<vmem>>, vector<16xi32>,
      %mul3A_322 = arith.constant 16 : i32
      %mul3A_323 = arith.muli %scan3A_311, %mul3A_322 : i32
      %swap3A_324 = arith.constant 1 : i32
      %swap3A_325 = arith.index_cast %swap3A_324 : i32 to index
      %swap3A_326 = arith.index_cast %mul3A_323 : i32 to index
      %swap3A_327 = tpu.vector_load %arg13[%swap3A_325, %swap3A_326] {strides = array<i32>} : memref<8x512xi32, #tpu.memory_space<vmem>>, vector<16xi32>,
      tpu.vector_store %arg13[%swap3A_325, %swap3A_326], %add3A_315 {strides = array<i32>} : memref<8x512xi32, #tpu.memory_space<vmem>>, vector<16xi32>,
      %mul3A_328 = arith.constant 16 : i32
      %mul3A_329 = arith.muli %scan3A_311, %mul3A_328 : i32
      %swap3A_330 = arith.constant 2 : i32
      %swap3A_331 = arith.index_cast %swap3A_330 : i32 to index
      %swap3A_332 = arith.index_cast %mul3A_329 : i32 to index
      %swap3A_333 = tpu.vector_load %arg13[%swap3A_331, %swap3A_332] {strides = array<i32>} : memref<8x512xi32, #tpu.memory_space<vmem>>, vector<16xi32>,
      tpu.vector_store %arg13[%swap3A_331, %swap3A_332], %add3A_315 {strides = array<i32>} : memref<8x512xi32, #tpu.memory_space<vmem>>, vector<16xi32>,
      %mul3A_334 = arith.constant 16 : i32
      %mul3A_335 = arith.muli %scan3A_311, %mul3A_334 : i32
      %swap3A_336 = arith.constant 3 : i32
      %swap3A_337 = arith.index_cast %swap3A_336 : i32 to index
      %swap3A_338 = arith.index_cast %mul3A_335 : i32 to index
      %swap3A_339 = tpu.vector_load %arg13[%swap3A_337, %swap3A_338] {strides = array<i32>} : memref<8x512xi32, #tpu.memory_space<vmem>>, vector<16xi32>,
      tpu.vector_store %arg13[%swap3A_337, %swap3A_338], %add3A_315 {strides = array<i32>} : memref<8x512xi32, #tpu.memory_space<vmem>>, vector<16xi32>,
      %mul3A_340 = arith.constant 16 : i32
      %mul3A_341 = arith.muli %scan3A_311, %mul3A_340 : i32
      %swap3A_342 = arith.constant 4 : i32
      %swap3A_343 = arith.index_cast %swap3A_342 : i32 to index
      %swap3A_344 = arith.index_cast %mul3A_341 : i32 to index
      %swap3A_345 = tpu.vector_load %arg13[%swap3A_343, %swap3A_344] {strides = array<i32>} : memref<8x512xi32, #tpu.memory_space<vmem>>, vector<16xi32>,
      tpu.vector_store %arg13[%swap3A_343, %swap3A_344], %add3A_315 {strides = array<i32>} : memref<8x512xi32, #tpu.memory_space<vmem>>, vector<16xi32>,
      %mul3A_346 = arith.constant 16 : i32
      %mul3A_347 = arith.muli %scan3A_311, %mul3A_346 : i32
      %swap3A_348 = arith.constant 5 : i32
      %swap3A_349 = arith.index_cast %swap3A_348 : i32 to index
      %swap3A_350 = arith.index_cast %mul3A_347 : i32 to index
      %swap3A_351 = tpu.vector_load %arg13[%swap3A_349, %swap3A_350] {strides = array<i32>} : memref<8x512xi32, #tpu.memory_space<vmem>>, vector<16xi32>,
      tpu.vector_store %arg13[%swap3A_349, %swap3A_350], %add3A_315 {strides = array<i32>} : memref<8x512xi32, #tpu.memory_space<vmem>>, vector<16xi32>,
      %mul3A_352 = arith.constant 16 : i32
      %mul3A_353 = arith.muli %scan3A_311, %mul3A_352 : i32
      %swap3A_354 = arith.constant 6 : i32
      %swap3A_355 = arith.index_cast %swap3A_354 : i32 to index
      %swap3A_356 = arith.index_cast %mul3A_353 : i32 to index
      %swap3A_357 = tpu.vector_load %arg13[%swap3A_355, %swap3A_356] {strides = array<i32>} : memref<8x512xi32, #tpu.memory_space<vmem>>, vector<16xi32>,
      tpu.vector_store %arg13[%swap3A_355, %swap3A_356], %add3A_315 {strides = array<i32>} : memref<8x512xi32, #tpu.memory_space<vmem>>, vector<16xi32>,
      %mul3A_358 = arith.constant 16 : i32
      %mul3A_359 = arith.muli %scan3A_311, %mul3A_358 : i32
      %swap3A_360 = arith.constant 7 : i32
      %swap3A_361 = arith.index_cast %swap3A_360 : i32 to index
      %swap3A_362 = arith.index_cast %mul3A_359 : i32 to index
      %swap3A_363 = tpu.vector_load %arg13[%swap3A_361, %swap3A_362] {strides = array<i32>} : memref<8x512xi32, #tpu.memory_space<vmem>>, vector<16xi32>,
      tpu.vector_store %arg13[%swap3A_361, %swap3A_362], %add3A_315 {strides = array<i32>} : memref<8x512xi32, #tpu.memory_space<vmem>>, vector<16xi32>,
      %scan3A_364 = arith.constant 0 : i32
      %scan3A_365 = arith.constant 4 : i32
      %scan3A_366 = arith.addi %scan3A_146, %scan3A_365 : i32
      %mul3A_367 = arith.constant 16 : i32
      %mul3A_368 = arith.muli %scan3A_366, %mul3A_367 : i32
      %add3A_369 = vector.broadcast %mul3A_368 : i32 to vector<16xi32>
      %add3A_370 = arith.addi %add3A_369, %iota3A : vector<16xi32>
      %mul3A_371 = arith.constant 16 : i32
      %mul3A_372 = arith.muli %scan3A_366, %mul3A_371 : i32
      %swap3A_373 = arith.constant 0 : i32
      %swap3A_374 = arith.index_cast %swap3A_373 : i32 to index
      %swap3A_375 = arith.index_cast %mul3A_372 : i32 to index
      %swap3A_376 = tpu.vector_load %arg13[%swap3A_374, %swap3A_375] {strides = array<i32>} : memref<8x512xi32, #tpu.memory_space<vmem>>, vector<16xi32>,
      tpu.vector_store %arg13[%swap3A_374, %swap3A_375], %add3A_370 {strides = array<i32>} : memref<8x512xi32, #tpu.memory_space<vmem>>, vector<16xi32>,
      %mul3A_377 = arith.constant 16 : i32
      %mul3A_378 = arith.muli %scan3A_366, %mul3A_377 : i32
      %swap3A_379 = arith.constant 1 : i32
      %swap3A_380 = arith.index_cast %swap3A_379 : i32 to index
      %swap3A_381 = arith.index_cast %mul3A_378 : i32 to index
      %swap3A_382 = tpu.vector_load %arg13[%swap3A_380, %swap3A_381] {strides = array<i32>} : memref<8x512xi32, #tpu.memory_space<vmem>>, vector<16xi32>,
      tpu.vector_store %arg13[%swap3A_380, %swap3A_381], %add3A_370 {strides = array<i32>} : memref<8x512xi32, #tpu.memory_space<vmem>>, vector<16xi32>,
      %mul3A_383 = arith.constant 16 : i32
      %mul3A_384 = arith.muli %scan3A_366, %mul3A_383 : i32
      %swap3A_385 = arith.constant 2 : i32
      %swap3A_386 = arith.index_cast %swap3A_385 : i32 to index
      %swap3A_387 = arith.index_cast %mul3A_384 : i32 to index
      %swap3A_388 = tpu.vector_load %arg13[%swap3A_386, %swap3A_387] {strides = array<i32>} : memref<8x512xi32, #tpu.memory_space<vmem>>, vector<16xi32>,
      tpu.vector_store %arg13[%swap3A_386, %swap3A_387], %add3A_370 {strides = array<i32>} : memref<8x512xi32, #tpu.memory_space<vmem>>, vector<16xi32>,
      %mul3A_389 = arith.constant 16 : i32
      %mul3A_390 = arith.muli %scan3A_366, %mul3A_389 : i32
      %swap3A_391 = arith.constant 3 : i32
      %swap3A_392 = arith.index_cast %swap3A_391 : i32 to index
      %swap3A_393 = arith.index_cast %mul3A_390 : i32 to index
      %swap3A_394 = tpu.vector_load %arg13[%swap3A_392, %swap3A_393] {strides = array<i32>} : memref<8x512xi32, #tpu.memory_space<vmem>>, vector<16xi32>,
      tpu.vector_store %arg13[%swap3A_392, %swap3A_393], %add3A_370 {strides = array<i32>} : memref<8x512xi32, #tpu.memory_space<vmem>>, vector<16xi32>,
      %mul3A_395 = arith.constant 16 : i32
      %mul3A_396 = arith.muli %scan3A_366, %mul3A_395 : i32
      %swap3A_397 = arith.constant 4 : i32
      %swap3A_398 = arith.index_cast %swap3A_397 : i32 to index
      %swap3A_399 = arith.index_cast %mul3A_396 : i32 to index
      %swap3A_400 = tpu.vector_load %arg13[%swap3A_398, %swap3A_399] {strides = array<i32>} : memref<8x512xi32, #tpu.memory_space<vmem>>, vector<16xi32>,
      tpu.vector_store %arg13[%swap3A_398, %swap3A_399], %add3A_370 {strides = array<i32>} : memref<8x512xi32, #tpu.memory_space<vmem>>, vector<16xi32>,
      %mul3A_401 = arith.constant 16 : i32
      %mul3A_402 = arith.muli %scan3A_366, %mul3A_401 : i32
      %swap3A_403 = arith.constant 5 : i32
      %swap3A_404 = arith.index_cast %swap3A_403 : i32 to index
      %swap3A_405 = arith.index_cast %mul3A_402 : i32 to index
      %swap3A_406 = tpu.vector_load %arg13[%swap3A_404, %swap3A_405] {strides = array<i32>} : memref<8x512xi32, #tpu.memory_space<vmem>>, vector<16xi32>,
      tpu.vector_store %arg13[%swap3A_404, %swap3A_405], %add3A_370 {strides = array<i32>} : memref<8x512xi32, #tpu.memory_space<vmem>>, vector<16xi32>,
      %mul3A_407 = arith.constant 16 : i32
      %mul3A_408 = arith.muli %scan3A_366, %mul3A_407 : i32
      %swap3A_409 = arith.constant 6 : i32
      %swap3A_410 = arith.index_cast %swap3A_409 : i32 to index
      %swap3A_411 = arith.index_cast %mul3A_408 : i32 to index
      %swap3A_412 = tpu.vector_load %arg13[%swap3A_410, %swap3A_411] {strides = array<i32>} : memref<8x512xi32, #tpu.memory_space<vmem>>, vector<16xi32>,
      tpu.vector_store %arg13[%swap3A_410, %swap3A_411], %add3A_370 {strides = array<i32>} : memref<8x512xi32, #tpu.memory_space<vmem>>, vector<16xi32>,
      %mul3A_413 = arith.constant 16 : i32
      %mul3A_414 = arith.muli %scan3A_366, %mul3A_413 : i32
      %swap3A_415 = arith.constant 7 : i32
      %swap3A_416 = arith.index_cast %swap3A_415 : i32 to index
      %swap3A_417 = arith.index_cast %mul3A_414 : i32 to index
      %swap3A_418 = tpu.vector_load %arg13[%swap3A_416, %swap3A_417] {strides = array<i32>} : memref<8x512xi32, #tpu.memory_space<vmem>>, vector<16xi32>,
      tpu.vector_store %arg13[%swap3A_416, %swap3A_417], %add3A_370 {strides = array<i32>} : memref<8x512xi32, #tpu.memory_space<vmem>>, vector<16xi32>,
      %scan3A_419 = arith.constant 0 : i32
      %scan3A_420 = arith.constant 5 : i32
      %scan3A_421 = arith.addi %scan3A_146, %scan3A_420 : i32
      %mul3A_422 = arith.constant 16 : i32
      %mul3A_423 = arith.muli %scan3A_421, %mul3A_422 : i32
      %add3A_424 = vector.broadcast %mul3A_423 : i32 to vector<16xi32>
      %add3A_425 = arith.addi %add3A_424, %iota3A : vector<16xi32>
      %mul3A_426 = arith.constant 16 : i32
      %mul3A_427 = arith.muli %scan3A_421, %mul3A_426 : i32
      %swap3A_428 = arith.constant 0 : i32
      %swap3A_429 = arith.index_cast %swap3A_428 : i32 to index
      %swap3A_430 = arith.index_cast %mul3A_427 : i32 to index
      %swap3A_431 = tpu.vector_load %arg13[%swap3A_429, %swap3A_430] {strides = array<i32>} : memref<8x512xi32, #tpu.memory_space<vmem>>, vector<16xi32>,
      tpu.vector_store %arg13[%swap3A_429, %swap3A_430], %add3A_425 {strides = array<i32>} : memref<8x512xi32, #tpu.memory_space<vmem>>, vector<16xi32>,
      %mul3A_432 = arith.constant 16 : i32
      %mul3A_433 = arith.muli %scan3A_421, %mul3A_432 : i32
      %swap3A_434 = arith.constant 1 : i32
      %swap3A_435 = arith.index_cast %swap3A_434 : i32 to index
      %swap3A_436 = arith.index_cast %mul3A_433 : i32 to index
      %swap3A_437 = tpu.vector_load %arg13[%swap3A_435, %swap3A_436] {strides = array<i32>} : memref<8x512xi32, #tpu.memory_space<vmem>>, vector<16xi32>,
      tpu.vector_store %arg13[%swap3A_435, %swap3A_436], %add3A_425 {strides = array<i32>} : memref<8x512xi32, #tpu.memory_space<vmem>>, vector<16xi32>,
      %mul3A_438 = arith.constant 16 : i32
      %mul3A_439 = arith.muli %scan3A_421, %mul3A_438 : i32
      %swap3A_440 = arith.constant 2 : i32
      %swap3A_441 = arith.index_cast %swap3A_440 : i32 to index
      %swap3A_442 = arith.index_cast %mul3A_439 : i32 to index
      %swap3A_443 = tpu.vector_load %arg13[%swap3A_441, %swap3A_442] {strides = array<i32>} : memref<8x512xi32, #tpu.memory_space<vmem>>, vector<16xi32>,
      tpu.vector_store %arg13[%swap3A_441, %swap3A_442], %add3A_425 {strides = array<i32>} : memref<8x512xi32, #tpu.memory_space<vmem>>, vector<16xi32>,
      %mul3A_444 = arith.constant 16 : i32
      %mul3A_445 = arith.muli %scan3A_421, %mul3A_444 : i32
      %swap3A_446 = arith.constant 3 : i32
      %swap3A_447 = arith.index_cast %swap3A_446 : i32 to index
      %swap3A_448 = arith.index_cast %mul3A_445 : i32 to index
      %swap3A_449 = tpu.vector_load %arg13[%swap3A_447, %swap3A_448] {strides = array<i32>} : memref<8x512xi32, #tpu.memory_space<vmem>>, vector<16xi32>,
      tpu.vector_store %arg13[%swap3A_447, %swap3A_448], %add3A_425 {strides = array<i32>} : memref<8x512xi32, #tpu.memory_space<vmem>>, vector<16xi32>,
      %mul3A_450 = arith.constant 16 : i32
      %mul3A_451 = arith.muli %scan3A_421, %mul3A_450 : i32
      %swap3A_452 = arith.constant 4 : i32
      %swap3A_453 = arith.index_cast %swap3A_452 : i32 to index
      %swap3A_454 = arith.index_cast %mul3A_451 : i32 to index
      %swap3A_455 = tpu.vector_load %arg13[%swap3A_453, %swap3A_454] {strides = array<i32>} : memref<8x512xi32, #tpu.memory_space<vmem>>, vector<16xi32>,
      tpu.vector_store %arg13[%swap3A_453, %swap3A_454], %add3A_425 {strides = array<i32>} : memref<8x512xi32, #tpu.memory_space<vmem>>, vector<16xi32>,
      %mul3A_456 = arith.constant 16 : i32
      %mul3A_457 = arith.muli %scan3A_421, %mul3A_456 : i32
      %swap3A_458 = arith.constant 5 : i32
      %swap3A_459 = arith.index_cast %swap3A_458 : i32 to index
      %swap3A_460 = arith.index_cast %mul3A_457 : i32 to index
      %swap3A_461 = tpu.vector_load %arg13[%swap3A_459, %swap3A_460] {strides = array<i32>} : memref<8x512xi32, #tpu.memory_space<vmem>>, vector<16xi32>,
      tpu.vector_store %arg13[%swap3A_459, %swap3A_460], %add3A_425 {strides = array<i32>} : memref<8x512xi32, #tpu.memory_space<vmem>>, vector<16xi32>,
      %mul3A_462 = arith.constant 16 : i32
      %mul3A_463 = arith.muli %scan3A_421, %mul3A_462 : i32
      %swap3A_464 = arith.constant 6 : i32
      %swap3A_465 = arith.index_cast %swap3A_464 : i32 to index
      %swap3A_466 = arith.index_cast %mul3A_463 : i32 to index
      %swap3A_467 = tpu.vector_load %arg13[%swap3A_465, %swap3A_466] {strides = array<i32>} : memref<8x512xi32, #tpu.memory_space<vmem>>, vector<16xi32>,
      tpu.vector_store %arg13[%swap3A_465, %swap3A_466], %add3A_425 {strides = array<i32>} : memref<8x512xi32, #tpu.memory_space<vmem>>, vector<16xi32>,
      %mul3A_468 = arith.constant 16 : i32
      %mul3A_469 = arith.muli %scan3A_421, %mul3A_468 : i32
      %swap3A_470 = arith.constant 7 : i32
      %swap3A_471 = arith.index_cast %swap3A_470 : i32 to index
      %swap3A_472 = arith.index_cast %mul3A_469 : i32 to index
      %swap3A_473 = tpu.vector_load %arg13[%swap3A_471, %swap3A_472] {strides = array<i32>} : memref<8x512xi32, #tpu.memory_space<vmem>>, vector<16xi32>,
      tpu.vector_store %arg13[%swap3A_471, %swap3A_472], %add3A_425 {strides = array<i32>} : memref<8x512xi32, #tpu.memory_space<vmem>>, vector<16xi32>,
      %scan3A_474 = arith.constant 0 : i32
      %scan3A_475 = arith.constant 6 : i32
      %scan3A_476 = arith.addi %scan3A_146, %scan3A_475 : i32
      %mul3A_477 = arith.constant 16 : i32
      %mul3A_478 = arith.muli %scan3A_476, %mul3A_477 : i32
      %add3A_479 = vector.broadcast %mul3A_478 : i32 to vector<16xi32>
      %add3A_480 = arith.addi %add3A_479, %iota3A : vector<16xi32>
      %mul3A_481 = arith.constant 16 : i32
      %mul3A_482 = arith.muli %scan3A_476, %mul3A_481 : i32
      %swap3A_483 = arith.constant 0 : i32
      %swap3A_484 = arith.index_cast %swap3A_483 : i32 to index
      %swap3A_485 = arith.index_cast %mul3A_482 : i32 to index
      %swap3A_486 = tpu.vector_load %arg13[%swap3A_484, %swap3A_485] {strides = array<i32>} : memref<8x512xi32, #tpu.memory_space<vmem>>, vector<16xi32>,
      tpu.vector_store %arg13[%swap3A_484, %swap3A_485], %add3A_480 {strides = array<i32>} : memref<8x512xi32, #tpu.memory_space<vmem>>, vector<16xi32>,
      %mul3A_487 = arith.constant 16 : i32
      %mul3A_488 = arith.muli %scan3A_476, %mul3A_487 : i32
      %swap3A_489 = arith.constant 1 : i32
      %swap3A_490 = arith.index_cast %swap3A_489 : i32 to index
      %swap3A_491 = arith.index_cast %mul3A_488 : i32 to index
      %swap3A_492 = tpu.vector_load %arg13[%swap3A_490, %swap3A_491] {strides = array<i32>} : memref<8x512xi32, #tpu.memory_space<vmem>>, vector<16xi32>,
      tpu.vector_store %arg13[%swap3A_490, %swap3A_491], %add3A_480 {strides = array<i32>} : memref<8x512xi32, #tpu.memory_space<vmem>>, vector<16xi32>,
      %mul3A_493 = arith.constant 16 : i32
      %mul3A_494 = arith.muli %scan3A_476, %mul3A_493 : i32
      %swap3A_495 = arith.constant 2 : i32
      %swap3A_496 = arith.index_cast %swap3A_495 : i32 to index
      %swap3A_497 = arith.index_cast %mul3A_494 : i32 to index
      %swap3A_498 = tpu.vector_load %arg13[%swap3A_496, %swap3A_497] {strides = array<i32>} : memref<8x512xi32, #tpu.memory_space<vmem>>, vector<16xi32>,
      tpu.vector_store %arg13[%swap3A_496, %swap3A_497], %add3A_480 {strides = array<i32>} : memref<8x512xi32, #tpu.memory_space<vmem>>, vector<16xi32>,
      %mul3A_499 = arith.constant 16 : i32
      %mul3A_500 = arith.muli %scan3A_476, %mul3A_499 : i32
      %swap3A_501 = arith.constant 3 : i32
      %swap3A_502 = arith.index_cast %swap3A_501 : i32 to index
      %swap3A_503 = arith.index_cast %mul3A_500 : i32 to index
      %swap3A_504 = tpu.vector_load %arg13[%swap3A_502, %swap3A_503] {strides = array<i32>} : memref<8x512xi32, #tpu.memory_space<vmem>>, vector<16xi32>,
      tpu.vector_store %arg13[%swap3A_502, %swap3A_503], %add3A_480 {strides = array<i32>} : memref<8x512xi32, #tpu.memory_space<vmem>>, vector<16xi32>,
      %mul3A_505 = arith.constant 16 : i32
      %mul3A_506 = arith.muli %scan3A_476, %mul3A_505 : i32
      %swap3A_507 = arith.constant 4 : i32
      %swap3A_508 = arith.index_cast %swap3A_507 : i32 to index
      %swap3A_509 = arith.index_cast %mul3A_506 : i32 to index
      %swap3A_510 = tpu.vector_load %arg13[%swap3A_508, %swap3A_509] {strides = array<i32>} : memref<8x512xi32, #tpu.memory_space<vmem>>, vector<16xi32>,
      tpu.vector_store %arg13[%swap3A_508, %swap3A_509], %add3A_480 {strides = array<i32>} : memref<8x512xi32, #tpu.memory_space<vmem>>, vector<16xi32>,
      %mul3A_511 = arith.constant 16 : i32
      %mul3A_512 = arith.muli %scan3A_476, %mul3A_511 : i32
      %swap3A_513 = arith.constant 5 : i32
      %swap3A_514 = arith.index_cast %swap3A_513 : i32 to index
      %swap3A_515 = arith.index_cast %mul3A_512 : i32 to index
      %swap3A_516 = tpu.vector_load %arg13[%swap3A_514, %swap3A_515] {strides = array<i32>} : memref<8x512xi32, #tpu.memory_space<vmem>>, vector<16xi32>,
      tpu.vector_store %arg13[%swap3A_514, %swap3A_515], %add3A_480 {strides = array<i32>} : memref<8x512xi32, #tpu.memory_space<vmem>>, vector<16xi32>,
      %mul3A_517 = arith.constant 16 : i32
      %mul3A_518 = arith.muli %scan3A_476, %mul3A_517 : i32
      %swap3A_519 = arith.constant 6 : i32
      %swap3A_520 = arith.index_cast %swap3A_519 : i32 to index
      %swap3A_521 = arith.index_cast %mul3A_518 : i32 to index
      %swap3A_522 = tpu.vector_load %arg13[%swap3A_520, %swap3A_521] {strides = array<i32>} : memref<8x512xi32, #tpu.memory_space<vmem>>, vector<16xi32>,
      tpu.vector_store %arg13[%swap3A_520, %swap3A_521], %add3A_480 {strides = array<i32>} : memref<8x512xi32, #tpu.memory_space<vmem>>, vector<16xi32>,
      %mul3A_523 = arith.constant 16 : i32
      %mul3A_524 = arith.muli %scan3A_476, %mul3A_523 : i32
      %swap3A_525 = arith.constant 7 : i32
      %swap3A_526 = arith.index_cast %swap3A_525 : i32 to index
      %swap3A_527 = arith.index_cast %mul3A_524 : i32 to index
      %swap3A_528 = tpu.vector_load %arg13[%swap3A_526, %swap3A_527] {strides = array<i32>} : memref<8x512xi32, #tpu.memory_space<vmem>>, vector<16xi32>,
      tpu.vector_store %arg13[%swap3A_526, %swap3A_527], %add3A_480 {strides = array<i32>} : memref<8x512xi32, #tpu.memory_space<vmem>>, vector<16xi32>,
      %scan3A_529 = arith.constant 0 : i32
      %scan3A_530 = arith.constant 7 : i32
      %scan3A_531 = arith.addi %scan3A_146, %scan3A_530 : i32
      %mul3A_532 = arith.constant 16 : i32
      %mul3A_533 = arith.muli %scan3A_531, %mul3A_532 : i32
      %add3A_534 = vector.broadcast %mul3A_533 : i32 to vector<16xi32>
      %add3A_535 = arith.addi %add3A_534, %iota3A : vector<16xi32>
      %mul3A_536 = arith.constant 16 : i32
      %mul3A_537 = arith.muli %scan3A_531, %mul3A_536 : i32
      %swap3A_538 = arith.constant 0 : i32
      %swap3A_539 = arith.index_cast %swap3A_538 : i32 to index
      %swap3A_540 = arith.index_cast %mul3A_537 : i32 to index
      %swap3A_541 = tpu.vector_load %arg13[%swap3A_539, %swap3A_540] {strides = array<i32>} : memref<8x512xi32, #tpu.memory_space<vmem>>, vector<16xi32>,
      tpu.vector_store %arg13[%swap3A_539, %swap3A_540], %add3A_535 {strides = array<i32>} : memref<8x512xi32, #tpu.memory_space<vmem>>, vector<16xi32>,
      %mul3A_542 = arith.constant 16 : i32
      %mul3A_543 = arith.muli %scan3A_531, %mul3A_542 : i32
      %swap3A_544 = arith.constant 1 : i32
      %swap3A_545 = arith.index_cast %swap3A_544 : i32 to index
      %swap3A_546 = arith.index_cast %mul3A_543 : i32 to index
      %swap3A_547 = tpu.vector_load %arg13[%swap3A_545, %swap3A_546] {strides = array<i32>} : memref<8x512xi32, #tpu.memory_space<vmem>>, vector<16xi32>,
      tpu.vector_store %arg13[%swap3A_545, %swap3A_546], %add3A_535 {strides = array<i32>} : memref<8x512xi32, #tpu.memory_space<vmem>>, vector<16xi32>,
      %mul3A_548 = arith.constant 16 : i32
      %mul3A_549 = arith.muli %scan3A_531, %mul3A_548 : i32
      %swap3A_550 = arith.constant 2 : i32
      %swap3A_551 = arith.index_cast %swap3A_550 : i32 to index
      %swap3A_552 = arith.index_cast %mul3A_549 : i32 to index
      %swap3A_553 = tpu.vector_load %arg13[%swap3A_551, %swap3A_552] {strides = array<i32>} : memref<8x512xi32, #tpu.memory_space<vmem>>, vector<16xi32>,
      tpu.vector_store %arg13[%swap3A_551, %swap3A_552], %add3A_535 {strides = array<i32>} : memref<8x512xi32, #tpu.memory_space<vmem>>, vector<16xi32>,
      %mul3A_554 = arith.constant 16 : i32
      %mul3A_555 = arith.muli %scan3A_531, %mul3A_554 : i32
      %swap3A_556 = arith.constant 3 : i32
      %swap3A_557 = arith.index_cast %swap3A_556 : i32 to index
      %swap3A_558 = arith.index_cast %mul3A_555 : i32 to index
      %swap3A_559 = tpu.vector_load %arg13[%swap3A_557, %swap3A_558] {strides = array<i32>} : memref<8x512xi32, #tpu.memory_space<vmem>>, vector<16xi32>,
      tpu.vector_store %arg13[%swap3A_557, %swap3A_558], %add3A_535 {strides = array<i32>} : memref<8x512xi32, #tpu.memory_space<vmem>>, vector<16xi32>,
      %mul3A_560 = arith.constant 16 : i32
      %mul3A_561 = arith.muli %scan3A_531, %mul3A_560 : i32
      %swap3A_562 = arith.constant 4 : i32
      %swap3A_563 = arith.index_cast %swap3A_562 : i32 to index
      %swap3A_564 = arith.index_cast %mul3A_561 : i32 to index
      %swap3A_565 = tpu.vector_load %arg13[%swap3A_563, %swap3A_564] {strides = array<i32>} : memref<8x512xi32, #tpu.memory_space<vmem>>, vector<16xi32>,
      tpu.vector_store %arg13[%swap3A_563, %swap3A_564], %add3A_535 {strides = array<i32>} : memref<8x512xi32, #tpu.memory_space<vmem>>, vector<16xi32>,
      %mul3A_566 = arith.constant 16 : i32
      %mul3A_567 = arith.muli %scan3A_531, %mul3A_566 : i32
      %swap3A_568 = arith.constant 5 : i32
      %swap3A_569 = arith.index_cast %swap3A_568 : i32 to index
      %swap3A_570 = arith.index_cast %mul3A_567 : i32 to index
      %swap3A_571 = tpu.vector_load %arg13[%swap3A_569, %swap3A_570] {strides = array<i32>} : memref<8x512xi32, #tpu.memory_space<vmem>>, vector<16xi32>,
      tpu.vector_store %arg13[%swap3A_569, %swap3A_570], %add3A_535 {strides = array<i32>} : memref<8x512xi32, #tpu.memory_space<vmem>>, vector<16xi32>,
      %mul3A_572 = arith.constant 16 : i32
      %mul3A_573 = arith.muli %scan3A_531, %mul3A_572 : i32
      %swap3A_574 = arith.constant 6 : i32
      %swap3A_575 = arith.index_cast %swap3A_574 : i32 to index
      %swap3A_576 = arith.index_cast %mul3A_573 : i32 to index
      %swap3A_577 = tpu.vector_load %arg13[%swap3A_575, %swap3A_576] {strides = array<i32>} : memref<8x512xi32, #tpu.memory_space<vmem>>, vector<16xi32>,
      tpu.vector_store %arg13[%swap3A_575, %swap3A_576], %add3A_535 {strides = array<i32>} : memref<8x512xi32, #tpu.memory_space<vmem>>, vector<16xi32>,
      %mul3A_578 = arith.constant 16 : i32
      %mul3A_579 = arith.muli %scan3A_531, %mul3A_578 : i32
      %swap3A_580 = arith.constant 7 : i32
      %swap3A_581 = arith.index_cast %swap3A_580 : i32 to index
      %swap3A_582 = arith.index_cast %mul3A_579 : i32 to index
      %swap3A_583 = tpu.vector_load %arg13[%swap3A_581, %swap3A_582] {strides = array<i32>} : memref<8x512xi32, #tpu.memory_space<vmem>>, vector<16xi32>,
      tpu.vector_store %arg13[%swap3A_581, %swap3A_582], %add3A_535 {strides = array<i32>} : memref<8x512xi32, #tpu.memory_space<vmem>>, vector<16xi32>,
      %scan3A_584 = arith.constant 0 : i32
      scf.yield %scan3A_584 : i32
    }
    %scan3A_107 = arith.constant 32 : i32
    %scan3A_108 = arith.constant 0 : i32
    %scan3A_109 = arith.constant 0 : i32
    %scan3A_110 = arith.constant 8 : i32
    %scan3A_111 = arith.addi %scan3A_109, %scan3A_110 : i32
    %scan3A_112 = arith.constant 1 : i32
    %scan3A_113 = scf.for %scan3A_146 = %scan3A_109 to %scan3A_111 step %scan3A_112 iter_args(%scan3A_147 = %scan3A_108) -> (i32)  : i32 {
      %mul3A_148 = arith.constant 8 : i32
      %mul3A_149 = arith.muli %scan3A_146, %mul3A_148 : i32
      %add3A_150 = arith.constant 0 : i32
      %add3A_151 = arith.addi %mul3A_149, %add3A_150 : i32
      %mul3A_152 = arith.constant 512 : i32
      %mul3A_153 = arith.muli %add3A_151, %mul3A_152 : i32
      %add3A_154 = arith.addi %mul3A_7, %mul3A_153 : i32
      %dma_wait3A_155 = arith.constant 0 : i32
      %dma_wait3A_156 = arith.constant 0 : i32
      %dma_wait3A_157 = tpu.memref_slice %arg4[%dma_wait3A_155, %dma_wait3A_156] : memref<8x512xi32, #tpu.memory_space<vmem>> -> memref<1x512xi32, #tpu.memory_space<vmem>>
      %dma_wait3A_158 = tpu.memref_squeeze %dma_wait3A_157 : memref<1x512xi32, #tpu.memory_space<vmem>> -> memref<512xi32, #tpu.memory_space<vmem>>
      %dma_wait3A_159 = tpu.memref_slice %arg2[%add3A_154] : memref<1048576xi32, #tpu.memory_space<hbm>> -> memref<512xi32, #tpu.memory_space<hbm>>
      %dma_wait3A_160 = arith.constant 0 : i32
      %dma_wait3A_161 = tpu.memref_slice %arg4[%dma_wait3A_155, %dma_wait3A_160] : memref<8x512xi32, #tpu.memory_space<vmem>> -> memref<1x512xi32, #tpu.memory_space<vmem>>
      %dma_wait3A_162 = tpu.memref_squeeze %dma_wait3A_161 : memref<1x512xi32, #tpu.memory_space<vmem>> -> memref<512xi32, #tpu.memory_space<vmem>>
      %dma_wait3A_163 = tpu.memref_slice %arg2[%add3A_154] : memref<1048576xi32, #tpu.memory_space<hbm>> -> memref<512xi32, #tpu.memory_space<hbm>>
      tpu.wait_dma2 semaphore(%arg14 : memref<!tpu.dma_semaphore, #tpu.memory_space<semaphore_mem>>) src(%dma_wait3A_163 : memref<512xi32, #tpu.memory_space<hbm>>) dst(%dma_wait3A_162 : memref<512xi32, #tpu.memory_space<vmem>>)
      %ge3A = arith.constant 1 : i32
      %ge3A_164 = arith.cmpi sge, %scan3A_146, %ge3A : i32
      %convert_element_type3A = arith.extui %ge3A_164 : i1 to i32
      %cond3A = arith.constant 0 : i32
      %cond3A_165 = arith.cmpi ne, %convert_element_type3A, %cond3A : i32
      scf.if %cond3A_165 {
        %dma_wait3A_2009 = arith.constant 0 : i32
        %dma_wait3A_2010 = tpu.memref_slice %arg3[%dma_wait3A_2009] : memref<26214400xf32, #tpu.memory_space<hbm>> -> memref<12800xf32, #tpu.memory_space<hbm>>
        %dma_wait3A_2011 = arith.constant 0 : i32
        %dma_wait3A_2012 = tpu.memref_slice %arg3[%dma_wait3A_2011] : memref<26214400xf32, #tpu.memory_space<hbm>> -> memref<12800xf32, #tpu.memory_space<hbm>>
        tpu.wait_dma2 semaphore(%arg22 : memref<!tpu.dma_semaphore, #tpu.memory_space<semaphore_mem>>) src(%dma_wait3A_2012 : memref<12800xf32, #tpu.memory_space<hbm>>) dst(%arg5 : memref<12800xf32, #tpu.memory_space<vmem>>)
      } else {
      }
      %scan3A_166 = arith.constant 0 : i32
      %scan3A_167 = arith.constant 0 : i32
      %scan3A_168 = arith.constant 32 : i32
      %scan3A_169 = arith.addi %scan3A_167, %scan3A_168 : i32
      %scan3A_170 = arith.constant 4 : i32
      %scan3A_171 = scf.for %scan3A_2009 = %scan3A_167 to %scan3A_169 step %scan3A_170 iter_args(%scan3A_2010 = %scan3A_166) -> (i32)  : i32 {
        %mul3A_2011 = arith.constant 16 : i32
        %mul3A_2012 = arith.muli %scan3A_2009, %mul3A_2011 : i32
        %get3A = arith.constant 0 : i32
        %get3A_2013 = arith.index_cast %get3A : i32 to index
        %get3A_2014 = arith.index_cast %mul3A_2012 : i32 to index
        %get3A_2015 = tpu.vector_load %arg4[%get3A_2013, %get3A_2014] {strides = array<i32>} : memref<8x512xi32, #tpu.memory_space<vmem>>, vector<16xi32>,
        %get3A_2016 = arith.constant 0 : i32
        %get3A_2017 = arith.index_cast %get3A_2016 : i32 to index
        %get3A_2018 = arith.index_cast %mul3A_2012 : i32 to index
        %get3A_2019 = tpu.vector_load %arg13[%get3A_2017, %get3A_2018] {strides = array<i32>} : memref<8x512xi32, #tpu.memory_space<vmem>>, vector<16xi32>,
        tpu.vector_store_idx %arg5[%get3A_2019], %broadcast_in_dim3A_3 : memref<12800xf32, #tpu.memory_space<vmem>>[vector<16xi32>], vector<16xf32>,
        %mul3A_2020 = arith.constant 512 : i32
        %mul3A_2021 = vector.broadcast %mul3A_2020 : i32 to vector<16xi32>
        %mul3A_2022 = arith.muli %get3A_2015, %mul3A_2021 : vector<16xi32>
        %add3A_2023 = vector.broadcast %mul3A_2012 : i32 to vector<16xi32>
        %add3A_2024 = arith.addi %add3A_2023, %iota3A : vector<16xi32>
        %add3A_2025 = arith.addi %mul3A_2022, %add3A_2024 : vector<16xi32>
        %swap3A = arith.constant 0 : i32
        %swap3A_2026 = arith.index_cast %swap3A : i32 to index
        %swap3A_2027 = arith.index_cast %mul3A_2012 : i32 to index
        %swap3A_2028 = tpu.vector_load %arg13[%swap3A_2026, %swap3A_2027] {strides = array<i32>} : memref<8x512xi32, #tpu.memory_space<vmem>>, vector<16xi32>,
        tpu.vector_store %arg13[%swap3A_2026, %swap3A_2027], %add3A_2025 {strides = array<i32>} : memref<8x512xi32, #tpu.memory_space<vmem>>, vector<16xi32>,
        tpu.vector_store_idx %arg5[%add3A_2025], %broadcast_in_dim3A_5 : memref<12800xf32, #tpu.memory_space<vmem>>[vector<16xi32>], vector<16xf32>,
        %scan3A_2029 = arith.constant 0 : i32
        %scan3A_2030 = arith.constant 1 : i32
        %scan3A_2031 = arith.addi %scan3A_2009, %scan3A_2030 : i32
        %mul3A_2032 = arith.constant 16 : i32
        %mul3A_2033 = arith.muli %scan3A_2031, %mul3A_2032 : i32
        %get3A_2034 = arith.constant 0 : i32
        %get3A_2035 = arith.index_cast %get3A_2034 : i32 to index
        %get3A_2036 = arith.index_cast %mul3A_2033 : i32 to index
        %get3A_2037 = tpu.vector_load %arg4[%get3A_2035, %get3A_2036] {strides = array<i32>} : memref<8x512xi32, #tpu.memory_space<vmem>>, vector<16xi32>,
        %get3A_2038 = arith.constant 0 : i32
        %get3A_2039 = arith.index_cast %get3A_2038 : i32 to index
        %get3A_2040 = arith.index_cast %mul3A_2033 : i32 to index
        %get3A_2041 = tpu.vector_load %arg13[%get3A_2039, %get3A_2040] {strides = array<i32>} : memref<8x512xi32, #tpu.memory_space<vmem>>, vector<16xi32>,
        tpu.vector_store_idx %arg5[%get3A_2041], %broadcast_in_dim3A_3 : memref<12800xf32, #tpu.memory_space<vmem>>[vector<16xi32>], vector<16xf32>,
        %mul3A_2042 = arith.constant 512 : i32
        %mul3A_2043 = vector.broadcast %mul3A_2042 : i32 to vector<16xi32>
        %mul3A_2044 = arith.muli %get3A_2037, %mul3A_2043 : vector<16xi32>
        %add3A_2045 = vector.broadcast %mul3A_2033 : i32 to vector<16xi32>
        %add3A_2046 = arith.addi %add3A_2045, %iota3A : vector<16xi32>
        %add3A_2047 = arith.addi %mul3A_2044, %add3A_2046 : vector<16xi32>
        %swap3A_2048 = arith.constant 0 : i32
        %swap3A_2049 = arith.index_cast %swap3A_2048 : i32 to index
        %swap3A_2050 = arith.index_cast %mul3A_2033 : i32 to index
        %swap3A_2051 = tpu.vector_load %arg13[%swap3A_2049, %swap3A_2050] {strides = array<i32>} : memref<8x512xi32, #tpu.memory_space<vmem>>, vector<16xi32>,
        tpu.vector_store %arg13[%swap3A_2049, %swap3A_2050], %add3A_2047 {strides = array<i32>} : memref<8x512xi32, #tpu.memory_space<vmem>>, vector<16xi32>,
        tpu.vector_store_idx %arg5[%add3A_2047], %broadcast_in_dim3A_5 : memref<12800xf32, #tpu.memory_space<vmem>>[vector<16xi32>], vector<16xf32>,
        %scan3A_2052 = arith.constant 0 : i32
        %scan3A_2053 = arith.constant 2 : i32
        %scan3A_2054 = arith.addi %scan3A_2009, %scan3A_2053 : i32
        %mul3A_2055 = arith.constant 16 : i32
        %mul3A_2056 = arith.muli %scan3A_2054, %mul3A_2055 : i32
        %get3A_2057 = arith.constant 0 : i32
        %get3A_2058 = arith.index_cast %get3A_2057 : i32 to index
        %get3A_2059 = arith.index_cast %mul3A_2056 : i32 to index
        %get3A_2060 = tpu.vector_load %arg4[%get3A_2058, %get3A_2059] {strides = array<i32>} : memref<8x512xi32, #tpu.memory_space<vmem>>, vector<16xi32>,
        %get3A_2061 = arith.constant 0 : i32
        %get3A_2062 = arith.index_cast %get3A_2061 : i32 to index
        %get3A_2063 = arith.index_cast %mul3A_2056 : i32 to index
        %get3A_2064 = tpu.vector_load %arg13[%get3A_2062, %get3A_2063] {strides = array<i32>} : memref<8x512xi32, #tpu.memory_space<vmem>>, vector<16xi32>,
        tpu.vector_store_idx %arg5[%get3A_2064], %broadcast_in_dim3A_3 : memref<12800xf32, #tpu.memory_space<vmem>>[vector<16xi32>], vector<16xf32>,
        %mul3A_2065 = arith.constant 512 : i32
        %mul3A_2066 = vector.broadcast %mul3A_2065 : i32 to vector<16xi32>
        %mul3A_2067 = arith.muli %get3A_2060, %mul3A_2066 : vector<16xi32>
        %add3A_2068 = vector.broadcast %mul3A_2056 : i32 to vector<16xi32>
        %add3A_2069 = arith.addi %add3A_2068, %iota3A : vector<16xi32>
        %add3A_2070 = arith.addi %mul3A_2067, %add3A_2069 : vector<16xi32>
        %swap3A_2071 = arith.constant 0 : i32
        %swap3A_2072 = arith.index_cast %swap3A_2071 : i32 to index
        %swap3A_2073 = arith.index_cast %mul3A_2056 : i32 to index
        %swap3A_2074 = tpu.vector_load %arg13[%swap3A_2072, %swap3A_2073] {strides = array<i32>} : memref<8x512xi32, #tpu.memory_space<vmem>>, vector<16xi32>,
        tpu.vector_store %arg13[%swap3A_2072, %swap3A_2073], %add3A_2070 {strides = array<i32>} : memref<8x512xi32, #tpu.memory_space<vmem>>, vector<16xi32>,
        tpu.vector_store_idx %arg5[%add3A_2070], %broadcast_in_dim3A_5 : memref<12800xf32, #tpu.memory_space<vmem>>[vector<16xi32>], vector<16xf32>,
        %scan3A_2075 = arith.constant 0 : i32
        %scan3A_2076 = arith.constant 3 : i32
        %scan3A_2077 = arith.addi %scan3A_2009, %scan3A_2076 : i32
        %mul3A_2078 = arith.constant 16 : i32
        %mul3A_2079 = arith.muli %scan3A_2077, %mul3A_2078 : i32
        %get3A_2080 = arith.constant 0 : i32
        %get3A_2081 = arith.index_cast %get3A_2080 : i32 to index
        %get3A_2082 = arith.index_cast %mul3A_2079 : i32 to index
        %get3A_2083 = tpu.vector_load %arg4[%get3A_2081, %get3A_2082] {strides = array<i32>} : memref<8x512xi32, #tpu.memory_space<vmem>>, vector<16xi32>,
        %get3A_2084 = arith.constant 0 : i32
        %get3A_2085 = arith.index_cast %get3A_2084 : i32 to index
        %get3A_2086 = arith.index_cast %mul3A_2079 : i32 to index
        %get3A_2087 = tpu.vector_load %arg13[%get3A_2085, %get3A_2086] {strides = array<i32>} : memref<8x512xi32, #tpu.memory_space<vmem>>, vector<16xi32>,
        tpu.vector_store_idx %arg5[%get3A_2087], %broadcast_in_dim3A_3 : memref<12800xf32, #tpu.memory_space<vmem>>[vector<16xi32>], vector<16xf32>,
        %mul3A_2088 = arith.constant 512 : i32
        %mul3A_2089 = vector.broadcast %mul3A_2088 : i32 to vector<16xi32>
        %mul3A_2090 = arith.muli %get3A_2083, %mul3A_2089 : vector<16xi32>
        %add3A_2091 = vector.broadcast %mul3A_2079 : i32 to vector<16xi32>
        %add3A_2092 = arith.addi %add3A_2091, %iota3A : vector<16xi32>
        %add3A_2093 = arith.addi %mul3A_2090, %add3A_2092 : vector<16xi32>
        %swap3A_2094 = arith.constant 0 : i32
        %swap3A_2095 = arith.index_cast %swap3A_2094 : i32 to index
        %swap3A_2096 = arith.index_cast %mul3A_2079 : i32 to index
        %swap3A_2097 = tpu.vector_load %arg13[%swap3A_2095, %swap3A_2096] {strides = array<i32>} : memref<8x512xi32, #tpu.memory_space<vmem>>, vector<16xi32>,
        tpu.vector_store %arg13[%swap3A_2095, %swap3A_2096], %add3A_2093 {strides = array<i32>} : memref<8x512xi32, #tpu.memory_space<vmem>>, vector<16xi32>,
        tpu.vector_store_idx %arg5[%add3A_2093], %broadcast_in_dim3A_5 : memref<12800xf32, #tpu.memory_space<vmem>>[vector<16xi32>], vector<16xf32>,
        %scan3A_2098 = arith.constant 0 : i32
        scf.yield %scan3A_2098 : i32
      }
      %scan3A_172 = arith.constant 32 : i32
      %lt3A = arith.constant 7 : i32
      %lt3A_173 = arith.cmpi slt, %scan3A_146, %lt3A : i32
      %convert_element_type3A_174 = arith.extui %lt3A_173 : i1 to i32
      %cond3A_175 = arith.constant 0 : i32
      %cond3A_176 = arith.cmpi ne, %convert_element_type3A_174, %cond3A_175 : i32
      scf.if %cond3A_176 {
        %add3A_2009 = arith.constant 4096 : i32
        %add3A_2010 = arith.addi %add3A_154, %add3A_2009 : i32
        %dma_start3A_2011 = arith.constant 0 : i32
        %dma_start3A_2012 = arith.constant 0 : i32
        %dma_start3A_2013 = tpu.memref_slice %arg4[%dma_start3A_2011, %dma_start3A_2012] : memref<8x512xi32, #tpu.memory_space<vmem>> -> memref<1x512xi32, #tpu.memory_space<vmem>>
        %dma_start3A_2014 = tpu.memref_squeeze %dma_start3A_2013 : memref<1x512xi32, #tpu.memory_space<vmem>> -> memref<512xi32, #tpu.memory_space<vmem>>
        %dma_start3A_2015 = tpu.memref_slice %arg2[%add3A_2010] : memref<1048576xi32, #tpu.memory_space<hbm>> -> memref<512xi32, #tpu.memory_space<hbm>>
        %dma_start3A_2016 = arith.constant 0 : i32
        %dma_start3A_2017 = tpu.memref_slice %arg4[%dma_start3A_2011, %dma_start3A_2016] : memref<8x512xi32, #tpu.memory_space<vmem>> -> memref<1x512xi32, #tpu.memory_space<vmem>>
        %dma_start3A_2018 = tpu.memref_squeeze %dma_start3A_2017 : memref<1x512xi32, #tpu.memory_space<vmem>> -> memref<512xi32, #tpu.memory_space<vmem>>
        %dma_start3A_2019 = tpu.memref_slice %arg2[%add3A_2010] : memref<1048576xi32, #tpu.memory_space<hbm>> -> memref<512xi32, #tpu.memory_space<hbm>>
        tpu.enqueue_dma source(%dma_start3A_2019 : memref<512xi32, #tpu.memory_space<hbm>>) target(%dma_start3A_2018 : memref<512xi32, #tpu.memory_space<vmem>>) target_semaphore(%arg14 : memref<!tpu.dma_semaphore, #tpu.memory_space<semaphore_mem>>)
      } else {
      }
      %add3A_177 = arith.constant 0 : i32
      %add3A_178 = arith.addi %add3A_177, %add3A_154 : i32
      %dma_start3A_179 = arith.constant 0 : i32
      %dma_start3A_180 = tpu.memref_slice %arg5[%dma_start3A_179] : memref<12800xf32, #tpu.memory_space<vmem>> -> memref<512xf32, #tpu.memory_space<vmem>>
      %dma_start3A_181 = tpu.memref_slice %arg3[%add3A_178] : memref<26214400xf32, #tpu.memory_space<hbm>> -> memref<512xf32, #tpu.memory_space<hbm>>
      %dma_start3A_182 = tpu.memref_slice %arg3[%add3A_178] : memref<26214400xf32, #tpu.memory_space<hbm>> -> memref<512xf32, #tpu.memory_space<hbm>>
      %dma_start3A_183 = arith.constant 0 : i32
      %dma_start3A_184 = tpu.memref_slice %arg5[%dma_start3A_183] : memref<12800xf32, #tpu.memory_space<vmem>> -> memref<512xf32, #tpu.memory_space<vmem>>
      tpu.enqueue_dma source(%dma_start3A_184 : memref<512xf32, #tpu.memory_space<vmem>>) target(%dma_start3A_182 : memref<512xf32, #tpu.memory_space<hbm>>) target_semaphore(%arg22 : memref<!tpu.dma_semaphore, #tpu.memory_space<semaphore_mem>>)
      %add3A_185 = arith.constant 1048576 : i32
      %add3A_186 = arith.addi %add3A_185, %add3A_154 : i32
      %dma_start3A_187 = arith.constant 512 : i32
      %dma_start3A_188 = tpu.memref_slice %arg5[%dma_start3A_187] : memref<12800xf32, #tpu.memory_space<vmem>> -> memref<512xf32, #tpu.memory_space<vmem>>
      %dma_start3A_189 = tpu.memref_slice %arg3[%add3A_186] : memref<26214400xf32, #tpu.memory_space<hbm>> -> memref<512xf32, #tpu.memory_space<hbm>>
      %dma_start3A_190 = tpu.memref_slice %arg3[%add3A_186] : memref<26214400xf32, #tpu.memory_space<hbm>> -> memref<512xf32, #tpu.memory_space<hbm>>
      %dma_start3A_191 = arith.constant 512 : i32
      %dma_start3A_192 = tpu.memref_slice %arg5[%dma_start3A_191] : memref<12800xf32, #tpu.memory_space<vmem>> -> memref<512xf32, #tpu.memory_space<vmem>>
      tpu.enqueue_dma source(%dma_start3A_192 : memref<512xf32, #tpu.memory_space<vmem>>) target(%dma_start3A_190 : memref<512xf32, #tpu.memory_space<hbm>>) target_semaphore(%arg22 : memref<!tpu.dma_semaphore, #tpu.memory_space<semaphore_mem>>)
      %add3A_193 = arith.constant 2097152 : i32
      %add3A_194 = arith.addi %add3A_193, %add3A_154 : i32
      %dma_start3A_195 = arith.constant 1024 : i32
      %dma_start3A_196 = tpu.memref_slice %arg5[%dma_start3A_195] : memref<12800xf32, #tpu.memory_space<vmem>> -> memref<512xf32, #tpu.memory_space<vmem>>
      %dma_start3A_197 = tpu.memref_slice %arg3[%add3A_194] : memref<26214400xf32, #tpu.memory_space<hbm>> -> memref<512xf32, #tpu.memory_space<hbm>>
      %dma_start3A_198 = tpu.memref_slice %arg3[%add3A_194] : memref<26214400xf32, #tpu.memory_space<hbm>> -> memref<512xf32, #tpu.memory_space<hbm>>
      %dma_start3A_199 = arith.constant 1024 : i32
      %dma_start3A_200 = tpu.memref_slice %arg5[%dma_start3A_199] : memref<12800xf32, #tpu.memory_space<vmem>> -> memref<512xf32, #tpu.memory_space<vmem>>
      tpu.enqueue_dma source(%dma_start3A_200 : memref<512xf32, #tpu.memory_space<vmem>>) target(%dma_start3A_198 : memref<512xf32, #tpu.memory_space<hbm>>) target_semaphore(%arg22 : memref<!tpu.dma_semaphore, #tpu.memory_space<semaphore_mem>>)
      %add3A_201 = arith.constant 3145728 : i32
      %add3A_202 = arith.addi %add3A_201, %add3A_154 : i32
      %dma_start3A_203 = arith.constant 1536 : i32
      %dma_start3A_204 = tpu.memref_slice %arg5[%dma_start3A_203] : memref<12800xf32, #tpu.memory_space<vmem>> -> memref<512xf32, #tpu.memory_space<vmem>>
      %dma_start3A_205 = tpu.memref_slice %arg3[%add3A_202] : memref<26214400xf32, #tpu.memory_space<hbm>> -> memref<512xf32, #tpu.memory_space<hbm>>
      %dma_start3A_206 = tpu.memref_slice %arg3[%add3A_202] : memref<26214400xf32, #tpu.memory_space<hbm>> -> memref<512xf32, #tpu.memory_space<hbm>>
      %dma_start3A_207 = arith.constant 1536 : i32
      %dma_start3A_208 = tpu.memref_slice %arg5[%dma_start3A_207] : memref<12800xf32, #tpu.memory_space<vmem>> -> memref<512xf32, #tpu.memory_space<vmem>>
      tpu.enqueue_dma source(%dma_start3A_208 : memref<512xf32, #tpu.memory_space<vmem>>) target(%dma_start3A_206 : memref<512xf32, #tpu.memory_space<hbm>>) target_semaphore(%arg22 : memref<!tpu.dma_semaphore, #tpu.memory_space<semaphore_mem>>)
      %add3A_209 = arith.constant 4194304 : i32
      %add3A_210 = arith.addi %add3A_209, %add3A_154 : i32
      %dma_start3A_211 = arith.constant 2048 : i32
      %dma_start3A_212 = tpu.memref_slice %arg5[%dma_start3A_211] : memref<12800xf32, #tpu.memory_space<vmem>> -> memref<512xf32, #tpu.memory_space<vmem>>
      %dma_start3A_213 = tpu.memref_slice %arg3[%add3A_210] : memref<26214400xf32, #tpu.memory_space<hbm>> -> memref<512xf32, #tpu.memory_space<hbm>>
      %dma_start3A_214 = tpu.memref_slice %arg3[%add3A_210] : memref<26214400xf32, #tpu.memory_space<hbm>> -> memref<512xf32, #tpu.memory_space<hbm>>
      %dma_start3A_215 = arith.constant 2048 : i32
      %dma_start3A_216 = tpu.memref_slice %arg5[%dma_start3A_215] : memref<12800xf32, #tpu.memory_space<vmem>> -> memref<512xf32, #tpu.memory_space<vmem>>
      tpu.enqueue_dma source(%dma_start3A_216 : memref<512xf32, #tpu.memory_space<vmem>>) target(%dma_start3A_214 : memref<512xf32, #tpu.memory_space<hbm>>) target_semaphore(%arg22 : memref<!tpu.dma_semaphore, #tpu.memory_space<semaphore_mem>>)
      %add3A_217 = arith.constant 5242880 : i32
      %add3A_218 = arith.addi %add3A_217, %add3A_154 : i32
      %dma_start3A_219 = arith.constant 2560 : i32
      %dma_start3A_220 = tpu.memref_slice %arg5[%dma_start3A_219] : memref<12800xf32, #tpu.memory_space<vmem>> -> memref<512xf32, #tpu.memory_space<vmem>>
      %dma_start3A_221 = tpu.memref_slice %arg3[%add3A_218] : memref<26214400xf32, #tpu.memory_space<hbm>> -> memref<512xf32, #tpu.memory_space<hbm>>
      %dma_start3A_222 = tpu.memref_slice %arg3[%add3A_218] : memref<26214400xf32, #tpu.memory_space<hbm>> -> memref<512xf32, #tpu.memory_space<hbm>>
      %dma_start3A_223 = arith.constant 2560 : i32
      %dma_start3A_224 = tpu.memref_slice %arg5[%dma_start3A_223] : memref<12800xf32, #tpu.memory_space<vmem>> -> memref<512xf32, #tpu.memory_space<vmem>>
      tpu.enqueue_dma source(%dma_start3A_224 : memref<512xf32, #tpu.memory_space<vmem>>) target(%dma_start3A_222 : memref<512xf32, #tpu.memory_space<hbm>>) target_semaphore(%arg22 : memref<!tpu.dma_semaphore, #tpu.memory_space<semaphore_mem>>)
      %add3A_225 = arith.constant 6291456 : i32
      %add3A_226 = arith.addi %add3A_225, %add3A_154 : i32
      %dma_start3A_227 = arith.constant 3072 : i32
      %dma_start3A_228 = tpu.memref_slice %arg5[%dma_start3A_227] : memref<12800xf32, #tpu.memory_space<vmem>> -> memref<512xf32, #tpu.memory_space<vmem>>
      %dma_start3A_229 = tpu.memref_slice %arg3[%add3A_226] : memref<26214400xf32, #tpu.memory_space<hbm>> -> memref<512xf32, #tpu.memory_space<hbm>>
      %dma_start3A_230 = tpu.memref_slice %arg3[%add3A_226] : memref<26214400xf32, #tpu.memory_space<hbm>> -> memref<512xf32, #tpu.memory_space<hbm>>
      %dma_start3A_231 = arith.constant 3072 : i32
      %dma_start3A_232 = tpu.memref_slice %arg5[%dma_start3A_231] : memref<12800xf32, #tpu.memory_space<vmem>> -> memref<512xf32, #tpu.memory_space<vmem>>
      tpu.enqueue_dma source(%dma_start3A_232 : memref<512xf32, #tpu.memory_space<vmem>>) target(%dma_start3A_230 : memref<512xf32, #tpu.memory_space<hbm>>) target_semaphore(%arg22 : memref<!tpu.dma_semaphore, #tpu.memory_space<semaphore_mem>>)
      %add3A_233 = arith.constant 7340032 : i32
      %add3A_234 = arith.addi %add3A_233, %add3A_154 : i32
      %dma_start3A_235 = arith.constant 3584 : i32
      %dma_start3A_236 = tpu.memref_slice %arg5[%dma_start3A_235] : memref<12800xf32, #tpu.memory_space<vmem>> -> memref<512xf32, #tpu.memory_space<vmem>>
      %dma_start3A_237 = tpu.memref_slice %arg3[%add3A_234] : memref<26214400xf32, #tpu.memory_space<hbm>> -> memref<512xf32, #tpu.memory_space<hbm>>
      %dma_start3A_238 = tpu.memref_slice %arg3[%add3A_234] : memref<26214400xf32, #tpu.memory_space<hbm>> -> memref<512xf32, #tpu.memory_space<hbm>>
      %dma_start3A_239 = arith.constant 3584 : i32
      %dma_start3A_240 = tpu.memref_slice %arg5[%dma_start3A_239] : memref<12800xf32, #tpu.memory_space<vmem>> -> memref<512xf32, #tpu.memory_space<vmem>>
      tpu.enqueue_dma source(%dma_start3A_240 : memref<512xf32, #tpu.memory_space<vmem>>) target(%dma_start3A_238 : memref<512xf32, #tpu.memory_space<hbm>>) target_semaphore(%arg22 : memref<!tpu.dma_semaphore, #tpu.memory_space<semaphore_mem>>)
      %add3A_241 = arith.constant 8388608 : i32
      %add3A_242 = arith.addi %add3A_241, %add3A_154 : i32
      %dma_start3A_243 = arith.constant 4096 : i32
      %dma_start3A_244 = tpu.memref_slice %arg5[%dma_start3A_243] : memref<12800xf32, #tpu.memory_space<vmem>> -> memref<512xf32, #tpu.memory_space<vmem>>
      %dma_start3A_245 = tpu.memref_slice %arg3[%add3A_242] : memref<26214400xf32, #tpu.memory_space<hbm>> -> memref<512xf32, #tpu.memory_space<hbm>>
      %dma_start3A_246 = tpu.memref_slice %arg3[%add3A_242] : memref<26214400xf32, #tpu.memory_space<hbm>> -> memref<512xf32, #tpu.memory_space<hbm>>
      %dma_start3A_247 = arith.constant 4096 : i32
      %dma_start3A_248 = tpu.memref_slice %arg5[%dma_start3A_247] : memref<12800xf32, #tpu.memory_space<vmem>> -> memref<512xf32, #tpu.memory_space<vmem>>
      tpu.enqueue_dma source(%dma_start3A_248 : memref<512xf32, #tpu.memory_space<vmem>>) target(%dma_start3A_246 : memref<512xf32, #tpu.memory_space<hbm>>) target_semaphore(%arg22 : memref<!tpu.dma_semaphore, #tpu.memory_space<semaphore_mem>>)
      %add3A_249 = arith.constant 9437184 : i32
      %add3A_250 = arith.addi %add3A_249, %add3A_154 : i32
      %dma_start3A_251 = arith.constant 4608 : i32
      %dma_start3A_252 = tpu.memref_slice %arg5[%dma_start3A_251] : memref<12800xf32, #tpu.memory_space<vmem>> -> memref<512xf32, #tpu.memory_space<vmem>>
      %dma_start3A_253 = tpu.memref_slice %arg3[%add3A_250] : memref<26214400xf32, #tpu.memory_space<hbm>> -> memref<512xf32, #tpu.memory_space<hbm>>
      %dma_start3A_254 = tpu.memref_slice %arg3[%add3A_250] : memref<26214400xf32, #tpu.memory_space<hbm>> -> memref<512xf32, #tpu.memory_space<hbm>>
      %dma_start3A_255 = arith.constant 4608 : i32
      %dma_start3A_256 = tpu.memref_slice %arg5[%dma_start3A_255] : memref<12800xf32, #tpu.memory_space<vmem>> -> memref<512xf32, #tpu.memory_space<vmem>>
      tpu.enqueue_dma source(%dma_start3A_256 : memref<512xf32, #tpu.memory_space<vmem>>) target(%dma_start3A_254 : memref<512xf32, #tpu.memory_space<hbm>>) target_semaphore(%arg22 : memref<!tpu.dma_semaphore, #tpu.memory_space<semaphore_mem>>)
      %add3A_257 = arith.constant 10485760 : i32
      %add3A_258 = arith.addi %add3A_257, %add3A_154 : i32
      %dma_start3A_259 = arith.constant 5120 : i32
      %dma_start3A_260 = tpu.memref_slice %arg5[%dma_start3A_259] : memref<12800xf32, #tpu.memory_space<vmem>> -> memref<512xf32, #tpu.memory_space<vmem>>
      %dma_start3A_261 = tpu.memref_slice %arg3[%add3A_258] : memref<26214400xf32, #tpu.memory_space<hbm>> -> memref<512xf32, #tpu.memory_space<hbm>>
      %dma_start3A_262 = tpu.memref_slice %arg3[%add3A_258] : memref<26214400xf32, #tpu.memory_space<hbm>> -> memref<512xf32, #tpu.memory_space<hbm>>
      %dma_start3A_263 = arith.constant 5120 : i32
      %dma_start3A_264 = tpu.memref_slice %arg5[%dma_start3A_263] : memref<12800xf32, #tpu.memory_space<vmem>> -> memref<512xf32, #tpu.memory_space<vmem>>
      tpu.enqueue_dma source(%dma_start3A_264 : memref<512xf32, #tpu.memory_space<vmem>>) target(%dma_start3A_262 : memref<512xf32, #tpu.memory_space<hbm>>) target_semaphore(%arg22 : memref<!tpu.dma_semaphore, #tpu.memory_space<semaphore_mem>>)
      %add3A_265 = arith.constant 11534336 : i32
      %add3A_266 = arith.addi %add3A_265, %add3A_154 : i32
      %dma_start3A_267 = arith.constant 5632 : i32
      %dma_start3A_268 = tpu.memref_slice %arg5[%dma_start3A_267] : memref<12800xf32, #tpu.memory_space<vmem>> -> memref<512xf32, #tpu.memory_space<vmem>>
      %dma_start3A_269 = tpu.memref_slice %arg3[%add3A_266] : memref<26214400xf32, #tpu.memory_space<hbm>> -> memref<512xf32, #tpu.memory_space<hbm>>
      %dma_start3A_270 = tpu.memref_slice %arg3[%add3A_266] : memref<26214400xf32, #tpu.memory_space<hbm>> -> memref<512xf32, #tpu.memory_space<hbm>>
      %dma_start3A_271 = arith.constant 5632 : i32
      %dma_start3A_272 = tpu.memref_slice %arg5[%dma_start3A_271] : memref<12800xf32, #tpu.memory_space<vmem>> -> memref<512xf32, #tpu.memory_space<vmem>>
      tpu.enqueue_dma source(%dma_start3A_272 : memref<512xf32, #tpu.memory_space<vmem>>) target(%dma_start3A_270 : memref<512xf32, #tpu.memory_space<hbm>>) target_semaphore(%arg22 : memref<!tpu.dma_semaphore, #tpu.memory_space<semaphore_mem>>)
      %add3A_273 = arith.constant 12582912 : i32
      %add3A_274 = arith.addi %add3A_273, %add3A_154 : i32
      %dma_start3A_275 = arith.constant 6144 : i32
      %dma_start3A_276 = tpu.memref_slice %arg5[%dma_start3A_275] : memref<12800xf32, #tpu.memory_space<vmem>> -> memref<512xf32, #tpu.memory_space<vmem>>
      %dma_start3A_277 = tpu.memref_slice %arg3[%add3A_274] : memref<26214400xf32, #tpu.memory_space<hbm>> -> memref<512xf32, #tpu.memory_space<hbm>>
      %dma_start3A_278 = tpu.memref_slice %arg3[%add3A_274] : memref<26214400xf32, #tpu.memory_space<hbm>> -> memref<512xf32, #tpu.memory_space<hbm>>
      %dma_start3A_279 = arith.constant 6144 : i32
      %dma_start3A_280 = tpu.memref_slice %arg5[%dma_start3A_279] : memref<12800xf32, #tpu.memory_space<vmem>> -> memref<512xf32, #tpu.memory_space<vmem>>
      tpu.enqueue_dma source(%dma_start3A_280 : memref<512xf32, #tpu.memory_space<vmem>>) target(%dma_start3A_278 : memref<512xf32, #tpu.memory_space<hbm>>) target_semaphore(%arg22 : memref<!tpu.dma_semaphore, #tpu.memory_space<semaphore_mem>>)
      %add3A_281 = arith.constant 13631488 : i32
      %add3A_282 = arith.addi %add3A_281, %add3A_154 : i32
      %dma_start3A_283 = arith.constant 6656 : i32
      %dma_start3A_284 = tpu.memref_slice %arg5[%dma_start3A_283] : memref<12800xf32, #tpu.memory_space<vmem>> -> memref<512xf32, #tpu.memory_space<vmem>>
      %dma_start3A_285 = tpu.memref_slice %arg3[%add3A_282] : memref<26214400xf32, #tpu.memory_space<hbm>> -> memref<512xf32, #tpu.memory_space<hbm>>
      %dma_start3A_286 = tpu.memref_slice %arg3[%add3A_282] : memref<26214400xf32, #tpu.memory_space<hbm>> -> memref<512xf32, #tpu.memory_space<hbm>>
      %dma_start3A_287 = arith.constant 6656 : i32
      %dma_start3A_288 = tpu.memref_slice %arg5[%dma_start3A_287] : memref<12800xf32, #tpu.memory_space<vmem>> -> memref<512xf32, #tpu.memory_space<vmem>>
      tpu.enqueue_dma source(%dma_start3A_288 : memref<512xf32, #tpu.memory_space<vmem>>) target(%dma_start3A_286 : memref<512xf32, #tpu.memory_space<hbm>>) target_semaphore(%arg22 : memref<!tpu.dma_semaphore, #tpu.memory_space<semaphore_mem>>)
      %add3A_289 = arith.constant 14680064 : i32
      %add3A_290 = arith.addi %add3A_289, %add3A_154 : i32
      %dma_start3A_291 = arith.constant 7168 : i32
      %dma_start3A_292 = tpu.memref_slice %arg5[%dma_start3A_291] : memref<12800xf32, #tpu.memory_space<vmem>> -> memref<512xf32, #tpu.memory_space<vmem>>
      %dma_start3A_293 = tpu.memref_slice %arg3[%add3A_290] : memref<26214400xf32, #tpu.memory_space<hbm>> -> memref<512xf32, #tpu.memory_space<hbm>>
      %dma_start3A_294 = tpu.memref_slice %arg3[%add3A_290] : memref<26214400xf32, #tpu.memory_space<hbm>> -> memref<512xf32, #tpu.memory_space<hbm>>
      %dma_start3A_295 = arith.constant 7168 : i32
      %dma_start3A_296 = tpu.memref_slice %arg5[%dma_start3A_295] : memref<12800xf32, #tpu.memory_space<vmem>> -> memref<512xf32, #tpu.memory_space<vmem>>
      tpu.enqueue_dma source(%dma_start3A_296 : memref<512xf32, #tpu.memory_space<vmem>>) target(%dma_start3A_294 : memref<512xf32, #tpu.memory_space<hbm>>) target_semaphore(%arg22 : memref<!tpu.dma_semaphore, #tpu.memory_space<semaphore_mem>>)
      %add3A_297 = arith.constant 15728640 : i32
      %add3A_298 = arith.addi %add3A_297, %add3A_154 : i32
      %dma_start3A_299 = arith.constant 7680 : i32
      %dma_start3A_300 = tpu.memref_slice %arg5[%dma_start3A_299] : memref<12800xf32, #tpu.memory_space<vmem>> -> memref<512xf32, #tpu.memory_space<vmem>>
      %dma_start3A_301 = tpu.memref_slice %arg3[%add3A_298] : memref<26214400xf32, #tpu.memory_space<hbm>> -> memref<512xf32, #tpu.memory_space<hbm>>
      %dma_start3A_302 = tpu.memref_slice %arg3[%add3A_298] : memref<26214400xf32, #tpu.memory_space<hbm>> -> memref<512xf32, #tpu.memory_space<hbm>>
      %dma_start3A_303 = arith.constant 7680 : i32
      %dma_start3A_304 = tpu.memref_slice %arg5[%dma_start3A_303] : memref<12800xf32, #tpu.memory_space<vmem>> -> memref<512xf32, #tpu.memory_space<vmem>>
      tpu.enqueue_dma source(%dma_start3A_304 : memref<512xf32, #tpu.memory_space<vmem>>) target(%dma_start3A_302 : memref<512xf32, #tpu.memory_space<hbm>>) target_semaphore(%arg22 : memref<!tpu.dma_semaphore, #tpu.memory_space<semaphore_mem>>)
      %add3A_305 = arith.constant 16777216 : i32
      %add3A_306 = arith.addi %add3A_305, %add3A_154 : i32
      %dma_start3A_307 = arith.constant 8192 : i32
      %dma_start3A_308 = tpu.memref_slice %arg5[%dma_start3A_307] : memref<12800xf32, #tpu.memory_space<vmem>> -> memref<512xf32, #tpu.memory_space<vmem>>
      %dma_start3A_309 = tpu.memref_slice %arg3[%add3A_306] : memref<26214400xf32, #tpu.memory_space<hbm>> -> memref<512xf32, #tpu.memory_space<hbm>>
      %dma_start3A_310 = tpu.memref_slice %arg3[%add3A_306] : memref<26214400xf32, #tpu.memory_space<hbm>> -> memref<512xf32, #tpu.memory_space<hbm>>
      %dma_start3A_311 = arith.constant 8192 : i32
      %dma_start3A_312 = tpu.memref_slice %arg5[%dma_start3A_311] : memref<12800xf32, #tpu.memory_space<vmem>> -> memref<512xf32, #tpu.memory_space<vmem>>
      tpu.enqueue_dma source(%dma_start3A_312 : memref<512xf32, #tpu.memory_space<vmem>>) target(%dma_start3A_310 : memref<512xf32, #tpu.memory_space<hbm>>) target_semaphore(%arg22 : memref<!tpu.dma_semaphore, #tpu.memory_space<semaphore_mem>>)
      %add3A_313 = arith.constant 17825792 : i32
      %add3A_314 = arith.addi %add3A_313, %add3A_154 : i32
      %dma_start3A_315 = arith.constant 8704 : i32
      %dma_start3A_316 = tpu.memref_slice %arg5[%dma_start3A_315] : memref<12800xf32, #tpu.memory_space<vmem>> -> memref<512xf32, #tpu.memory_space<vmem>>
      %dma_start3A_317 = tpu.memref_slice %arg3[%add3A_314] : memref<26214400xf32, #tpu.memory_space<hbm>> -> memref<512xf32, #tpu.memory_space<hbm>>
      %dma_start3A_318 = tpu.memref_slice %arg3[%add3A_314] : memref<26214400xf32, #tpu.memory_space<hbm>> -> memref<512xf32, #tpu.memory_space<hbm>>
      %dma_start3A_319 = arith.constant 8704 : i32
      %dma_start3A_320 = tpu.memref_slice %arg5[%dma_start3A_319] : memref<12800xf32, #tpu.memory_space<vmem>> -> memref<512xf32, #tpu.memory_space<vmem>>
      tpu.enqueue_dma source(%dma_start3A_320 : memref<512xf32, #tpu.memory_space<vmem>>) target(%dma_start3A_318 : memref<512xf32, #tpu.memory_space<hbm>>) target_semaphore(%arg22 : memref<!tpu.dma_semaphore, #tpu.memory_space<semaphore_mem>>)
      %add3A_321 = arith.constant 18874368 : i32
      %add3A_322 = arith.addi %add3A_321, %add3A_154 : i32
      %dma_start3A_323 = arith.constant 9216 : i32
      %dma_start3A_324 = tpu.memref_slice %arg5[%dma_start3A_323] : memref<12800xf32, #tpu.memory_space<vmem>> -> memref<512xf32, #tpu.memory_space<vmem>>
      %dma_start3A_325 = tpu.memref_slice %arg3[%add3A_322] : memref<26214400xf32, #tpu.memory_space<hbm>> -> memref<512xf32, #tpu.memory_space<hbm>>
      %dma_start3A_326 = tpu.memref_slice %arg3[%add3A_322] : memref<26214400xf32, #tpu.memory_space<hbm>> -> memref<512xf32, #tpu.memory_space<hbm>>
      %dma_start3A_327 = arith.constant 9216 : i32
      %dma_start3A_328 = tpu.memref_slice %arg5[%dma_start3A_327] : memref<12800xf32, #tpu.memory_space<vmem>> -> memref<512xf32, #tpu.memory_space<vmem>>
      tpu.enqueue_dma source(%dma_start3A_328 : memref<512xf32, #tpu.memory_space<vmem>>) target(%dma_start3A_326 : memref<512xf32, #tpu.memory_space<hbm>>) target_semaphore(%arg22 : memref<!tpu.dma_semaphore, #tpu.memory_space<semaphore_mem>>)
      %add3A_329 = arith.constant 19922944 : i32
      %add3A_330 = arith.addi %add3A_329, %add3A_154 : i32
      %dma_start3A_331 = arith.constant 9728 : i32
      %dma_start3A_332 = tpu.memref_slice %arg5[%dma_start3A_331] : memref<12800xf32, #tpu.memory_space<vmem>> -> memref<512xf32, #tpu.memory_space<vmem>>
      %dma_start3A_333 = tpu.memref_slice %arg3[%add3A_330] : memref<26214400xf32, #tpu.memory_space<hbm>> -> memref<512xf32, #tpu.memory_space<hbm>>
      %dma_start3A_334 = tpu.memref_slice %arg3[%add3A_330] : memref<26214400xf32, #tpu.memory_space<hbm>> -> memref<512xf32, #tpu.memory_space<hbm>>
      %dma_start3A_335 = arith.constant 9728 : i32
      %dma_start3A_336 = tpu.memref_slice %arg5[%dma_start3A_335] : memref<12800xf32, #tpu.memory_space<vmem>> -> memref<512xf32, #tpu.memory_space<vmem>>
      tpu.enqueue_dma source(%dma_start3A_336 : memref<512xf32, #tpu.memory_space<vmem>>) target(%dma_start3A_334 : memref<512xf32, #tpu.memory_space<hbm>>) target_semaphore(%arg22 : memref<!tpu.dma_semaphore, #tpu.memory_space<semaphore_mem>>)
      %add3A_337 = arith.constant 20971520 : i32
      %add3A_338 = arith.addi %add3A_337, %add3A_154 : i32
      %dma_start3A_339 = arith.constant 10240 : i32
      %dma_start3A_340 = tpu.memref_slice %arg5[%dma_start3A_339] : memref<12800xf32, #tpu.memory_space<vmem>> -> memref<512xf32, #tpu.memory_space<vmem>>
      %dma_start3A_341 = tpu.memref_slice %arg3[%add3A_338] : memref<26214400xf32, #tpu.memory_space<hbm>> -> memref<512xf32, #tpu.memory_space<hbm>>
      %dma_start3A_342 = tpu.memref_slice %arg3[%add3A_338] : memref<26214400xf32, #tpu.memory_space<hbm>> -> memref<512xf32, #tpu.memory_space<hbm>>
      %dma_start3A_343 = arith.constant 10240 : i32
      %dma_start3A_344 = tpu.memref_slice %arg5[%dma_start3A_343] : memref<12800xf32, #tpu.memory_space<vmem>> -> memref<512xf32, #tpu.memory_space<vmem>>
      tpu.enqueue_dma source(%dma_start3A_344 : memref<512xf32, #tpu.memory_space<vmem>>) target(%dma_start3A_342 : memref<512xf32, #tpu.memory_space<hbm>>) target_semaphore(%arg22 : memref<!tpu.dma_semaphore, #tpu.memory_space<semaphore_mem>>)
      %add3A_345 = arith.constant 22020096 : i32
      %add3A_346 = arith.addi %add3A_345, %add3A_154 : i32
      %dma_start3A_347 = arith.constant 10752 : i32
      %dma_start3A_348 = tpu.memref_slice %arg5[%dma_start3A_347] : memref<12800xf32, #tpu.memory_space<vmem>> -> memref<512xf32, #tpu.memory_space<vmem>>
      %dma_start3A_349 = tpu.memref_slice %arg3[%add3A_346] : memref<26214400xf32, #tpu.memory_space<hbm>> -> memref<512xf32, #tpu.memory_space<hbm>>
      %dma_start3A_350 = tpu.memref_slice %arg3[%add3A_346] : memref<26214400xf32, #tpu.memory_space<hbm>> -> memref<512xf32, #tpu.memory_space<hbm>>
      %dma_start3A_351 = arith.constant 10752 : i32
      %dma_start3A_352 = tpu.memref_slice %arg5[%dma_start3A_351] : memref<12800xf32, #tpu.memory_space<vmem>> -> memref<512xf32, #tpu.memory_space<vmem>>
      tpu.enqueue_dma source(%dma_start3A_352 : memref<512xf32, #tpu.memory_space<vmem>>) target(%dma_start3A_350 : memref<512xf32, #tpu.memory_space<hbm>>) target_semaphore(%arg22 : memref<!tpu.dma_semaphore, #tpu.memory_space<semaphore_mem>>)
      %add3A_353 = arith.constant 23068672 : i32
      %add3A_354 = arith.addi %add3A_353, %add3A_154 : i32
      %dma_start3A_355 = arith.constant 11264 : i32
      %dma_start3A_356 = tpu.memref_slice %arg5[%dma_start3A_355] : memref<12800xf32, #tpu.memory_space<vmem>> -> memref<512xf32, #tpu.memory_space<vmem>>
      %dma_start3A_357 = tpu.memref_slice %arg3[%add3A_354] : memref<26214400xf32, #tpu.memory_space<hbm>> -> memref<512xf32, #tpu.memory_space<hbm>>
      %dma_start3A_358 = tpu.memref_slice %arg3[%add3A_354] : memref<26214400xf32, #tpu.memory_space<hbm>> -> memref<512xf32, #tpu.memory_space<hbm>>
      %dma_start3A_359 = arith.constant 11264 : i32
      %dma_start3A_360 = tpu.memref_slice %arg5[%dma_start3A_359] : memref<12800xf32, #tpu.memory_space<vmem>> -> memref<512xf32, #tpu.memory_space<vmem>>
      tpu.enqueue_dma source(%dma_start3A_360 : memref<512xf32, #tpu.memory_space<vmem>>) target(%dma_start3A_358 : memref<512xf32, #tpu.memory_space<hbm>>) target_semaphore(%arg22 : memref<!tpu.dma_semaphore, #tpu.memory_space<semaphore_mem>>)
      %add3A_361 = arith.constant 24117248 : i32
      %add3A_362 = arith.addi %add3A_361, %add3A_154 : i32
      %dma_start3A_363 = arith.constant 11776 : i32
      %dma_start3A_364 = tpu.memref_slice %arg5[%dma_start3A_363] : memref<12800xf32, #tpu.memory_space<vmem>> -> memref<512xf32, #tpu.memory_space<vmem>>
      %dma_start3A_365 = tpu.memref_slice %arg3[%add3A_362] : memref<26214400xf32, #tpu.memory_space<hbm>> -> memref<512xf32, #tpu.memory_space<hbm>>
      %dma_start3A_366 = tpu.memref_slice %arg3[%add3A_362] : memref<26214400xf32, #tpu.memory_space<hbm>> -> memref<512xf32, #tpu.memory_space<hbm>>
      %dma_start3A_367 = arith.constant 11776 : i32
      %dma_start3A_368 = tpu.memref_slice %arg5[%dma_start3A_367] : memref<12800xf32, #tpu.memory_space<vmem>> -> memref<512xf32, #tpu.memory_space<vmem>>
      tpu.enqueue_dma source(%dma_start3A_368 : memref<512xf32, #tpu.memory_space<vmem>>) target(%dma_start3A_366 : memref<512xf32, #tpu.memory_space<hbm>>) target_semaphore(%arg22 : memref<!tpu.dma_semaphore, #tpu.memory_space<semaphore_mem>>)
      %add3A_369 = arith.constant 25165824 : i32
      %add3A_370 = arith.addi %add3A_369, %add3A_154 : i32
      %dma_start3A_371 = arith.constant 12288 : i32
      %dma_start3A_372 = tpu.memref_slice %arg5[%dma_start3A_371] : memref<12800xf32, #tpu.memory_space<vmem>> -> memref<512xf32, #tpu.memory_space<vmem>>
      %dma_start3A_373 = tpu.memref_slice %arg3[%add3A_370] : memref<26214400xf32, #tpu.memory_space<hbm>> -> memref<512xf32, #tpu.memory_space<hbm>>
      %dma_start3A_374 = tpu.memref_slice %arg3[%add3A_370] : memref<26214400xf32, #tpu.memory_space<hbm>> -> memref<512xf32, #tpu.memory_space<hbm>>
      %dma_start3A_375 = arith.constant 12288 : i32
      %dma_start3A_376 = tpu.memref_slice %arg5[%dma_start3A_375] : memref<12800xf32, #tpu.memory_space<vmem>> -> memref<512xf32, #tpu.memory_space<vmem>>
      tpu.enqueue_dma source(%dma_start3A_376 : memref<512xf32, #tpu.memory_space<vmem>>) target(%dma_start3A_374 : memref<512xf32, #tpu.memory_space<hbm>>) target_semaphore(%arg22 : memref<!tpu.dma_semaphore, #tpu.memory_space<semaphore_mem>>)
      %mul3A_377 = arith.constant 8 : i32
      %mul3A_378 = arith.muli %scan3A_146, %mul3A_377 : i32
      %add3A_379 = arith.constant 1 : i32
      %add3A_380 = arith.addi %mul3A_378, %add3A_379 : i32
      %mul3A_381 = arith.constant 512 : i32
      %mul3A_382 = arith.muli %add3A_380, %mul3A_381 : i32
      %add3A_383 = arith.addi %mul3A_7, %mul3A_382 : i32
      %dma_wait3A_384 = arith.constant 1 : i32
      %dma_wait3A_385 = arith.constant 0 : i32
      %dma_wait3A_386 = tpu.memref_slice %arg4[%dma_wait3A_384, %dma_wait3A_385] : memref<8x512xi32, #tpu.memory_space<vmem>> -> memref<1x512xi32, #tpu.memory_space<vmem>>
      %dma_wait3A_387 = tpu.memref_squeeze %dma_wait3A_386 : memref<1x512xi32, #tpu.memory_space<vmem>> -> memref<512xi32, #tpu.memory_space<vmem>>
      %dma_wait3A_388 = tpu.memref_slice %arg2[%add3A_383] : memref<1048576xi32, #tpu.memory_space<hbm>> -> memref<512xi32, #tpu.memory_space<hbm>>
      %dma_wait3A_389 = arith.constant 0 : i32
      %dma_wait3A_390 = tpu.memref_slice %arg4[%dma_wait3A_384, %dma_wait3A_389] : memref<8x512xi32, #tpu.memory_space<vmem>> -> memref<1x512xi32, #tpu.memory_space<vmem>>
      %dma_wait3A_391 = tpu.memref_squeeze %dma_wait3A_390 : memref<1x512xi32, #tpu.memory_space<vmem>> -> memref<512xi32, #tpu.memory_space<vmem>>
      %dma_wait3A_392 = tpu.memref_slice %arg2[%add3A_383] : memref<1048576xi32, #tpu.memory_space<hbm>> -> memref<512xi32, #tpu.memory_space<hbm>>
      tpu.wait_dma2 semaphore(%arg15 : memref<!tpu.dma_semaphore, #tpu.memory_space<semaphore_mem>>) src(%dma_wait3A_392 : memref<512xi32, #tpu.memory_space<hbm>>) dst(%dma_wait3A_391 : memref<512xi32, #tpu.memory_space<vmem>>)
      %ge3A_393 = arith.constant 1 : i32
      %ge3A_394 = arith.cmpi sge, %scan3A_146, %ge3A_393 : i32
      %convert_element_type3A_395 = arith.extui %ge3A_394 : i1 to i32
      %cond3A_396 = arith.constant 0 : i32
      %cond3A_397 = arith.cmpi ne, %convert_element_type3A_395, %cond3A_396 : i32
      scf.if %cond3A_397 {
        %dma_wait3A_2009 = arith.constant 0 : i32
        %dma_wait3A_2010 = tpu.memref_slice %arg3[%dma_wait3A_2009] : memref<26214400xf32, #tpu.memory_space<hbm>> -> memref<12800xf32, #tpu.memory_space<hbm>>
        %dma_wait3A_2011 = arith.constant 0 : i32
        %dma_wait3A_2012 = tpu.memref_slice %arg3[%dma_wait3A_2011] : memref<26214400xf32, #tpu.memory_space<hbm>> -> memref<12800xf32, #tpu.memory_space<hbm>>
        tpu.wait_dma2 semaphore(%arg23 : memref<!tpu.dma_semaphore, #tpu.memory_space<semaphore_mem>>) src(%dma_wait3A_2012 : memref<12800xf32, #tpu.memory_space<hbm>>) dst(%arg6 : memref<12800xf32, #tpu.memory_space<vmem>>)
      } else {
      }
      %scan3A_398 = arith.constant 0 : i32
      %scan3A_399 = arith.constant 0 : i32
      %scan3A_400 = arith.constant 32 : i32
      %scan3A_401 = arith.addi %scan3A_399, %scan3A_400 : i32
      %scan3A_402 = arith.constant 4 : i32
      %scan3A_403 = scf.for %scan3A_2009 = %scan3A_399 to %scan3A_401 step %scan3A_402 iter_args(%scan3A_2010 = %scan3A_398) -> (i32)  : i32 {
        %mul3A_2011 = arith.constant 16 : i32
        %mul3A_2012 = arith.muli %scan3A_2009, %mul3A_2011 : i32
        %get3A = arith.constant 1 : i32
        %get3A_2013 = arith.index_cast %get3A : i32 to index
        %get3A_2014 = arith.index_cast %mul3A_2012 : i32 to index
        %get3A_2015 = tpu.vector_load %arg4[%get3A_2013, %get3A_2014] {strides = array<i32>} : memref<8x512xi32, #tpu.memory_space<vmem>>, vector<16xi32>,
        %get3A_2016 = arith.constant 1 : i32
        %get3A_2017 = arith.index_cast %get3A_2016 : i32 to index
        %get3A_2018 = arith.index_cast %mul3A_2012 : i32 to index
        %get3A_2019 = tpu.vector_load %arg13[%get3A_2017, %get3A_2018] {strides = array<i32>} : memref<8x512xi32, #tpu.memory_space<vmem>>, vector<16xi32>,
        tpu.vector_store_idx %arg6[%get3A_2019], %broadcast_in_dim3A_3 : memref<12800xf32, #tpu.memory_space<vmem>>[vector<16xi32>], vector<16xf32>,
        %mul3A_2020 = arith.constant 512 : i32
        %mul3A_2021 = vector.broadcast %mul3A_2020 : i32 to vector<16xi32>
        %mul3A_2022 = arith.muli %get3A_2015, %mul3A_2021 : vector<16xi32>
        %add3A_2023 = vector.broadcast %mul3A_2012 : i32 to vector<16xi32>
        %add3A_2024 = arith.addi %add3A_2023, %iota3A : vector<16xi32>
        %add3A_2025 = arith.addi %mul3A_2022, %add3A_2024 : vector<16xi32>
        %swap3A = arith.constant 1 : i32
        %swap3A_2026 = arith.index_cast %swap3A : i32 to index
        %swap3A_2027 = arith.index_cast %mul3A_2012 : i32 to index
        %swap3A_2028 = tpu.vector_load %arg13[%swap3A_2026, %swap3A_2027] {strides = array<i32>} : memref<8x512xi32, #tpu.memory_space<vmem>>, vector<16xi32>,
        tpu.vector_store %arg13[%swap3A_2026, %swap3A_2027], %add3A_2025 {strides = array<i32>} : memref<8x512xi32, #tpu.memory_space<vmem>>, vector<16xi32>,
        tpu.vector_store_idx %arg6[%add3A_2025], %broadcast_in_dim3A_5 : memref<12800xf32, #tpu.memory_space<vmem>>[vector<16xi32>], vector<16xf32>,
        %scan3A_2029 = arith.constant 0 : i32
        %scan3A_2030 = arith.constant 1 : i32
        %scan3A_2031 = arith.addi %scan3A_2009, %scan3A_2030 : i32
        %mul3A_2032 = arith.constant 16 : i32
        %mul3A_2033 = arith.muli %scan3A_2031, %mul3A_2032 : i32
        %get3A_2034 = arith.constant 1 : i32
        %get3A_2035 = arith.index_cast %get3A_2034 : i32 to index
        %get3A_2036 = arith.index_cast %mul3A_2033 : i32 to index
        %get3A_2037 = tpu.vector_load %arg4[%get3A_2035, %get3A_2036] {strides = array<i32>} : memref<8x512xi32, #tpu.memory_space<vmem>>, vector<16xi32>,
        %get3A_2038 = arith.constant 1 : i32
        %get3A_2039 = arith.index_cast %get3A_2038 : i32 to index
        %get3A_2040 = arith.index_cast %mul3A_2033 : i32 to index
        %get3A_2041 = tpu.vector_load %arg13[%get3A_2039, %get3A_2040] {strides = array<i32>} : memref<8x512xi32, #tpu.memory_space<vmem>>, vector<16xi32>,
        tpu.vector_store_idx %arg6[%get3A_2041], %broadcast_in_dim3A_3 : memref<12800xf32, #tpu.memory_space<vmem>>[vector<16xi32>], vector<16xf32>,
        %mul3A_2042 = arith.constant 512 : i32
        %mul3A_2043 = vector.broadcast %mul3A_2042 : i32 to vector<16xi32>
        %mul3A_2044 = arith.muli %get3A_2037, %mul3A_2043 : vector<16xi32>
        %add3A_2045 = vector.broadcast %mul3A_2033 : i32 to vector<16xi32>
        %add3A_2046 = arith.addi %add3A_2045, %iota3A : vector<16xi32>
        %add3A_2047 = arith.addi %mul3A_2044, %add3A_2046 : vector<16xi32>
        %swap3A_2048 = arith.constant 1 : i32
        %swap3A_2049 = arith.index_cast %swap3A_2048 : i32 to index
        %swap3A_2050 = arith.index_cast %mul3A_2033 : i32 to index
        %swap3A_2051 = tpu.vector_load %arg13[%swap3A_2049, %swap3A_2050] {strides = array<i32>} : memref<8x512xi32, #tpu.memory_space<vmem>>, vector<16xi32>,
        tpu.vector_store %arg13[%swap3A_2049, %swap3A_2050], %add3A_2047 {strides = array<i32>} : memref<8x512xi32, #tpu.memory_space<vmem>>, vector<16xi32>,
        tpu.vector_store_idx %arg6[%add3A_2047], %broadcast_in_dim3A_5 : memref<12800xf32, #tpu.memory_space<vmem>>[vector<16xi32>], vector<16xf32>,
        %scan3A_2052 = arith.constant 0 : i32
        %scan3A_2053 = arith.constant 2 : i32
        %scan3A_2054 = arith.addi %scan3A_2009, %scan3A_2053 : i32
        %mul3A_2055 = arith.constant 16 : i32
        %mul3A_2056 = arith.muli %scan3A_2054, %mul3A_2055 : i32
        %get3A_2057 = arith.constant 1 : i32
        %get3A_2058 = arith.index_cast %get3A_2057 : i32 to index
        %get3A_2059 = arith.index_cast %mul3A_2056 : i32 to index
        %get3A_2060 = tpu.vector_load %arg4[%get3A_2058, %get3A_2059] {strides = array<i32>} : memref<8x512xi32, #tpu.memory_space<vmem>>, vector<16xi32>,
        %get3A_2061 = arith.constant 1 : i32
        %get3A_2062 = arith.index_cast %get3A_2061 : i32 to index
        %get3A_2063 = arith.index_cast %mul3A_2056 : i32 to index
        %get3A_2064 = tpu.vector_load %arg13[%get3A_2062, %get3A_2063] {strides = array<i32>} : memref<8x512xi32, #tpu.memory_space<vmem>>, vector<16xi32>,
        tpu.vector_store_idx %arg6[%get3A_2064], %broadcast_in_dim3A_3 : memref<12800xf32, #tpu.memory_space<vmem>>[vector<16xi32>], vector<16xf32>,
        %mul3A_2065 = arith.constant 512 : i32
        %mul3A_2066 = vector.broadcast %mul3A_2065 : i32 to vector<16xi32>
        %mul3A_2067 = arith.muli %get3A_2060, %mul3A_2066 : vector<16xi32>
        %add3A_2068 = vector.broadcast %mul3A_2056 : i32 to vector<16xi32>
        %add3A_2069 = arith.addi %add3A_2068, %iota3A : vector<16xi32>
        %add3A_2070 = arith.addi %mul3A_2067, %add3A_2069 : vector<16xi32>
        %swap3A_2071 = arith.constant 1 : i32
        %swap3A_2072 = arith.index_cast %swap3A_2071 : i32 to index
        %swap3A_2073 = arith.index_cast %mul3A_2056 : i32 to index
        %swap3A_2074 = tpu.vector_load %arg13[%swap3A_2072, %swap3A_2073] {strides = array<i32>} : memref<8x512xi32, #tpu.memory_space<vmem>>, vector<16xi32>,
        tpu.vector_store %arg13[%swap3A_2072, %swap3A_2073], %add3A_2070 {strides = array<i32>} : memref<8x512xi32, #tpu.memory_space<vmem>>, vector<16xi32>,
        tpu.vector_store_idx %arg6[%add3A_2070], %broadcast_in_dim3A_5 : memref<12800xf32, #tpu.memory_space<vmem>>[vector<16xi32>], vector<16xf32>,
        %scan3A_2075 = arith.constant 0 : i32
        %scan3A_2076 = arith.constant 3 : i32
        %scan3A_2077 = arith.addi %scan3A_2009, %scan3A_2076 : i32
        %mul3A_2078 = arith.constant 16 : i32
        %mul3A_2079 = arith.muli %scan3A_2077, %mul3A_2078 : i32
        %get3A_2080 = arith.constant 1 : i32
        %get3A_2081 = arith.index_cast %get3A_2080 : i32 to index
        %get3A_2082 = arith.index_cast %mul3A_2079 : i32 to index
        %get3A_2083 = tpu.vector_load %arg4[%get3A_2081, %get3A_2082] {strides = array<i32>} : memref<8x512xi32, #tpu.memory_space<vmem>>, vector<16xi32>,
        %get3A_2084 = arith.constant 1 : i32
        %get3A_2085 = arith.index_cast %get3A_2084 : i32 to index
        %get3A_2086 = arith.index_cast %mul3A_2079 : i32 to index
        %get3A_2087 = tpu.vector_load %arg13[%get3A_2085, %get3A_2086] {strides = array<i32>} : memref<8x512xi32, #tpu.memory_space<vmem>>, vector<16xi32>,
        tpu.vector_store_idx %arg6[%get3A_2087], %broadcast_in_dim3A_3 : memref<12800xf32, #tpu.memory_space<vmem>>[vector<16xi32>], vector<16xf32>,
        %mul3A_2088 = arith.constant 512 : i32
        %mul3A_2089 = vector.broadcast %mul3A_2088 : i32 to vector<16xi32>
        %mul3A_2090 = arith.muli %get3A_2083, %mul3A_2089 : vector<16xi32>
        %add3A_2091 = vector.broadcast %mul3A_2079 : i32 to vector<16xi32>
        %add3A_2092 = arith.addi %add3A_2091, %iota3A : vector<16xi32>
        %add3A_2093 = arith.addi %mul3A_2090, %add3A_2092 : vector<16xi32>
        %swap3A_2094 = arith.constant 1 : i32
        %swap3A_2095 = arith.index_cast %swap3A_2094 : i32 to index
        %swap3A_2096 = arith.index_cast %mul3A_2079 : i32 to index
        %swap3A_2097 = tpu.vector_load %arg13[%swap3A_2095, %swap3A_2096] {strides = array<i32>} : memref<8x512xi32, #tpu.memory_space<vmem>>, vector<16xi32>,
        tpu.vector_store %arg13[%swap3A_2095, %swap3A_2096], %add3A_2093 {strides = array<i32>} : memref<8x512xi32, #tpu.memory_space<vmem>>, vector<16xi32>,
        tpu.vector_store_idx %arg6[%add3A_2093], %broadcast_in_dim3A_5 : memref<12800xf32, #tpu.memory_space<vmem>>[vector<16xi32>], vector<16xf32>,
        %scan3A_2098 = arith.constant 0 : i32
        scf.yield %scan3A_2098 : i32
      }
      %scan3A_404 = arith.constant 32 : i32
      %lt3A_405 = arith.constant 7 : i32
      %lt3A_406 = arith.cmpi slt, %scan3A_146, %lt3A_405 : i32
      %convert_element_type3A_407 = arith.extui %lt3A_406 : i1 to i32
      %cond3A_408 = arith.constant 0 : i32
      %cond3A_409 = arith.cmpi ne, %convert_element_type3A_407, %cond3A_408 : i32
      scf.if %cond3A_409 {
        %add3A_2009 = arith.constant 4096 : i32
        %add3A_2010 = arith.addi %add3A_383, %add3A_2009 : i32
        %dma_start3A_2011 = arith.constant 1 : i32
        %dma_start3A_2012 = arith.constant 0 : i32
        %dma_start3A_2013 = tpu.memref_slice %arg4[%dma_start3A_2011, %dma_start3A_2012] : memref<8x512xi32, #tpu.memory_space<vmem>> -> memref<1x512xi32, #tpu.memory_space<vmem>>
        %dma_start3A_2014 = tpu.memref_squeeze %dma_start3A_2013 : memref<1x512xi32, #tpu.memory_space<vmem>> -> memref<512xi32, #tpu.memory_space<vmem>>
        %dma_start3A_2015 = tpu.memref_slice %arg2[%add3A_2010] : memref<1048576xi32, #tpu.memory_space<hbm>> -> memref<512xi32, #tpu.memory_space<hbm>>
        %dma_start3A_2016 = arith.constant 0 : i32
        %dma_start3A_2017 = tpu.memref_slice %arg4[%dma_start3A_2011, %dma_start3A_2016] : memref<8x512xi32, #tpu.memory_space<vmem>> -> memref<1x512xi32, #tpu.memory_space<vmem>>
        %dma_start3A_2018 = tpu.memref_squeeze %dma_start3A_2017 : memref<1x512xi32, #tpu.memory_space<vmem>> -> memref<512xi32, #tpu.memory_space<vmem>>
        %dma_start3A_2019 = tpu.memref_slice %arg2[%add3A_2010] : memref<1048576xi32, #tpu.memory_space<hbm>> -> memref<512xi32, #tpu.memory_space<hbm>>
        tpu.enqueue_dma source(%dma_start3A_2019 : memref<512xi32, #tpu.memory_space<hbm>>) target(%dma_start3A_2018 : memref<512xi32, #tpu.memory_space<vmem>>) target_semaphore(%arg15 : memref<!tpu.dma_semaphore, #tpu.memory_space<semaphore_mem>>)
      } else {
      }
      %add3A_410 = arith.constant 0 : i32
      %add3A_411 = arith.addi %add3A_410, %add3A_383 : i32
      %dma_start3A_412 = arith.constant 0 : i32
      %dma_start3A_413 = tpu.memref_slice %arg6[%dma_start3A_412] : memref<12800xf32, #tpu.memory_space<vmem>> -> memref<512xf32, #tpu.memory_space<vmem>>
      %dma_start3A_414 = tpu.memref_slice %arg3[%add3A_411] : memref<26214400xf32, #tpu.memory_space<hbm>> -> memref<512xf32, #tpu.memory_space<hbm>>
      %dma_start3A_415 = tpu.memref_slice %arg3[%add3A_411] : memref<26214400xf32, #tpu.memory_space<hbm>> -> memref<512xf32, #tpu.memory_space<hbm>>
      %dma_start3A_416 = arith.constant 0 : i32
      %dma_start3A_417 = tpu.memref_slice %arg6[%dma_start3A_416] : memref<12800xf32, #tpu.memory_space<vmem>> -> memref<512xf32, #tpu.memory_space<vmem>>
      tpu.enqueue_dma source(%dma_start3A_417 : memref<512xf32, #tpu.memory_space<vmem>>) target(%dma_start3A_415 : memref<512xf32, #tpu.memory_space<hbm>>) target_semaphore(%arg23 : memref<!tpu.dma_semaphore, #tpu.memory_space<semaphore_mem>>)
      %add3A_418 = arith.constant 1048576 : i32
      %add3A_419 = arith.addi %add3A_418, %add3A_383 : i32
      %dma_start3A_420 = arith.constant 512 : i32
      %dma_start3A_421 = tpu.memref_slice %arg6[%dma_start3A_420] : memref<12800xf32, #tpu.memory_space<vmem>> -> memref<512xf32, #tpu.memory_space<vmem>>
      %dma_start3A_422 = tpu.memref_slice %arg3[%add3A_419] : memref<26214400xf32, #tpu.memory_space<hbm>> -> memref<512xf32, #tpu.memory_space<hbm>>
      %dma_start3A_423 = tpu.memref_slice %arg3[%add3A_419] : memref<26214400xf32, #tpu.memory_space<hbm>> -> memref<512xf32, #tpu.memory_space<hbm>>
      %dma_start3A_424 = arith.constant 512 : i32
      %dma_start3A_425 = tpu.memref_slice %arg6[%dma_start3A_424] : memref<12800xf32, #tpu.memory_space<vmem>> -> memref<512xf32, #tpu.memory_space<vmem>>
      tpu.enqueue_dma source(%dma_start3A_425 : memref<512xf32, #tpu.memory_space<vmem>>) target(%dma_start3A_423 : memref<512xf32, #tpu.memory_space<hbm>>) target_semaphore(%arg23 : memref<!tpu.dma_semaphore, #tpu.memory_space<semaphore_mem>>)
      %add3A_426 = arith.constant 2097152 : i32
      %add3A_427 = arith.addi %add3A_426, %add3A_383 : i32
      %dma_start3A_428 = arith.constant 1024 : i32
      %dma_start3A_429 = tpu.memref_slice %arg6[%dma_start3A_428] : memref<12800xf32, #tpu.memory_space<vmem>> -> memref<512xf32, #tpu.memory_space<vmem>>
      %dma_start3A_430 = tpu.memref_slice %arg3[%add3A_427] : memref<26214400xf32, #tpu.memory_space<hbm>> -> memref<512xf32, #tpu.memory_space<hbm>>
      %dma_start3A_431 = tpu.memref_slice %arg3[%add3A_427] : memref<26214400xf32, #tpu.memory_space<hbm>> -> memref<512xf32, #tpu.memory_space<hbm>>
      %dma_start3A_432 = arith.constant 1024 : i32
      %dma_start3A_433 = tpu.memref_slice %arg6[%dma_start3A_432] : memref<12800xf32, #tpu.memory_space<vmem>> -> memref<512xf32, #tpu.memory_space<vmem>>
      tpu.enqueue_dma source(%dma_start3A_433 : memref<512xf32, #tpu.memory_space<vmem>>) target(%dma_start3A_431 : memref<512xf32, #tpu.memory_space<hbm>>) target_semaphore(%arg23 : memref<!tpu.dma_semaphore, #tpu.memory_space<semaphore_mem>>)
      %add3A_434 = arith.constant 3145728 : i32
      %add3A_435 = arith.addi %add3A_434, %add3A_383 : i32
      %dma_start3A_436 = arith.constant 1536 : i32
      %dma_start3A_437 = tpu.memref_slice %arg6[%dma_start3A_436] : memref<12800xf32, #tpu.memory_space<vmem>> -> memref<512xf32, #tpu.memory_space<vmem>>
      %dma_start3A_438 = tpu.memref_slice %arg3[%add3A_435] : memref<26214400xf32, #tpu.memory_space<hbm>> -> memref<512xf32, #tpu.memory_space<hbm>>
      %dma_start3A_439 = tpu.memref_slice %arg3[%add3A_435] : memref<26214400xf32, #tpu.memory_space<hbm>> -> memref<512xf32, #tpu.memory_space<hbm>>
      %dma_start3A_440 = arith.constant 1536 : i32
      %dma_start3A_441 = tpu.memref_slice %arg6[%dma_start3A_440] : memref<12800xf32, #tpu.memory_space<vmem>> -> memref<512xf32, #tpu.memory_space<vmem>>
      tpu.enqueue_dma source(%dma_start3A_441 : memref<512xf32, #tpu.memory_space<vmem>>) target(%dma_start3A_439 : memref<512xf32, #tpu.memory_space<hbm>>) target_semaphore(%arg23 : memref<!tpu.dma_semaphore, #tpu.memory_space<semaphore_mem>>)
      %add3A_442 = arith.constant 4194304 : i32
      %add3A_443 = arith.addi %add3A_442, %add3A_383 : i32
      %dma_start3A_444 = arith.constant 2048 : i32
      %dma_start3A_445 = tpu.memref_slice %arg6[%dma_start3A_444] : memref<12800xf32, #tpu.memory_space<vmem>> -> memref<512xf32, #tpu.memory_space<vmem>>
      %dma_start3A_446 = tpu.memref_slice %arg3[%add3A_443] : memref<26214400xf32, #tpu.memory_space<hbm>> -> memref<512xf32, #tpu.memory_space<hbm>>
      %dma_start3A_447 = tpu.memref_slice %arg3[%add3A_443] : memref<26214400xf32, #tpu.memory_space<hbm>> -> memref<512xf32, #tpu.memory_space<hbm>>
      %dma_start3A_448 = arith.constant 2048 : i32
      %dma_start3A_449 = tpu.memref_slice %arg6[%dma_start3A_448] : memref<12800xf32, #tpu.memory_space<vmem>> -> memref<512xf32, #tpu.memory_space<vmem>>
      tpu.enqueue_dma source(%dma_start3A_449 : memref<512xf32, #tpu.memory_space<vmem>>) target(%dma_start3A_447 : memref<512xf32, #tpu.memory_space<hbm>>) target_semaphore(%arg23 : memref<!tpu.dma_semaphore, #tpu.memory_space<semaphore_mem>>)
      %add3A_450 = arith.constant 5242880 : i32
      %add3A_451 = arith.addi %add3A_450, %add3A_383 : i32
      %dma_start3A_452 = arith.constant 2560 : i32
      %dma_start3A_453 = tpu.memref_slice %arg6[%dma_start3A_452] : memref<12800xf32, #tpu.memory_space<vmem>> -> memref<512xf32, #tpu.memory_space<vmem>>
      %dma_start3A_454 = tpu.memref_slice %arg3[%add3A_451] : memref<26214400xf32, #tpu.memory_space<hbm>> -> memref<512xf32, #tpu.memory_space<hbm>>
      %dma_start3A_455 = tpu.memref_slice %arg3[%add3A_451] : memref<26214400xf32, #tpu.memory_space<hbm>> -> memref<512xf32, #tpu.memory_space<hbm>>
      %dma_start3A_456 = arith.constant 2560 : i32
      %dma_start3A_457 = tpu.memref_slice %arg6[%dma_start3A_456] : memref<12800xf32, #tpu.memory_space<vmem>> -> memref<512xf32, #tpu.memory_space<vmem>>
      tpu.enqueue_dma source(%dma_start3A_457 : memref<512xf32, #tpu.memory_space<vmem>>) target(%dma_start3A_455 : memref<512xf32, #tpu.memory_space<hbm>>) target_semaphore(%arg23 : memref<!tpu.dma_semaphore, #tpu.memory_space<semaphore_mem>>)
      %add3A_458 = arith.constant 6291456 : i32
      %add3A_459 = arith.addi %add3A_458, %add3A_383 : i32
      %dma_start3A_460 = arith.constant 3072 : i32
      %dma_start3A_461 = tpu.memref_slice %arg6[%dma_start3A_460] : memref<12800xf32, #tpu.memory_space<vmem>> -> memref<512xf32, #tpu.memory_space<vmem>>
      %dma_start3A_462 = tpu.memref_slice %arg3[%add3A_459] : memref<26214400xf32, #tpu.memory_space<hbm>> -> memref<512xf32, #tpu.memory_space<hbm>>
      %dma_start3A_463 = tpu.memref_slice %arg3[%add3A_459] : memref<26214400xf32, #tpu.memory_space<hbm>> -> memref<512xf32, #tpu.memory_space<hbm>>
      %dma_start3A_464 = arith.constant 3072 : i32
      %dma_start3A_465 = tpu.memref_slice %arg6[%dma_start3A_464] : memref<12800xf32, #tpu.memory_space<vmem>> -> memref<512xf32, #tpu.memory_space<vmem>>
      tpu.enqueue_dma source(%dma_start3A_465 : memref<512xf32, #tpu.memory_space<vmem>>) target(%dma_start3A_463 : memref<512xf32, #tpu.memory_space<hbm>>) target_semaphore(%arg23 : memref<!tpu.dma_semaphore, #tpu.memory_space<semaphore_mem>>)
      %add3A_466 = arith.constant 7340032 : i32
      %add3A_467 = arith.addi %add3A_466, %add3A_383 : i32
      %dma_start3A_468 = arith.constant 3584 : i32
      %dma_start3A_469 = tpu.memref_slice %arg6[%dma_start3A_468] : memref<12800xf32, #tpu.memory_space<vmem>> -> memref<512xf32, #tpu.memory_space<vmem>>
      %dma_start3A_470 = tpu.memref_slice %arg3[%add3A_467] : memref<26214400xf32, #tpu.memory_space<hbm>> -> memref<512xf32, #tpu.memory_space<hbm>>
      %dma_start3A_471 = tpu.memref_slice %arg3[%add3A_467] : memref<26214400xf32, #tpu.memory_space<hbm>> -> memref<512xf32, #tpu.memory_space<hbm>>
      %dma_start3A_472 = arith.constant 3584 : i32
      %dma_start3A_473 = tpu.memref_slice %arg6[%dma_start3A_472] : memref<12800xf32, #tpu.memory_space<vmem>> -> memref<512xf32, #tpu.memory_space<vmem>>
      tpu.enqueue_dma source(%dma_start3A_473 : memref<512xf32, #tpu.memory_space<vmem>>) target(%dma_start3A_471 : memref<512xf32, #tpu.memory_space<hbm>>) target_semaphore(%arg23 : memref<!tpu.dma_semaphore, #tpu.memory_space<semaphore_mem>>)
      %add3A_474 = arith.constant 8388608 : i32
      %add3A_475 = arith.addi %add3A_474, %add3A_383 : i32
      %dma_start3A_476 = arith.constant 4096 : i32
      %dma_start3A_477 = tpu.memref_slice %arg6[%dma_start3A_476] : memref<12800xf32, #tpu.memory_space<vmem>> -> memref<512xf32, #tpu.memory_space<vmem>>
      %dma_start3A_478 = tpu.memref_slice %arg3[%add3A_475] : memref<26214400xf32, #tpu.memory_space<hbm>> -> memref<512xf32, #tpu.memory_space<hbm>>
      %dma_start3A_479 = tpu.memref_slice %arg3[%add3A_475] : memref<26214400xf32, #tpu.memory_space<hbm>> -> memref<512xf32, #tpu.memory_space<hbm>>
      %dma_start3A_480 = arith.constant 4096 : i32
      %dma_start3A_481 = tpu.memref_slice %arg6[%dma_start3A_480] : memref<12800xf32, #tpu.memory_space<vmem>> -> memref<512xf32, #tpu.memory_space<vmem>>
      tpu.enqueue_dma source(%dma_start3A_481 : memref<512xf32, #tpu.memory_space<vmem>>) target(%dma_start3A_479 : memref<512xf32, #tpu.memory_space<hbm>>) target_semaphore(%arg23 : memref<!tpu.dma_semaphore, #tpu.memory_space<semaphore_mem>>)
      %add3A_482 = arith.constant 9437184 : i32
      %add3A_483 = arith.addi %add3A_482, %add3A_383 : i32
      %dma_start3A_484 = arith.constant 4608 : i32
      %dma_start3A_485 = tpu.memref_slice %arg6[%dma_start3A_484] : memref<12800xf32, #tpu.memory_space<vmem>> -> memref<512xf32, #tpu.memory_space<vmem>>
      %dma_start3A_486 = tpu.memref_slice %arg3[%add3A_483] : memref<26214400xf32, #tpu.memory_space<hbm>> -> memref<512xf32, #tpu.memory_space<hbm>>
      %dma_start3A_487 = tpu.memref_slice %arg3[%add3A_483] : memref<26214400xf32, #tpu.memory_space<hbm>> -> memref<512xf32, #tpu.memory_space<hbm>>
      %dma_start3A_488 = arith.constant 4608 : i32
      %dma_start3A_489 = tpu.memref_slice %arg6[%dma_start3A_488] : memref<12800xf32, #tpu.memory_space<vmem>> -> memref<512xf32, #tpu.memory_space<vmem>>
      tpu.enqueue_dma source(%dma_start3A_489 : memref<512xf32, #tpu.memory_space<vmem>>) target(%dma_start3A_487 : memref<512xf32, #tpu.memory_space<hbm>>) target_semaphore(%arg23 : memref<!tpu.dma_semaphore, #tpu.memory_space<semaphore_mem>>)
      %add3A_490 = arith.constant 10485760 : i32
      %add3A_491 = arith.addi %add3A_490, %add3A_383 : i32
      %dma_start3A_492 = arith.constant 5120 : i32
      %dma_start3A_493 = tpu.memref_slice %arg6[%dma_start3A_492] : memref<12800xf32, #tpu.memory_space<vmem>> -> memref<512xf32, #tpu.memory_space<vmem>>
      %dma_start3A_494 = tpu.memref_slice %arg3[%add3A_491] : memref<26214400xf32, #tpu.memory_space<hbm>> -> memref<512xf32, #tpu.memory_space<hbm>>
      %dma_start3A_495 = tpu.memref_slice %arg3[%add3A_491] : memref<26214400xf32, #tpu.memory_space<hbm>> -> memref<512xf32, #tpu.memory_space<hbm>>
      %dma_start3A_496 = arith.constant 5120 : i32
      %dma_start3A_497 = tpu.memref_slice %arg6[%dma_start3A_496] : memref<12800xf32, #tpu.memory_space<vmem>> -> memref<512xf32, #tpu.memory_space<vmem>>
      tpu.enqueue_dma source(%dma_start3A_497 : memref<512xf32, #tpu.memory_space<vmem>>) target(%dma_start3A_495 : memref<512xf32, #tpu.memory_space<hbm>>) target_semaphore(%arg23 : memref<!tpu.dma_semaphore, #tpu.memory_space<semaphore_mem>>)
      %add3A_498 = arith.constant 11534336 : i32
      %add3A_499 = arith.addi %add3A_498, %add3A_383 : i32
      %dma_start3A_500 = arith.constant 5632 : i32
      %dma_start3A_501 = tpu.memref_slice %arg6[%dma_start3A_500] : memref<12800xf32, #tpu.memory_space<vmem>> -> memref<512xf32, #tpu.memory_space<vmem>>
      %dma_start3A_502 = tpu.memref_slice %arg3[%add3A_499] : memref<26214400xf32, #tpu.memory_space<hbm>> -> memref<512xf32, #tpu.memory_space<hbm>>
      %dma_start3A_503 = tpu.memref_slice %arg3[%add3A_499] : memref<26214400xf32, #tpu.memory_space<hbm>> -> memref<512xf32, #tpu.memory_space<hbm>>
      %dma_start3A_504 = arith.constant 5632 : i32
      %dma_start3A_505 = tpu.memref_slice %arg6[%dma_start3A_504] : memref<12800xf32, #tpu.memory_space<vmem>> -> memref<512xf32, #tpu.memory_space<vmem>>
      tpu.enqueue_dma source(%dma_start3A_505 : memref<512xf32, #tpu.memory_space<vmem>>) target(%dma_start3A_503 : memref<512xf32, #tpu.memory_space<hbm>>) target_semaphore(%arg23 : memref<!tpu.dma_semaphore, #tpu.memory_space<semaphore_mem>>)
      %add3A_506 = arith.constant 12582912 : i32
      %add3A_507 = arith.addi %add3A_506, %add3A_383 : i32
      %dma_start3A_508 = arith.constant 6144 : i32
      %dma_start3A_509 = tpu.memref_slice %arg6[%dma_start3A_508] : memref<12800xf32, #tpu.memory_space<vmem>> -> memref<512xf32, #tpu.memory_space<vmem>>
      %dma_start3A_510 = tpu.memref_slice %arg3[%add3A_507] : memref<26214400xf32, #tpu.memory_space<hbm>> -> memref<512xf32, #tpu.memory_space<hbm>>
      %dma_start3A_511 = tpu.memref_slice %arg3[%add3A_507] : memref<26214400xf32, #tpu.memory_space<hbm>> -> memref<512xf32, #tpu.memory_space<hbm>>
      %dma_start3A_512 = arith.constant 6144 : i32
      %dma_start3A_513 = tpu.memref_slice %arg6[%dma_start3A_512] : memref<12800xf32, #tpu.memory_space<vmem>> -> memref<512xf32, #tpu.memory_space<vmem>>
      tpu.enqueue_dma source(%dma_start3A_513 : memref<512xf32, #tpu.memory_space<vmem>>) target(%dma_start3A_511 : memref<512xf32, #tpu.memory_space<hbm>>) target_semaphore(%arg23 : memref<!tpu.dma_semaphore, #tpu.memory_space<semaphore_mem>>)
      %add3A_514 = arith.constant 13631488 : i32
      %add3A_515 = arith.addi %add3A_514, %add3A_383 : i32
      %dma_start3A_516 = arith.constant 6656 : i32
      %dma_start3A_517 = tpu.memref_slice %arg6[%dma_start3A_516] : memref<12800xf32, #tpu.memory_space<vmem>> -> memref<512xf32, #tpu.memory_space<vmem>>
      %dma_start3A_518 = tpu.memref_slice %arg3[%add3A_515] : memref<26214400xf32, #tpu.memory_space<hbm>> -> memref<512xf32, #tpu.memory_space<hbm>>
      %dma_start3A_519 = tpu.memref_slice %arg3[%add3A_515] : memref<26214400xf32, #tpu.memory_space<hbm>> -> memref<512xf32, #tpu.memory_space<hbm>>
      %dma_start3A_520 = arith.constant 6656 : i32
      %dma_start3A_521 = tpu.memref_slice %arg6[%dma_start3A_520] : memref<12800xf32, #tpu.memory_space<vmem>> -> memref<512xf32, #tpu.memory_space<vmem>>
      tpu.enqueue_dma source(%dma_start3A_521 : memref<512xf32, #tpu.memory_space<vmem>>) target(%dma_start3A_519 : memref<512xf32, #tpu.memory_space<hbm>>) target_semaphore(%arg23 : memref<!tpu.dma_semaphore, #tpu.memory_space<semaphore_mem>>)
      %add3A_522 = arith.constant 14680064 : i32
      %add3A_523 = arith.addi %add3A_522, %add3A_383 : i32
      %dma_start3A_524 = arith.constant 7168 : i32
      %dma_start3A_525 = tpu.memref_slice %arg6[%dma_start3A_524] : memref<12800xf32, #tpu.memory_space<vmem>> -> memref<512xf32, #tpu.memory_space<vmem>>
      %dma_start3A_526 = tpu.memref_slice %arg3[%add3A_523] : memref<26214400xf32, #tpu.memory_space<hbm>> -> memref<512xf32, #tpu.memory_space<hbm>>
      %dma_start3A_527 = tpu.memref_slice %arg3[%add3A_523] : memref<26214400xf32, #tpu.memory_space<hbm>> -> memref<512xf32, #tpu.memory_space<hbm>>
      %dma_start3A_528 = arith.constant 7168 : i32
      %dma_start3A_529 = tpu.memref_slice %arg6[%dma_start3A_528] : memref<12800xf32, #tpu.memory_space<vmem>> -> memref<512xf32, #tpu.memory_space<vmem>>
      tpu.enqueue_dma source(%dma_start3A_529 : memref<512xf32, #tpu.memory_space<vmem>>) target(%dma_start3A_527 : memref<512xf32, #tpu.memory_space<hbm>>) target_semaphore(%arg23 : memref<!tpu.dma_semaphore, #tpu.memory_space<semaphore_mem>>)
      %add3A_530 = arith.constant 15728640 : i32
      %add3A_531 = arith.addi %add3A_530, %add3A_383 : i32
      %dma_start3A_532 = arith.constant 7680 : i32
      %dma_start3A_533 = tpu.memref_slice %arg6[%dma_start3A_532] : memref<12800xf32, #tpu.memory_space<vmem>> -> memref<512xf32, #tpu.memory_space<vmem>>
      %dma_start3A_534 = tpu.memref_slice %arg3[%add3A_531] : memref<26214400xf32, #tpu.memory_space<hbm>> -> memref<512xf32, #tpu.memory_space<hbm>>
      %dma_start3A_535 = tpu.memref_slice %arg3[%add3A_531] : memref<26214400xf32, #tpu.memory_space<hbm>> -> memref<512xf32, #tpu.memory_space<hbm>>
      %dma_start3A_536 = arith.constant 7680 : i32
      %dma_start3A_537 = tpu.memref_slice %arg6[%dma_start3A_536] : memref<12800xf32, #tpu.memory_space<vmem>> -> memref<512xf32, #tpu.memory_space<vmem>>
      tpu.enqueue_dma source(%dma_start3A_537 : memref<512xf32, #tpu.memory_space<vmem>>) target(%dma_start3A_535 : memref<512xf32, #tpu.memory_space<hbm>>) target_semaphore(%arg23 : memref<!tpu.dma_semaphore, #tpu.memory_space<semaphore_mem>>)
      %add3A_538 = arith.constant 16777216 : i32
      %add3A_539 = arith.addi %add3A_538, %add3A_383 : i32
      %dma_start3A_540 = arith.constant 8192 : i32
      %dma_start3A_541 = tpu.memref_slice %arg6[%dma_start3A_540] : memref<12800xf32, #tpu.memory_space<vmem>> -> memref<512xf32, #tpu.memory_space<vmem>>
      %dma_start3A_542 = tpu.memref_slice %arg3[%add3A_539] : memref<26214400xf32, #tpu.memory_space<hbm>> -> memref<512xf32, #tpu.memory_space<hbm>>
      %dma_start3A_543 = tpu.memref_slice %arg3[%add3A_539] : memref<26214400xf32, #tpu.memory_space<hbm>> -> memref<512xf32, #tpu.memory_space<hbm>>
      %dma_start3A_544 = arith.constant 8192 : i32
      %dma_start3A_545 = tpu.memref_slice %arg6[%dma_start3A_544] : memref<12800xf32, #tpu.memory_space<vmem>> -> memref<512xf32, #tpu.memory_space<vmem>>
      tpu.enqueue_dma source(%dma_start3A_545 : memref<512xf32, #tpu.memory_space<vmem>>) target(%dma_start3A_543 : memref<512xf32, #tpu.memory_space<hbm>>) target_semaphore(%arg23 : memref<!tpu.dma_semaphore, #tpu.memory_space<semaphore_mem>>)
      %add3A_546 = arith.constant 17825792 : i32
      %add3A_547 = arith.addi %add3A_546, %add3A_383 : i32
      %dma_start3A_548 = arith.constant 8704 : i32
      %dma_start3A_549 = tpu.memref_slice %arg6[%dma_start3A_548] : memref<12800xf32, #tpu.memory_space<vmem>> -> memref<512xf32, #tpu.memory_space<vmem>>
      %dma_start3A_550 = tpu.memref_slice %arg3[%add3A_547] : memref<26214400xf32, #tpu.memory_space<hbm>> -> memref<512xf32, #tpu.memory_space<hbm>>
      %dma_start3A_551 = tpu.memref_slice %arg3[%add3A_547] : memref<26214400xf32, #tpu.memory_space<hbm>> -> memref<512xf32, #tpu.memory_space<hbm>>
      %dma_start3A_552 = arith.constant 8704 : i32
      %dma_start3A_553 = tpu.memref_slice %arg6[%dma_start3A_552] : memref<12800xf32, #tpu.memory_space<vmem>> -> memref<512xf32, #tpu.memory_space<vmem>>
      tpu.enqueue_dma source(%dma_start3A_553 : memref<512xf32, #tpu.memory_space<vmem>>) target(%dma_start3A_551 : memref<512xf32, #tpu.memory_space<hbm>>) target_semaphore(%arg23 : memref<!tpu.dma_semaphore, #tpu.memory_space<semaphore_mem>>)
      %add3A_554 = arith.constant 18874368 : i32
      %add3A_555 = arith.addi %add3A_554, %add3A_383 : i32
      %dma_start3A_556 = arith.constant 9216 : i32
      %dma_start3A_557 = tpu.memref_slice %arg6[%dma_start3A_556] : memref<12800xf32, #tpu.memory_space<vmem>> -> memref<512xf32, #tpu.memory_space<vmem>>
      %dma_start3A_558 = tpu.memref_slice %arg3[%add3A_555] : memref<26214400xf32, #tpu.memory_space<hbm>> -> memref<512xf32, #tpu.memory_space<hbm>>
      %dma_start3A_559 = tpu.memref_slice %arg3[%add3A_555] : memref<26214400xf32, #tpu.memory_space<hbm>> -> memref<512xf32, #tpu.memory_space<hbm>>
      %dma_start3A_560 = arith.constant 9216 : i32
      %dma_start3A_561 = tpu.memref_slice %arg6[%dma_start3A_560] : memref<12800xf32, #tpu.memory_space<vmem>> -> memref<512xf32, #tpu.memory_space<vmem>>
      tpu.enqueue_dma source(%dma_start3A_561 : memref<512xf32, #tpu.memory_space<vmem>>) target(%dma_start3A_559 : memref<512xf32, #tpu.memory_space<hbm>>) target_semaphore(%arg23 : memref<!tpu.dma_semaphore, #tpu.memory_space<semaphore_mem>>)
      %add3A_562 = arith.constant 19922944 : i32
      %add3A_563 = arith.addi %add3A_562, %add3A_383 : i32
      %dma_start3A_564 = arith.constant 9728 : i32
      %dma_start3A_565 = tpu.memref_slice %arg6[%dma_start3A_564] : memref<12800xf32, #tpu.memory_space<vmem>> -> memref<512xf32, #tpu.memory_space<vmem>>
      %dma_start3A_566 = tpu.memref_slice %arg3[%add3A_563] : memref<26214400xf32, #tpu.memory_space<hbm>> -> memref<512xf32, #tpu.memory_space<hbm>>
      %dma_start3A_567 = tpu.memref_slice %arg3[%add3A_563] : memref<26214400xf32, #tpu.memory_space<hbm>> -> memref<512xf32, #tpu.memory_space<hbm>>
      %dma_start3A_568 = arith.constant 9728 : i32
      %dma_start3A_569 = tpu.memref_slice %arg6[%dma_start3A_568] : memref<12800xf32, #tpu.memory_space<vmem>> -> memref<512xf32, #tpu.memory_space<vmem>>
      tpu.enqueue_dma source(%dma_start3A_569 : memref<512xf32, #tpu.memory_space<vmem>>) target(%dma_start3A_567 : memref<512xf32, #tpu.memory_space<hbm>>) target_semaphore(%arg23 : memref<!tpu.dma_semaphore, #tpu.memory_space<semaphore_mem>>)
      %add3A_570 = arith.constant 20971520 : i32
      %add3A_571 = arith.addi %add3A_570, %add3A_383 : i32
      %dma_start3A_572 = arith.constant 10240 : i32
      %dma_start3A_573 = tpu.memref_slice %arg6[%dma_start3A_572] : memref<12800xf32, #tpu.memory_space<vmem>> -> memref<512xf32, #tpu.memory_space<vmem>>
      %dma_start3A_574 = tpu.memref_slice %arg3[%add3A_571] : memref<26214400xf32, #tpu.memory_space<hbm>> -> memref<512xf32, #tpu.memory_space<hbm>>
      %dma_start3A_575 = tpu.memref_slice %arg3[%add3A_571] : memref<26214400xf32, #tpu.memory_space<hbm>> -> memref<512xf32, #tpu.memory_space<hbm>>
      %dma_start3A_576 = arith.constant 10240 : i32
      %dma_start3A_577 = tpu.memref_slice %arg6[%dma_start3A_576] : memref<12800xf32, #tpu.memory_space<vmem>> -> memref<512xf32, #tpu.memory_space<vmem>>
      tpu.enqueue_dma source(%dma_start3A_577 : memref<512xf32, #tpu.memory_space<vmem>>) target(%dma_start3A_575 : memref<512xf32, #tpu.memory_space<hbm>>) target_semaphore(%arg23 : memref<!tpu.dma_semaphore, #tpu.memory_space<semaphore_mem>>)
      %add3A_578 = arith.constant 22020096 : i32
      %add3A_579 = arith.addi %add3A_578, %add3A_383 : i32
      %dma_start3A_580 = arith.constant 10752 : i32
      %dma_start3A_581 = tpu.memref_slice %arg6[%dma_start3A_580] : memref<12800xf32, #tpu.memory_space<vmem>> -> memref<512xf32, #tpu.memory_space<vmem>>
      %dma_start3A_582 = tpu.memref_slice %arg3[%add3A_579] : memref<26214400xf32, #tpu.memory_space<hbm>> -> memref<512xf32, #tpu.memory_space<hbm>>
      %dma_start3A_583 = tpu.memref_slice %arg3[%add3A_579] : memref<26214400xf32, #tpu.memory_space<hbm>> -> memref<512xf32, #tpu.memory_space<hbm>>
      %dma_start3A_584 = arith.constant 10752 : i32
      %dma_start3A_585 = tpu.memref_slice %arg6[%dma_start3A_584] : memref<12800xf32, #tpu.memory_space<vmem>> -> memref<512xf32, #tpu.memory_space<vmem>>
      tpu.enqueue_dma source(%dma_start3A_585 : memref<512xf32, #tpu.memory_space<vmem>>) target(%dma_start3A_583 : memref<512xf32, #tpu.memory_space<hbm>>) target_semaphore(%arg23 : memref<!tpu.dma_semaphore, #tpu.memory_space<semaphore_mem>>)
      %add3A_586 = arith.constant 23068672 : i32
      %add3A_587 = arith.addi %add3A_586, %add3A_383 : i32
      %dma_start3A_588 = arith.constant 11264 : i32
      %dma_start3A_589 = tpu.memref_slice %arg6[%dma_start3A_588] : memref<12800xf32, #tpu.memory_space<vmem>> -> memref<512xf32, #tpu.memory_space<vmem>>
      %dma_start3A_590 = tpu.memref_slice %arg3[%add3A_587] : memref<26214400xf32, #tpu.memory_space<hbm>> -> memref<512xf32, #tpu.memory_space<hbm>>
      %dma_start3A_591 = tpu.memref_slice %arg3[%add3A_587] : memref<26214400xf32, #tpu.memory_space<hbm>> -> memref<512xf32, #tpu.memory_space<hbm>>
      %dma_start3A_592 = arith.constant 11264 : i32
      %dma_start3A_593 = tpu.memref_slice %arg6[%dma_start3A_592] : memref<12800xf32, #tpu.memory_space<vmem>> -> memref<512xf32, #tpu.memory_space<vmem>>
      tpu.enqueue_dma source(%dma_start3A_593 : memref<512xf32, #tpu.memory_space<vmem>>) target(%dma_start3A_591 : memref<512xf32, #tpu.memory_space<hbm>>) target_semaphore(%arg23 : memref<!tpu.dma_semaphore, #tpu.memory_space<semaphore_mem>>)
      %add3A_594 = arith.constant 24117248 : i32
      %add3A_595 = arith.addi %add3A_594, %add3A_383 : i32
      %dma_start3A_596 = arith.constant 11776 : i32
      %dma_start3A_597 = tpu.memref_slice %arg6[%dma_start3A_596] : memref<12800xf32, #tpu.memory_space<vmem>> -> memref<512xf32, #tpu.memory_space<vmem>>
      %dma_start3A_598 = tpu.memref_slice %arg3[%add3A_595] : memref<26214400xf32, #tpu.memory_space<hbm>> -> memref<512xf32, #tpu.memory_space<hbm>>
      %dma_start3A_599 = tpu.memref_slice %arg3[%add3A_595] : memref<26214400xf32, #tpu.memory_space<hbm>> -> memref<512xf32, #tpu.memory_space<hbm>>
      %dma_start3A_600 = arith.constant 11776 : i32
      %dma_start3A_601 = tpu.memref_slice %arg6[%dma_start3A_600] : memref<12800xf32, #tpu.memory_space<vmem>> -> memref<512xf32, #tpu.memory_space<vmem>>
      tpu.enqueue_dma source(%dma_start3A_601 : memref<512xf32, #tpu.memory_space<vmem>>) target(%dma_start3A_599 : memref<512xf32, #tpu.memory_space<hbm>>) target_semaphore(%arg23 : memref<!tpu.dma_semaphore, #tpu.memory_space<semaphore_mem>>)
      %add3A_602 = arith.constant 25165824 : i32
      %add3A_603 = arith.addi %add3A_602, %add3A_383 : i32
      %dma_start3A_604 = arith.constant 12288 : i32
      %dma_start3A_605 = tpu.memref_slice %arg6[%dma_start3A_604] : memref<12800xf32, #tpu.memory_space<vmem>> -> memref<512xf32, #tpu.memory_space<vmem>>
      %dma_start3A_606 = tpu.memref_slice %arg3[%add3A_603] : memref<26214400xf32, #tpu.memory_space<hbm>> -> memref<512xf32, #tpu.memory_space<hbm>>
      %dma_start3A_607 = tpu.memref_slice %arg3[%add3A_603] : memref<26214400xf32, #tpu.memory_space<hbm>> -> memref<512xf32, #tpu.memory_space<hbm>>
      %dma_start3A_608 = arith.constant 12288 : i32
      %dma_start3A_609 = tpu.memref_slice %arg6[%dma_start3A_608] : memref<12800xf32, #tpu.memory_space<vmem>> -> memref<512xf32, #tpu.memory_space<vmem>>
      tpu.enqueue_dma source(%dma_start3A_609 : memref<512xf32, #tpu.memory_space<vmem>>) target(%dma_start3A_607 : memref<512xf32, #tpu.memory_space<hbm>>) target_semaphore(%arg23 : memref<!tpu.dma_semaphore, #tpu.memory_space<semaphore_mem>>)
      %mul3A_610 = arith.constant 8 : i32
      %mul3A_611 = arith.muli %scan3A_146, %mul3A_610 : i32
      %add3A_612 = arith.constant 2 : i32
      %add3A_613 = arith.addi %mul3A_611, %add3A_612 : i32
      %mul3A_614 = arith.constant 512 : i32
      %mul3A_615 = arith.muli %add3A_613, %mul3A_614 : i32
      %add3A_616 = arith.addi %mul3A_7, %mul3A_615 : i32
      %dma_wait3A_617 = arith.constant 2 : i32
      %dma_wait3A_618 = arith.constant 0 : i32
      %dma_wait3A_619 = tpu.memref_slice %arg4[%dma_wait3A_617, %dma_wait3A_618] : memref<8x512xi32, #tpu.memory_space<vmem>> -> memref<1x512xi32, #tpu.memory_space<vmem>>
      %dma_wait3A_620 = tpu.memref_squeeze %dma_wait3A_619 : memref<1x512xi32, #tpu.memory_space<vmem>> -> memref<512xi32, #tpu.memory_space<vmem>>
      %dma_wait3A_621 = tpu.memref_slice %arg2[%add3A_616] : memref<1048576xi32, #tpu.memory_space<hbm>> -> memref<512xi32, #tpu.memory_space<hbm>>
      %dma_wait3A_622 = arith.constant 0 : i32
      %dma_wait3A_623 = tpu.memref_slice %arg4[%dma_wait3A_617, %dma_wait3A_622] : memref<8x512xi32, #tpu.memory_space<vmem>> -> memref<1x512xi32, #tpu.memory_space<vmem>>
      %dma_wait3A_624 = tpu.memref_squeeze %dma_wait3A_623 : memref<1x512xi32, #tpu.memory_space<vmem>> -> memref<512xi32, #tpu.memory_space<vmem>>
      %dma_wait3A_625 = tpu.memref_slice %arg2[%add3A_616] : memref<1048576xi32, #tpu.memory_space<hbm>> -> memref<512xi32, #tpu.memory_space<hbm>>
      tpu.wait_dma2 semaphore(%arg16 : memref<!tpu.dma_semaphore, #tpu.memory_space<semaphore_mem>>) src(%dma_wait3A_625 : memref<512xi32, #tpu.memory_space<hbm>>) dst(%dma_wait3A_624 : memref<512xi32, #tpu.memory_space<vmem>>)
      %ge3A_626 = arith.constant 1 : i32
      %ge3A_627 = arith.cmpi sge, %scan3A_146, %ge3A_626 : i32
      %convert_element_type3A_628 = arith.extui %ge3A_627 : i1 to i32
      %cond3A_629 = arith.constant 0 : i32
      %cond3A_630 = arith.cmpi ne, %convert_element_type3A_628, %cond3A_629 : i32
      scf.if %cond3A_630 {
        %dma_wait3A_2009 = arith.constant 0 : i32
        %dma_wait3A_2010 = tpu.memref_slice %arg3[%dma_wait3A_2009] : memref<26214400xf32, #tpu.memory_space<hbm>> -> memref<12800xf32, #tpu.memory_space<hbm>>
        %dma_wait3A_2011 = arith.constant 0 : i32
        %dma_wait3A_2012 = tpu.memref_slice %arg3[%dma_wait3A_2011] : memref<26214400xf32, #tpu.memory_space<hbm>> -> memref<12800xf32, #tpu.memory_space<hbm>>
        tpu.wait_dma2 semaphore(%arg24 : memref<!tpu.dma_semaphore, #tpu.memory_space<semaphore_mem>>) src(%dma_wait3A_2012 : memref<12800xf32, #tpu.memory_space<hbm>>) dst(%arg7 : memref<12800xf32, #tpu.memory_space<vmem>>)
      } else {
      }
      %scan3A_631 = arith.constant 0 : i32
      %scan3A_632 = arith.constant 0 : i32
      %scan3A_633 = arith.constant 32 : i32
      %scan3A_634 = arith.addi %scan3A_632, %scan3A_633 : i32
      %scan3A_635 = arith.constant 4 : i32
      %scan3A_636 = scf.for %scan3A_2009 = %scan3A_632 to %scan3A_634 step %scan3A_635 iter_args(%scan3A_2010 = %scan3A_631) -> (i32)  : i32 {
        %mul3A_2011 = arith.constant 16 : i32
        %mul3A_2012 = arith.muli %scan3A_2009, %mul3A_2011 : i32
        %get3A = arith.constant 2 : i32
        %get3A_2013 = arith.index_cast %get3A : i32 to index
        %get3A_2014 = arith.index_cast %mul3A_2012 : i32 to index
        %get3A_2015 = tpu.vector_load %arg4[%get3A_2013, %get3A_2014] {strides = array<i32>} : memref<8x512xi32, #tpu.memory_space<vmem>>, vector<16xi32>,
        %get3A_2016 = arith.constant 2 : i32
        %get3A_2017 = arith.index_cast %get3A_2016 : i32 to index
        %get3A_2018 = arith.index_cast %mul3A_2012 : i32 to index
        %get3A_2019 = tpu.vector_load %arg13[%get3A_2017, %get3A_2018] {strides = array<i32>} : memref<8x512xi32, #tpu.memory_space<vmem>>, vector<16xi32>,
        tpu.vector_store_idx %arg7[%get3A_2019], %broadcast_in_dim3A_3 : memref<12800xf32, #tpu.memory_space<vmem>>[vector<16xi32>], vector<16xf32>,
        %mul3A_2020 = arith.constant 512 : i32
        %mul3A_2021 = vector.broadcast %mul3A_2020 : i32 to vector<16xi32>
        %mul3A_2022 = arith.muli %get3A_2015, %mul3A_2021 : vector<16xi32>
        %add3A_2023 = vector.broadcast %mul3A_2012 : i32 to vector<16xi32>
        %add3A_2024 = arith.addi %add3A_2023, %iota3A : vector<16xi32>
        %add3A_2025 = arith.addi %mul3A_2022, %add3A_2024 : vector<16xi32>
        %swap3A = arith.constant 2 : i32
        %swap3A_2026 = arith.index_cast %swap3A : i32 to index
        %swap3A_2027 = arith.index_cast %mul3A_2012 : i32 to index
        %swap3A_2028 = tpu.vector_load %arg13[%swap3A_2026, %swap3A_2027] {strides = array<i32>} : memref<8x512xi32, #tpu.memory_space<vmem>>, vector<16xi32>,
        tpu.vector_store %arg13[%swap3A_2026, %swap3A_2027], %add3A_2025 {strides = array<i32>} : memref<8x512xi32, #tpu.memory_space<vmem>>, vector<16xi32>,
        tpu.vector_store_idx %arg7[%add3A_2025], %broadcast_in_dim3A_5 : memref<12800xf32, #tpu.memory_space<vmem>>[vector<16xi32>], vector<16xf32>,
        %scan3A_2029 = arith.constant 0 : i32
        %scan3A_2030 = arith.constant 1 : i32
        %scan3A_2031 = arith.addi %scan3A_2009, %scan3A_2030 : i32
        %mul3A_2032 = arith.constant 16 : i32
        %mul3A_2033 = arith.muli %scan3A_2031, %mul3A_2032 : i32
        %get3A_2034 = arith.constant 2 : i32
        %get3A_2035 = arith.index_cast %get3A_2034 : i32 to index
        %get3A_2036 = arith.index_cast %mul3A_2033 : i32 to index
        %get3A_2037 = tpu.vector_load %arg4[%get3A_2035, %get3A_2036] {strides = array<i32>} : memref<8x512xi32, #tpu.memory_space<vmem>>, vector<16xi32>,
        %get3A_2038 = arith.constant 2 : i32
        %get3A_2039 = arith.index_cast %get3A_2038 : i32 to index
        %get3A_2040 = arith.index_cast %mul3A_2033 : i32 to index
        %get3A_2041 = tpu.vector_load %arg13[%get3A_2039, %get3A_2040] {strides = array<i32>} : memref<8x512xi32, #tpu.memory_space<vmem>>, vector<16xi32>,
        tpu.vector_store_idx %arg7[%get3A_2041], %broadcast_in_dim3A_3 : memref<12800xf32, #tpu.memory_space<vmem>>[vector<16xi32>], vector<16xf32>,
        %mul3A_2042 = arith.constant 512 : i32
        %mul3A_2043 = vector.broadcast %mul3A_2042 : i32 to vector<16xi32>
        %mul3A_2044 = arith.muli %get3A_2037, %mul3A_2043 : vector<16xi32>
        %add3A_2045 = vector.broadcast %mul3A_2033 : i32 to vector<16xi32>
        %add3A_2046 = arith.addi %add3A_2045, %iota3A : vector<16xi32>
        %add3A_2047 = arith.addi %mul3A_2044, %add3A_2046 : vector<16xi32>
        %swap3A_2048 = arith.constant 2 : i32
        %swap3A_2049 = arith.index_cast %swap3A_2048 : i32 to index
        %swap3A_2050 = arith.index_cast %mul3A_2033 : i32 to index
        %swap3A_2051 = tpu.vector_load %arg13[%swap3A_2049, %swap3A_2050] {strides = array<i32>} : memref<8x512xi32, #tpu.memory_space<vmem>>, vector<16xi32>,
        tpu.vector_store %arg13[%swap3A_2049, %swap3A_2050], %add3A_2047 {strides = array<i32>} : memref<8x512xi32, #tpu.memory_space<vmem>>, vector<16xi32>,
        tpu.vector_store_idx %arg7[%add3A_2047], %broadcast_in_dim3A_5 : memref<12800xf32, #tpu.memory_space<vmem>>[vector<16xi32>], vector<16xf32>,
        %scan3A_2052 = arith.constant 0 : i32
        %scan3A_2053 = arith.constant 2 : i32
        %scan3A_2054 = arith.addi %scan3A_2009, %scan3A_2053 : i32
        %mul3A_2055 = arith.constant 16 : i32
        %mul3A_2056 = arith.muli %scan3A_2054, %mul3A_2055 : i32
        %get3A_2057 = arith.constant 2 : i32
        %get3A_2058 = arith.index_cast %get3A_2057 : i32 to index
        %get3A_2059 = arith.index_cast %mul3A_2056 : i32 to index
        %get3A_2060 = tpu.vector_load %arg4[%get3A_2058, %get3A_2059] {strides = array<i32>} : memref<8x512xi32, #tpu.memory_space<vmem>>, vector<16xi32>,
        %get3A_2061 = arith.constant 2 : i32
        %get3A_2062 = arith.index_cast %get3A_2061 : i32 to index
        %get3A_2063 = arith.index_cast %mul3A_2056 : i32 to index
        %get3A_2064 = tpu.vector_load %arg13[%get3A_2062, %get3A_2063] {strides = array<i32>} : memref<8x512xi32, #tpu.memory_space<vmem>>, vector<16xi32>,
        tpu.vector_store_idx %arg7[%get3A_2064], %broadcast_in_dim3A_3 : memref<12800xf32, #tpu.memory_space<vmem>>[vector<16xi32>], vector<16xf32>,
        %mul3A_2065 = arith.constant 512 : i32
        %mul3A_2066 = vector.broadcast %mul3A_2065 : i32 to vector<16xi32>
        %mul3A_2067 = arith.muli %get3A_2060, %mul3A_2066 : vector<16xi32>
        %add3A_2068 = vector.broadcast %mul3A_2056 : i32 to vector<16xi32>
        %add3A_2069 = arith.addi %add3A_2068, %iota3A : vector<16xi32>
        %add3A_2070 = arith.addi %mul3A_2067, %add3A_2069 : vector<16xi32>
        %swap3A_2071 = arith.constant 2 : i32
        %swap3A_2072 = arith.index_cast %swap3A_2071 : i32 to index
        %swap3A_2073 = arith.index_cast %mul3A_2056 : i32 to index
        %swap3A_2074 = tpu.vector_load %arg13[%swap3A_2072, %swap3A_2073] {strides = array<i32>} : memref<8x512xi32, #tpu.memory_space<vmem>>, vector<16xi32>,
        tpu.vector_store %arg13[%swap3A_2072, %swap3A_2073], %add3A_2070 {strides = array<i32>} : memref<8x512xi32, #tpu.memory_space<vmem>>, vector<16xi32>,
        tpu.vector_store_idx %arg7[%add3A_2070], %broadcast_in_dim3A_5 : memref<12800xf32, #tpu.memory_space<vmem>>[vector<16xi32>], vector<16xf32>,
        %scan3A_2075 = arith.constant 0 : i32
        %scan3A_2076 = arith.constant 3 : i32
        %scan3A_2077 = arith.addi %scan3A_2009, %scan3A_2076 : i32
        %mul3A_2078 = arith.constant 16 : i32
        %mul3A_2079 = arith.muli %scan3A_2077, %mul3A_2078 : i32
        %get3A_2080 = arith.constant 2 : i32
        %get3A_2081 = arith.index_cast %get3A_2080 : i32 to index
        %get3A_2082 = arith.index_cast %mul3A_2079 : i32 to index
        %get3A_2083 = tpu.vector_load %arg4[%get3A_2081, %get3A_2082] {strides = array<i32>} : memref<8x512xi32, #tpu.memory_space<vmem>>, vector<16xi32>,
        %get3A_2084 = arith.constant 2 : i32
        %get3A_2085 = arith.index_cast %get3A_2084 : i32 to index
        %get3A_2086 = arith.index_cast %mul3A_2079 : i32 to index
        %get3A_2087 = tpu.vector_load %arg13[%get3A_2085, %get3A_2086] {strides = array<i32>} : memref<8x512xi32, #tpu.memory_space<vmem>>, vector<16xi32>,
        tpu.vector_store_idx %arg7[%get3A_2087], %broadcast_in_dim3A_3 : memref<12800xf32, #tpu.memory_space<vmem>>[vector<16xi32>], vector<16xf32>,
        %mul3A_2088 = arith.constant 512 : i32
        %mul3A_2089 = vector.broadcast %mul3A_2088 : i32 to vector<16xi32>
        %mul3A_2090 = arith.muli %get3A_2083, %mul3A_2089 : vector<16xi32>
        %add3A_2091 = vector.broadcast %mul3A_2079 : i32 to vector<16xi32>
        %add3A_2092 = arith.addi %add3A_2091, %iota3A : vector<16xi32>
        %add3A_2093 = arith.addi %mul3A_2090, %add3A_2092 : vector<16xi32>
        %swap3A_2094 = arith.constant 2 : i32
        %swap3A_2095 = arith.index_cast %swap3A_2094 : i32 to index
        %swap3A_2096 = arith.index_cast %mul3A_2079 : i32 to index
        %swap3A_2097 = tpu.vector_load %arg13[%swap3A_2095, %swap3A_2096] {strides = array<i32>} : memref<8x512xi32, #tpu.memory_space<vmem>>, vector<16xi32>,
        tpu.vector_store %arg13[%swap3A_2095, %swap3A_2096], %add3A_2093 {strides = array<i32>} : memref<8x512xi32, #tpu.memory_space<vmem>>, vector<16xi32>,
        tpu.vector_store_idx %arg7[%add3A_2093], %broadcast_in_dim3A_5 : memref<12800xf32, #tpu.memory_space<vmem>>[vector<16xi32>], vector<16xf32>,
        %scan3A_2098 = arith.constant 0 : i32
        scf.yield %scan3A_2098 : i32
      }
      %scan3A_637 = arith.constant 32 : i32
      %lt3A_638 = arith.constant 7 : i32
      %lt3A_639 = arith.cmpi slt, %scan3A_146, %lt3A_638 : i32
      %convert_element_type3A_640 = arith.extui %lt3A_639 : i1 to i32
      %cond3A_641 = arith.constant 0 : i32
      %cond3A_642 = arith.cmpi ne, %convert_element_type3A_640, %cond3A_641 : i32
      scf.if %cond3A_642 {
        %add3A_2009 = arith.constant 4096 : i32
        %add3A_2010 = arith.addi %add3A_616, %add3A_2009 : i32
        %dma_start3A_2011 = arith.constant 2 : i32
        %dma_start3A_2012 = arith.constant 0 : i32
        %dma_start3A_2013 = tpu.memref_slice %arg4[%dma_start3A_2011, %dma_start3A_2012] : memref<8x512xi32, #tpu.memory_space<vmem>> -> memref<1x512xi32, #tpu.memory_space<vmem>>
        %dma_start3A_2014 = tpu.memref_squeeze %dma_start3A_2013 : memref<1x512xi32, #tpu.memory_space<vmem>> -> memref<512xi32, #tpu.memory_space<vmem>>
        %dma_start3A_2015 = tpu.memref_slice %arg2[%add3A_2010] : memref<1048576xi32, #tpu.memory_space<hbm>> -> memref<512xi32, #tpu.memory_space<hbm>>
        %dma_start3A_2016 = arith.constant 0 : i32
        %dma_start3A_2017 = tpu.memref_slice %arg4[%dma_start3A_2011, %dma_start3A_2016] : memref<8x512xi32, #tpu.memory_space<vmem>> -> memref<1x512xi32, #tpu.memory_space<vmem>>
        %dma_start3A_2018 = tpu.memref_squeeze %dma_start3A_2017 : memref<1x512xi32, #tpu.memory_space<vmem>> -> memref<512xi32, #tpu.memory_space<vmem>>
        %dma_start3A_2019 = tpu.memref_slice %arg2[%add3A_2010] : memref<1048576xi32, #tpu.memory_space<hbm>> -> memref<512xi32, #tpu.memory_space<hbm>>
        tpu.enqueue_dma source(%dma_start3A_2019 : memref<512xi32, #tpu.memory_space<hbm>>) target(%dma_start3A_2018 : memref<512xi32, #tpu.memory_space<vmem>>) target_semaphore(%arg16 : memref<!tpu.dma_semaphore, #tpu.memory_space<semaphore_mem>>)
      } else {
      }
      %add3A_643 = arith.constant 0 : i32
      %add3A_644 = arith.addi %add3A_643, %add3A_616 : i32
      %dma_start3A_645 = arith.constant 0 : i32
      %dma_start3A_646 = tpu.memref_slice %arg7[%dma_start3A_645] : memref<12800xf32, #tpu.memory_space<vmem>> -> memref<512xf32, #tpu.memory_space<vmem>>
      %dma_start3A_647 = tpu.memref_slice %arg3[%add3A_644] : memref<26214400xf32, #tpu.memory_space<hbm>> -> memref<512xf32, #tpu.memory_space<hbm>>
      %dma_start3A_648 = tpu.memref_slice %arg3[%add3A_644] : memref<26214400xf32, #tpu.memory_space<hbm>> -> memref<512xf32, #tpu.memory_space<hbm>>
      %dma_start3A_649 = arith.constant 0 : i32
      %dma_start3A_650 = tpu.memref_slice %arg7[%dma_start3A_649] : memref<12800xf32, #tpu.memory_space<vmem>> -> memref<512xf32, #tpu.memory_space<vmem>>
      tpu.enqueue_dma source(%dma_start3A_650 : memref<512xf32, #tpu.memory_space<vmem>>) target(%dma_start3A_648 : memref<512xf32, #tpu.memory_space<hbm>>) target_semaphore(%arg24 : memref<!tpu.dma_semaphore, #tpu.memory_space<semaphore_mem>>)
      %add3A_651 = arith.constant 1048576 : i32
      %add3A_652 = arith.addi %add3A_651, %add3A_616 : i32
      %dma_start3A_653 = arith.constant 512 : i32
      %dma_start3A_654 = tpu.memref_slice %arg7[%dma_start3A_653] : memref<12800xf32, #tpu.memory_space<vmem>> -> memref<512xf32, #tpu.memory_space<vmem>>
      %dma_start3A_655 = tpu.memref_slice %arg3[%add3A_652] : memref<26214400xf32, #tpu.memory_space<hbm>> -> memref<512xf32, #tpu.memory_space<hbm>>
      %dma_start3A_656 = tpu.memref_slice %arg3[%add3A_652] : memref<26214400xf32, #tpu.memory_space<hbm>> -> memref<512xf32, #tpu.memory_space<hbm>>
      %dma_start3A_657 = arith.constant 512 : i32
      %dma_start3A_658 = tpu.memref_slice %arg7[%dma_start3A_657] : memref<12800xf32, #tpu.memory_space<vmem>> -> memref<512xf32, #tpu.memory_space<vmem>>
      tpu.enqueue_dma source(%dma_start3A_658 : memref<512xf32, #tpu.memory_space<vmem>>) target(%dma_start3A_656 : memref<512xf32, #tpu.memory_space<hbm>>) target_semaphore(%arg24 : memref<!tpu.dma_semaphore, #tpu.memory_space<semaphore_mem>>)
      %add3A_659 = arith.constant 2097152 : i32
      %add3A_660 = arith.addi %add3A_659, %add3A_616 : i32
      %dma_start3A_661 = arith.constant 1024 : i32
      %dma_start3A_662 = tpu.memref_slice %arg7[%dma_start3A_661] : memref<12800xf32, #tpu.memory_space<vmem>> -> memref<512xf32, #tpu.memory_space<vmem>>
      %dma_start3A_663 = tpu.memref_slice %arg3[%add3A_660] : memref<26214400xf32, #tpu.memory_space<hbm>> -> memref<512xf32, #tpu.memory_space<hbm>>
      %dma_start3A_664 = tpu.memref_slice %arg3[%add3A_660] : memref<26214400xf32, #tpu.memory_space<hbm>> -> memref<512xf32, #tpu.memory_space<hbm>>
      %dma_start3A_665 = arith.constant 1024 : i32
      %dma_start3A_666 = tpu.memref_slice %arg7[%dma_start3A_665] : memref<12800xf32, #tpu.memory_space<vmem>> -> memref<512xf32, #tpu.memory_space<vmem>>
      tpu.enqueue_dma source(%dma_start3A_666 : memref<512xf32, #tpu.memory_space<vmem>>) target(%dma_start3A_664 : memref<512xf32, #tpu.memory_space<hbm>>) target_semaphore(%arg24 : memref<!tpu.dma_semaphore, #tpu.memory_space<semaphore_mem>>)
      %add3A_667 = arith.constant 3145728 : i32
      %add3A_668 = arith.addi %add3A_667, %add3A_616 : i32
      %dma_start3A_669 = arith.constant 1536 : i32
      %dma_start3A_670 = tpu.memref_slice %arg7[%dma_start3A_669] : memref<12800xf32, #tpu.memory_space<vmem>> -> memref<512xf32, #tpu.memory_space<vmem>>
      %dma_start3A_671 = tpu.memref_slice %arg3[%add3A_668] : memref<26214400xf32, #tpu.memory_space<hbm>> -> memref<512xf32, #tpu.memory_space<hbm>>
      %dma_start3A_672 = tpu.memref_slice %arg3[%add3A_668] : memref<26214400xf32, #tpu.memory_space<hbm>> -> memref<512xf32, #tpu.memory_space<hbm>>
      %dma_start3A_673 = arith.constant 1536 : i32
      %dma_start3A_674 = tpu.memref_slice %arg7[%dma_start3A_673] : memref<12800xf32, #tpu.memory_space<vmem>> -> memref<512xf32, #tpu.memory_space<vmem>>
      tpu.enqueue_dma source(%dma_start3A_674 : memref<512xf32, #tpu.memory_space<vmem>>) target(%dma_start3A_672 : memref<512xf32, #tpu.memory_space<hbm>>) target_semaphore(%arg24 : memref<!tpu.dma_semaphore, #tpu.memory_space<semaphore_mem>>)
      %add3A_675 = arith.constant 4194304 : i32
      %add3A_676 = arith.addi %add3A_675, %add3A_616 : i32
      %dma_start3A_677 = arith.constant 2048 : i32
      %dma_start3A_678 = tpu.memref_slice %arg7[%dma_start3A_677] : memref<12800xf32, #tpu.memory_space<vmem>> -> memref<512xf32, #tpu.memory_space<vmem>>
      %dma_start3A_679 = tpu.memref_slice %arg3[%add3A_676] : memref<26214400xf32, #tpu.memory_space<hbm>> -> memref<512xf32, #tpu.memory_space<hbm>>
      %dma_start3A_680 = tpu.memref_slice %arg3[%add3A_676] : memref<26214400xf32, #tpu.memory_space<hbm>> -> memref<512xf32, #tpu.memory_space<hbm>>
      %dma_start3A_681 = arith.constant 2048 : i32
      %dma_start3A_682 = tpu.memref_slice %arg7[%dma_start3A_681] : memref<12800xf32, #tpu.memory_space<vmem>> -> memref<512xf32, #tpu.memory_space<vmem>>
      tpu.enqueue_dma source(%dma_start3A_682 : memref<512xf32, #tpu.memory_space<vmem>>) target(%dma_start3A_680 : memref<512xf32, #tpu.memory_space<hbm>>) target_semaphore(%arg24 : memref<!tpu.dma_semaphore, #tpu.memory_space<semaphore_mem>>)
      %add3A_683 = arith.constant 5242880 : i32
      %add3A_684 = arith.addi %add3A_683, %add3A_616 : i32
      %dma_start3A_685 = arith.constant 2560 : i32
      %dma_start3A_686 = tpu.memref_slice %arg7[%dma_start3A_685] : memref<12800xf32, #tpu.memory_space<vmem>> -> memref<512xf32, #tpu.memory_space<vmem>>
      %dma_start3A_687 = tpu.memref_slice %arg3[%add3A_684] : memref<26214400xf32, #tpu.memory_space<hbm>> -> memref<512xf32, #tpu.memory_space<hbm>>
      %dma_start3A_688 = tpu.memref_slice %arg3[%add3A_684] : memref<26214400xf32, #tpu.memory_space<hbm>> -> memref<512xf32, #tpu.memory_space<hbm>>
      %dma_start3A_689 = arith.constant 2560 : i32
      %dma_start3A_690 = tpu.memref_slice %arg7[%dma_start3A_689] : memref<12800xf32, #tpu.memory_space<vmem>> -> memref<512xf32, #tpu.memory_space<vmem>>
      tpu.enqueue_dma source(%dma_start3A_690 : memref<512xf32, #tpu.memory_space<vmem>>) target(%dma_start3A_688 : memref<512xf32, #tpu.memory_space<hbm>>) target_semaphore(%arg24 : memref<!tpu.dma_semaphore, #tpu.memory_space<semaphore_mem>>)
      %add3A_691 = arith.constant 6291456 : i32
      %add3A_692 = arith.addi %add3A_691, %add3A_616 : i32
      %dma_start3A_693 = arith.constant 3072 : i32
      %dma_start3A_694 = tpu.memref_slice %arg7[%dma_start3A_693] : memref<12800xf32, #tpu.memory_space<vmem>> -> memref<512xf32, #tpu.memory_space<vmem>>
      %dma_start3A_695 = tpu.memref_slice %arg3[%add3A_692] : memref<26214400xf32, #tpu.memory_space<hbm>> -> memref<512xf32, #tpu.memory_space<hbm>>
      %dma_start3A_696 = tpu.memref_slice %arg3[%add3A_692] : memref<26214400xf32, #tpu.memory_space<hbm>> -> memref<512xf32, #tpu.memory_space<hbm>>
      %dma_start3A_697 = arith.constant 3072 : i32
      %dma_start3A_698 = tpu.memref_slice %arg7[%dma_start3A_697] : memref<12800xf32, #tpu.memory_space<vmem>> -> memref<512xf32, #tpu.memory_space<vmem>>
      tpu.enqueue_dma source(%dma_start3A_698 : memref<512xf32, #tpu.memory_space<vmem>>) target(%dma_start3A_696 : memref<512xf32, #tpu.memory_space<hbm>>) target_semaphore(%arg24 : memref<!tpu.dma_semaphore, #tpu.memory_space<semaphore_mem>>)
      %add3A_699 = arith.constant 7340032 : i32
      %add3A_700 = arith.addi %add3A_699, %add3A_616 : i32
      %dma_start3A_701 = arith.constant 3584 : i32
      %dma_start3A_702 = tpu.memref_slice %arg7[%dma_start3A_701] : memref<12800xf32, #tpu.memory_space<vmem>> -> memref<512xf32, #tpu.memory_space<vmem>>
      %dma_start3A_703 = tpu.memref_slice %arg3[%add3A_700] : memref<26214400xf32, #tpu.memory_space<hbm>> -> memref<512xf32, #tpu.memory_space<hbm>>
      %dma_start3A_704 = tpu.memref_slice %arg3[%add3A_700] : memref<26214400xf32, #tpu.memory_space<hbm>> -> memref<512xf32, #tpu.memory_space<hbm>>
      %dma_start3A_705 = arith.constant 3584 : i32
      %dma_start3A_706 = tpu.memref_slice %arg7[%dma_start3A_705] : memref<12800xf32, #tpu.memory_space<vmem>> -> memref<512xf32, #tpu.memory_space<vmem>>
      tpu.enqueue_dma source(%dma_start3A_706 : memref<512xf32, #tpu.memory_space<vmem>>) target(%dma_start3A_704 : memref<512xf32, #tpu.memory_space<hbm>>) target_semaphore(%arg24 : memref<!tpu.dma_semaphore, #tpu.memory_space<semaphore_mem>>)
      %add3A_707 = arith.constant 8388608 : i32
      %add3A_708 = arith.addi %add3A_707, %add3A_616 : i32
      %dma_start3A_709 = arith.constant 4096 : i32
      %dma_start3A_710 = tpu.memref_slice %arg7[%dma_start3A_709] : memref<12800xf32, #tpu.memory_space<vmem>> -> memref<512xf32, #tpu.memory_space<vmem>>
      %dma_start3A_711 = tpu.memref_slice %arg3[%add3A_708] : memref<26214400xf32, #tpu.memory_space<hbm>> -> memref<512xf32, #tpu.memory_space<hbm>>
      %dma_start3A_712 = tpu.memref_slice %arg3[%add3A_708] : memref<26214400xf32, #tpu.memory_space<hbm>> -> memref<512xf32, #tpu.memory_space<hbm>>
      %dma_start3A_713 = arith.constant 4096 : i32
      %dma_start3A_714 = tpu.memref_slice %arg7[%dma_start3A_713] : memref<12800xf32, #tpu.memory_space<vmem>> -> memref<512xf32, #tpu.memory_space<vmem>>
      tpu.enqueue_dma source(%dma_start3A_714 : memref<512xf32, #tpu.memory_space<vmem>>) target(%dma_start3A_712 : memref<512xf32, #tpu.memory_space<hbm>>) target_semaphore(%arg24 : memref<!tpu.dma_semaphore, #tpu.memory_space<semaphore_mem>>)
      %add3A_715 = arith.constant 9437184 : i32
      %add3A_716 = arith.addi %add3A_715, %add3A_616 : i32
      %dma_start3A_717 = arith.constant 4608 : i32
      %dma_start3A_718 = tpu.memref_slice %arg7[%dma_start3A_717] : memref<12800xf32, #tpu.memory_space<vmem>> -> memref<512xf32, #tpu.memory_space<vmem>>
      %dma_start3A_719 = tpu.memref_slice %arg3[%add3A_716] : memref<26214400xf32, #tpu.memory_space<hbm>> -> memref<512xf32, #tpu.memory_space<hbm>>
      %dma_start3A_720 = tpu.memref_slice %arg3[%add3A_716] : memref<26214400xf32, #tpu.memory_space<hbm>> -> memref<512xf32, #tpu.memory_space<hbm>>
      %dma_start3A_721 = arith.constant 4608 : i32
      %dma_start3A_722 = tpu.memref_slice %arg7[%dma_start3A_721] : memref<12800xf32, #tpu.memory_space<vmem>> -> memref<512xf32, #tpu.memory_space<vmem>>
      tpu.enqueue_dma source(%dma_start3A_722 : memref<512xf32, #tpu.memory_space<vmem>>) target(%dma_start3A_720 : memref<512xf32, #tpu.memory_space<hbm>>) target_semaphore(%arg24 : memref<!tpu.dma_semaphore, #tpu.memory_space<semaphore_mem>>)
      %add3A_723 = arith.constant 10485760 : i32
      %add3A_724 = arith.addi %add3A_723, %add3A_616 : i32
      %dma_start3A_725 = arith.constant 5120 : i32
      %dma_start3A_726 = tpu.memref_slice %arg7[%dma_start3A_725] : memref<12800xf32, #tpu.memory_space<vmem>> -> memref<512xf32, #tpu.memory_space<vmem>>
      %dma_start3A_727 = tpu.memref_slice %arg3[%add3A_724] : memref<26214400xf32, #tpu.memory_space<hbm>> -> memref<512xf32, #tpu.memory_space<hbm>>
      %dma_start3A_728 = tpu.memref_slice %arg3[%add3A_724] : memref<26214400xf32, #tpu.memory_space<hbm>> -> memref<512xf32, #tpu.memory_space<hbm>>
      %dma_start3A_729 = arith.constant 5120 : i32
      %dma_start3A_730 = tpu.memref_slice %arg7[%dma_start3A_729] : memref<12800xf32, #tpu.memory_space<vmem>> -> memref<512xf32, #tpu.memory_space<vmem>>
      tpu.enqueue_dma source(%dma_start3A_730 : memref<512xf32, #tpu.memory_space<vmem>>) target(%dma_start3A_728 : memref<512xf32, #tpu.memory_space<hbm>>) target_semaphore(%arg24 : memref<!tpu.dma_semaphore, #tpu.memory_space<semaphore_mem>>)
      %add3A_731 = arith.constant 11534336 : i32
      %add3A_732 = arith.addi %add3A_731, %add3A_616 : i32
      %dma_start3A_733 = arith.constant 5632 : i32
      %dma_start3A_734 = tpu.memref_slice %arg7[%dma_start3A_733] : memref<12800xf32, #tpu.memory_space<vmem>> -> memref<512xf32, #tpu.memory_space<vmem>>
      %dma_start3A_735 = tpu.memref_slice %arg3[%add3A_732] : memref<26214400xf32, #tpu.memory_space<hbm>> -> memref<512xf32, #tpu.memory_space<hbm>>
      %dma_start3A_736 = tpu.memref_slice %arg3[%add3A_732] : memref<26214400xf32, #tpu.memory_space<hbm>> -> memref<512xf32, #tpu.memory_space<hbm>>
      %dma_start3A_737 = arith.constant 5632 : i32
      %dma_start3A_738 = tpu.memref_slice %arg7[%dma_start3A_737] : memref<12800xf32, #tpu.memory_space<vmem>> -> memref<512xf32, #tpu.memory_space<vmem>>
      tpu.enqueue_dma source(%dma_start3A_738 : memref<512xf32, #tpu.memory_space<vmem>>) target(%dma_start3A_736 : memref<512xf32, #tpu.memory_space<hbm>>) target_semaphore(%arg24 : memref<!tpu.dma_semaphore, #tpu.memory_space<semaphore_mem>>)
      %add3A_739 = arith.constant 12582912 : i32
      %add3A_740 = arith.addi %add3A_739, %add3A_616 : i32
      %dma_start3A_741 = arith.constant 6144 : i32
      %dma_start3A_742 = tpu.memref_slice %arg7[%dma_start3A_741] : memref<12800xf32, #tpu.memory_space<vmem>> -> memref<512xf32, #tpu.memory_space<vmem>>
      %dma_start3A_743 = tpu.memref_slice %arg3[%add3A_740] : memref<26214400xf32, #tpu.memory_space<hbm>> -> memref<512xf32, #tpu.memory_space<hbm>>
      %dma_start3A_744 = tpu.memref_slice %arg3[%add3A_740] : memref<26214400xf32, #tpu.memory_space<hbm>> -> memref<512xf32, #tpu.memory_space<hbm>>
      %dma_start3A_745 = arith.constant 6144 : i32
      %dma_start3A_746 = tpu.memref_slice %arg7[%dma_start3A_745] : memref<12800xf32, #tpu.memory_space<vmem>> -> memref<512xf32, #tpu.memory_space<vmem>>
      tpu.enqueue_dma source(%dma_start3A_746 : memref<512xf32, #tpu.memory_space<vmem>>) target(%dma_start3A_744 : memref<512xf32, #tpu.memory_space<hbm>>) target_semaphore(%arg24 : memref<!tpu.dma_semaphore, #tpu.memory_space<semaphore_mem>>)
      %add3A_747 = arith.constant 13631488 : i32
      %add3A_748 = arith.addi %add3A_747, %add3A_616 : i32
      %dma_start3A_749 = arith.constant 6656 : i32
      %dma_start3A_750 = tpu.memref_slice %arg7[%dma_start3A_749] : memref<12800xf32, #tpu.memory_space<vmem>> -> memref<512xf32, #tpu.memory_space<vmem>>
      %dma_start3A_751 = tpu.memref_slice %arg3[%add3A_748] : memref<26214400xf32, #tpu.memory_space<hbm>> -> memref<512xf32, #tpu.memory_space<hbm>>
      %dma_start3A_752 = tpu.memref_slice %arg3[%add3A_748] : memref<26214400xf32, #tpu.memory_space<hbm>> -> memref<512xf32, #tpu.memory_space<hbm>>
      %dma_start3A_753 = arith.constant 6656 : i32
      %dma_start3A_754 = tpu.memref_slice %arg7[%dma_start3A_753] : memref<12800xf32, #tpu.memory_space<vmem>> -> memref<512xf32, #tpu.memory_space<vmem>>
      tpu.enqueue_dma source(%dma_start3A_754 : memref<512xf32, #tpu.memory_space<vmem>>) target(%dma_start3A_752 : memref<512xf32, #tpu.memory_space<hbm>>) target_semaphore(%arg24 : memref<!tpu.dma_semaphore, #tpu.memory_space<semaphore_mem>>)
      %add3A_755 = arith.constant 14680064 : i32
      %add3A_756 = arith.addi %add3A_755, %add3A_616 : i32
      %dma_start3A_757 = arith.constant 7168 : i32
      %dma_start3A_758 = tpu.memref_slice %arg7[%dma_start3A_757] : memref<12800xf32, #tpu.memory_space<vmem>> -> memref<512xf32, #tpu.memory_space<vmem>>
      %dma_start3A_759 = tpu.memref_slice %arg3[%add3A_756] : memref<26214400xf32, #tpu.memory_space<hbm>> -> memref<512xf32, #tpu.memory_space<hbm>>
      %dma_start3A_760 = tpu.memref_slice %arg3[%add3A_756] : memref<26214400xf32, #tpu.memory_space<hbm>> -> memref<512xf32, #tpu.memory_space<hbm>>
      %dma_start3A_761 = arith.constant 7168 : i32
      %dma_start3A_762 = tpu.memref_slice %arg7[%dma_start3A_761] : memref<12800xf32, #tpu.memory_space<vmem>> -> memref<512xf32, #tpu.memory_space<vmem>>
      tpu.enqueue_dma source(%dma_start3A_762 : memref<512xf32, #tpu.memory_space<vmem>>) target(%dma_start3A_760 : memref<512xf32, #tpu.memory_space<hbm>>) target_semaphore(%arg24 : memref<!tpu.dma_semaphore, #tpu.memory_space<semaphore_mem>>)
      %add3A_763 = arith.constant 15728640 : i32
      %add3A_764 = arith.addi %add3A_763, %add3A_616 : i32
      %dma_start3A_765 = arith.constant 7680 : i32
      %dma_start3A_766 = tpu.memref_slice %arg7[%dma_start3A_765] : memref<12800xf32, #tpu.memory_space<vmem>> -> memref<512xf32, #tpu.memory_space<vmem>>
      %dma_start3A_767 = tpu.memref_slice %arg3[%add3A_764] : memref<26214400xf32, #tpu.memory_space<hbm>> -> memref<512xf32, #tpu.memory_space<hbm>>
      %dma_start3A_768 = tpu.memref_slice %arg3[%add3A_764] : memref<26214400xf32, #tpu.memory_space<hbm>> -> memref<512xf32, #tpu.memory_space<hbm>>
      %dma_start3A_769 = arith.constant 7680 : i32
      %dma_start3A_770 = tpu.memref_slice %arg7[%dma_start3A_769] : memref<12800xf32, #tpu.memory_space<vmem>> -> memref<512xf32, #tpu.memory_space<vmem>>
      tpu.enqueue_dma source(%dma_start3A_770 : memref<512xf32, #tpu.memory_space<vmem>>) target(%dma_start3A_768 : memref<512xf32, #tpu.memory_space<hbm>>) target_semaphore(%arg24 : memref<!tpu.dma_semaphore, #tpu.memory_space<semaphore_mem>>)
      %add3A_771 = arith.constant 16777216 : i32
      %add3A_772 = arith.addi %add3A_771, %add3A_616 : i32
      %dma_start3A_773 = arith.constant 8192 : i32
      %dma_start3A_774 = tpu.memref_slice %arg7[%dma_start3A_773] : memref<12800xf32, #tpu.memory_space<vmem>> -> memref<512xf32, #tpu.memory_space<vmem>>
      %dma_start3A_775 = tpu.memref_slice %arg3[%add3A_772] : memref<26214400xf32, #tpu.memory_space<hbm>> -> memref<512xf32, #tpu.memory_space<hbm>>
      %dma_start3A_776 = tpu.memref_slice %arg3[%add3A_772] : memref<26214400xf32, #tpu.memory_space<hbm>> -> memref<512xf32, #tpu.memory_space<hbm>>
      %dma_start3A_777 = arith.constant 8192 : i32
      %dma_start3A_778 = tpu.memref_slice %arg7[%dma_start3A_777] : memref<12800xf32, #tpu.memory_space<vmem>> -> memref<512xf32, #tpu.memory_space<vmem>>
      tpu.enqueue_dma source(%dma_start3A_778 : memref<512xf32, #tpu.memory_space<vmem>>) target(%dma_start3A_776 : memref<512xf32, #tpu.memory_space<hbm>>) target_semaphore(%arg24 : memref<!tpu.dma_semaphore, #tpu.memory_space<semaphore_mem>>)
      %add3A_779 = arith.constant 17825792 : i32
      %add3A_780 = arith.addi %add3A_779, %add3A_616 : i32
      %dma_start3A_781 = arith.constant 8704 : i32
      %dma_start3A_782 = tpu.memref_slice %arg7[%dma_start3A_781] : memref<12800xf32, #tpu.memory_space<vmem>> -> memref<512xf32, #tpu.memory_space<vmem>>
      %dma_start3A_783 = tpu.memref_slice %arg3[%add3A_780] : memref<26214400xf32, #tpu.memory_space<hbm>> -> memref<512xf32, #tpu.memory_space<hbm>>
      %dma_start3A_784 = tpu.memref_slice %arg3[%add3A_780] : memref<26214400xf32, #tpu.memory_space<hbm>> -> memref<512xf32, #tpu.memory_space<hbm>>
      %dma_start3A_785 = arith.constant 8704 : i32
      %dma_start3A_786 = tpu.memref_slice %arg7[%dma_start3A_785] : memref<12800xf32, #tpu.memory_space<vmem>> -> memref<512xf32, #tpu.memory_space<vmem>>
      tpu.enqueue_dma source(%dma_start3A_786 : memref<512xf32, #tpu.memory_space<vmem>>) target(%dma_start3A_784 : memref<512xf32, #tpu.memory_space<hbm>>) target_semaphore(%arg24 : memref<!tpu.dma_semaphore, #tpu.memory_space<semaphore_mem>>)
      %add3A_787 = arith.constant 18874368 : i32
      %add3A_788 = arith.addi %add3A_787, %add3A_616 : i32
      %dma_start3A_789 = arith.constant 9216 : i32
      %dma_start3A_790 = tpu.memref_slice %arg7[%dma_start3A_789] : memref<12800xf32, #tpu.memory_space<vmem>> -> memref<512xf32, #tpu.memory_space<vmem>>
      %dma_start3A_791 = tpu.memref_slice %arg3[%add3A_788] : memref<26214400xf32, #tpu.memory_space<hbm>> -> memref<512xf32, #tpu.memory_space<hbm>>
      %dma_start3A_792 = tpu.memref_slice %arg3[%add3A_788] : memref<26214400xf32, #tpu.memory_space<hbm>> -> memref<512xf32, #tpu.memory_space<hbm>>
      %dma_start3A_793 = arith.constant 9216 : i32
      %dma_start3A_794 = tpu.memref_slice %arg7[%dma_start3A_793] : memref<12800xf32, #tpu.memory_space<vmem>> -> memref<512xf32, #tpu.memory_space<vmem>>
      tpu.enqueue_dma source(%dma_start3A_794 : memref<512xf32, #tpu.memory_space<vmem>>) target(%dma_start3A_792 : memref<512xf32, #tpu.memory_space<hbm>>) target_semaphore(%arg24 : memref<!tpu.dma_semaphore, #tpu.memory_space<semaphore_mem>>)
      %add3A_795 = arith.constant 19922944 : i32
      %add3A_796 = arith.addi %add3A_795, %add3A_616 : i32
      %dma_start3A_797 = arith.constant 9728 : i32
      %dma_start3A_798 = tpu.memref_slice %arg7[%dma_start3A_797] : memref<12800xf32, #tpu.memory_space<vmem>> -> memref<512xf32, #tpu.memory_space<vmem>>
      %dma_start3A_799 = tpu.memref_slice %arg3[%add3A_796] : memref<26214400xf32, #tpu.memory_space<hbm>> -> memref<512xf32, #tpu.memory_space<hbm>>
      %dma_start3A_800 = tpu.memref_slice %arg3[%add3A_796] : memref<26214400xf32, #tpu.memory_space<hbm>> -> memref<512xf32, #tpu.memory_space<hbm>>
      %dma_start3A_801 = arith.constant 9728 : i32
      %dma_start3A_802 = tpu.memref_slice %arg7[%dma_start3A_801] : memref<12800xf32, #tpu.memory_space<vmem>> -> memref<512xf32, #tpu.memory_space<vmem>>
      tpu.enqueue_dma source(%dma_start3A_802 : memref<512xf32, #tpu.memory_space<vmem>>) target(%dma_start3A_800 : memref<512xf32, #tpu.memory_space<hbm>>) target_semaphore(%arg24 : memref<!tpu.dma_semaphore, #tpu.memory_space<semaphore_mem>>)
      %add3A_803 = arith.constant 20971520 : i32
      %add3A_804 = arith.addi %add3A_803, %add3A_616 : i32
      %dma_start3A_805 = arith.constant 10240 : i32
      %dma_start3A_806 = tpu.memref_slice %arg7[%dma_start3A_805] : memref<12800xf32, #tpu.memory_space<vmem>> -> memref<512xf32, #tpu.memory_space<vmem>>
      %dma_start3A_807 = tpu.memref_slice %arg3[%add3A_804] : memref<26214400xf32, #tpu.memory_space<hbm>> -> memref<512xf32, #tpu.memory_space<hbm>>
      %dma_start3A_808 = tpu.memref_slice %arg3[%add3A_804] : memref<26214400xf32, #tpu.memory_space<hbm>> -> memref<512xf32, #tpu.memory_space<hbm>>
      %dma_start3A_809 = arith.constant 10240 : i32
      %dma_start3A_810 = tpu.memref_slice %arg7[%dma_start3A_809] : memref<12800xf32, #tpu.memory_space<vmem>> -> memref<512xf32, #tpu.memory_space<vmem>>
      tpu.enqueue_dma source(%dma_start3A_810 : memref<512xf32, #tpu.memory_space<vmem>>) target(%dma_start3A_808 : memref<512xf32, #tpu.memory_space<hbm>>) target_semaphore(%arg24 : memref<!tpu.dma_semaphore, #tpu.memory_space<semaphore_mem>>)
      %add3A_811 = arith.constant 22020096 : i32
      %add3A_812 = arith.addi %add3A_811, %add3A_616 : i32
      %dma_start3A_813 = arith.constant 10752 : i32
      %dma_start3A_814 = tpu.memref_slice %arg7[%dma_start3A_813] : memref<12800xf32, #tpu.memory_space<vmem>> -> memref<512xf32, #tpu.memory_space<vmem>>
      %dma_start3A_815 = tpu.memref_slice %arg3[%add3A_812] : memref<26214400xf32, #tpu.memory_space<hbm>> -> memref<512xf32, #tpu.memory_space<hbm>>
      %dma_start3A_816 = tpu.memref_slice %arg3[%add3A_812] : memref<26214400xf32, #tpu.memory_space<hbm>> -> memref<512xf32, #tpu.memory_space<hbm>>
      %dma_start3A_817 = arith.constant 10752 : i32
      %dma_start3A_818 = tpu.memref_slice %arg7[%dma_start3A_817] : memref<12800xf32, #tpu.memory_space<vmem>> -> memref<512xf32, #tpu.memory_space<vmem>>
      tpu.enqueue_dma source(%dma_start3A_818 : memref<512xf32, #tpu.memory_space<vmem>>) target(%dma_start3A_816 : memref<512xf32, #tpu.memory_space<hbm>>) target_semaphore(%arg24 : memref<!tpu.dma_semaphore, #tpu.memory_space<semaphore_mem>>)
      %add3A_819 = arith.constant 23068672 : i32
      %add3A_820 = arith.addi %add3A_819, %add3A_616 : i32
      %dma_start3A_821 = arith.constant 11264 : i32
      %dma_start3A_822 = tpu.memref_slice %arg7[%dma_start3A_821] : memref<12800xf32, #tpu.memory_space<vmem>> -> memref<512xf32, #tpu.memory_space<vmem>>
      %dma_start3A_823 = tpu.memref_slice %arg3[%add3A_820] : memref<26214400xf32, #tpu.memory_space<hbm>> -> memref<512xf32, #tpu.memory_space<hbm>>
      %dma_start3A_824 = tpu.memref_slice %arg3[%add3A_820] : memref<26214400xf32, #tpu.memory_space<hbm>> -> memref<512xf32, #tpu.memory_space<hbm>>
      %dma_start3A_825 = arith.constant 11264 : i32
      %dma_start3A_826 = tpu.memref_slice %arg7[%dma_start3A_825] : memref<12800xf32, #tpu.memory_space<vmem>> -> memref<512xf32, #tpu.memory_space<vmem>>
      tpu.enqueue_dma source(%dma_start3A_826 : memref<512xf32, #tpu.memory_space<vmem>>) target(%dma_start3A_824 : memref<512xf32, #tpu.memory_space<hbm>>) target_semaphore(%arg24 : memref<!tpu.dma_semaphore, #tpu.memory_space<semaphore_mem>>)
      %add3A_827 = arith.constant 24117248 : i32
      %add3A_828 = arith.addi %add3A_827, %add3A_616 : i32
      %dma_start3A_829 = arith.constant 11776 : i32
      %dma_start3A_830 = tpu.memref_slice %arg7[%dma_start3A_829] : memref<12800xf32, #tpu.memory_space<vmem>> -> memref<512xf32, #tpu.memory_space<vmem>>
      %dma_start3A_831 = tpu.memref_slice %arg3[%add3A_828] : memref<26214400xf32, #tpu.memory_space<hbm>> -> memref<512xf32, #tpu.memory_space<hbm>>
      %dma_start3A_832 = tpu.memref_slice %arg3[%add3A_828] : memref<26214400xf32, #tpu.memory_space<hbm>> -> memref<512xf32, #tpu.memory_space<hbm>>
      %dma_start3A_833 = arith.constant 11776 : i32
      %dma_start3A_834 = tpu.memref_slice %arg7[%dma_start3A_833] : memref<12800xf32, #tpu.memory_space<vmem>> -> memref<512xf32, #tpu.memory_space<vmem>>
      tpu.enqueue_dma source(%dma_start3A_834 : memref<512xf32, #tpu.memory_space<vmem>>) target(%dma_start3A_832 : memref<512xf32, #tpu.memory_space<hbm>>) target_semaphore(%arg24 : memref<!tpu.dma_semaphore, #tpu.memory_space<semaphore_mem>>)
      %add3A_835 = arith.constant 25165824 : i32
      %add3A_836 = arith.addi %add3A_835, %add3A_616 : i32
      %dma_start3A_837 = arith.constant 12288 : i32
      %dma_start3A_838 = tpu.memref_slice %arg7[%dma_start3A_837] : memref<12800xf32, #tpu.memory_space<vmem>> -> memref<512xf32, #tpu.memory_space<vmem>>
      %dma_start3A_839 = tpu.memref_slice %arg3[%add3A_836] : memref<26214400xf32, #tpu.memory_space<hbm>> -> memref<512xf32, #tpu.memory_space<hbm>>
      %dma_start3A_840 = tpu.memref_slice %arg3[%add3A_836] : memref<26214400xf32, #tpu.memory_space<hbm>> -> memref<512xf32, #tpu.memory_space<hbm>>
      %dma_start3A_841 = arith.constant 12288 : i32
      %dma_start3A_842 = tpu.memref_slice %arg7[%dma_start3A_841] : memref<12800xf32, #tpu.memory_space<vmem>> -> memref<512xf32, #tpu.memory_space<vmem>>
      tpu.enqueue_dma source(%dma_start3A_842 : memref<512xf32, #tpu.memory_space<vmem>>) target(%dma_start3A_840 : memref<512xf32, #tpu.memory_space<hbm>>) target_semaphore(%arg24 : memref<!tpu.dma_semaphore, #tpu.memory_space<semaphore_mem>>)
      %mul3A_843 = arith.constant 8 : i32
      %mul3A_844 = arith.muli %scan3A_146, %mul3A_843 : i32
      %add3A_845 = arith.constant 3 : i32
      %add3A_846 = arith.addi %mul3A_844, %add3A_845 : i32
      %mul3A_847 = arith.constant 512 : i32
      %mul3A_848 = arith.muli %add3A_846, %mul3A_847 : i32
      %add3A_849 = arith.addi %mul3A_7, %mul3A_848 : i32
      %dma_wait3A_850 = arith.constant 3 : i32
      %dma_wait3A_851 = arith.constant 0 : i32
      %dma_wait3A_852 = tpu.memref_slice %arg4[%dma_wait3A_850, %dma_wait3A_851] : memref<8x512xi32, #tpu.memory_space<vmem>> -> memref<1x512xi32, #tpu.memory_space<vmem>>
      %dma_wait3A_853 = tpu.memref_squeeze %dma_wait3A_852 : memref<1x512xi32, #tpu.memory_space<vmem>> -> memref<512xi32, #tpu.memory_space<vmem>>
      %dma_wait3A_854 = tpu.memref_slice %arg2[%add3A_849] : memref<1048576xi32, #tpu.memory_space<hbm>> -> memref<512xi32, #tpu.memory_space<hbm>>
      %dma_wait3A_855 = arith.constant 0 : i32
      %dma_wait3A_856 = tpu.memref_slice %arg4[%dma_wait3A_850, %dma_wait3A_855] : memref<8x512xi32, #tpu.memory_space<vmem>> -> memref<1x512xi32, #tpu.memory_space<vmem>>
      %dma_wait3A_857 = tpu.memref_squeeze %dma_wait3A_856 : memref<1x512xi32, #tpu.memory_space<vmem>> -> memref<512xi32, #tpu.memory_space<vmem>>
      %dma_wait3A_858 = tpu.memref_slice %arg2[%add3A_849] : memref<1048576xi32, #tpu.memory_space<hbm>> -> memref<512xi32, #tpu.memory_space<hbm>>
      tpu.wait_dma2 semaphore(%arg17 : memref<!tpu.dma_semaphore, #tpu.memory_space<semaphore_mem>>) src(%dma_wait3A_858 : memref<512xi32, #tpu.memory_space<hbm>>) dst(%dma_wait3A_857 : memref<512xi32, #tpu.memory_space<vmem>>)
      %ge3A_859 = arith.constant 1 : i32
      %ge3A_860 = arith.cmpi sge, %scan3A_146, %ge3A_859 : i32
      %convert_element_type3A_861 = arith.extui %ge3A_860 : i1 to i32
      %cond3A_862 = arith.constant 0 : i32
      %cond3A_863 = arith.cmpi ne, %convert_element_type3A_861, %cond3A_862 : i32
      scf.if %cond3A_863 {
        %dma_wait3A_2009 = arith.constant 0 : i32
        %dma_wait3A_2010 = tpu.memref_slice %arg3[%dma_wait3A_2009] : memref<26214400xf32, #tpu.memory_space<hbm>> -> memref<12800xf32, #tpu.memory_space<hbm>>
        %dma_wait3A_2011 = arith.constant 0 : i32
        %dma_wait3A_2012 = tpu.memref_slice %arg3[%dma_wait3A_2011] : memref<26214400xf32, #tpu.memory_space<hbm>> -> memref<12800xf32, #tpu.memory_space<hbm>>
        tpu.wait_dma2 semaphore(%arg25 : memref<!tpu.dma_semaphore, #tpu.memory_space<semaphore_mem>>) src(%dma_wait3A_2012 : memref<12800xf32, #tpu.memory_space<hbm>>) dst(%arg8 : memref<12800xf32, #tpu.memory_space<vmem>>)
      } else {
      }
      %scan3A_864 = arith.constant 0 : i32
      %scan3A_865 = arith.constant 0 : i32
      %scan3A_866 = arith.constant 32 : i32
      %scan3A_867 = arith.addi %scan3A_865, %scan3A_866 : i32
      %scan3A_868 = arith.constant 4 : i32
      %scan3A_869 = scf.for %scan3A_2009 = %scan3A_865 to %scan3A_867 step %scan3A_868 iter_args(%scan3A_2010 = %scan3A_864) -> (i32)  : i32 {
        %mul3A_2011 = arith.constant 16 : i32
        %mul3A_2012 = arith.muli %scan3A_2009, %mul3A_2011 : i32
        %get3A = arith.constant 3 : i32
        %get3A_2013 = arith.index_cast %get3A : i32 to index
        %get3A_2014 = arith.index_cast %mul3A_2012 : i32 to index
        %get3A_2015 = tpu.vector_load %arg4[%get3A_2013, %get3A_2014] {strides = array<i32>} : memref<8x512xi32, #tpu.memory_space<vmem>>, vector<16xi32>,
        %get3A_2016 = arith.constant 3 : i32
        %get3A_2017 = arith.index_cast %get3A_2016 : i32 to index
        %get3A_2018 = arith.index_cast %mul3A_2012 : i32 to index
        %get3A_2019 = tpu.vector_load %arg13[%get3A_2017, %get3A_2018] {strides = array<i32>} : memref<8x512xi32, #tpu.memory_space<vmem>>, vector<16xi32>,
        tpu.vector_store_idx %arg8[%get3A_2019], %broadcast_in_dim3A_3 : memref<12800xf32, #tpu.memory_space<vmem>>[vector<16xi32>], vector<16xf32>,
        %mul3A_2020 = arith.constant 512 : i32
        %mul3A_2021 = vector.broadcast %mul3A_2020 : i32 to vector<16xi32>
        %mul3A_2022 = arith.muli %get3A_2015, %mul3A_2021 : vector<16xi32>
        %add3A_2023 = vector.broadcast %mul3A_2012 : i32 to vector<16xi32>
        %add3A_2024 = arith.addi %add3A_2023, %iota3A : vector<16xi32>
        %add3A_2025 = arith.addi %mul3A_2022, %add3A_2024 : vector<16xi32>
        %swap3A = arith.constant 3 : i32
        %swap3A_2026 = arith.index_cast %swap3A : i32 to index
        %swap3A_2027 = arith.index_cast %mul3A_2012 : i32 to index
        %swap3A_2028 = tpu.vector_load %arg13[%swap3A_2026, %swap3A_2027] {strides = array<i32>} : memref<8x512xi32, #tpu.memory_space<vmem>>, vector<16xi32>,
        tpu.vector_store %arg13[%swap3A_2026, %swap3A_2027], %add3A_2025 {strides = array<i32>} : memref<8x512xi32, #tpu.memory_space<vmem>>, vector<16xi32>,
        tpu.vector_store_idx %arg8[%add3A_2025], %broadcast_in_dim3A_5 : memref<12800xf32, #tpu.memory_space<vmem>>[vector<16xi32>], vector<16xf32>,
        %scan3A_2029 = arith.constant 0 : i32
        %scan3A_2030 = arith.constant 1 : i32
        %scan3A_2031 = arith.addi %scan3A_2009, %scan3A_2030 : i32
        %mul3A_2032 = arith.constant 16 : i32
        %mul3A_2033 = arith.muli %scan3A_2031, %mul3A_2032 : i32
        %get3A_2034 = arith.constant 3 : i32
        %get3A_2035 = arith.index_cast %get3A_2034 : i32 to index
        %get3A_2036 = arith.index_cast %mul3A_2033 : i32 to index
        %get3A_2037 = tpu.vector_load %arg4[%get3A_2035, %get3A_2036] {strides = array<i32>} : memref<8x512xi32, #tpu.memory_space<vmem>>, vector<16xi32>,
        %get3A_2038 = arith.constant 3 : i32
        %get3A_2039 = arith.index_cast %get3A_2038 : i32 to index
        %get3A_2040 = arith.index_cast %mul3A_2033 : i32 to index
        %get3A_2041 = tpu.vector_load %arg13[%get3A_2039, %get3A_2040] {strides = array<i32>} : memref<8x512xi32, #tpu.memory_space<vmem>>, vector<16xi32>,
        tpu.vector_store_idx %arg8[%get3A_2041], %broadcast_in_dim3A_3 : memref<12800xf32, #tpu.memory_space<vmem>>[vector<16xi32>], vector<16xf32>,
        %mul3A_2042 = arith.constant 512 : i32
        %mul3A_2043 = vector.broadcast %mul3A_2042 : i32 to vector<16xi32>
        %mul3A_2044 = arith.muli %get3A_2037, %mul3A_2043 : vector<16xi32>
        %add3A_2045 = vector.broadcast %mul3A_2033 : i32 to vector<16xi32>
        %add3A_2046 = arith.addi %add3A_2045, %iota3A : vector<16xi32>
        %add3A_2047 = arith.addi %mul3A_2044, %add3A_2046 : vector<16xi32>
        %swap3A_2048 = arith.constant 3 : i32
        %swap3A_2049 = arith.index_cast %swap3A_2048 : i32 to index
        %swap3A_2050 = arith.index_cast %mul3A_2033 : i32 to index
        %swap3A_2051 = tpu.vector_load %arg13[%swap3A_2049, %swap3A_2050] {strides = array<i32>} : memref<8x512xi32, #tpu.memory_space<vmem>>, vector<16xi32>,
        tpu.vector_store %arg13[%swap3A_2049, %swap3A_2050], %add3A_2047 {strides = array<i32>} : memref<8x512xi32, #tpu.memory_space<vmem>>, vector<16xi32>,
        tpu.vector_store_idx %arg8[%add3A_2047], %broadcast_in_dim3A_5 : memref<12800xf32, #tpu.memory_space<vmem>>[vector<16xi32>], vector<16xf32>,
        %scan3A_2052 = arith.constant 0 : i32
        %scan3A_2053 = arith.constant 2 : i32
        %scan3A_2054 = arith.addi %scan3A_2009, %scan3A_2053 : i32
        %mul3A_2055 = arith.constant 16 : i32
        %mul3A_2056 = arith.muli %scan3A_2054, %mul3A_2055 : i32
        %get3A_2057 = arith.constant 3 : i32
        %get3A_2058 = arith.index_cast %get3A_2057 : i32 to index
        %get3A_2059 = arith.index_cast %mul3A_2056 : i32 to index
        %get3A_2060 = tpu.vector_load %arg4[%get3A_2058, %get3A_2059] {strides = array<i32>} : memref<8x512xi32, #tpu.memory_space<vmem>>, vector<16xi32>,
        %get3A_2061 = arith.constant 3 : i32
        %get3A_2062 = arith.index_cast %get3A_2061 : i32 to index
        %get3A_2063 = arith.index_cast %mul3A_2056 : i32 to index
        %get3A_2064 = tpu.vector_load %arg13[%get3A_2062, %get3A_2063] {strides = array<i32>} : memref<8x512xi32, #tpu.memory_space<vmem>>, vector<16xi32>,
        tpu.vector_store_idx %arg8[%get3A_2064], %broadcast_in_dim3A_3 : memref<12800xf32, #tpu.memory_space<vmem>>[vector<16xi32>], vector<16xf32>,
        %mul3A_2065 = arith.constant 512 : i32
        %mul3A_2066 = vector.broadcast %mul3A_2065 : i32 to vector<16xi32>
        %mul3A_2067 = arith.muli %get3A_2060, %mul3A_2066 : vector<16xi32>
        %add3A_2068 = vector.broadcast %mul3A_2056 : i32 to vector<16xi32>
        %add3A_2069 = arith.addi %add3A_2068, %iota3A : vector<16xi32>
        %add3A_2070 = arith.addi %mul3A_2067, %add3A_2069 : vector<16xi32>
        %swap3A_2071 = arith.constant 3 : i32
        %swap3A_2072 = arith.index_cast %swap3A_2071 : i32 to index
        %swap3A_2073 = arith.index_cast %mul3A_2056 : i32 to index
        %swap3A_2074 = tpu.vector_load %arg13[%swap3A_2072, %swap3A_2073] {strides = array<i32>} : memref<8x512xi32, #tpu.memory_space<vmem>>, vector<16xi32>,
        tpu.vector_store %arg13[%swap3A_2072, %swap3A_2073], %add3A_2070 {strides = array<i32>} : memref<8x512xi32, #tpu.memory_space<vmem>>, vector<16xi32>,
        tpu.vector_store_idx %arg8[%add3A_2070], %broadcast_in_dim3A_5 : memref<12800xf32, #tpu.memory_space<vmem>>[vector<16xi32>], vector<16xf32>,
        %scan3A_2075 = arith.constant 0 : i32
        %scan3A_2076 = arith.constant 3 : i32
        %scan3A_2077 = arith.addi %scan3A_2009, %scan3A_2076 : i32
        %mul3A_2078 = arith.constant 16 : i32
        %mul3A_2079 = arith.muli %scan3A_2077, %mul3A_2078 : i32
        %get3A_2080 = arith.constant 3 : i32
        %get3A_2081 = arith.index_cast %get3A_2080 : i32 to index
        %get3A_2082 = arith.index_cast %mul3A_2079 : i32 to index
        %get3A_2083 = tpu.vector_load %arg4[%get3A_2081, %get3A_2082] {strides = array<i32>} : memref<8x512xi32, #tpu.memory_space<vmem>>, vector<16xi32>,
        %get3A_2084 = arith.constant 3 : i32
        %get3A_2085 = arith.index_cast %get3A_2084 : i32 to index
        %get3A_2086 = arith.index_cast %mul3A_2079 : i32 to index
        %get3A_2087 = tpu.vector_load %arg13[%get3A_2085, %get3A_2086] {strides = array<i32>} : memref<8x512xi32, #tpu.memory_space<vmem>>, vector<16xi32>,
        tpu.vector_store_idx %arg8[%get3A_2087], %broadcast_in_dim3A_3 : memref<12800xf32, #tpu.memory_space<vmem>>[vector<16xi32>], vector<16xf32>,
        %mul3A_2088 = arith.constant 512 : i32
        %mul3A_2089 = vector.broadcast %mul3A_2088 : i32 to vector<16xi32>
        %mul3A_2090 = arith.muli %get3A_2083, %mul3A_2089 : vector<16xi32>
        %add3A_2091 = vector.broadcast %mul3A_2079 : i32 to vector<16xi32>
        %add3A_2092 = arith.addi %add3A_2091, %iota3A : vector<16xi32>
        %add3A_2093 = arith.addi %mul3A_2090, %add3A_2092 : vector<16xi32>
        %swap3A_2094 = arith.constant 3 : i32
        %swap3A_2095 = arith.index_cast %swap3A_2094 : i32 to index
        %swap3A_2096 = arith.index_cast %mul3A_2079 : i32 to index
        %swap3A_2097 = tpu.vector_load %arg13[%swap3A_2095, %swap3A_2096] {strides = array<i32>} : memref<8x512xi32, #tpu.memory_space<vmem>>, vector<16xi32>,
        tpu.vector_store %arg13[%swap3A_2095, %swap3A_2096], %add3A_2093 {strides = array<i32>} : memref<8x512xi32, #tpu.memory_space<vmem>>, vector<16xi32>,
        tpu.vector_store_idx %arg8[%add3A_2093], %broadcast_in_dim3A_5 : memref<12800xf32, #tpu.memory_space<vmem>>[vector<16xi32>], vector<16xf32>,
        %scan3A_2098 = arith.constant 0 : i32
        scf.yield %scan3A_2098 : i32
      }
      %scan3A_870 = arith.constant 32 : i32
      %lt3A_871 = arith.constant 7 : i32
      %lt3A_872 = arith.cmpi slt, %scan3A_146, %lt3A_871 : i32
      %convert_element_type3A_873 = arith.extui %lt3A_872 : i1 to i32
      %cond3A_874 = arith.constant 0 : i32
      %cond3A_875 = arith.cmpi ne, %convert_element_type3A_873, %cond3A_874 : i32
      scf.if %cond3A_875 {
        %add3A_2009 = arith.constant 4096 : i32
        %add3A_2010 = arith.addi %add3A_849, %add3A_2009 : i32
        %dma_start3A_2011 = arith.constant 3 : i32
        %dma_start3A_2012 = arith.constant 0 : i32
        %dma_start3A_2013 = tpu.memref_slice %arg4[%dma_start3A_2011, %dma_start3A_2012] : memref<8x512xi32, #tpu.memory_space<vmem>> -> memref<1x512xi32, #tpu.memory_space<vmem>>
        %dma_start3A_2014 = tpu.memref_squeeze %dma_start3A_2013 : memref<1x512xi32, #tpu.memory_space<vmem>> -> memref<512xi32, #tpu.memory_space<vmem>>
        %dma_start3A_2015 = tpu.memref_slice %arg2[%add3A_2010] : memref<1048576xi32, #tpu.memory_space<hbm>> -> memref<512xi32, #tpu.memory_space<hbm>>
        %dma_start3A_2016 = arith.constant 0 : i32
        %dma_start3A_2017 = tpu.memref_slice %arg4[%dma_start3A_2011, %dma_start3A_2016] : memref<8x512xi32, #tpu.memory_space<vmem>> -> memref<1x512xi32, #tpu.memory_space<vmem>>
        %dma_start3A_2018 = tpu.memref_squeeze %dma_start3A_2017 : memref<1x512xi32, #tpu.memory_space<vmem>> -> memref<512xi32, #tpu.memory_space<vmem>>
        %dma_start3A_2019 = tpu.memref_slice %arg2[%add3A_2010] : memref<1048576xi32, #tpu.memory_space<hbm>> -> memref<512xi32, #tpu.memory_space<hbm>>
        tpu.enqueue_dma source(%dma_start3A_2019 : memref<512xi32, #tpu.memory_space<hbm>>) target(%dma_start3A_2018 : memref<512xi32, #tpu.memory_space<vmem>>) target_semaphore(%arg17 : memref<!tpu.dma_semaphore, #tpu.memory_space<semaphore_mem>>)
      } else {
      }
      %add3A_876 = arith.constant 0 : i32
      %add3A_877 = arith.addi %add3A_876, %add3A_849 : i32
      %dma_start3A_878 = arith.constant 0 : i32
      %dma_start3A_879 = tpu.memref_slice %arg8[%dma_start3A_878] : memref<12800xf32, #tpu.memory_space<vmem>> -> memref<512xf32, #tpu.memory_space<vmem>>
      %dma_start3A_880 = tpu.memref_slice %arg3[%add3A_877] : memref<26214400xf32, #tpu.memory_space<hbm>> -> memref<512xf32, #tpu.memory_space<hbm>>
      %dma_start3A_881 = tpu.memref_slice %arg3[%add3A_877] : memref<26214400xf32, #tpu.memory_space<hbm>> -> memref<512xf32, #tpu.memory_space<hbm>>
      %dma_start3A_882 = arith.constant 0 : i32
      %dma_start3A_883 = tpu.memref_slice %arg8[%dma_start3A_882] : memref<12800xf32, #tpu.memory_space<vmem>> -> memref<512xf32, #tpu.memory_space<vmem>>
      tpu.enqueue_dma source(%dma_start3A_883 : memref<512xf32, #tpu.memory_space<vmem>>) target(%dma_start3A_881 : memref<512xf32, #tpu.memory_space<hbm>>) target_semaphore(%arg25 : memref<!tpu.dma_semaphore, #tpu.memory_space<semaphore_mem>>)
      %add3A_884 = arith.constant 1048576 : i32
      %add3A_885 = arith.addi %add3A_884, %add3A_849 : i32
      %dma_start3A_886 = arith.constant 512 : i32
      %dma_start3A_887 = tpu.memref_slice %arg8[%dma_start3A_886] : memref<12800xf32, #tpu.memory_space<vmem>> -> memref<512xf32, #tpu.memory_space<vmem>>
      %dma_start3A_888 = tpu.memref_slice %arg3[%add3A_885] : memref<26214400xf32, #tpu.memory_space<hbm>> -> memref<512xf32, #tpu.memory_space<hbm>>
      %dma_start3A_889 = tpu.memref_slice %arg3[%add3A_885] : memref<26214400xf32, #tpu.memory_space<hbm>> -> memref<512xf32, #tpu.memory_space<hbm>>
      %dma_start3A_890 = arith.constant 512 : i32
      %dma_start3A_891 = tpu.memref_slice %arg8[%dma_start3A_890] : memref<12800xf32, #tpu.memory_space<vmem>> -> memref<512xf32, #tpu.memory_space<vmem>>
      tpu.enqueue_dma source(%dma_start3A_891 : memref<512xf32, #tpu.memory_space<vmem>>) target(%dma_start3A_889 : memref<512xf32, #tpu.memory_space<hbm>>) target_semaphore(%arg25 : memref<!tpu.dma_semaphore, #tpu.memory_space<semaphore_mem>>)
      %add3A_892 = arith.constant 2097152 : i32
      %add3A_893 = arith.addi %add3A_892, %add3A_849 : i32
      %dma_start3A_894 = arith.constant 1024 : i32
      %dma_start3A_895 = tpu.memref_slice %arg8[%dma_start3A_894] : memref<12800xf32, #tpu.memory_space<vmem>> -> memref<512xf32, #tpu.memory_space<vmem>>
      %dma_start3A_896 = tpu.memref_slice %arg3[%add3A_893] : memref<26214400xf32, #tpu.memory_space<hbm>> -> memref<512xf32, #tpu.memory_space<hbm>>
      %dma_start3A_897 = tpu.memref_slice %arg3[%add3A_893] : memref<26214400xf32, #tpu.memory_space<hbm>> -> memref<512xf32, #tpu.memory_space<hbm>>
      %dma_start3A_898 = arith.constant 1024 : i32
      %dma_start3A_899 = tpu.memref_slice %arg8[%dma_start3A_898] : memref<12800xf32, #tpu.memory_space<vmem>> -> memref<512xf32, #tpu.memory_space<vmem>>
      tpu.enqueue_dma source(%dma_start3A_899 : memref<512xf32, #tpu.memory_space<vmem>>) target(%dma_start3A_897 : memref<512xf32, #tpu.memory_space<hbm>>) target_semaphore(%arg25 : memref<!tpu.dma_semaphore, #tpu.memory_space<semaphore_mem>>)
      %add3A_900 = arith.constant 3145728 : i32
      %add3A_901 = arith.addi %add3A_900, %add3A_849 : i32
      %dma_start3A_902 = arith.constant 1536 : i32
      %dma_start3A_903 = tpu.memref_slice %arg8[%dma_start3A_902] : memref<12800xf32, #tpu.memory_space<vmem>> -> memref<512xf32, #tpu.memory_space<vmem>>
      %dma_start3A_904 = tpu.memref_slice %arg3[%add3A_901] : memref<26214400xf32, #tpu.memory_space<hbm>> -> memref<512xf32, #tpu.memory_space<hbm>>
      %dma_start3A_905 = tpu.memref_slice %arg3[%add3A_901] : memref<26214400xf32, #tpu.memory_space<hbm>> -> memref<512xf32, #tpu.memory_space<hbm>>
      %dma_start3A_906 = arith.constant 1536 : i32
      %dma_start3A_907 = tpu.memref_slice %arg8[%dma_start3A_906] : memref<12800xf32, #tpu.memory_space<vmem>> -> memref<512xf32, #tpu.memory_space<vmem>>
      tpu.enqueue_dma source(%dma_start3A_907 : memref<512xf32, #tpu.memory_space<vmem>>) target(%dma_start3A_905 : memref<512xf32, #tpu.memory_space<hbm>>) target_semaphore(%arg25 : memref<!tpu.dma_semaphore, #tpu.memory_space<semaphore_mem>>)
      %add3A_908 = arith.constant 4194304 : i32
      %add3A_909 = arith.addi %add3A_908, %add3A_849 : i32
      %dma_start3A_910 = arith.constant 2048 : i32
      %dma_start3A_911 = tpu.memref_slice %arg8[%dma_start3A_910] : memref<12800xf32, #tpu.memory_space<vmem>> -> memref<512xf32, #tpu.memory_space<vmem>>
      %dma_start3A_912 = tpu.memref_slice %arg3[%add3A_909] : memref<26214400xf32, #tpu.memory_space<hbm>> -> memref<512xf32, #tpu.memory_space<hbm>>
      %dma_start3A_913 = tpu.memref_slice %arg3[%add3A_909] : memref<26214400xf32, #tpu.memory_space<hbm>> -> memref<512xf32, #tpu.memory_space<hbm>>
      %dma_start3A_914 = arith.constant 2048 : i32
      %dma_start3A_915 = tpu.memref_slice %arg8[%dma_start3A_914] : memref<12800xf32, #tpu.memory_space<vmem>> -> memref<512xf32, #tpu.memory_space<vmem>>
      tpu.enqueue_dma source(%dma_start3A_915 : memref<512xf32, #tpu.memory_space<vmem>>) target(%dma_start3A_913 : memref<512xf32, #tpu.memory_space<hbm>>) target_semaphore(%arg25 : memref<!tpu.dma_semaphore, #tpu.memory_space<semaphore_mem>>)
      %add3A_916 = arith.constant 5242880 : i32
      %add3A_917 = arith.addi %add3A_916, %add3A_849 : i32
      %dma_start3A_918 = arith.constant 2560 : i32
      %dma_start3A_919 = tpu.memref_slice %arg8[%dma_start3A_918] : memref<12800xf32, #tpu.memory_space<vmem>> -> memref<512xf32, #tpu.memory_space<vmem>>
      %dma_start3A_920 = tpu.memref_slice %arg3[%add3A_917] : memref<26214400xf32, #tpu.memory_space<hbm>> -> memref<512xf32, #tpu.memory_space<hbm>>
      %dma_start3A_921 = tpu.memref_slice %arg3[%add3A_917] : memref<26214400xf32, #tpu.memory_space<hbm>> -> memref<512xf32, #tpu.memory_space<hbm>>
      %dma_start3A_922 = arith.constant 2560 : i32
      %dma_start3A_923 = tpu.memref_slice %arg8[%dma_start3A_922] : memref<12800xf32, #tpu.memory_space<vmem>> -> memref<512xf32, #tpu.memory_space<vmem>>
      tpu.enqueue_dma source(%dma_start3A_923 : memref<512xf32, #tpu.memory_space<vmem>>) target(%dma_start3A_921 : memref<512xf32, #tpu.memory_space<hbm>>) target_semaphore(%arg25 : memref<!tpu.dma_semaphore, #tpu.memory_space<semaphore_mem>>)
      %add3A_924 = arith.constant 6291456 : i32
      %add3A_925 = arith.addi %add3A_924, %add3A_849 : i32
      %dma_start3A_926 = arith.constant 3072 : i32
      %dma_start3A_927 = tpu.memref_slice %arg8[%dma_start3A_926] : memref<12800xf32, #tpu.memory_space<vmem>> -> memref<512xf32, #tpu.memory_space<vmem>>
      %dma_start3A_928 = tpu.memref_slice %arg3[%add3A_925] : memref<26214400xf32, #tpu.memory_space<hbm>> -> memref<512xf32, #tpu.memory_space<hbm>>
      %dma_start3A_929 = tpu.memref_slice %arg3[%add3A_925] : memref<26214400xf32, #tpu.memory_space<hbm>> -> memref<512xf32, #tpu.memory_space<hbm>>
      %dma_start3A_930 = arith.constant 3072 : i32
      %dma_start3A_931 = tpu.memref_slice %arg8[%dma_start3A_930] : memref<12800xf32, #tpu.memory_space<vmem>> -> memref<512xf32, #tpu.memory_space<vmem>>
      tpu.enqueue_dma source(%dma_start3A_931 : memref<512xf32, #tpu.memory_space<vmem>>) target(%dma_start3A_929 : memref<512xf32, #tpu.memory_space<hbm>>) target_semaphore(%arg25 : memref<!tpu.dma_semaphore, #tpu.memory_space<semaphore_mem>>)
      %add3A_932 = arith.constant 7340032 : i32
      %add3A_933 = arith.addi %add3A_932, %add3A_849 : i32
      %dma_start3A_934 = arith.constant 3584 : i32
      %dma_start3A_935 = tpu.memref_slice %arg8[%dma_start3A_934] : memref<12800xf32, #tpu.memory_space<vmem>> -> memref<512xf32, #tpu.memory_space<vmem>>
      %dma_start3A_936 = tpu.memref_slice %arg3[%add3A_933] : memref<26214400xf32, #tpu.memory_space<hbm>> -> memref<512xf32, #tpu.memory_space<hbm>>
      %dma_start3A_937 = tpu.memref_slice %arg3[%add3A_933] : memref<26214400xf32, #tpu.memory_space<hbm>> -> memref<512xf32, #tpu.memory_space<hbm>>
      %dma_start3A_938 = arith.constant 3584 : i32
      %dma_start3A_939 = tpu.memref_slice %arg8[%dma_start3A_938] : memref<12800xf32, #tpu.memory_space<vmem>> -> memref<512xf32, #tpu.memory_space<vmem>>
      tpu.enqueue_dma source(%dma_start3A_939 : memref<512xf32, #tpu.memory_space<vmem>>) target(%dma_start3A_937 : memref<512xf32, #tpu.memory_space<hbm>>) target_semaphore(%arg25 : memref<!tpu.dma_semaphore, #tpu.memory_space<semaphore_mem>>)
      %add3A_940 = arith.constant 8388608 : i32
      %add3A_941 = arith.addi %add3A_940, %add3A_849 : i32
      %dma_start3A_942 = arith.constant 4096 : i32
      %dma_start3A_943 = tpu.memref_slice %arg8[%dma_start3A_942] : memref<12800xf32, #tpu.memory_space<vmem>> -> memref<512xf32, #tpu.memory_space<vmem>>
      %dma_start3A_944 = tpu.memref_slice %arg3[%add3A_941] : memref<26214400xf32, #tpu.memory_space<hbm>> -> memref<512xf32, #tpu.memory_space<hbm>>
      %dma_start3A_945 = tpu.memref_slice %arg3[%add3A_941] : memref<26214400xf32, #tpu.memory_space<hbm>> -> memref<512xf32, #tpu.memory_space<hbm>>
      %dma_start3A_946 = arith.constant 4096 : i32
      %dma_start3A_947 = tpu.memref_slice %arg8[%dma_start3A_946] : memref<12800xf32, #tpu.memory_space<vmem>> -> memref<512xf32, #tpu.memory_space<vmem>>
      tpu.enqueue_dma source(%dma_start3A_947 : memref<512xf32, #tpu.memory_space<vmem>>) target(%dma_start3A_945 : memref<512xf32, #tpu.memory_space<hbm>>) target_semaphore(%arg25 : memref<!tpu.dma_semaphore, #tpu.memory_space<semaphore_mem>>)
      %add3A_948 = arith.constant 9437184 : i32
      %add3A_949 = arith.addi %add3A_948, %add3A_849 : i32
      %dma_start3A_950 = arith.constant 4608 : i32
      %dma_start3A_951 = tpu.memref_slice %arg8[%dma_start3A_950] : memref<12800xf32, #tpu.memory_space<vmem>> -> memref<512xf32, #tpu.memory_space<vmem>>
      %dma_start3A_952 = tpu.memref_slice %arg3[%add3A_949] : memref<26214400xf32, #tpu.memory_space<hbm>> -> memref<512xf32, #tpu.memory_space<hbm>>
      %dma_start3A_953 = tpu.memref_slice %arg3[%add3A_949] : memref<26214400xf32, #tpu.memory_space<hbm>> -> memref<512xf32, #tpu.memory_space<hbm>>
      %dma_start3A_954 = arith.constant 4608 : i32
      %dma_start3A_955 = tpu.memref_slice %arg8[%dma_start3A_954] : memref<12800xf32, #tpu.memory_space<vmem>> -> memref<512xf32, #tpu.memory_space<vmem>>
      tpu.enqueue_dma source(%dma_start3A_955 : memref<512xf32, #tpu.memory_space<vmem>>) target(%dma_start3A_953 : memref<512xf32, #tpu.memory_space<hbm>>) target_semaphore(%arg25 : memref<!tpu.dma_semaphore, #tpu.memory_space<semaphore_mem>>)
      %add3A_956 = arith.constant 10485760 : i32
      %add3A_957 = arith.addi %add3A_956, %add3A_849 : i32
      %dma_start3A_958 = arith.constant 5120 : i32
      %dma_start3A_959 = tpu.memref_slice %arg8[%dma_start3A_958] : memref<12800xf32, #tpu.memory_space<vmem>> -> memref<512xf32, #tpu.memory_space<vmem>>
      %dma_start3A_960 = tpu.memref_slice %arg3[%add3A_957] : memref<26214400xf32, #tpu.memory_space<hbm>> -> memref<512xf32, #tpu.memory_space<hbm>>
      %dma_start3A_961 = tpu.memref_slice %arg3[%add3A_957] : memref<26214400xf32, #tpu.memory_space<hbm>> -> memref<512xf32, #tpu.memory_space<hbm>>
      %dma_start3A_962 = arith.constant 5120 : i32
      %dma_start3A_963 = tpu.memref_slice %arg8[%dma_start3A_962] : memref<12800xf32, #tpu.memory_space<vmem>> -> memref<512xf32, #tpu.memory_space<vmem>>
      tpu.enqueue_dma source(%dma_start3A_963 : memref<512xf32, #tpu.memory_space<vmem>>) target(%dma_start3A_961 : memref<512xf32, #tpu.memory_space<hbm>>) target_semaphore(%arg25 : memref<!tpu.dma_semaphore, #tpu.memory_space<semaphore_mem>>)
      %add3A_964 = arith.constant 11534336 : i32
      %add3A_965 = arith.addi %add3A_964, %add3A_849 : i32
      %dma_start3A_966 = arith.constant 5632 : i32
      %dma_start3A_967 = tpu.memref_slice %arg8[%dma_start3A_966] : memref<12800xf32, #tpu.memory_space<vmem>> -> memref<512xf32, #tpu.memory_space<vmem>>
      %dma_start3A_968 = tpu.memref_slice %arg3[%add3A_965] : memref<26214400xf32, #tpu.memory_space<hbm>> -> memref<512xf32, #tpu.memory_space<hbm>>
      %dma_start3A_969 = tpu.memref_slice %arg3[%add3A_965] : memref<26214400xf32, #tpu.memory_space<hbm>> -> memref<512xf32, #tpu.memory_space<hbm>>
      %dma_start3A_970 = arith.constant 5632 : i32
      %dma_start3A_971 = tpu.memref_slice %arg8[%dma_start3A_970] : memref<12800xf32, #tpu.memory_space<vmem>> -> memref<512xf32, #tpu.memory_space<vmem>>
      tpu.enqueue_dma source(%dma_start3A_971 : memref<512xf32, #tpu.memory_space<vmem>>) target(%dma_start3A_969 : memref<512xf32, #tpu.memory_space<hbm>>) target_semaphore(%arg25 : memref<!tpu.dma_semaphore, #tpu.memory_space<semaphore_mem>>)
      %add3A_972 = arith.constant 12582912 : i32
      %add3A_973 = arith.addi %add3A_972, %add3A_849 : i32
      %dma_start3A_974 = arith.constant 6144 : i32
      %dma_start3A_975 = tpu.memref_slice %arg8[%dma_start3A_974] : memref<12800xf32, #tpu.memory_space<vmem>> -> memref<512xf32, #tpu.memory_space<vmem>>
      %dma_start3A_976 = tpu.memref_slice %arg3[%add3A_973] : memref<26214400xf32, #tpu.memory_space<hbm>> -> memref<512xf32, #tpu.memory_space<hbm>>
      %dma_start3A_977 = tpu.memref_slice %arg3[%add3A_973] : memref<26214400xf32, #tpu.memory_space<hbm>> -> memref<512xf32, #tpu.memory_space<hbm>>
      %dma_start3A_978 = arith.constant 6144 : i32
      %dma_start3A_979 = tpu.memref_slice %arg8[%dma_start3A_978] : memref<12800xf32, #tpu.memory_space<vmem>> -> memref<512xf32, #tpu.memory_space<vmem>>
      tpu.enqueue_dma source(%dma_start3A_979 : memref<512xf32, #tpu.memory_space<vmem>>) target(%dma_start3A_977 : memref<512xf32, #tpu.memory_space<hbm>>) target_semaphore(%arg25 : memref<!tpu.dma_semaphore, #tpu.memory_space<semaphore_mem>>)
      %add3A_980 = arith.constant 13631488 : i32
      %add3A_981 = arith.addi %add3A_980, %add3A_849 : i32
      %dma_start3A_982 = arith.constant 6656 : i32
      %dma_start3A_983 = tpu.memref_slice %arg8[%dma_start3A_982] : memref<12800xf32, #tpu.memory_space<vmem>> -> memref<512xf32, #tpu.memory_space<vmem>>
      %dma_start3A_984 = tpu.memref_slice %arg3[%add3A_981] : memref<26214400xf32, #tpu.memory_space<hbm>> -> memref<512xf32, #tpu.memory_space<hbm>>
      %dma_start3A_985 = tpu.memref_slice %arg3[%add3A_981] : memref<26214400xf32, #tpu.memory_space<hbm>> -> memref<512xf32, #tpu.memory_space<hbm>>
      %dma_start3A_986 = arith.constant 6656 : i32
      %dma_start3A_987 = tpu.memref_slice %arg8[%dma_start3A_986] : memref<12800xf32, #tpu.memory_space<vmem>> -> memref<512xf32, #tpu.memory_space<vmem>>
      tpu.enqueue_dma source(%dma_start3A_987 : memref<512xf32, #tpu.memory_space<vmem>>) target(%dma_start3A_985 : memref<512xf32, #tpu.memory_space<hbm>>) target_semaphore(%arg25 : memref<!tpu.dma_semaphore, #tpu.memory_space<semaphore_mem>>)
      %add3A_988 = arith.constant 14680064 : i32
      %add3A_989 = arith.addi %add3A_988, %add3A_849 : i32
      %dma_start3A_990 = arith.constant 7168 : i32
      %dma_start3A_991 = tpu.memref_slice %arg8[%dma_start3A_990] : memref<12800xf32, #tpu.memory_space<vmem>> -> memref<512xf32, #tpu.memory_space<vmem>>
      %dma_start3A_992 = tpu.memref_slice %arg3[%add3A_989] : memref<26214400xf32, #tpu.memory_space<hbm>> -> memref<512xf32, #tpu.memory_space<hbm>>
      %dma_start3A_993 = tpu.memref_slice %arg3[%add3A_989] : memref<26214400xf32, #tpu.memory_space<hbm>> -> memref<512xf32, #tpu.memory_space<hbm>>
      %dma_start3A_994 = arith.constant 7168 : i32
      %dma_start3A_995 = tpu.memref_slice %arg8[%dma_start3A_994] : memref<12800xf32, #tpu.memory_space<vmem>> -> memref<512xf32, #tpu.memory_space<vmem>>
      tpu.enqueue_dma source(%dma_start3A_995 : memref<512xf32, #tpu.memory_space<vmem>>) target(%dma_start3A_993 : memref<512xf32, #tpu.memory_space<hbm>>) target_semaphore(%arg25 : memref<!tpu.dma_semaphore, #tpu.memory_space<semaphore_mem>>)
      %add3A_996 = arith.constant 15728640 : i32
      %add3A_997 = arith.addi %add3A_996, %add3A_849 : i32
      %dma_start3A_998 = arith.constant 7680 : i32
      %dma_start3A_999 = tpu.memref_slice %arg8[%dma_start3A_998] : memref<12800xf32, #tpu.memory_space<vmem>> -> memref<512xf32, #tpu.memory_space<vmem>>
      %dma_start3A_1000 = tpu.memref_slice %arg3[%add3A_997] : memref<26214400xf32, #tpu.memory_space<hbm>> -> memref<512xf32, #tpu.memory_space<hbm>>
      %dma_start3A_1001 = tpu.memref_slice %arg3[%add3A_997] : memref<26214400xf32, #tpu.memory_space<hbm>> -> memref<512xf32, #tpu.memory_space<hbm>>
      %dma_start3A_1002 = arith.constant 7680 : i32
      %dma_start3A_1003 = tpu.memref_slice %arg8[%dma_start3A_1002] : memref<12800xf32, #tpu.memory_space<vmem>> -> memref<512xf32, #tpu.memory_space<vmem>>
      tpu.enqueue_dma source(%dma_start3A_1003 : memref<512xf32, #tpu.memory_space<vmem>>) target(%dma_start3A_1001 : memref<512xf32, #tpu.memory_space<hbm>>) target_semaphore(%arg25 : memref<!tpu.dma_semaphore, #tpu.memory_space<semaphore_mem>>)
      %add3A_1004 = arith.constant 16777216 : i32
      %add3A_1005 = arith.addi %add3A_1004, %add3A_849 : i32
      %dma_start3A_1006 = arith.constant 8192 : i32
      %dma_start3A_1007 = tpu.memref_slice %arg8[%dma_start3A_1006] : memref<12800xf32, #tpu.memory_space<vmem>> -> memref<512xf32, #tpu.memory_space<vmem>>
      %dma_start3A_1008 = tpu.memref_slice %arg3[%add3A_1005] : memref<26214400xf32, #tpu.memory_space<hbm>> -> memref<512xf32, #tpu.memory_space<hbm>>
      %dma_start3A_1009 = tpu.memref_slice %arg3[%add3A_1005] : memref<26214400xf32, #tpu.memory_space<hbm>> -> memref<512xf32, #tpu.memory_space<hbm>>
      %dma_start3A_1010 = arith.constant 8192 : i32
      %dma_start3A_1011 = tpu.memref_slice %arg8[%dma_start3A_1010] : memref<12800xf32, #tpu.memory_space<vmem>> -> memref<512xf32, #tpu.memory_space<vmem>>
      tpu.enqueue_dma source(%dma_start3A_1011 : memref<512xf32, #tpu.memory_space<vmem>>) target(%dma_start3A_1009 : memref<512xf32, #tpu.memory_space<hbm>>) target_semaphore(%arg25 : memref<!tpu.dma_semaphore, #tpu.memory_space<semaphore_mem>>)
      %add3A_1012 = arith.constant 17825792 : i32
      %add3A_1013 = arith.addi %add3A_1012, %add3A_849 : i32
      %dma_start3A_1014 = arith.constant 8704 : i32
      %dma_start3A_1015 = tpu.memref_slice %arg8[%dma_start3A_1014] : memref<12800xf32, #tpu.memory_space<vmem>> -> memref<512xf32, #tpu.memory_space<vmem>>
      %dma_start3A_1016 = tpu.memref_slice %arg3[%add3A_1013] : memref<26214400xf32, #tpu.memory_space<hbm>> -> memref<512xf32, #tpu.memory_space<hbm>>
      %dma_start3A_1017 = tpu.memref_slice %arg3[%add3A_1013] : memref<26214400xf32, #tpu.memory_space<hbm>> -> memref<512xf32, #tpu.memory_space<hbm>>
      %dma_start3A_1018 = arith.constant 8704 : i32
      %dma_start3A_1019 = tpu.memref_slice %arg8[%dma_start3A_1018] : memref<12800xf32, #tpu.memory_space<vmem>> -> memref<512xf32, #tpu.memory_space<vmem>>
      tpu.enqueue_dma source(%dma_start3A_1019 : memref<512xf32, #tpu.memory_space<vmem>>) target(%dma_start3A_1017 : memref<512xf32, #tpu.memory_space<hbm>>) target_semaphore(%arg25 : memref<!tpu.dma_semaphore, #tpu.memory_space<semaphore_mem>>)
      %add3A_1020 = arith.constant 18874368 : i32
      %add3A_1021 = arith.addi %add3A_1020, %add3A_849 : i32
      %dma_start3A_1022 = arith.constant 9216 : i32
      %dma_start3A_1023 = tpu.memref_slice %arg8[%dma_start3A_1022] : memref<12800xf32, #tpu.memory_space<vmem>> -> memref<512xf32, #tpu.memory_space<vmem>>
      %dma_start3A_1024 = tpu.memref_slice %arg3[%add3A_1021] : memref<26214400xf32, #tpu.memory_space<hbm>> -> memref<512xf32, #tpu.memory_space<hbm>>
      %dma_start3A_1025 = tpu.memref_slice %arg3[%add3A_1021] : memref<26214400xf32, #tpu.memory_space<hbm>> -> memref<512xf32, #tpu.memory_space<hbm>>
      %dma_start3A_1026 = arith.constant 9216 : i32
      %dma_start3A_1027 = tpu.memref_slice %arg8[%dma_start3A_1026] : memref<12800xf32, #tpu.memory_space<vmem>> -> memref<512xf32, #tpu.memory_space<vmem>>
      tpu.enqueue_dma source(%dma_start3A_1027 : memref<512xf32, #tpu.memory_space<vmem>>) target(%dma_start3A_1025 : memref<512xf32, #tpu.memory_space<hbm>>) target_semaphore(%arg25 : memref<!tpu.dma_semaphore, #tpu.memory_space<semaphore_mem>>)
      %add3A_1028 = arith.constant 19922944 : i32
      %add3A_1029 = arith.addi %add3A_1028, %add3A_849 : i32
      %dma_start3A_1030 = arith.constant 9728 : i32
      %dma_start3A_1031 = tpu.memref_slice %arg8[%dma_start3A_1030] : memref<12800xf32, #tpu.memory_space<vmem>> -> memref<512xf32, #tpu.memory_space<vmem>>
      %dma_start3A_1032 = tpu.memref_slice %arg3[%add3A_1029] : memref<26214400xf32, #tpu.memory_space<hbm>> -> memref<512xf32, #tpu.memory_space<hbm>>
      %dma_start3A_1033 = tpu.memref_slice %arg3[%add3A_1029] : memref<26214400xf32, #tpu.memory_space<hbm>> -> memref<512xf32, #tpu.memory_space<hbm>>
      %dma_start3A_1034 = arith.constant 9728 : i32
      %dma_start3A_1035 = tpu.memref_slice %arg8[%dma_start3A_1034] : memref<12800xf32, #tpu.memory_space<vmem>> -> memref<512xf32, #tpu.memory_space<vmem>>
      tpu.enqueue_dma source(%dma_start3A_1035 : memref<512xf32, #tpu.memory_space<vmem>>) target(%dma_start3A_1033 : memref<512xf32, #tpu.memory_space<hbm>>) target_semaphore(%arg25 : memref<!tpu.dma_semaphore, #tpu.memory_space<semaphore_mem>>)
      %add3A_1036 = arith.constant 20971520 : i32
      %add3A_1037 = arith.addi %add3A_1036, %add3A_849 : i32
      %dma_start3A_1038 = arith.constant 10240 : i32
      %dma_start3A_1039 = tpu.memref_slice %arg8[%dma_start3A_1038] : memref<12800xf32, #tpu.memory_space<vmem>> -> memref<512xf32, #tpu.memory_space<vmem>>
      %dma_start3A_1040 = tpu.memref_slice %arg3[%add3A_1037] : memref<26214400xf32, #tpu.memory_space<hbm>> -> memref<512xf32, #tpu.memory_space<hbm>>
      %dma_start3A_1041 = tpu.memref_slice %arg3[%add3A_1037] : memref<26214400xf32, #tpu.memory_space<hbm>> -> memref<512xf32, #tpu.memory_space<hbm>>
      %dma_start3A_1042 = arith.constant 10240 : i32
      %dma_start3A_1043 = tpu.memref_slice %arg8[%dma_start3A_1042] : memref<12800xf32, #tpu.memory_space<vmem>> -> memref<512xf32, #tpu.memory_space<vmem>>
      tpu.enqueue_dma source(%dma_start3A_1043 : memref<512xf32, #tpu.memory_space<vmem>>) target(%dma_start3A_1041 : memref<512xf32, #tpu.memory_space<hbm>>) target_semaphore(%arg25 : memref<!tpu.dma_semaphore, #tpu.memory_space<semaphore_mem>>)
      %add3A_1044 = arith.constant 22020096 : i32
      %add3A_1045 = arith.addi %add3A_1044, %add3A_849 : i32
      %dma_start3A_1046 = arith.constant 10752 : i32
      %dma_start3A_1047 = tpu.memref_slice %arg8[%dma_start3A_1046] : memref<12800xf32, #tpu.memory_space<vmem>> -> memref<512xf32, #tpu.memory_space<vmem>>
      %dma_start3A_1048 = tpu.memref_slice %arg3[%add3A_1045] : memref<26214400xf32, #tpu.memory_space<hbm>> -> memref<512xf32, #tpu.memory_space<hbm>>
      %dma_start3A_1049 = tpu.memref_slice %arg3[%add3A_1045] : memref<26214400xf32, #tpu.memory_space<hbm>> -> memref<512xf32, #tpu.memory_space<hbm>>
      %dma_start3A_1050 = arith.constant 10752 : i32
      %dma_start3A_1051 = tpu.memref_slice %arg8[%dma_start3A_1050] : memref<12800xf32, #tpu.memory_space<vmem>> -> memref<512xf32, #tpu.memory_space<vmem>>
      tpu.enqueue_dma source(%dma_start3A_1051 : memref<512xf32, #tpu.memory_space<vmem>>) target(%dma_start3A_1049 : memref<512xf32, #tpu.memory_space<hbm>>) target_semaphore(%arg25 : memref<!tpu.dma_semaphore, #tpu.memory_space<semaphore_mem>>)
      %add3A_1052 = arith.constant 23068672 : i32
      %add3A_1053 = arith.addi %add3A_1052, %add3A_849 : i32
      %dma_start3A_1054 = arith.constant 11264 : i32
      %dma_start3A_1055 = tpu.memref_slice %arg8[%dma_start3A_1054] : memref<12800xf32, #tpu.memory_space<vmem>> -> memref<512xf32, #tpu.memory_space<vmem>>
      %dma_start3A_1056 = tpu.memref_slice %arg3[%add3A_1053] : memref<26214400xf32, #tpu.memory_space<hbm>> -> memref<512xf32, #tpu.memory_space<hbm>>
      %dma_start3A_1057 = tpu.memref_slice %arg3[%add3A_1053] : memref<26214400xf32, #tpu.memory_space<hbm>> -> memref<512xf32, #tpu.memory_space<hbm>>
      %dma_start3A_1058 = arith.constant 11264 : i32
      %dma_start3A_1059 = tpu.memref_slice %arg8[%dma_start3A_1058] : memref<12800xf32, #tpu.memory_space<vmem>> -> memref<512xf32, #tpu.memory_space<vmem>>
      tpu.enqueue_dma source(%dma_start3A_1059 : memref<512xf32, #tpu.memory_space<vmem>>) target(%dma_start3A_1057 : memref<512xf32, #tpu.memory_space<hbm>>) target_semaphore(%arg25 : memref<!tpu.dma_semaphore, #tpu.memory_space<semaphore_mem>>)
      %add3A_1060 = arith.constant 24117248 : i32
      %add3A_1061 = arith.addi %add3A_1060, %add3A_849 : i32
      %dma_start3A_1062 = arith.constant 11776 : i32
      %dma_start3A_1063 = tpu.memref_slice %arg8[%dma_start3A_1062] : memref<12800xf32, #tpu.memory_space<vmem>> -> memref<512xf32, #tpu.memory_space<vmem>>
      %dma_start3A_1064 = tpu.memref_slice %arg3[%add3A_1061] : memref<26214400xf32, #tpu.memory_space<hbm>> -> memref<512xf32, #tpu.memory_space<hbm>>
      %dma_start3A_1065 = tpu.memref_slice %arg3[%add3A_1061] : memref<26214400xf32, #tpu.memory_space<hbm>> -> memref<512xf32, #tpu.memory_space<hbm>>
      %dma_start3A_1066 = arith.constant 11776 : i32
      %dma_start3A_1067 = tpu.memref_slice %arg8[%dma_start3A_1066] : memref<12800xf32, #tpu.memory_space<vmem>> -> memref<512xf32, #tpu.memory_space<vmem>>
      tpu.enqueue_dma source(%dma_start3A_1067 : memref<512xf32, #tpu.memory_space<vmem>>) target(%dma_start3A_1065 : memref<512xf32, #tpu.memory_space<hbm>>) target_semaphore(%arg25 : memref<!tpu.dma_semaphore, #tpu.memory_space<semaphore_mem>>)
      %add3A_1068 = arith.constant 25165824 : i32
      %add3A_1069 = arith.addi %add3A_1068, %add3A_849 : i32
      %dma_start3A_1070 = arith.constant 12288 : i32
      %dma_start3A_1071 = tpu.memref_slice %arg8[%dma_start3A_1070] : memref<12800xf32, #tpu.memory_space<vmem>> -> memref<512xf32, #tpu.memory_space<vmem>>
      %dma_start3A_1072 = tpu.memref_slice %arg3[%add3A_1069] : memref<26214400xf32, #tpu.memory_space<hbm>> -> memref<512xf32, #tpu.memory_space<hbm>>
      %dma_start3A_1073 = tpu.memref_slice %arg3[%add3A_1069] : memref<26214400xf32, #tpu.memory_space<hbm>> -> memref<512xf32, #tpu.memory_space<hbm>>
      %dma_start3A_1074 = arith.constant 12288 : i32
      %dma_start3A_1075 = tpu.memref_slice %arg8[%dma_start3A_1074] : memref<12800xf32, #tpu.memory_space<vmem>> -> memref<512xf32, #tpu.memory_space<vmem>>
      tpu.enqueue_dma source(%dma_start3A_1075 : memref<512xf32, #tpu.memory_space<vmem>>) target(%dma_start3A_1073 : memref<512xf32, #tpu.memory_space<hbm>>) target_semaphore(%arg25 : memref<!tpu.dma_semaphore, #tpu.memory_space<semaphore_mem>>)
      %mul3A_1076 = arith.constant 8 : i32
      %mul3A_1077 = arith.muli %scan3A_146, %mul3A_1076 : i32
      %add3A_1078 = arith.constant 4 : i32
      %add3A_1079 = arith.addi %mul3A_1077, %add3A_1078 : i32
      %mul3A_1080 = arith.constant 512 : i32
      %mul3A_1081 = arith.muli %add3A_1079, %mul3A_1080 : i32
      %add3A_1082 = arith.addi %mul3A_7, %mul3A_1081 : i32
      %dma_wait3A_1083 = arith.constant 4 : i32
      %dma_wait3A_1084 = arith.constant 0 : i32
      %dma_wait3A_1085 = tpu.memref_slice %arg4[%dma_wait3A_1083, %dma_wait3A_1084] : memref<8x512xi32, #tpu.memory_space<vmem>> -> memref<1x512xi32, #tpu.memory_space<vmem>>
      %dma_wait3A_1086 = tpu.memref_squeeze %dma_wait3A_1085 : memref<1x512xi32, #tpu.memory_space<vmem>> -> memref<512xi32, #tpu.memory_space<vmem>>
      %dma_wait3A_1087 = tpu.memref_slice %arg2[%add3A_1082] : memref<1048576xi32, #tpu.memory_space<hbm>> -> memref<512xi32, #tpu.memory_space<hbm>>
      %dma_wait3A_1088 = arith.constant 0 : i32
      %dma_wait3A_1089 = tpu.memref_slice %arg4[%dma_wait3A_1083, %dma_wait3A_1088] : memref<8x512xi32, #tpu.memory_space<vmem>> -> memref<1x512xi32, #tpu.memory_space<vmem>>
      %dma_wait3A_1090 = tpu.memref_squeeze %dma_wait3A_1089 : memref<1x512xi32, #tpu.memory_space<vmem>> -> memref<512xi32, #tpu.memory_space<vmem>>
      %dma_wait3A_1091 = tpu.memref_slice %arg2[%add3A_1082] : memref<1048576xi32, #tpu.memory_space<hbm>> -> memref<512xi32, #tpu.memory_space<hbm>>
      tpu.wait_dma2 semaphore(%arg18 : memref<!tpu.dma_semaphore, #tpu.memory_space<semaphore_mem>>) src(%dma_wait3A_1091 : memref<512xi32, #tpu.memory_space<hbm>>) dst(%dma_wait3A_1090 : memref<512xi32, #tpu.memory_space<vmem>>)
      %ge3A_1092 = arith.constant 1 : i32
      %ge3A_1093 = arith.cmpi sge, %scan3A_146, %ge3A_1092 : i32
      %convert_element_type3A_1094 = arith.extui %ge3A_1093 : i1 to i32
      %cond3A_1095 = arith.constant 0 : i32
      %cond3A_1096 = arith.cmpi ne, %convert_element_type3A_1094, %cond3A_1095 : i32
      scf.if %cond3A_1096 {
        %dma_wait3A_2009 = arith.constant 0 : i32
        %dma_wait3A_2010 = tpu.memref_slice %arg3[%dma_wait3A_2009] : memref<26214400xf32, #tpu.memory_space<hbm>> -> memref<12800xf32, #tpu.memory_space<hbm>>
        %dma_wait3A_2011 = arith.constant 0 : i32
        %dma_wait3A_2012 = tpu.memref_slice %arg3[%dma_wait3A_2011] : memref<26214400xf32, #tpu.memory_space<hbm>> -> memref<12800xf32, #tpu.memory_space<hbm>>
        tpu.wait_dma2 semaphore(%arg26 : memref<!tpu.dma_semaphore, #tpu.memory_space<semaphore_mem>>) src(%dma_wait3A_2012 : memref<12800xf32, #tpu.memory_space<hbm>>) dst(%arg9 : memref<12800xf32, #tpu.memory_space<vmem>>)
      } else {
      }
      %scan3A_1097 = arith.constant 0 : i32
      %scan3A_1098 = arith.constant 0 : i32
      %scan3A_1099 = arith.constant 32 : i32
      %scan3A_1100 = arith.addi %scan3A_1098, %scan3A_1099 : i32
      %scan3A_1101 = arith.constant 4 : i32
      %scan3A_1102 = scf.for %scan3A_2009 = %scan3A_1098 to %scan3A_1100 step %scan3A_1101 iter_args(%scan3A_2010 = %scan3A_1097) -> (i32)  : i32 {
        %mul3A_2011 = arith.constant 16 : i32
        %mul3A_2012 = arith.muli %scan3A_2009, %mul3A_2011 : i32
        %get3A = arith.constant 4 : i32
        %get3A_2013 = arith.index_cast %get3A : i32 to index
        %get3A_2014 = arith.index_cast %mul3A_2012 : i32 to index
        %get3A_2015 = tpu.vector_load %arg4[%get3A_2013, %get3A_2014] {strides = array<i32>} : memref<8x512xi32, #tpu.memory_space<vmem>>, vector<16xi32>,
        %get3A_2016 = arith.constant 4 : i32
        %get3A_2017 = arith.index_cast %get3A_2016 : i32 to index
        %get3A_2018 = arith.index_cast %mul3A_2012 : i32 to index
        %get3A_2019 = tpu.vector_load %arg13[%get3A_2017, %get3A_2018] {strides = array<i32>} : memref<8x512xi32, #tpu.memory_space<vmem>>, vector<16xi32>,
        tpu.vector_store_idx %arg9[%get3A_2019], %broadcast_in_dim3A_3 : memref<12800xf32, #tpu.memory_space<vmem>>[vector<16xi32>], vector<16xf32>,
        %mul3A_2020 = arith.constant 512 : i32
        %mul3A_2021 = vector.broadcast %mul3A_2020 : i32 to vector<16xi32>
        %mul3A_2022 = arith.muli %get3A_2015, %mul3A_2021 : vector<16xi32>
        %add3A_2023 = vector.broadcast %mul3A_2012 : i32 to vector<16xi32>
        %add3A_2024 = arith.addi %add3A_2023, %iota3A : vector<16xi32>
        %add3A_2025 = arith.addi %mul3A_2022, %add3A_2024 : vector<16xi32>
        %swap3A = arith.constant 4 : i32
        %swap3A_2026 = arith.index_cast %swap3A : i32 to index
        %swap3A_2027 = arith.index_cast %mul3A_2012 : i32 to index
        %swap3A_2028 = tpu.vector_load %arg13[%swap3A_2026, %swap3A_2027] {strides = array<i32>} : memref<8x512xi32, #tpu.memory_space<vmem>>, vector<16xi32>,
        tpu.vector_store %arg13[%swap3A_2026, %swap3A_2027], %add3A_2025 {strides = array<i32>} : memref<8x512xi32, #tpu.memory_space<vmem>>, vector<16xi32>,
        tpu.vector_store_idx %arg9[%add3A_2025], %broadcast_in_dim3A_5 : memref<12800xf32, #tpu.memory_space<vmem>>[vector<16xi32>], vector<16xf32>,
        %scan3A_2029 = arith.constant 0 : i32
        %scan3A_2030 = arith.constant 1 : i32
        %scan3A_2031 = arith.addi %scan3A_2009, %scan3A_2030 : i32
        %mul3A_2032 = arith.constant 16 : i32
        %mul3A_2033 = arith.muli %scan3A_2031, %mul3A_2032 : i32
        %get3A_2034 = arith.constant 4 : i32
        %get3A_2035 = arith.index_cast %get3A_2034 : i32 to index
        %get3A_2036 = arith.index_cast %mul3A_2033 : i32 to index
        %get3A_2037 = tpu.vector_load %arg4[%get3A_2035, %get3A_2036] {strides = array<i32>} : memref<8x512xi32, #tpu.memory_space<vmem>>, vector<16xi32>,
        %get3A_2038 = arith.constant 4 : i32
        %get3A_2039 = arith.index_cast %get3A_2038 : i32 to index
        %get3A_2040 = arith.index_cast %mul3A_2033 : i32 to index
        %get3A_2041 = tpu.vector_load %arg13[%get3A_2039, %get3A_2040] {strides = array<i32>} : memref<8x512xi32, #tpu.memory_space<vmem>>, vector<16xi32>,
        tpu.vector_store_idx %arg9[%get3A_2041], %broadcast_in_dim3A_3 : memref<12800xf32, #tpu.memory_space<vmem>>[vector<16xi32>], vector<16xf32>,
        %mul3A_2042 = arith.constant 512 : i32
        %mul3A_2043 = vector.broadcast %mul3A_2042 : i32 to vector<16xi32>
        %mul3A_2044 = arith.muli %get3A_2037, %mul3A_2043 : vector<16xi32>
        %add3A_2045 = vector.broadcast %mul3A_2033 : i32 to vector<16xi32>
        %add3A_2046 = arith.addi %add3A_2045, %iota3A : vector<16xi32>
        %add3A_2047 = arith.addi %mul3A_2044, %add3A_2046 : vector<16xi32>
        %swap3A_2048 = arith.constant 4 : i32
        %swap3A_2049 = arith.index_cast %swap3A_2048 : i32 to index
        %swap3A_2050 = arith.index_cast %mul3A_2033 : i32 to index
        %swap3A_2051 = tpu.vector_load %arg13[%swap3A_2049, %swap3A_2050] {strides = array<i32>} : memref<8x512xi32, #tpu.memory_space<vmem>>, vector<16xi32>,
        tpu.vector_store %arg13[%swap3A_2049, %swap3A_2050], %add3A_2047 {strides = array<i32>} : memref<8x512xi32, #tpu.memory_space<vmem>>, vector<16xi32>,
        tpu.vector_store_idx %arg9[%add3A_2047], %broadcast_in_dim3A_5 : memref<12800xf32, #tpu.memory_space<vmem>>[vector<16xi32>], vector<16xf32>,
        %scan3A_2052 = arith.constant 0 : i32
        %scan3A_2053 = arith.constant 2 : i32
        %scan3A_2054 = arith.addi %scan3A_2009, %scan3A_2053 : i32
        %mul3A_2055 = arith.constant 16 : i32
        %mul3A_2056 = arith.muli %scan3A_2054, %mul3A_2055 : i32
        %get3A_2057 = arith.constant 4 : i32
        %get3A_2058 = arith.index_cast %get3A_2057 : i32 to index
        %get3A_2059 = arith.index_cast %mul3A_2056 : i32 to index
        %get3A_2060 = tpu.vector_load %arg4[%get3A_2058, %get3A_2059] {strides = array<i32>} : memref<8x512xi32, #tpu.memory_space<vmem>>, vector<16xi32>,
        %get3A_2061 = arith.constant 4 : i32
        %get3A_2062 = arith.index_cast %get3A_2061 : i32 to index
        %get3A_2063 = arith.index_cast %mul3A_2056 : i32 to index
        %get3A_2064 = tpu.vector_load %arg13[%get3A_2062, %get3A_2063] {strides = array<i32>} : memref<8x512xi32, #tpu.memory_space<vmem>>, vector<16xi32>,
        tpu.vector_store_idx %arg9[%get3A_2064], %broadcast_in_dim3A_3 : memref<12800xf32, #tpu.memory_space<vmem>>[vector<16xi32>], vector<16xf32>,
        %mul3A_2065 = arith.constant 512 : i32
        %mul3A_2066 = vector.broadcast %mul3A_2065 : i32 to vector<16xi32>
        %mul3A_2067 = arith.muli %get3A_2060, %mul3A_2066 : vector<16xi32>
        %add3A_2068 = vector.broadcast %mul3A_2056 : i32 to vector<16xi32>
        %add3A_2069 = arith.addi %add3A_2068, %iota3A : vector<16xi32>
        %add3A_2070 = arith.addi %mul3A_2067, %add3A_2069 : vector<16xi32>
        %swap3A_2071 = arith.constant 4 : i32
        %swap3A_2072 = arith.index_cast %swap3A_2071 : i32 to index
        %swap3A_2073 = arith.index_cast %mul3A_2056 : i32 to index
        %swap3A_2074 = tpu.vector_load %arg13[%swap3A_2072, %swap3A_2073] {strides = array<i32>} : memref<8x512xi32, #tpu.memory_space<vmem>>, vector<16xi32>,
        tpu.vector_store %arg13[%swap3A_2072, %swap3A_2073], %add3A_2070 {strides = array<i32>} : memref<8x512xi32, #tpu.memory_space<vmem>>, vector<16xi32>,
        tpu.vector_store_idx %arg9[%add3A_2070], %broadcast_in_dim3A_5 : memref<12800xf32, #tpu.memory_space<vmem>>[vector<16xi32>], vector<16xf32>,
        %scan3A_2075 = arith.constant 0 : i32
        %scan3A_2076 = arith.constant 3 : i32
        %scan3A_2077 = arith.addi %scan3A_2009, %scan3A_2076 : i32
        %mul3A_2078 = arith.constant 16 : i32
        %mul3A_2079 = arith.muli %scan3A_2077, %mul3A_2078 : i32
        %get3A_2080 = arith.constant 4 : i32
        %get3A_2081 = arith.index_cast %get3A_2080 : i32 to index
        %get3A_2082 = arith.index_cast %mul3A_2079 : i32 to index
        %get3A_2083 = tpu.vector_load %arg4[%get3A_2081, %get3A_2082] {strides = array<i32>} : memref<8x512xi32, #tpu.memory_space<vmem>>, vector<16xi32>,
        %get3A_2084 = arith.constant 4 : i32
        %get3A_2085 = arith.index_cast %get3A_2084 : i32 to index
        %get3A_2086 = arith.index_cast %mul3A_2079 : i32 to index
        %get3A_2087 = tpu.vector_load %arg13[%get3A_2085, %get3A_2086] {strides = array<i32>} : memref<8x512xi32, #tpu.memory_space<vmem>>, vector<16xi32>,
        tpu.vector_store_idx %arg9[%get3A_2087], %broadcast_in_dim3A_3 : memref<12800xf32, #tpu.memory_space<vmem>>[vector<16xi32>], vector<16xf32>,
        %mul3A_2088 = arith.constant 512 : i32
        %mul3A_2089 = vector.broadcast %mul3A_2088 : i32 to vector<16xi32>
        %mul3A_2090 = arith.muli %get3A_2083, %mul3A_2089 : vector<16xi32>
        %add3A_2091 = vector.broadcast %mul3A_2079 : i32 to vector<16xi32>
        %add3A_2092 = arith.addi %add3A_2091, %iota3A : vector<16xi32>
        %add3A_2093 = arith.addi %mul3A_2090, %add3A_2092 : vector<16xi32>
        %swap3A_2094 = arith.constant 4 : i32
        %swap3A_2095 = arith.index_cast %swap3A_2094 : i32 to index
        %swap3A_2096 = arith.index_cast %mul3A_2079 : i32 to index
        %swap3A_2097 = tpu.vector_load %arg13[%swap3A_2095, %swap3A_2096] {strides = array<i32>} : memref<8x512xi32, #tpu.memory_space<vmem>>, vector<16xi32>,
        tpu.vector_store %arg13[%swap3A_2095, %swap3A_2096], %add3A_2093 {strides = array<i32>} : memref<8x512xi32, #tpu.memory_space<vmem>>, vector<16xi32>,
        tpu.vector_store_idx %arg9[%add3A_2093], %broadcast_in_dim3A_5 : memref<12800xf32, #tpu.memory_space<vmem>>[vector<16xi32>], vector<16xf32>,
        %scan3A_2098 = arith.constant 0 : i32
        scf.yield %scan3A_2098 : i32
      }
      %scan3A_1103 = arith.constant 32 : i32
      %lt3A_1104 = arith.constant 7 : i32
      %lt3A_1105 = arith.cmpi slt, %scan3A_146, %lt3A_1104 : i32
      %convert_element_type3A_1106 = arith.extui %lt3A_1105 : i1 to i32
      %cond3A_1107 = arith.constant 0 : i32
      %cond3A_1108 = arith.cmpi ne, %convert_element_type3A_1106, %cond3A_1107 : i32
      scf.if %cond3A_1108 {
        %add3A_2009 = arith.constant 4096 : i32
        %add3A_2010 = arith.addi %add3A_1082, %add3A_2009 : i32
        %dma_start3A_2011 = arith.constant 4 : i32
        %dma_start3A_2012 = arith.constant 0 : i32
        %dma_start3A_2013 = tpu.memref_slice %arg4[%dma_start3A_2011, %dma_start3A_2012] : memref<8x512xi32, #tpu.memory_space<vmem>> -> memref<1x512xi32, #tpu.memory_space<vmem>>
        %dma_start3A_2014 = tpu.memref_squeeze %dma_start3A_2013 : memref<1x512xi32, #tpu.memory_space<vmem>> -> memref<512xi32, #tpu.memory_space<vmem>>
        %dma_start3A_2015 = tpu.memref_slice %arg2[%add3A_2010] : memref<1048576xi32, #tpu.memory_space<hbm>> -> memref<512xi32, #tpu.memory_space<hbm>>
        %dma_start3A_2016 = arith.constant 0 : i32
        %dma_start3A_2017 = tpu.memref_slice %arg4[%dma_start3A_2011, %dma_start3A_2016] : memref<8x512xi32, #tpu.memory_space<vmem>> -> memref<1x512xi32, #tpu.memory_space<vmem>>
        %dma_start3A_2018 = tpu.memref_squeeze %dma_start3A_2017 : memref<1x512xi32, #tpu.memory_space<vmem>> -> memref<512xi32, #tpu.memory_space<vmem>>
        %dma_start3A_2019 = tpu.memref_slice %arg2[%add3A_2010] : memref<1048576xi32, #tpu.memory_space<hbm>> -> memref<512xi32, #tpu.memory_space<hbm>>
        tpu.enqueue_dma source(%dma_start3A_2019 : memref<512xi32, #tpu.memory_space<hbm>>) target(%dma_start3A_2018 : memref<512xi32, #tpu.memory_space<vmem>>) target_semaphore(%arg18 : memref<!tpu.dma_semaphore, #tpu.memory_space<semaphore_mem>>)
      } else {
      }
      %add3A_1109 = arith.constant 0 : i32
      %add3A_1110 = arith.addi %add3A_1109, %add3A_1082 : i32
      %dma_start3A_1111 = arith.constant 0 : i32
      %dma_start3A_1112 = tpu.memref_slice %arg9[%dma_start3A_1111] : memref<12800xf32, #tpu.memory_space<vmem>> -> memref<512xf32, #tpu.memory_space<vmem>>
      %dma_start3A_1113 = tpu.memref_slice %arg3[%add3A_1110] : memref<26214400xf32, #tpu.memory_space<hbm>> -> memref<512xf32, #tpu.memory_space<hbm>>
      %dma_start3A_1114 = tpu.memref_slice %arg3[%add3A_1110] : memref<26214400xf32, #tpu.memory_space<hbm>> -> memref<512xf32, #tpu.memory_space<hbm>>
      %dma_start3A_1115 = arith.constant 0 : i32
      %dma_start3A_1116 = tpu.memref_slice %arg9[%dma_start3A_1115] : memref<12800xf32, #tpu.memory_space<vmem>> -> memref<512xf32, #tpu.memory_space<vmem>>
      tpu.enqueue_dma source(%dma_start3A_1116 : memref<512xf32, #tpu.memory_space<vmem>>) target(%dma_start3A_1114 : memref<512xf32, #tpu.memory_space<hbm>>) target_semaphore(%arg26 : memref<!tpu.dma_semaphore, #tpu.memory_space<semaphore_mem>>)
      %add3A_1117 = arith.constant 1048576 : i32
      %add3A_1118 = arith.addi %add3A_1117, %add3A_1082 : i32
      %dma_start3A_1119 = arith.constant 512 : i32
      %dma_start3A_1120 = tpu.memref_slice %arg9[%dma_start3A_1119] : memref<12800xf32, #tpu.memory_space<vmem>> -> memref<512xf32, #tpu.memory_space<vmem>>
      %dma_start3A_1121 = tpu.memref_slice %arg3[%add3A_1118] : memref<26214400xf32, #tpu.memory_space<hbm>> -> memref<512xf32, #tpu.memory_space<hbm>>
      %dma_start3A_1122 = tpu.memref_slice %arg3[%add3A_1118] : memref<26214400xf32, #tpu.memory_space<hbm>> -> memref<512xf32, #tpu.memory_space<hbm>>
      %dma_start3A_1123 = arith.constant 512 : i32
      %dma_start3A_1124 = tpu.memref_slice %arg9[%dma_start3A_1123] : memref<12800xf32, #tpu.memory_space<vmem>> -> memref<512xf32, #tpu.memory_space<vmem>>
      tpu.enqueue_dma source(%dma_start3A_1124 : memref<512xf32, #tpu.memory_space<vmem>>) target(%dma_start3A_1122 : memref<512xf32, #tpu.memory_space<hbm>>) target_semaphore(%arg26 : memref<!tpu.dma_semaphore, #tpu.memory_space<semaphore_mem>>)
      %add3A_1125 = arith.constant 2097152 : i32
      %add3A_1126 = arith.addi %add3A_1125, %add3A_1082 : i32
      %dma_start3A_1127 = arith.constant 1024 : i32
      %dma_start3A_1128 = tpu.memref_slice %arg9[%dma_start3A_1127] : memref<12800xf32, #tpu.memory_space<vmem>> -> memref<512xf32, #tpu.memory_space<vmem>>
      %dma_start3A_1129 = tpu.memref_slice %arg3[%add3A_1126] : memref<26214400xf32, #tpu.memory_space<hbm>> -> memref<512xf32, #tpu.memory_space<hbm>>
      %dma_start3A_1130 = tpu.memref_slice %arg3[%add3A_1126] : memref<26214400xf32, #tpu.memory_space<hbm>> -> memref<512xf32, #tpu.memory_space<hbm>>
      %dma_start3A_1131 = arith.constant 1024 : i32
      %dma_start3A_1132 = tpu.memref_slice %arg9[%dma_start3A_1131] : memref<12800xf32, #tpu.memory_space<vmem>> -> memref<512xf32, #tpu.memory_space<vmem>>
      tpu.enqueue_dma source(%dma_start3A_1132 : memref<512xf32, #tpu.memory_space<vmem>>) target(%dma_start3A_1130 : memref<512xf32, #tpu.memory_space<hbm>>) target_semaphore(%arg26 : memref<!tpu.dma_semaphore, #tpu.memory_space<semaphore_mem>>)
      %add3A_1133 = arith.constant 3145728 : i32
      %add3A_1134 = arith.addi %add3A_1133, %add3A_1082 : i32
      %dma_start3A_1135 = arith.constant 1536 : i32
      %dma_start3A_1136 = tpu.memref_slice %arg9[%dma_start3A_1135] : memref<12800xf32, #tpu.memory_space<vmem>> -> memref<512xf32, #tpu.memory_space<vmem>>
      %dma_start3A_1137 = tpu.memref_slice %arg3[%add3A_1134] : memref<26214400xf32, #tpu.memory_space<hbm>> -> memref<512xf32, #tpu.memory_space<hbm>>
      %dma_start3A_1138 = tpu.memref_slice %arg3[%add3A_1134] : memref<26214400xf32, #tpu.memory_space<hbm>> -> memref<512xf32, #tpu.memory_space<hbm>>
      %dma_start3A_1139 = arith.constant 1536 : i32
      %dma_start3A_1140 = tpu.memref_slice %arg9[%dma_start3A_1139] : memref<12800xf32, #tpu.memory_space<vmem>> -> memref<512xf32, #tpu.memory_space<vmem>>
      tpu.enqueue_dma source(%dma_start3A_1140 : memref<512xf32, #tpu.memory_space<vmem>>) target(%dma_start3A_1138 : memref<512xf32, #tpu.memory_space<hbm>>) target_semaphore(%arg26 : memref<!tpu.dma_semaphore, #tpu.memory_space<semaphore_mem>>)
      %add3A_1141 = arith.constant 4194304 : i32
      %add3A_1142 = arith.addi %add3A_1141, %add3A_1082 : i32
      %dma_start3A_1143 = arith.constant 2048 : i32
      %dma_start3A_1144 = tpu.memref_slice %arg9[%dma_start3A_1143] : memref<12800xf32, #tpu.memory_space<vmem>> -> memref<512xf32, #tpu.memory_space<vmem>>
      %dma_start3A_1145 = tpu.memref_slice %arg3[%add3A_1142] : memref<26214400xf32, #tpu.memory_space<hbm>> -> memref<512xf32, #tpu.memory_space<hbm>>
      %dma_start3A_1146 = tpu.memref_slice %arg3[%add3A_1142] : memref<26214400xf32, #tpu.memory_space<hbm>> -> memref<512xf32, #tpu.memory_space<hbm>>
      %dma_start3A_1147 = arith.constant 2048 : i32
      %dma_start3A_1148 = tpu.memref_slice %arg9[%dma_start3A_1147] : memref<12800xf32, #tpu.memory_space<vmem>> -> memref<512xf32, #tpu.memory_space<vmem>>
      tpu.enqueue_dma source(%dma_start3A_1148 : memref<512xf32, #tpu.memory_space<vmem>>) target(%dma_start3A_1146 : memref<512xf32, #tpu.memory_space<hbm>>) target_semaphore(%arg26 : memref<!tpu.dma_semaphore, #tpu.memory_space<semaphore_mem>>)
      %add3A_1149 = arith.constant 5242880 : i32
      %add3A_1150 = arith.addi %add3A_1149, %add3A_1082 : i32
      %dma_start3A_1151 = arith.constant 2560 : i32
      %dma_start3A_1152 = tpu.memref_slice %arg9[%dma_start3A_1151] : memref<12800xf32, #tpu.memory_space<vmem>> -> memref<512xf32, #tpu.memory_space<vmem>>
      %dma_start3A_1153 = tpu.memref_slice %arg3[%add3A_1150] : memref<26214400xf32, #tpu.memory_space<hbm>> -> memref<512xf32, #tpu.memory_space<hbm>>
      %dma_start3A_1154 = tpu.memref_slice %arg3[%add3A_1150] : memref<26214400xf32, #tpu.memory_space<hbm>> -> memref<512xf32, #tpu.memory_space<hbm>>
      %dma_start3A_1155 = arith.constant 2560 : i32
      %dma_start3A_1156 = tpu.memref_slice %arg9[%dma_start3A_1155] : memref<12800xf32, #tpu.memory_space<vmem>> -> memref<512xf32, #tpu.memory_space<vmem>>
      tpu.enqueue_dma source(%dma_start3A_1156 : memref<512xf32, #tpu.memory_space<vmem>>) target(%dma_start3A_1154 : memref<512xf32, #tpu.memory_space<hbm>>) target_semaphore(%arg26 : memref<!tpu.dma_semaphore, #tpu.memory_space<semaphore_mem>>)
      %add3A_1157 = arith.constant 6291456 : i32
      %add3A_1158 = arith.addi %add3A_1157, %add3A_1082 : i32
      %dma_start3A_1159 = arith.constant 3072 : i32
      %dma_start3A_1160 = tpu.memref_slice %arg9[%dma_start3A_1159] : memref<12800xf32, #tpu.memory_space<vmem>> -> memref<512xf32, #tpu.memory_space<vmem>>
      %dma_start3A_1161 = tpu.memref_slice %arg3[%add3A_1158] : memref<26214400xf32, #tpu.memory_space<hbm>> -> memref<512xf32, #tpu.memory_space<hbm>>
      %dma_start3A_1162 = tpu.memref_slice %arg3[%add3A_1158] : memref<26214400xf32, #tpu.memory_space<hbm>> -> memref<512xf32, #tpu.memory_space<hbm>>
      %dma_start3A_1163 = arith.constant 3072 : i32
      %dma_start3A_1164 = tpu.memref_slice %arg9[%dma_start3A_1163] : memref<12800xf32, #tpu.memory_space<vmem>> -> memref<512xf32, #tpu.memory_space<vmem>>
      tpu.enqueue_dma source(%dma_start3A_1164 : memref<512xf32, #tpu.memory_space<vmem>>) target(%dma_start3A_1162 : memref<512xf32, #tpu.memory_space<hbm>>) target_semaphore(%arg26 : memref<!tpu.dma_semaphore, #tpu.memory_space<semaphore_mem>>)
      %add3A_1165 = arith.constant 7340032 : i32
      %add3A_1166 = arith.addi %add3A_1165, %add3A_1082 : i32
      %dma_start3A_1167 = arith.constant 3584 : i32
      %dma_start3A_1168 = tpu.memref_slice %arg9[%dma_start3A_1167] : memref<12800xf32, #tpu.memory_space<vmem>> -> memref<512xf32, #tpu.memory_space<vmem>>
      %dma_start3A_1169 = tpu.memref_slice %arg3[%add3A_1166] : memref<26214400xf32, #tpu.memory_space<hbm>> -> memref<512xf32, #tpu.memory_space<hbm>>
      %dma_start3A_1170 = tpu.memref_slice %arg3[%add3A_1166] : memref<26214400xf32, #tpu.memory_space<hbm>> -> memref<512xf32, #tpu.memory_space<hbm>>
      %dma_start3A_1171 = arith.constant 3584 : i32
      %dma_start3A_1172 = tpu.memref_slice %arg9[%dma_start3A_1171] : memref<12800xf32, #tpu.memory_space<vmem>> -> memref<512xf32, #tpu.memory_space<vmem>>
      tpu.enqueue_dma source(%dma_start3A_1172 : memref<512xf32, #tpu.memory_space<vmem>>) target(%dma_start3A_1170 : memref<512xf32, #tpu.memory_space<hbm>>) target_semaphore(%arg26 : memref<!tpu.dma_semaphore, #tpu.memory_space<semaphore_mem>>)
      %add3A_1173 = arith.constant 8388608 : i32
      %add3A_1174 = arith.addi %add3A_1173, %add3A_1082 : i32
      %dma_start3A_1175 = arith.constant 4096 : i32
      %dma_start3A_1176 = tpu.memref_slice %arg9[%dma_start3A_1175] : memref<12800xf32, #tpu.memory_space<vmem>> -> memref<512xf32, #tpu.memory_space<vmem>>
      %dma_start3A_1177 = tpu.memref_slice %arg3[%add3A_1174] : memref<26214400xf32, #tpu.memory_space<hbm>> -> memref<512xf32, #tpu.memory_space<hbm>>
      %dma_start3A_1178 = tpu.memref_slice %arg3[%add3A_1174] : memref<26214400xf32, #tpu.memory_space<hbm>> -> memref<512xf32, #tpu.memory_space<hbm>>
      %dma_start3A_1179 = arith.constant 4096 : i32
      %dma_start3A_1180 = tpu.memref_slice %arg9[%dma_start3A_1179] : memref<12800xf32, #tpu.memory_space<vmem>> -> memref<512xf32, #tpu.memory_space<vmem>>
      tpu.enqueue_dma source(%dma_start3A_1180 : memref<512xf32, #tpu.memory_space<vmem>>) target(%dma_start3A_1178 : memref<512xf32, #tpu.memory_space<hbm>>) target_semaphore(%arg26 : memref<!tpu.dma_semaphore, #tpu.memory_space<semaphore_mem>>)
      %add3A_1181 = arith.constant 9437184 : i32
      %add3A_1182 = arith.addi %add3A_1181, %add3A_1082 : i32
      %dma_start3A_1183 = arith.constant 4608 : i32
      %dma_start3A_1184 = tpu.memref_slice %arg9[%dma_start3A_1183] : memref<12800xf32, #tpu.memory_space<vmem>> -> memref<512xf32, #tpu.memory_space<vmem>>
      %dma_start3A_1185 = tpu.memref_slice %arg3[%add3A_1182] : memref<26214400xf32, #tpu.memory_space<hbm>> -> memref<512xf32, #tpu.memory_space<hbm>>
      %dma_start3A_1186 = tpu.memref_slice %arg3[%add3A_1182] : memref<26214400xf32, #tpu.memory_space<hbm>> -> memref<512xf32, #tpu.memory_space<hbm>>
      %dma_start3A_1187 = arith.constant 4608 : i32
      %dma_start3A_1188 = tpu.memref_slice %arg9[%dma_start3A_1187] : memref<12800xf32, #tpu.memory_space<vmem>> -> memref<512xf32, #tpu.memory_space<vmem>>
      tpu.enqueue_dma source(%dma_start3A_1188 : memref<512xf32, #tpu.memory_space<vmem>>) target(%dma_start3A_1186 : memref<512xf32, #tpu.memory_space<hbm>>) target_semaphore(%arg26 : memref<!tpu.dma_semaphore, #tpu.memory_space<semaphore_mem>>)
      %add3A_1189 = arith.constant 10485760 : i32
      %add3A_1190 = arith.addi %add3A_1189, %add3A_1082 : i32
      %dma_start3A_1191 = arith.constant 5120 : i32
      %dma_start3A_1192 = tpu.memref_slice %arg9[%dma_start3A_1191] : memref<12800xf32, #tpu.memory_space<vmem>> -> memref<512xf32, #tpu.memory_space<vmem>>
      %dma_start3A_1193 = tpu.memref_slice %arg3[%add3A_1190] : memref<26214400xf32, #tpu.memory_space<hbm>> -> memref<512xf32, #tpu.memory_space<hbm>>
      %dma_start3A_1194 = tpu.memref_slice %arg3[%add3A_1190] : memref<26214400xf32, #tpu.memory_space<hbm>> -> memref<512xf32, #tpu.memory_space<hbm>>
      %dma_start3A_1195 = arith.constant 5120 : i32
      %dma_start3A_1196 = tpu.memref_slice %arg9[%dma_start3A_1195] : memref<12800xf32, #tpu.memory_space<vmem>> -> memref<512xf32, #tpu.memory_space<vmem>>
      tpu.enqueue_dma source(%dma_start3A_1196 : memref<512xf32, #tpu.memory_space<vmem>>) target(%dma_start3A_1194 : memref<512xf32, #tpu.memory_space<hbm>>) target_semaphore(%arg26 : memref<!tpu.dma_semaphore, #tpu.memory_space<semaphore_mem>>)
      %add3A_1197 = arith.constant 11534336 : i32
      %add3A_1198 = arith.addi %add3A_1197, %add3A_1082 : i32
      %dma_start3A_1199 = arith.constant 5632 : i32
      %dma_start3A_1200 = tpu.memref_slice %arg9[%dma_start3A_1199] : memref<12800xf32, #tpu.memory_space<vmem>> -> memref<512xf32, #tpu.memory_space<vmem>>
      %dma_start3A_1201 = tpu.memref_slice %arg3[%add3A_1198] : memref<26214400xf32, #tpu.memory_space<hbm>> -> memref<512xf32, #tpu.memory_space<hbm>>
      %dma_start3A_1202 = tpu.memref_slice %arg3[%add3A_1198] : memref<26214400xf32, #tpu.memory_space<hbm>> -> memref<512xf32, #tpu.memory_space<hbm>>
      %dma_start3A_1203 = arith.constant 5632 : i32
      %dma_start3A_1204 = tpu.memref_slice %arg9[%dma_start3A_1203] : memref<12800xf32, #tpu.memory_space<vmem>> -> memref<512xf32, #tpu.memory_space<vmem>>
      tpu.enqueue_dma source(%dma_start3A_1204 : memref<512xf32, #tpu.memory_space<vmem>>) target(%dma_start3A_1202 : memref<512xf32, #tpu.memory_space<hbm>>) target_semaphore(%arg26 : memref<!tpu.dma_semaphore, #tpu.memory_space<semaphore_mem>>)
      %add3A_1205 = arith.constant 12582912 : i32
      %add3A_1206 = arith.addi %add3A_1205, %add3A_1082 : i32
      %dma_start3A_1207 = arith.constant 6144 : i32
      %dma_start3A_1208 = tpu.memref_slice %arg9[%dma_start3A_1207] : memref<12800xf32, #tpu.memory_space<vmem>> -> memref<512xf32, #tpu.memory_space<vmem>>
      %dma_start3A_1209 = tpu.memref_slice %arg3[%add3A_1206] : memref<26214400xf32, #tpu.memory_space<hbm>> -> memref<512xf32, #tpu.memory_space<hbm>>
      %dma_start3A_1210 = tpu.memref_slice %arg3[%add3A_1206] : memref<26214400xf32, #tpu.memory_space<hbm>> -> memref<512xf32, #tpu.memory_space<hbm>>
      %dma_start3A_1211 = arith.constant 6144 : i32
      %dma_start3A_1212 = tpu.memref_slice %arg9[%dma_start3A_1211] : memref<12800xf32, #tpu.memory_space<vmem>> -> memref<512xf32, #tpu.memory_space<vmem>>
      tpu.enqueue_dma source(%dma_start3A_1212 : memref<512xf32, #tpu.memory_space<vmem>>) target(%dma_start3A_1210 : memref<512xf32, #tpu.memory_space<hbm>>) target_semaphore(%arg26 : memref<!tpu.dma_semaphore, #tpu.memory_space<semaphore_mem>>)
      %add3A_1213 = arith.constant 13631488 : i32
      %add3A_1214 = arith.addi %add3A_1213, %add3A_1082 : i32
      %dma_start3A_1215 = arith.constant 6656 : i32
      %dma_start3A_1216 = tpu.memref_slice %arg9[%dma_start3A_1215] : memref<12800xf32, #tpu.memory_space<vmem>> -> memref<512xf32, #tpu.memory_space<vmem>>
      %dma_start3A_1217 = tpu.memref_slice %arg3[%add3A_1214] : memref<26214400xf32, #tpu.memory_space<hbm>> -> memref<512xf32, #tpu.memory_space<hbm>>
      %dma_start3A_1218 = tpu.memref_slice %arg3[%add3A_1214] : memref<26214400xf32, #tpu.memory_space<hbm>> -> memref<512xf32, #tpu.memory_space<hbm>>
      %dma_start3A_1219 = arith.constant 6656 : i32
      %dma_start3A_1220 = tpu.memref_slice %arg9[%dma_start3A_1219] : memref<12800xf32, #tpu.memory_space<vmem>> -> memref<512xf32, #tpu.memory_space<vmem>>
      tpu.enqueue_dma source(%dma_start3A_1220 : memref<512xf32, #tpu.memory_space<vmem>>) target(%dma_start3A_1218 : memref<512xf32, #tpu.memory_space<hbm>>) target_semaphore(%arg26 : memref<!tpu.dma_semaphore, #tpu.memory_space<semaphore_mem>>)
      %add3A_1221 = arith.constant 14680064 : i32
      %add3A_1222 = arith.addi %add3A_1221, %add3A_1082 : i32
      %dma_start3A_1223 = arith.constant 7168 : i32
      %dma_start3A_1224 = tpu.memref_slice %arg9[%dma_start3A_1223] : memref<12800xf32, #tpu.memory_space<vmem>> -> memref<512xf32, #tpu.memory_space<vmem>>
      %dma_start3A_1225 = tpu.memref_slice %arg3[%add3A_1222] : memref<26214400xf32, #tpu.memory_space<hbm>> -> memref<512xf32, #tpu.memory_space<hbm>>
      %dma_start3A_1226 = tpu.memref_slice %arg3[%add3A_1222] : memref<26214400xf32, #tpu.memory_space<hbm>> -> memref<512xf32, #tpu.memory_space<hbm>>
      %dma_start3A_1227 = arith.constant 7168 : i32
      %dma_start3A_1228 = tpu.memref_slice %arg9[%dma_start3A_1227] : memref<12800xf32, #tpu.memory_space<vmem>> -> memref<512xf32, #tpu.memory_space<vmem>>
      tpu.enqueue_dma source(%dma_start3A_1228 : memref<512xf32, #tpu.memory_space<vmem>>) target(%dma_start3A_1226 : memref<512xf32, #tpu.memory_space<hbm>>) target_semaphore(%arg26 : memref<!tpu.dma_semaphore, #tpu.memory_space<semaphore_mem>>)
      %add3A_1229 = arith.constant 15728640 : i32
      %add3A_1230 = arith.addi %add3A_1229, %add3A_1082 : i32
      %dma_start3A_1231 = arith.constant 7680 : i32
      %dma_start3A_1232 = tpu.memref_slice %arg9[%dma_start3A_1231] : memref<12800xf32, #tpu.memory_space<vmem>> -> memref<512xf32, #tpu.memory_space<vmem>>
      %dma_start3A_1233 = tpu.memref_slice %arg3[%add3A_1230] : memref<26214400xf32, #tpu.memory_space<hbm>> -> memref<512xf32, #tpu.memory_space<hbm>>
      %dma_start3A_1234 = tpu.memref_slice %arg3[%add3A_1230] : memref<26214400xf32, #tpu.memory_space<hbm>> -> memref<512xf32, #tpu.memory_space<hbm>>
      %dma_start3A_1235 = arith.constant 7680 : i32
      %dma_start3A_1236 = tpu.memref_slice %arg9[%dma_start3A_1235] : memref<12800xf32, #tpu.memory_space<vmem>> -> memref<512xf32, #tpu.memory_space<vmem>>
      tpu.enqueue_dma source(%dma_start3A_1236 : memref<512xf32, #tpu.memory_space<vmem>>) target(%dma_start3A_1234 : memref<512xf32, #tpu.memory_space<hbm>>) target_semaphore(%arg26 : memref<!tpu.dma_semaphore, #tpu.memory_space<semaphore_mem>>)
      %add3A_1237 = arith.constant 16777216 : i32
      %add3A_1238 = arith.addi %add3A_1237, %add3A_1082 : i32
      %dma_start3A_1239 = arith.constant 8192 : i32
      %dma_start3A_1240 = tpu.memref_slice %arg9[%dma_start3A_1239] : memref<12800xf32, #tpu.memory_space<vmem>> -> memref<512xf32, #tpu.memory_space<vmem>>
      %dma_start3A_1241 = tpu.memref_slice %arg3[%add3A_1238] : memref<26214400xf32, #tpu.memory_space<hbm>> -> memref<512xf32, #tpu.memory_space<hbm>>
      %dma_start3A_1242 = tpu.memref_slice %arg3[%add3A_1238] : memref<26214400xf32, #tpu.memory_space<hbm>> -> memref<512xf32, #tpu.memory_space<hbm>>
      %dma_start3A_1243 = arith.constant 8192 : i32
      %dma_start3A_1244 = tpu.memref_slice %arg9[%dma_start3A_1243] : memref<12800xf32, #tpu.memory_space<vmem>> -> memref<512xf32, #tpu.memory_space<vmem>>
      tpu.enqueue_dma source(%dma_start3A_1244 : memref<512xf32, #tpu.memory_space<vmem>>) target(%dma_start3A_1242 : memref<512xf32, #tpu.memory_space<hbm>>) target_semaphore(%arg26 : memref<!tpu.dma_semaphore, #tpu.memory_space<semaphore_mem>>)
      %add3A_1245 = arith.constant 17825792 : i32
      %add3A_1246 = arith.addi %add3A_1245, %add3A_1082 : i32
      %dma_start3A_1247 = arith.constant 8704 : i32
      %dma_start3A_1248 = tpu.memref_slice %arg9[%dma_start3A_1247] : memref<12800xf32, #tpu.memory_space<vmem>> -> memref<512xf32, #tpu.memory_space<vmem>>
      %dma_start3A_1249 = tpu.memref_slice %arg3[%add3A_1246] : memref<26214400xf32, #tpu.memory_space<hbm>> -> memref<512xf32, #tpu.memory_space<hbm>>
      %dma_start3A_1250 = tpu.memref_slice %arg3[%add3A_1246] : memref<26214400xf32, #tpu.memory_space<hbm>> -> memref<512xf32, #tpu.memory_space<hbm>>
      %dma_start3A_1251 = arith.constant 8704 : i32
      %dma_start3A_1252 = tpu.memref_slice %arg9[%dma_start3A_1251] : memref<12800xf32, #tpu.memory_space<vmem>> -> memref<512xf32, #tpu.memory_space<vmem>>
      tpu.enqueue_dma source(%dma_start3A_1252 : memref<512xf32, #tpu.memory_space<vmem>>) target(%dma_start3A_1250 : memref<512xf32, #tpu.memory_space<hbm>>) target_semaphore(%arg26 : memref<!tpu.dma_semaphore, #tpu.memory_space<semaphore_mem>>)
      %add3A_1253 = arith.constant 18874368 : i32
      %add3A_1254 = arith.addi %add3A_1253, %add3A_1082 : i32
      %dma_start3A_1255 = arith.constant 9216 : i32
      %dma_start3A_1256 = tpu.memref_slice %arg9[%dma_start3A_1255] : memref<12800xf32, #tpu.memory_space<vmem>> -> memref<512xf32, #tpu.memory_space<vmem>>
      %dma_start3A_1257 = tpu.memref_slice %arg3[%add3A_1254] : memref<26214400xf32, #tpu.memory_space<hbm>> -> memref<512xf32, #tpu.memory_space<hbm>>
      %dma_start3A_1258 = tpu.memref_slice %arg3[%add3A_1254] : memref<26214400xf32, #tpu.memory_space<hbm>> -> memref<512xf32, #tpu.memory_space<hbm>>
      %dma_start3A_1259 = arith.constant 9216 : i32
      %dma_start3A_1260 = tpu.memref_slice %arg9[%dma_start3A_1259] : memref<12800xf32, #tpu.memory_space<vmem>> -> memref<512xf32, #tpu.memory_space<vmem>>
      tpu.enqueue_dma source(%dma_start3A_1260 : memref<512xf32, #tpu.memory_space<vmem>>) target(%dma_start3A_1258 : memref<512xf32, #tpu.memory_space<hbm>>) target_semaphore(%arg26 : memref<!tpu.dma_semaphore, #tpu.memory_space<semaphore_mem>>)
      %add3A_1261 = arith.constant 19922944 : i32
      %add3A_1262 = arith.addi %add3A_1261, %add3A_1082 : i32
      %dma_start3A_1263 = arith.constant 9728 : i32
      %dma_start3A_1264 = tpu.memref_slice %arg9[%dma_start3A_1263] : memref<12800xf32, #tpu.memory_space<vmem>> -> memref<512xf32, #tpu.memory_space<vmem>>
      %dma_start3A_1265 = tpu.memref_slice %arg3[%add3A_1262] : memref<26214400xf32, #tpu.memory_space<hbm>> -> memref<512xf32, #tpu.memory_space<hbm>>
      %dma_start3A_1266 = tpu.memref_slice %arg3[%add3A_1262] : memref<26214400xf32, #tpu.memory_space<hbm>> -> memref<512xf32, #tpu.memory_space<hbm>>
      %dma_start3A_1267 = arith.constant 9728 : i32
      %dma_start3A_1268 = tpu.memref_slice %arg9[%dma_start3A_1267] : memref<12800xf32, #tpu.memory_space<vmem>> -> memref<512xf32, #tpu.memory_space<vmem>>
      tpu.enqueue_dma source(%dma_start3A_1268 : memref<512xf32, #tpu.memory_space<vmem>>) target(%dma_start3A_1266 : memref<512xf32, #tpu.memory_space<hbm>>) target_semaphore(%arg26 : memref<!tpu.dma_semaphore, #tpu.memory_space<semaphore_mem>>)
      %add3A_1269 = arith.constant 20971520 : i32
      %add3A_1270 = arith.addi %add3A_1269, %add3A_1082 : i32
      %dma_start3A_1271 = arith.constant 10240 : i32
      %dma_start3A_1272 = tpu.memref_slice %arg9[%dma_start3A_1271] : memref<12800xf32, #tpu.memory_space<vmem>> -> memref<512xf32, #tpu.memory_space<vmem>>
      %dma_start3A_1273 = tpu.memref_slice %arg3[%add3A_1270] : memref<26214400xf32, #tpu.memory_space<hbm>> -> memref<512xf32, #tpu.memory_space<hbm>>
      %dma_start3A_1274 = tpu.memref_slice %arg3[%add3A_1270] : memref<26214400xf32, #tpu.memory_space<hbm>> -> memref<512xf32, #tpu.memory_space<hbm>>
      %dma_start3A_1275 = arith.constant 10240 : i32
      %dma_start3A_1276 = tpu.memref_slice %arg9[%dma_start3A_1275] : memref<12800xf32, #tpu.memory_space<vmem>> -> memref<512xf32, #tpu.memory_space<vmem>>
      tpu.enqueue_dma source(%dma_start3A_1276 : memref<512xf32, #tpu.memory_space<vmem>>) target(%dma_start3A_1274 : memref<512xf32, #tpu.memory_space<hbm>>) target_semaphore(%arg26 : memref<!tpu.dma_semaphore, #tpu.memory_space<semaphore_mem>>)
      %add3A_1277 = arith.constant 22020096 : i32
      %add3A_1278 = arith.addi %add3A_1277, %add3A_1082 : i32
      %dma_start3A_1279 = arith.constant 10752 : i32
      %dma_start3A_1280 = tpu.memref_slice %arg9[%dma_start3A_1279] : memref<12800xf32, #tpu.memory_space<vmem>> -> memref<512xf32, #tpu.memory_space<vmem>>
      %dma_start3A_1281 = tpu.memref_slice %arg3[%add3A_1278] : memref<26214400xf32, #tpu.memory_space<hbm>> -> memref<512xf32, #tpu.memory_space<hbm>>
      %dma_start3A_1282 = tpu.memref_slice %arg3[%add3A_1278] : memref<26214400xf32, #tpu.memory_space<hbm>> -> memref<512xf32, #tpu.memory_space<hbm>>
      %dma_start3A_1283 = arith.constant 10752 : i32
      %dma_start3A_1284 = tpu.memref_slice %arg9[%dma_start3A_1283] : memref<12800xf32, #tpu.memory_space<vmem>> -> memref<512xf32, #tpu.memory_space<vmem>>
      tpu.enqueue_dma source(%dma_start3A_1284 : memref<512xf32, #tpu.memory_space<vmem>>) target(%dma_start3A_1282 : memref<512xf32, #tpu.memory_space<hbm>>) target_semaphore(%arg26 : memref<!tpu.dma_semaphore, #tpu.memory_space<semaphore_mem>>)
      %add3A_1285 = arith.constant 23068672 : i32
      %add3A_1286 = arith.addi %add3A_1285, %add3A_1082 : i32
      %dma_start3A_1287 = arith.constant 11264 : i32
      %dma_start3A_1288 = tpu.memref_slice %arg9[%dma_start3A_1287] : memref<12800xf32, #tpu.memory_space<vmem>> -> memref<512xf32, #tpu.memory_space<vmem>>
      %dma_start3A_1289 = tpu.memref_slice %arg3[%add3A_1286] : memref<26214400xf32, #tpu.memory_space<hbm>> -> memref<512xf32, #tpu.memory_space<hbm>>
      %dma_start3A_1290 = tpu.memref_slice %arg3[%add3A_1286] : memref<26214400xf32, #tpu.memory_space<hbm>> -> memref<512xf32, #tpu.memory_space<hbm>>
      %dma_start3A_1291 = arith.constant 11264 : i32
      %dma_start3A_1292 = tpu.memref_slice %arg9[%dma_start3A_1291] : memref<12800xf32, #tpu.memory_space<vmem>> -> memref<512xf32, #tpu.memory_space<vmem>>
      tpu.enqueue_dma source(%dma_start3A_1292 : memref<512xf32, #tpu.memory_space<vmem>>) target(%dma_start3A_1290 : memref<512xf32, #tpu.memory_space<hbm>>) target_semaphore(%arg26 : memref<!tpu.dma_semaphore, #tpu.memory_space<semaphore_mem>>)
      %add3A_1293 = arith.constant 24117248 : i32
      %add3A_1294 = arith.addi %add3A_1293, %add3A_1082 : i32
      %dma_start3A_1295 = arith.constant 11776 : i32
      %dma_start3A_1296 = tpu.memref_slice %arg9[%dma_start3A_1295] : memref<12800xf32, #tpu.memory_space<vmem>> -> memref<512xf32, #tpu.memory_space<vmem>>
      %dma_start3A_1297 = tpu.memref_slice %arg3[%add3A_1294] : memref<26214400xf32, #tpu.memory_space<hbm>> -> memref<512xf32, #tpu.memory_space<hbm>>
      %dma_start3A_1298 = tpu.memref_slice %arg3[%add3A_1294] : memref<26214400xf32, #tpu.memory_space<hbm>> -> memref<512xf32, #tpu.memory_space<hbm>>
      %dma_start3A_1299 = arith.constant 11776 : i32
      %dma_start3A_1300 = tpu.memref_slice %arg9[%dma_start3A_1299] : memref<12800xf32, #tpu.memory_space<vmem>> -> memref<512xf32, #tpu.memory_space<vmem>>
      tpu.enqueue_dma source(%dma_start3A_1300 : memref<512xf32, #tpu.memory_space<vmem>>) target(%dma_start3A_1298 : memref<512xf32, #tpu.memory_space<hbm>>) target_semaphore(%arg26 : memref<!tpu.dma_semaphore, #tpu.memory_space<semaphore_mem>>)
      %add3A_1301 = arith.constant 25165824 : i32
      %add3A_1302 = arith.addi %add3A_1301, %add3A_1082 : i32
      %dma_start3A_1303 = arith.constant 12288 : i32
      %dma_start3A_1304 = tpu.memref_slice %arg9[%dma_start3A_1303] : memref<12800xf32, #tpu.memory_space<vmem>> -> memref<512xf32, #tpu.memory_space<vmem>>
      %dma_start3A_1305 = tpu.memref_slice %arg3[%add3A_1302] : memref<26214400xf32, #tpu.memory_space<hbm>> -> memref<512xf32, #tpu.memory_space<hbm>>
      %dma_start3A_1306 = tpu.memref_slice %arg3[%add3A_1302] : memref<26214400xf32, #tpu.memory_space<hbm>> -> memref<512xf32, #tpu.memory_space<hbm>>
      %dma_start3A_1307 = arith.constant 12288 : i32
      %dma_start3A_1308 = tpu.memref_slice %arg9[%dma_start3A_1307] : memref<12800xf32, #tpu.memory_space<vmem>> -> memref<512xf32, #tpu.memory_space<vmem>>
      tpu.enqueue_dma source(%dma_start3A_1308 : memref<512xf32, #tpu.memory_space<vmem>>) target(%dma_start3A_1306 : memref<512xf32, #tpu.memory_space<hbm>>) target_semaphore(%arg26 : memref<!tpu.dma_semaphore, #tpu.memory_space<semaphore_mem>>)
      %mul3A_1309 = arith.constant 8 : i32
      %mul3A_1310 = arith.muli %scan3A_146, %mul3A_1309 : i32
      %add3A_1311 = arith.constant 5 : i32
      %add3A_1312 = arith.addi %mul3A_1310, %add3A_1311 : i32
      %mul3A_1313 = arith.constant 512 : i32
      %mul3A_1314 = arith.muli %add3A_1312, %mul3A_1313 : i32
      %add3A_1315 = arith.addi %mul3A_7, %mul3A_1314 : i32
      %dma_wait3A_1316 = arith.constant 5 : i32
      %dma_wait3A_1317 = arith.constant 0 : i32
      %dma_wait3A_1318 = tpu.memref_slice %arg4[%dma_wait3A_1316, %dma_wait3A_1317] : memref<8x512xi32, #tpu.memory_space<vmem>> -> memref<1x512xi32, #tpu.memory_space<vmem>>
      %dma_wait3A_1319 = tpu.memref_squeeze %dma_wait3A_1318 : memref<1x512xi32, #tpu.memory_space<vmem>> -> memref<512xi32, #tpu.memory_space<vmem>>
      %dma_wait3A_1320 = tpu.memref_slice %arg2[%add3A_1315] : memref<1048576xi32, #tpu.memory_space<hbm>> -> memref<512xi32, #tpu.memory_space<hbm>>
      %dma_wait3A_1321 = arith.constant 0 : i32
      %dma_wait3A_1322 = tpu.memref_slice %arg4[%dma_wait3A_1316, %dma_wait3A_1321] : memref<8x512xi32, #tpu.memory_space<vmem>> -> memref<1x512xi32, #tpu.memory_space<vmem>>
      %dma_wait3A_1323 = tpu.memref_squeeze %dma_wait3A_1322 : memref<1x512xi32, #tpu.memory_space<vmem>> -> memref<512xi32, #tpu.memory_space<vmem>>
      %dma_wait3A_1324 = tpu.memref_slice %arg2[%add3A_1315] : memref<1048576xi32, #tpu.memory_space<hbm>> -> memref<512xi32, #tpu.memory_space<hbm>>
      tpu.wait_dma2 semaphore(%arg19 : memref<!tpu.dma_semaphore, #tpu.memory_space<semaphore_mem>>) src(%dma_wait3A_1324 : memref<512xi32, #tpu.memory_space<hbm>>) dst(%dma_wait3A_1323 : memref<512xi32, #tpu.memory_space<vmem>>)
      %ge3A_1325 = arith.constant 1 : i32
      %ge3A_1326 = arith.cmpi sge, %scan3A_146, %ge3A_1325 : i32
      %convert_element_type3A_1327 = arith.extui %ge3A_1326 : i1 to i32
      %cond3A_1328 = arith.constant 0 : i32
      %cond3A_1329 = arith.cmpi ne, %convert_element_type3A_1327, %cond3A_1328 : i32
      scf.if %cond3A_1329 {
        %dma_wait3A_2009 = arith.constant 0 : i32
        %dma_wait3A_2010 = tpu.memref_slice %arg3[%dma_wait3A_2009] : memref<26214400xf32, #tpu.memory_space<hbm>> -> memref<12800xf32, #tpu.memory_space<hbm>>
        %dma_wait3A_2011 = arith.constant 0 : i32
        %dma_wait3A_2012 = tpu.memref_slice %arg3[%dma_wait3A_2011] : memref<26214400xf32, #tpu.memory_space<hbm>> -> memref<12800xf32, #tpu.memory_space<hbm>>
        tpu.wait_dma2 semaphore(%arg27 : memref<!tpu.dma_semaphore, #tpu.memory_space<semaphore_mem>>) src(%dma_wait3A_2012 : memref<12800xf32, #tpu.memory_space<hbm>>) dst(%arg10 : memref<12800xf32, #tpu.memory_space<vmem>>)
      } else {
      }
      %scan3A_1330 = arith.constant 0 : i32
      %scan3A_1331 = arith.constant 0 : i32
      %scan3A_1332 = arith.constant 32 : i32
      %scan3A_1333 = arith.addi %scan3A_1331, %scan3A_1332 : i32
      %scan3A_1334 = arith.constant 4 : i32
      %scan3A_1335 = scf.for %scan3A_2009 = %scan3A_1331 to %scan3A_1333 step %scan3A_1334 iter_args(%scan3A_2010 = %scan3A_1330) -> (i32)  : i32 {
        %mul3A_2011 = arith.constant 16 : i32
        %mul3A_2012 = arith.muli %scan3A_2009, %mul3A_2011 : i32
        %get3A = arith.constant 5 : i32
        %get3A_2013 = arith.index_cast %get3A : i32 to index
        %get3A_2014 = arith.index_cast %mul3A_2012 : i32 to index
        %get3A_2015 = tpu.vector_load %arg4[%get3A_2013, %get3A_2014] {strides = array<i32>} : memref<8x512xi32, #tpu.memory_space<vmem>>, vector<16xi32>,
        %get3A_2016 = arith.constant 5 : i32
        %get3A_2017 = arith.index_cast %get3A_2016 : i32 to index
        %get3A_2018 = arith.index_cast %mul3A_2012 : i32 to index
        %get3A_2019 = tpu.vector_load %arg13[%get3A_2017, %get3A_2018] {strides = array<i32>} : memref<8x512xi32, #tpu.memory_space<vmem>>, vector<16xi32>,
        tpu.vector_store_idx %arg10[%get3A_2019], %broadcast_in_dim3A_3 : memref<12800xf32, #tpu.memory_space<vmem>>[vector<16xi32>], vector<16xf32>,
        %mul3A_2020 = arith.constant 512 : i32
        %mul3A_2021 = vector.broadcast %mul3A_2020 : i32 to vector<16xi32>
        %mul3A_2022 = arith.muli %get3A_2015, %mul3A_2021 : vector<16xi32>
        %add3A_2023 = vector.broadcast %mul3A_2012 : i32 to vector<16xi32>
        %add3A_2024 = arith.addi %add3A_2023, %iota3A : vector<16xi32>
        %add3A_2025 = arith.addi %mul3A_2022, %add3A_2024 : vector<16xi32>
        %swap3A = arith.constant 5 : i32
        %swap3A_2026 = arith.index_cast %swap3A : i32 to index
        %swap3A_2027 = arith.index_cast %mul3A_2012 : i32 to index
        %swap3A_2028 = tpu.vector_load %arg13[%swap3A_2026, %swap3A_2027] {strides = array<i32>} : memref<8x512xi32, #tpu.memory_space<vmem>>, vector<16xi32>,
        tpu.vector_store %arg13[%swap3A_2026, %swap3A_2027], %add3A_2025 {strides = array<i32>} : memref<8x512xi32, #tpu.memory_space<vmem>>, vector<16xi32>,
        tpu.vector_store_idx %arg10[%add3A_2025], %broadcast_in_dim3A_5 : memref<12800xf32, #tpu.memory_space<vmem>>[vector<16xi32>], vector<16xf32>,
        %scan3A_2029 = arith.constant 0 : i32
        %scan3A_2030 = arith.constant 1 : i32
        %scan3A_2031 = arith.addi %scan3A_2009, %scan3A_2030 : i32
        %mul3A_2032 = arith.constant 16 : i32
        %mul3A_2033 = arith.muli %scan3A_2031, %mul3A_2032 : i32
        %get3A_2034 = arith.constant 5 : i32
        %get3A_2035 = arith.index_cast %get3A_2034 : i32 to index
        %get3A_2036 = arith.index_cast %mul3A_2033 : i32 to index
        %get3A_2037 = tpu.vector_load %arg4[%get3A_2035, %get3A_2036] {strides = array<i32>} : memref<8x512xi32, #tpu.memory_space<vmem>>, vector<16xi32>,
        %get3A_2038 = arith.constant 5 : i32
        %get3A_2039 = arith.index_cast %get3A_2038 : i32 to index
        %get3A_2040 = arith.index_cast %mul3A_2033 : i32 to index
        %get3A_2041 = tpu.vector_load %arg13[%get3A_2039, %get3A_2040] {strides = array<i32>} : memref<8x512xi32, #tpu.memory_space<vmem>>, vector<16xi32>,
        tpu.vector_store_idx %arg10[%get3A_2041], %broadcast_in_dim3A_3 : memref<12800xf32, #tpu.memory_space<vmem>>[vector<16xi32>], vector<16xf32>,
        %mul3A_2042 = arith.constant 512 : i32
        %mul3A_2043 = vector.broadcast %mul3A_2042 : i32 to vector<16xi32>
        %mul3A_2044 = arith.muli %get3A_2037, %mul3A_2043 : vector<16xi32>
        %add3A_2045 = vector.broadcast %mul3A_2033 : i32 to vector<16xi32>
        %add3A_2046 = arith.addi %add3A_2045, %iota3A : vector<16xi32>
        %add3A_2047 = arith.addi %mul3A_2044, %add3A_2046 : vector<16xi32>
        %swap3A_2048 = arith.constant 5 : i32
        %swap3A_2049 = arith.index_cast %swap3A_2048 : i32 to index
        %swap3A_2050 = arith.index_cast %mul3A_2033 : i32 to index
        %swap3A_2051 = tpu.vector_load %arg13[%swap3A_2049, %swap3A_2050] {strides = array<i32>} : memref<8x512xi32, #tpu.memory_space<vmem>>, vector<16xi32>,
        tpu.vector_store %arg13[%swap3A_2049, %swap3A_2050], %add3A_2047 {strides = array<i32>} : memref<8x512xi32, #tpu.memory_space<vmem>>, vector<16xi32>,
        tpu.vector_store_idx %arg10[%add3A_2047], %broadcast_in_dim3A_5 : memref<12800xf32, #tpu.memory_space<vmem>>[vector<16xi32>], vector<16xf32>,
        %scan3A_2052 = arith.constant 0 : i32
        %scan3A_2053 = arith.constant 2 : i32
        %scan3A_2054 = arith.addi %scan3A_2009, %scan3A_2053 : i32
        %mul3A_2055 = arith.constant 16 : i32
        %mul3A_2056 = arith.muli %scan3A_2054, %mul3A_2055 : i32
        %get3A_2057 = arith.constant 5 : i32
        %get3A_2058 = arith.index_cast %get3A_2057 : i32 to index
        %get3A_2059 = arith.index_cast %mul3A_2056 : i32 to index
        %get3A_2060 = tpu.vector_load %arg4[%get3A_2058, %get3A_2059] {strides = array<i32>} : memref<8x512xi32, #tpu.memory_space<vmem>>, vector<16xi32>,
        %get3A_2061 = arith.constant 5 : i32
        %get3A_2062 = arith.index_cast %get3A_2061 : i32 to index
        %get3A_2063 = arith.index_cast %mul3A_2056 : i32 to index
        %get3A_2064 = tpu.vector_load %arg13[%get3A_2062, %get3A_2063] {strides = array<i32>} : memref<8x512xi32, #tpu.memory_space<vmem>>, vector<16xi32>,
        tpu.vector_store_idx %arg10[%get3A_2064], %broadcast_in_dim3A_3 : memref<12800xf32, #tpu.memory_space<vmem>>[vector<16xi32>], vector<16xf32>,
        %mul3A_2065 = arith.constant 512 : i32
        %mul3A_2066 = vector.broadcast %mul3A_2065 : i32 to vector<16xi32>
        %mul3A_2067 = arith.muli %get3A_2060, %mul3A_2066 : vector<16xi32>
        %add3A_2068 = vector.broadcast %mul3A_2056 : i32 to vector<16xi32>
        %add3A_2069 = arith.addi %add3A_2068, %iota3A : vector<16xi32>
        %add3A_2070 = arith.addi %mul3A_2067, %add3A_2069 : vector<16xi32>
        %swap3A_2071 = arith.constant 5 : i32
        %swap3A_2072 = arith.index_cast %swap3A_2071 : i32 to index
        %swap3A_2073 = arith.index_cast %mul3A_2056 : i32 to index
        %swap3A_2074 = tpu.vector_load %arg13[%swap3A_2072, %swap3A_2073] {strides = array<i32>} : memref<8x512xi32, #tpu.memory_space<vmem>>, vector<16xi32>,
        tpu.vector_store %arg13[%swap3A_2072, %swap3A_2073], %add3A_2070 {strides = array<i32>} : memref<8x512xi32, #tpu.memory_space<vmem>>, vector<16xi32>,
        tpu.vector_store_idx %arg10[%add3A_2070], %broadcast_in_dim3A_5 : memref<12800xf32, #tpu.memory_space<vmem>>[vector<16xi32>], vector<16xf32>,
        %scan3A_2075 = arith.constant 0 : i32
        %scan3A_2076 = arith.constant 3 : i32
        %scan3A_2077 = arith.addi %scan3A_2009, %scan3A_2076 : i32
        %mul3A_2078 = arith.constant 16 : i32
        %mul3A_2079 = arith.muli %scan3A_2077, %mul3A_2078 : i32
        %get3A_2080 = arith.constant 5 : i32
        %get3A_2081 = arith.index_cast %get3A_2080 : i32 to index
        %get3A_2082 = arith.index_cast %mul3A_2079 : i32 to index
        %get3A_2083 = tpu.vector_load %arg4[%get3A_2081, %get3A_2082] {strides = array<i32>} : memref<8x512xi32, #tpu.memory_space<vmem>>, vector<16xi32>,
        %get3A_2084 = arith.constant 5 : i32
        %get3A_2085 = arith.index_cast %get3A_2084 : i32 to index
        %get3A_2086 = arith.index_cast %mul3A_2079 : i32 to index
        %get3A_2087 = tpu.vector_load %arg13[%get3A_2085, %get3A_2086] {strides = array<i32>} : memref<8x512xi32, #tpu.memory_space<vmem>>, vector<16xi32>,
        tpu.vector_store_idx %arg10[%get3A_2087], %broadcast_in_dim3A_3 : memref<12800xf32, #tpu.memory_space<vmem>>[vector<16xi32>], vector<16xf32>,
        %mul3A_2088 = arith.constant 512 : i32
        %mul3A_2089 = vector.broadcast %mul3A_2088 : i32 to vector<16xi32>
        %mul3A_2090 = arith.muli %get3A_2083, %mul3A_2089 : vector<16xi32>
        %add3A_2091 = vector.broadcast %mul3A_2079 : i32 to vector<16xi32>
        %add3A_2092 = arith.addi %add3A_2091, %iota3A : vector<16xi32>
        %add3A_2093 = arith.addi %mul3A_2090, %add3A_2092 : vector<16xi32>
        %swap3A_2094 = arith.constant 5 : i32
        %swap3A_2095 = arith.index_cast %swap3A_2094 : i32 to index
        %swap3A_2096 = arith.index_cast %mul3A_2079 : i32 to index
        %swap3A_2097 = tpu.vector_load %arg13[%swap3A_2095, %swap3A_2096] {strides = array<i32>} : memref<8x512xi32, #tpu.memory_space<vmem>>, vector<16xi32>,
        tpu.vector_store %arg13[%swap3A_2095, %swap3A_2096], %add3A_2093 {strides = array<i32>} : memref<8x512xi32, #tpu.memory_space<vmem>>, vector<16xi32>,
        tpu.vector_store_idx %arg10[%add3A_2093], %broadcast_in_dim3A_5 : memref<12800xf32, #tpu.memory_space<vmem>>[vector<16xi32>], vector<16xf32>,
        %scan3A_2098 = arith.constant 0 : i32
        scf.yield %scan3A_2098 : i32
      }
      %scan3A_1336 = arith.constant 32 : i32
      %lt3A_1337 = arith.constant 7 : i32
      %lt3A_1338 = arith.cmpi slt, %scan3A_146, %lt3A_1337 : i32
      %convert_element_type3A_1339 = arith.extui %lt3A_1338 : i1 to i32
      %cond3A_1340 = arith.constant 0 : i32
      %cond3A_1341 = arith.cmpi ne, %convert_element_type3A_1339, %cond3A_1340 : i32
      scf.if %cond3A_1341 {
        %add3A_2009 = arith.constant 4096 : i32
        %add3A_2010 = arith.addi %add3A_1315, %add3A_2009 : i32
        %dma_start3A_2011 = arith.constant 5 : i32
        %dma_start3A_2012 = arith.constant 0 : i32
        %dma_start3A_2013 = tpu.memref_slice %arg4[%dma_start3A_2011, %dma_start3A_2012] : memref<8x512xi32, #tpu.memory_space<vmem>> -> memref<1x512xi32, #tpu.memory_space<vmem>>
        %dma_start3A_2014 = tpu.memref_squeeze %dma_start3A_2013 : memref<1x512xi32, #tpu.memory_space<vmem>> -> memref<512xi32, #tpu.memory_space<vmem>>
        %dma_start3A_2015 = tpu.memref_slice %arg2[%add3A_2010] : memref<1048576xi32, #tpu.memory_space<hbm>> -> memref<512xi32, #tpu.memory_space<hbm>>
        %dma_start3A_2016 = arith.constant 0 : i32
        %dma_start3A_2017 = tpu.memref_slice %arg4[%dma_start3A_2011, %dma_start3A_2016] : memref<8x512xi32, #tpu.memory_space<vmem>> -> memref<1x512xi32, #tpu.memory_space<vmem>>
        %dma_start3A_2018 = tpu.memref_squeeze %dma_start3A_2017 : memref<1x512xi32, #tpu.memory_space<vmem>> -> memref<512xi32, #tpu.memory_space<vmem>>
        %dma_start3A_2019 = tpu.memref_slice %arg2[%add3A_2010] : memref<1048576xi32, #tpu.memory_space<hbm>> -> memref<512xi32, #tpu.memory_space<hbm>>
        tpu.enqueue_dma source(%dma_start3A_2019 : memref<512xi32, #tpu.memory_space<hbm>>) target(%dma_start3A_2018 : memref<512xi32, #tpu.memory_space<vmem>>) target_semaphore(%arg19 : memref<!tpu.dma_semaphore, #tpu.memory_space<semaphore_mem>>)
      } else {
      }
      %add3A_1342 = arith.constant 0 : i32
      %add3A_1343 = arith.addi %add3A_1342, %add3A_1315 : i32
      %dma_start3A_1344 = arith.constant 0 : i32
      %dma_start3A_1345 = tpu.memref_slice %arg10[%dma_start3A_1344] : memref<12800xf32, #tpu.memory_space<vmem>> -> memref<512xf32, #tpu.memory_space<vmem>>
      %dma_start3A_1346 = tpu.memref_slice %arg3[%add3A_1343] : memref<26214400xf32, #tpu.memory_space<hbm>> -> memref<512xf32, #tpu.memory_space<hbm>>
      %dma_start3A_1347 = tpu.memref_slice %arg3[%add3A_1343] : memref<26214400xf32, #tpu.memory_space<hbm>> -> memref<512xf32, #tpu.memory_space<hbm>>
      %dma_start3A_1348 = arith.constant 0 : i32
      %dma_start3A_1349 = tpu.memref_slice %arg10[%dma_start3A_1348] : memref<12800xf32, #tpu.memory_space<vmem>> -> memref<512xf32, #tpu.memory_space<vmem>>
      tpu.enqueue_dma source(%dma_start3A_1349 : memref<512xf32, #tpu.memory_space<vmem>>) target(%dma_start3A_1347 : memref<512xf32, #tpu.memory_space<hbm>>) target_semaphore(%arg27 : memref<!tpu.dma_semaphore, #tpu.memory_space<semaphore_mem>>)
      %add3A_1350 = arith.constant 1048576 : i32
      %add3A_1351 = arith.addi %add3A_1350, %add3A_1315 : i32
      %dma_start3A_1352 = arith.constant 512 : i32
      %dma_start3A_1353 = tpu.memref_slice %arg10[%dma_start3A_1352] : memref<12800xf32, #tpu.memory_space<vmem>> -> memref<512xf32, #tpu.memory_space<vmem>>
      %dma_start3A_1354 = tpu.memref_slice %arg3[%add3A_1351] : memref<26214400xf32, #tpu.memory_space<hbm>> -> memref<512xf32, #tpu.memory_space<hbm>>
      %dma_start3A_1355 = tpu.memref_slice %arg3[%add3A_1351] : memref<26214400xf32, #tpu.memory_space<hbm>> -> memref<512xf32, #tpu.memory_space<hbm>>
      %dma_start3A_1356 = arith.constant 512 : i32
      %dma_start3A_1357 = tpu.memref_slice %arg10[%dma_start3A_1356] : memref<12800xf32, #tpu.memory_space<vmem>> -> memref<512xf32, #tpu.memory_space<vmem>>
      tpu.enqueue_dma source(%dma_start3A_1357 : memref<512xf32, #tpu.memory_space<vmem>>) target(%dma_start3A_1355 : memref<512xf32, #tpu.memory_space<hbm>>) target_semaphore(%arg27 : memref<!tpu.dma_semaphore, #tpu.memory_space<semaphore_mem>>)
      %add3A_1358 = arith.constant 2097152 : i32
      %add3A_1359 = arith.addi %add3A_1358, %add3A_1315 : i32
      %dma_start3A_1360 = arith.constant 1024 : i32
      %dma_start3A_1361 = tpu.memref_slice %arg10[%dma_start3A_1360] : memref<12800xf32, #tpu.memory_space<vmem>> -> memref<512xf32, #tpu.memory_space<vmem>>
      %dma_start3A_1362 = tpu.memref_slice %arg3[%add3A_1359] : memref<26214400xf32, #tpu.memory_space<hbm>> -> memref<512xf32, #tpu.memory_space<hbm>>
      %dma_start3A_1363 = tpu.memref_slice %arg3[%add3A_1359] : memref<26214400xf32, #tpu.memory_space<hbm>> -> memref<512xf32, #tpu.memory_space<hbm>>
      %dma_start3A_1364 = arith.constant 1024 : i32
      %dma_start3A_1365 = tpu.memref_slice %arg10[%dma_start3A_1364] : memref<12800xf32, #tpu.memory_space<vmem>> -> memref<512xf32, #tpu.memory_space<vmem>>
      tpu.enqueue_dma source(%dma_start3A_1365 : memref<512xf32, #tpu.memory_space<vmem>>) target(%dma_start3A_1363 : memref<512xf32, #tpu.memory_space<hbm>>) target_semaphore(%arg27 : memref<!tpu.dma_semaphore, #tpu.memory_space<semaphore_mem>>)
      %add3A_1366 = arith.constant 3145728 : i32
      %add3A_1367 = arith.addi %add3A_1366, %add3A_1315 : i32
      %dma_start3A_1368 = arith.constant 1536 : i32
      %dma_start3A_1369 = tpu.memref_slice %arg10[%dma_start3A_1368] : memref<12800xf32, #tpu.memory_space<vmem>> -> memref<512xf32, #tpu.memory_space<vmem>>
      %dma_start3A_1370 = tpu.memref_slice %arg3[%add3A_1367] : memref<26214400xf32, #tpu.memory_space<hbm>> -> memref<512xf32, #tpu.memory_space<hbm>>
      %dma_start3A_1371 = tpu.memref_slice %arg3[%add3A_1367] : memref<26214400xf32, #tpu.memory_space<hbm>> -> memref<512xf32, #tpu.memory_space<hbm>>
      %dma_start3A_1372 = arith.constant 1536 : i32
      %dma_start3A_1373 = tpu.memref_slice %arg10[%dma_start3A_1372] : memref<12800xf32, #tpu.memory_space<vmem>> -> memref<512xf32, #tpu.memory_space<vmem>>
      tpu.enqueue_dma source(%dma_start3A_1373 : memref<512xf32, #tpu.memory_space<vmem>>) target(%dma_start3A_1371 : memref<512xf32, #tpu.memory_space<hbm>>) target_semaphore(%arg27 : memref<!tpu.dma_semaphore, #tpu.memory_space<semaphore_mem>>)
      %add3A_1374 = arith.constant 4194304 : i32
      %add3A_1375 = arith.addi %add3A_1374, %add3A_1315 : i32
      %dma_start3A_1376 = arith.constant 2048 : i32
      %dma_start3A_1377 = tpu.memref_slice %arg10[%dma_start3A_1376] : memref<12800xf32, #tpu.memory_space<vmem>> -> memref<512xf32, #tpu.memory_space<vmem>>
      %dma_start3A_1378 = tpu.memref_slice %arg3[%add3A_1375] : memref<26214400xf32, #tpu.memory_space<hbm>> -> memref<512xf32, #tpu.memory_space<hbm>>
      %dma_start3A_1379 = tpu.memref_slice %arg3[%add3A_1375] : memref<26214400xf32, #tpu.memory_space<hbm>> -> memref<512xf32, #tpu.memory_space<hbm>>
      %dma_start3A_1380 = arith.constant 2048 : i32
      %dma_start3A_1381 = tpu.memref_slice %arg10[%dma_start3A_1380] : memref<12800xf32, #tpu.memory_space<vmem>> -> memref<512xf32, #tpu.memory_space<vmem>>
      tpu.enqueue_dma source(%dma_start3A_1381 : memref<512xf32, #tpu.memory_space<vmem>>) target(%dma_start3A_1379 : memref<512xf32, #tpu.memory_space<hbm>>) target_semaphore(%arg27 : memref<!tpu.dma_semaphore, #tpu.memory_space<semaphore_mem>>)
      %add3A_1382 = arith.constant 5242880 : i32
      %add3A_1383 = arith.addi %add3A_1382, %add3A_1315 : i32
      %dma_start3A_1384 = arith.constant 2560 : i32
      %dma_start3A_1385 = tpu.memref_slice %arg10[%dma_start3A_1384] : memref<12800xf32, #tpu.memory_space<vmem>> -> memref<512xf32, #tpu.memory_space<vmem>>
      %dma_start3A_1386 = tpu.memref_slice %arg3[%add3A_1383] : memref<26214400xf32, #tpu.memory_space<hbm>> -> memref<512xf32, #tpu.memory_space<hbm>>
      %dma_start3A_1387 = tpu.memref_slice %arg3[%add3A_1383] : memref<26214400xf32, #tpu.memory_space<hbm>> -> memref<512xf32, #tpu.memory_space<hbm>>
      %dma_start3A_1388 = arith.constant 2560 : i32
      %dma_start3A_1389 = tpu.memref_slice %arg10[%dma_start3A_1388] : memref<12800xf32, #tpu.memory_space<vmem>> -> memref<512xf32, #tpu.memory_space<vmem>>
      tpu.enqueue_dma source(%dma_start3A_1389 : memref<512xf32, #tpu.memory_space<vmem>>) target(%dma_start3A_1387 : memref<512xf32, #tpu.memory_space<hbm>>) target_semaphore(%arg27 : memref<!tpu.dma_semaphore, #tpu.memory_space<semaphore_mem>>)
      %add3A_1390 = arith.constant 6291456 : i32
      %add3A_1391 = arith.addi %add3A_1390, %add3A_1315 : i32
      %dma_start3A_1392 = arith.constant 3072 : i32
      %dma_start3A_1393 = tpu.memref_slice %arg10[%dma_start3A_1392] : memref<12800xf32, #tpu.memory_space<vmem>> -> memref<512xf32, #tpu.memory_space<vmem>>
      %dma_start3A_1394 = tpu.memref_slice %arg3[%add3A_1391] : memref<26214400xf32, #tpu.memory_space<hbm>> -> memref<512xf32, #tpu.memory_space<hbm>>
      %dma_start3A_1395 = tpu.memref_slice %arg3[%add3A_1391] : memref<26214400xf32, #tpu.memory_space<hbm>> -> memref<512xf32, #tpu.memory_space<hbm>>
      %dma_start3A_1396 = arith.constant 3072 : i32
      %dma_start3A_1397 = tpu.memref_slice %arg10[%dma_start3A_1396] : memref<12800xf32, #tpu.memory_space<vmem>> -> memref<512xf32, #tpu.memory_space<vmem>>
      tpu.enqueue_dma source(%dma_start3A_1397 : memref<512xf32, #tpu.memory_space<vmem>>) target(%dma_start3A_1395 : memref<512xf32, #tpu.memory_space<hbm>>) target_semaphore(%arg27 : memref<!tpu.dma_semaphore, #tpu.memory_space<semaphore_mem>>)
      %add3A_1398 = arith.constant 7340032 : i32
      %add3A_1399 = arith.addi %add3A_1398, %add3A_1315 : i32
      %dma_start3A_1400 = arith.constant 3584 : i32
      %dma_start3A_1401 = tpu.memref_slice %arg10[%dma_start3A_1400] : memref<12800xf32, #tpu.memory_space<vmem>> -> memref<512xf32, #tpu.memory_space<vmem>>
      %dma_start3A_1402 = tpu.memref_slice %arg3[%add3A_1399] : memref<26214400xf32, #tpu.memory_space<hbm>> -> memref<512xf32, #tpu.memory_space<hbm>>
      %dma_start3A_1403 = tpu.memref_slice %arg3[%add3A_1399] : memref<26214400xf32, #tpu.memory_space<hbm>> -> memref<512xf32, #tpu.memory_space<hbm>>
      %dma_start3A_1404 = arith.constant 3584 : i32
      %dma_start3A_1405 = tpu.memref_slice %arg10[%dma_start3A_1404] : memref<12800xf32, #tpu.memory_space<vmem>> -> memref<512xf32, #tpu.memory_space<vmem>>
      tpu.enqueue_dma source(%dma_start3A_1405 : memref<512xf32, #tpu.memory_space<vmem>>) target(%dma_start3A_1403 : memref<512xf32, #tpu.memory_space<hbm>>) target_semaphore(%arg27 : memref<!tpu.dma_semaphore, #tpu.memory_space<semaphore_mem>>)
      %add3A_1406 = arith.constant 8388608 : i32
      %add3A_1407 = arith.addi %add3A_1406, %add3A_1315 : i32
      %dma_start3A_1408 = arith.constant 4096 : i32
      %dma_start3A_1409 = tpu.memref_slice %arg10[%dma_start3A_1408] : memref<12800xf32, #tpu.memory_space<vmem>> -> memref<512xf32, #tpu.memory_space<vmem>>
      %dma_start3A_1410 = tpu.memref_slice %arg3[%add3A_1407] : memref<26214400xf32, #tpu.memory_space<hbm>> -> memref<512xf32, #tpu.memory_space<hbm>>
      %dma_start3A_1411 = tpu.memref_slice %arg3[%add3A_1407] : memref<26214400xf32, #tpu.memory_space<hbm>> -> memref<512xf32, #tpu.memory_space<hbm>>
      %dma_start3A_1412 = arith.constant 4096 : i32
      %dma_start3A_1413 = tpu.memref_slice %arg10[%dma_start3A_1412] : memref<12800xf32, #tpu.memory_space<vmem>> -> memref<512xf32, #tpu.memory_space<vmem>>
      tpu.enqueue_dma source(%dma_start3A_1413 : memref<512xf32, #tpu.memory_space<vmem>>) target(%dma_start3A_1411 : memref<512xf32, #tpu.memory_space<hbm>>) target_semaphore(%arg27 : memref<!tpu.dma_semaphore, #tpu.memory_space<semaphore_mem>>)
      %add3A_1414 = arith.constant 9437184 : i32
      %add3A_1415 = arith.addi %add3A_1414, %add3A_1315 : i32
      %dma_start3A_1416 = arith.constant 4608 : i32
      %dma_start3A_1417 = tpu.memref_slice %arg10[%dma_start3A_1416] : memref<12800xf32, #tpu.memory_space<vmem>> -> memref<512xf32, #tpu.memory_space<vmem>>
      %dma_start3A_1418 = tpu.memref_slice %arg3[%add3A_1415] : memref<26214400xf32, #tpu.memory_space<hbm>> -> memref<512xf32, #tpu.memory_space<hbm>>
      %dma_start3A_1419 = tpu.memref_slice %arg3[%add3A_1415] : memref<26214400xf32, #tpu.memory_space<hbm>> -> memref<512xf32, #tpu.memory_space<hbm>>
      %dma_start3A_1420 = arith.constant 4608 : i32
      %dma_start3A_1421 = tpu.memref_slice %arg10[%dma_start3A_1420] : memref<12800xf32, #tpu.memory_space<vmem>> -> memref<512xf32, #tpu.memory_space<vmem>>
      tpu.enqueue_dma source(%dma_start3A_1421 : memref<512xf32, #tpu.memory_space<vmem>>) target(%dma_start3A_1419 : memref<512xf32, #tpu.memory_space<hbm>>) target_semaphore(%arg27 : memref<!tpu.dma_semaphore, #tpu.memory_space<semaphore_mem>>)
      %add3A_1422 = arith.constant 10485760 : i32
      %add3A_1423 = arith.addi %add3A_1422, %add3A_1315 : i32
      %dma_start3A_1424 = arith.constant 5120 : i32
      %dma_start3A_1425 = tpu.memref_slice %arg10[%dma_start3A_1424] : memref<12800xf32, #tpu.memory_space<vmem>> -> memref<512xf32, #tpu.memory_space<vmem>>
      %dma_start3A_1426 = tpu.memref_slice %arg3[%add3A_1423] : memref<26214400xf32, #tpu.memory_space<hbm>> -> memref<512xf32, #tpu.memory_space<hbm>>
      %dma_start3A_1427 = tpu.memref_slice %arg3[%add3A_1423] : memref<26214400xf32, #tpu.memory_space<hbm>> -> memref<512xf32, #tpu.memory_space<hbm>>
      %dma_start3A_1428 = arith.constant 5120 : i32
      %dma_start3A_1429 = tpu.memref_slice %arg10[%dma_start3A_1428] : memref<12800xf32, #tpu.memory_space<vmem>> -> memref<512xf32, #tpu.memory_space<vmem>>
      tpu.enqueue_dma source(%dma_start3A_1429 : memref<512xf32, #tpu.memory_space<vmem>>) target(%dma_start3A_1427 : memref<512xf32, #tpu.memory_space<hbm>>) target_semaphore(%arg27 : memref<!tpu.dma_semaphore, #tpu.memory_space<semaphore_mem>>)
      %add3A_1430 = arith.constant 11534336 : i32
      %add3A_1431 = arith.addi %add3A_1430, %add3A_1315 : i32
      %dma_start3A_1432 = arith.constant 5632 : i32
      %dma_start3A_1433 = tpu.memref_slice %arg10[%dma_start3A_1432] : memref<12800xf32, #tpu.memory_space<vmem>> -> memref<512xf32, #tpu.memory_space<vmem>>
      %dma_start3A_1434 = tpu.memref_slice %arg3[%add3A_1431] : memref<26214400xf32, #tpu.memory_space<hbm>> -> memref<512xf32, #tpu.memory_space<hbm>>
      %dma_start3A_1435 = tpu.memref_slice %arg3[%add3A_1431] : memref<26214400xf32, #tpu.memory_space<hbm>> -> memref<512xf32, #tpu.memory_space<hbm>>
      %dma_start3A_1436 = arith.constant 5632 : i32
      %dma_start3A_1437 = tpu.memref_slice %arg10[%dma_start3A_1436] : memref<12800xf32, #tpu.memory_space<vmem>> -> memref<512xf32, #tpu.memory_space<vmem>>
      tpu.enqueue_dma source(%dma_start3A_1437 : memref<512xf32, #tpu.memory_space<vmem>>) target(%dma_start3A_1435 : memref<512xf32, #tpu.memory_space<hbm>>) target_semaphore(%arg27 : memref<!tpu.dma_semaphore, #tpu.memory_space<semaphore_mem>>)
      %add3A_1438 = arith.constant 12582912 : i32
      %add3A_1439 = arith.addi %add3A_1438, %add3A_1315 : i32
      %dma_start3A_1440 = arith.constant 6144 : i32
      %dma_start3A_1441 = tpu.memref_slice %arg10[%dma_start3A_1440] : memref<12800xf32, #tpu.memory_space<vmem>> -> memref<512xf32, #tpu.memory_space<vmem>>
      %dma_start3A_1442 = tpu.memref_slice %arg3[%add3A_1439] : memref<26214400xf32, #tpu.memory_space<hbm>> -> memref<512xf32, #tpu.memory_space<hbm>>
      %dma_start3A_1443 = tpu.memref_slice %arg3[%add3A_1439] : memref<26214400xf32, #tpu.memory_space<hbm>> -> memref<512xf32, #tpu.memory_space<hbm>>
      %dma_start3A_1444 = arith.constant 6144 : i32
      %dma_start3A_1445 = tpu.memref_slice %arg10[%dma_start3A_1444] : memref<12800xf32, #tpu.memory_space<vmem>> -> memref<512xf32, #tpu.memory_space<vmem>>
      tpu.enqueue_dma source(%dma_start3A_1445 : memref<512xf32, #tpu.memory_space<vmem>>) target(%dma_start3A_1443 : memref<512xf32, #tpu.memory_space<hbm>>) target_semaphore(%arg27 : memref<!tpu.dma_semaphore, #tpu.memory_space<semaphore_mem>>)
      %add3A_1446 = arith.constant 13631488 : i32
      %add3A_1447 = arith.addi %add3A_1446, %add3A_1315 : i32
      %dma_start3A_1448 = arith.constant 6656 : i32
      %dma_start3A_1449 = tpu.memref_slice %arg10[%dma_start3A_1448] : memref<12800xf32, #tpu.memory_space<vmem>> -> memref<512xf32, #tpu.memory_space<vmem>>
      %dma_start3A_1450 = tpu.memref_slice %arg3[%add3A_1447] : memref<26214400xf32, #tpu.memory_space<hbm>> -> memref<512xf32, #tpu.memory_space<hbm>>
      %dma_start3A_1451 = tpu.memref_slice %arg3[%add3A_1447] : memref<26214400xf32, #tpu.memory_space<hbm>> -> memref<512xf32, #tpu.memory_space<hbm>>
      %dma_start3A_1452 = arith.constant 6656 : i32
      %dma_start3A_1453 = tpu.memref_slice %arg10[%dma_start3A_1452] : memref<12800xf32, #tpu.memory_space<vmem>> -> memref<512xf32, #tpu.memory_space<vmem>>
      tpu.enqueue_dma source(%dma_start3A_1453 : memref<512xf32, #tpu.memory_space<vmem>>) target(%dma_start3A_1451 : memref<512xf32, #tpu.memory_space<hbm>>) target_semaphore(%arg27 : memref<!tpu.dma_semaphore, #tpu.memory_space<semaphore_mem>>)
      %add3A_1454 = arith.constant 14680064 : i32
      %add3A_1455 = arith.addi %add3A_1454, %add3A_1315 : i32
      %dma_start3A_1456 = arith.constant 7168 : i32
      %dma_start3A_1457 = tpu.memref_slice %arg10[%dma_start3A_1456] : memref<12800xf32, #tpu.memory_space<vmem>> -> memref<512xf32, #tpu.memory_space<vmem>>
      %dma_start3A_1458 = tpu.memref_slice %arg3[%add3A_1455] : memref<26214400xf32, #tpu.memory_space<hbm>> -> memref<512xf32, #tpu.memory_space<hbm>>
      %dma_start3A_1459 = tpu.memref_slice %arg3[%add3A_1455] : memref<26214400xf32, #tpu.memory_space<hbm>> -> memref<512xf32, #tpu.memory_space<hbm>>
      %dma_start3A_1460 = arith.constant 7168 : i32
      %dma_start3A_1461 = tpu.memref_slice %arg10[%dma_start3A_1460] : memref<12800xf32, #tpu.memory_space<vmem>> -> memref<512xf32, #tpu.memory_space<vmem>>
      tpu.enqueue_dma source(%dma_start3A_1461 : memref<512xf32, #tpu.memory_space<vmem>>) target(%dma_start3A_1459 : memref<512xf32, #tpu.memory_space<hbm>>) target_semaphore(%arg27 : memref<!tpu.dma_semaphore, #tpu.memory_space<semaphore_mem>>)
      %add3A_1462 = arith.constant 15728640 : i32
      %add3A_1463 = arith.addi %add3A_1462, %add3A_1315 : i32
      %dma_start3A_1464 = arith.constant 7680 : i32
      %dma_start3A_1465 = tpu.memref_slice %arg10[%dma_start3A_1464] : memref<12800xf32, #tpu.memory_space<vmem>> -> memref<512xf32, #tpu.memory_space<vmem>>
      %dma_start3A_1466 = tpu.memref_slice %arg3[%add3A_1463] : memref<26214400xf32, #tpu.memory_space<hbm>> -> memref<512xf32, #tpu.memory_space<hbm>>
      %dma_start3A_1467 = tpu.memref_slice %arg3[%add3A_1463] : memref<26214400xf32, #tpu.memory_space<hbm>> -> memref<512xf32, #tpu.memory_space<hbm>>
      %dma_start3A_1468 = arith.constant 7680 : i32
      %dma_start3A_1469 = tpu.memref_slice %arg10[%dma_start3A_1468] : memref<12800xf32, #tpu.memory_space<vmem>> -> memref<512xf32, #tpu.memory_space<vmem>>
      tpu.enqueue_dma source(%dma_start3A_1469 : memref<512xf32, #tpu.memory_space<vmem>>) target(%dma_start3A_1467 : memref<512xf32, #tpu.memory_space<hbm>>) target_semaphore(%arg27 : memref<!tpu.dma_semaphore, #tpu.memory_space<semaphore_mem>>)
      %add3A_1470 = arith.constant 16777216 : i32
      %add3A_1471 = arith.addi %add3A_1470, %add3A_1315 : i32
      %dma_start3A_1472 = arith.constant 8192 : i32
      %dma_start3A_1473 = tpu.memref_slice %arg10[%dma_start3A_1472] : memref<12800xf32, #tpu.memory_space<vmem>> -> memref<512xf32, #tpu.memory_space<vmem>>
      %dma_start3A_1474 = tpu.memref_slice %arg3[%add3A_1471] : memref<26214400xf32, #tpu.memory_space<hbm>> -> memref<512xf32, #tpu.memory_space<hbm>>
      %dma_start3A_1475 = tpu.memref_slice %arg3[%add3A_1471] : memref<26214400xf32, #tpu.memory_space<hbm>> -> memref<512xf32, #tpu.memory_space<hbm>>
      %dma_start3A_1476 = arith.constant 8192 : i32
      %dma_start3A_1477 = tpu.memref_slice %arg10[%dma_start3A_1476] : memref<12800xf32, #tpu.memory_space<vmem>> -> memref<512xf32, #tpu.memory_space<vmem>>
      tpu.enqueue_dma source(%dma_start3A_1477 : memref<512xf32, #tpu.memory_space<vmem>>) target(%dma_start3A_1475 : memref<512xf32, #tpu.memory_space<hbm>>) target_semaphore(%arg27 : memref<!tpu.dma_semaphore, #tpu.memory_space<semaphore_mem>>)
      %add3A_1478 = arith.constant 17825792 : i32
      %add3A_1479 = arith.addi %add3A_1478, %add3A_1315 : i32
      %dma_start3A_1480 = arith.constant 8704 : i32
      %dma_start3A_1481 = tpu.memref_slice %arg10[%dma_start3A_1480] : memref<12800xf32, #tpu.memory_space<vmem>> -> memref<512xf32, #tpu.memory_space<vmem>>
      %dma_start3A_1482 = tpu.memref_slice %arg3[%add3A_1479] : memref<26214400xf32, #tpu.memory_space<hbm>> -> memref<512xf32, #tpu.memory_space<hbm>>
      %dma_start3A_1483 = tpu.memref_slice %arg3[%add3A_1479] : memref<26214400xf32, #tpu.memory_space<hbm>> -> memref<512xf32, #tpu.memory_space<hbm>>
      %dma_start3A_1484 = arith.constant 8704 : i32
      %dma_start3A_1485 = tpu.memref_slice %arg10[%dma_start3A_1484] : memref<12800xf32, #tpu.memory_space<vmem>> -> memref<512xf32, #tpu.memory_space<vmem>>
      tpu.enqueue_dma source(%dma_start3A_1485 : memref<512xf32, #tpu.memory_space<vmem>>) target(%dma_start3A_1483 : memref<512xf32, #tpu.memory_space<hbm>>) target_semaphore(%arg27 : memref<!tpu.dma_semaphore, #tpu.memory_space<semaphore_mem>>)
      %add3A_1486 = arith.constant 18874368 : i32
      %add3A_1487 = arith.addi %add3A_1486, %add3A_1315 : i32
      %dma_start3A_1488 = arith.constant 9216 : i32
      %dma_start3A_1489 = tpu.memref_slice %arg10[%dma_start3A_1488] : memref<12800xf32, #tpu.memory_space<vmem>> -> memref<512xf32, #tpu.memory_space<vmem>>
      %dma_start3A_1490 = tpu.memref_slice %arg3[%add3A_1487] : memref<26214400xf32, #tpu.memory_space<hbm>> -> memref<512xf32, #tpu.memory_space<hbm>>
      %dma_start3A_1491 = tpu.memref_slice %arg3[%add3A_1487] : memref<26214400xf32, #tpu.memory_space<hbm>> -> memref<512xf32, #tpu.memory_space<hbm>>
      %dma_start3A_1492 = arith.constant 9216 : i32
      %dma_start3A_1493 = tpu.memref_slice %arg10[%dma_start3A_1492] : memref<12800xf32, #tpu.memory_space<vmem>> -> memref<512xf32, #tpu.memory_space<vmem>>
      tpu.enqueue_dma source(%dma_start3A_1493 : memref<512xf32, #tpu.memory_space<vmem>>) target(%dma_start3A_1491 : memref<512xf32, #tpu.memory_space<hbm>>) target_semaphore(%arg27 : memref<!tpu.dma_semaphore, #tpu.memory_space<semaphore_mem>>)
      %add3A_1494 = arith.constant 19922944 : i32
      %add3A_1495 = arith.addi %add3A_1494, %add3A_1315 : i32
      %dma_start3A_1496 = arith.constant 9728 : i32
      %dma_start3A_1497 = tpu.memref_slice %arg10[%dma_start3A_1496] : memref<12800xf32, #tpu.memory_space<vmem>> -> memref<512xf32, #tpu.memory_space<vmem>>
      %dma_start3A_1498 = tpu.memref_slice %arg3[%add3A_1495] : memref<26214400xf32, #tpu.memory_space<hbm>> -> memref<512xf32, #tpu.memory_space<hbm>>
      %dma_start3A_1499 = tpu.memref_slice %arg3[%add3A_1495] : memref<26214400xf32, #tpu.memory_space<hbm>> -> memref<512xf32, #tpu.memory_space<hbm>>
      %dma_start3A_1500 = arith.constant 9728 : i32
      %dma_start3A_1501 = tpu.memref_slice %arg10[%dma_start3A_1500] : memref<12800xf32, #tpu.memory_space<vmem>> -> memref<512xf32, #tpu.memory_space<vmem>>
      tpu.enqueue_dma source(%dma_start3A_1501 : memref<512xf32, #tpu.memory_space<vmem>>) target(%dma_start3A_1499 : memref<512xf32, #tpu.memory_space<hbm>>) target_semaphore(%arg27 : memref<!tpu.dma_semaphore, #tpu.memory_space<semaphore_mem>>)
      %add3A_1502 = arith.constant 20971520 : i32
      %add3A_1503 = arith.addi %add3A_1502, %add3A_1315 : i32
      %dma_start3A_1504 = arith.constant 10240 : i32
      %dma_start3A_1505 = tpu.memref_slice %arg10[%dma_start3A_1504] : memref<12800xf32, #tpu.memory_space<vmem>> -> memref<512xf32, #tpu.memory_space<vmem>>
      %dma_start3A_1506 = tpu.memref_slice %arg3[%add3A_1503] : memref<26214400xf32, #tpu.memory_space<hbm>> -> memref<512xf32, #tpu.memory_space<hbm>>
      %dma_start3A_1507 = tpu.memref_slice %arg3[%add3A_1503] : memref<26214400xf32, #tpu.memory_space<hbm>> -> memref<512xf32, #tpu.memory_space<hbm>>
      %dma_start3A_1508 = arith.constant 10240 : i32
      %dma_start3A_1509 = tpu.memref_slice %arg10[%dma_start3A_1508] : memref<12800xf32, #tpu.memory_space<vmem>> -> memref<512xf32, #tpu.memory_space<vmem>>
      tpu.enqueue_dma source(%dma_start3A_1509 : memref<512xf32, #tpu.memory_space<vmem>>) target(%dma_start3A_1507 : memref<512xf32, #tpu.memory_space<hbm>>) target_semaphore(%arg27 : memref<!tpu.dma_semaphore, #tpu.memory_space<semaphore_mem>>)
      %add3A_1510 = arith.constant 22020096 : i32
      %add3A_1511 = arith.addi %add3A_1510, %add3A_1315 : i32
      %dma_start3A_1512 = arith.constant 10752 : i32
      %dma_start3A_1513 = tpu.memref_slice %arg10[%dma_start3A_1512] : memref<12800xf32, #tpu.memory_space<vmem>> -> memref<512xf32, #tpu.memory_space<vmem>>
      %dma_start3A_1514 = tpu.memref_slice %arg3[%add3A_1511] : memref<26214400xf32, #tpu.memory_space<hbm>> -> memref<512xf32, #tpu.memory_space<hbm>>
      %dma_start3A_1515 = tpu.memref_slice %arg3[%add3A_1511] : memref<26214400xf32, #tpu.memory_space<hbm>> -> memref<512xf32, #tpu.memory_space<hbm>>
      %dma_start3A_1516 = arith.constant 10752 : i32
      %dma_start3A_1517 = tpu.memref_slice %arg10[%dma_start3A_1516] : memref<12800xf32, #tpu.memory_space<vmem>> -> memref<512xf32, #tpu.memory_space<vmem>>
      tpu.enqueue_dma source(%dma_start3A_1517 : memref<512xf32, #tpu.memory_space<vmem>>) target(%dma_start3A_1515 : memref<512xf32, #tpu.memory_space<hbm>>) target_semaphore(%arg27 : memref<!tpu.dma_semaphore, #tpu.memory_space<semaphore_mem>>)
      %add3A_1518 = arith.constant 23068672 : i32
      %add3A_1519 = arith.addi %add3A_1518, %add3A_1315 : i32
      %dma_start3A_1520 = arith.constant 11264 : i32
      %dma_start3A_1521 = tpu.memref_slice %arg10[%dma_start3A_1520] : memref<12800xf32, #tpu.memory_space<vmem>> -> memref<512xf32, #tpu.memory_space<vmem>>
      %dma_start3A_1522 = tpu.memref_slice %arg3[%add3A_1519] : memref<26214400xf32, #tpu.memory_space<hbm>> -> memref<512xf32, #tpu.memory_space<hbm>>
      %dma_start3A_1523 = tpu.memref_slice %arg3[%add3A_1519] : memref<26214400xf32, #tpu.memory_space<hbm>> -> memref<512xf32, #tpu.memory_space<hbm>>
      %dma_start3A_1524 = arith.constant 11264 : i32
      %dma_start3A_1525 = tpu.memref_slice %arg10[%dma_start3A_1524] : memref<12800xf32, #tpu.memory_space<vmem>> -> memref<512xf32, #tpu.memory_space<vmem>>
      tpu.enqueue_dma source(%dma_start3A_1525 : memref<512xf32, #tpu.memory_space<vmem>>) target(%dma_start3A_1523 : memref<512xf32, #tpu.memory_space<hbm>>) target_semaphore(%arg27 : memref<!tpu.dma_semaphore, #tpu.memory_space<semaphore_mem>>)
      %add3A_1526 = arith.constant 24117248 : i32
      %add3A_1527 = arith.addi %add3A_1526, %add3A_1315 : i32
      %dma_start3A_1528 = arith.constant 11776 : i32
      %dma_start3A_1529 = tpu.memref_slice %arg10[%dma_start3A_1528] : memref<12800xf32, #tpu.memory_space<vmem>> -> memref<512xf32, #tpu.memory_space<vmem>>
      %dma_start3A_1530 = tpu.memref_slice %arg3[%add3A_1527] : memref<26214400xf32, #tpu.memory_space<hbm>> -> memref<512xf32, #tpu.memory_space<hbm>>
      %dma_start3A_1531 = tpu.memref_slice %arg3[%add3A_1527] : memref<26214400xf32, #tpu.memory_space<hbm>> -> memref<512xf32, #tpu.memory_space<hbm>>
      %dma_start3A_1532 = arith.constant 11776 : i32
      %dma_start3A_1533 = tpu.memref_slice %arg10[%dma_start3A_1532] : memref<12800xf32, #tpu.memory_space<vmem>> -> memref<512xf32, #tpu.memory_space<vmem>>
      tpu.enqueue_dma source(%dma_start3A_1533 : memref<512xf32, #tpu.memory_space<vmem>>) target(%dma_start3A_1531 : memref<512xf32, #tpu.memory_space<hbm>>) target_semaphore(%arg27 : memref<!tpu.dma_semaphore, #tpu.memory_space<semaphore_mem>>)
      %add3A_1534 = arith.constant 25165824 : i32
      %add3A_1535 = arith.addi %add3A_1534, %add3A_1315 : i32
      %dma_start3A_1536 = arith.constant 12288 : i32
      %dma_start3A_1537 = tpu.memref_slice %arg10[%dma_start3A_1536] : memref<12800xf32, #tpu.memory_space<vmem>> -> memref<512xf32, #tpu.memory_space<vmem>>
      %dma_start3A_1538 = tpu.memref_slice %arg3[%add3A_1535] : memref<26214400xf32, #tpu.memory_space<hbm>> -> memref<512xf32, #tpu.memory_space<hbm>>
      %dma_start3A_1539 = tpu.memref_slice %arg3[%add3A_1535] : memref<26214400xf32, #tpu.memory_space<hbm>> -> memref<512xf32, #tpu.memory_space<hbm>>
      %dma_start3A_1540 = arith.constant 12288 : i32
      %dma_start3A_1541 = tpu.memref_slice %arg10[%dma_start3A_1540] : memref<12800xf32, #tpu.memory_space<vmem>> -> memref<512xf32, #tpu.memory_space<vmem>>
      tpu.enqueue_dma source(%dma_start3A_1541 : memref<512xf32, #tpu.memory_space<vmem>>) target(%dma_start3A_1539 : memref<512xf32, #tpu.memory_space<hbm>>) target_semaphore(%arg27 : memref<!tpu.dma_semaphore, #tpu.memory_space<semaphore_mem>>)
      %mul3A_1542 = arith.constant 8 : i32
      %mul3A_1543 = arith.muli %scan3A_146, %mul3A_1542 : i32
      %add3A_1544 = arith.constant 6 : i32
      %add3A_1545 = arith.addi %mul3A_1543, %add3A_1544 : i32
      %mul3A_1546 = arith.constant 512 : i32
      %mul3A_1547 = arith.muli %add3A_1545, %mul3A_1546 : i32
      %add3A_1548 = arith.addi %mul3A_7, %mul3A_1547 : i32
      %dma_wait3A_1549 = arith.constant 6 : i32
      %dma_wait3A_1550 = arith.constant 0 : i32
      %dma_wait3A_1551 = tpu.memref_slice %arg4[%dma_wait3A_1549, %dma_wait3A_1550] : memref<8x512xi32, #tpu.memory_space<vmem>> -> memref<1x512xi32, #tpu.memory_space<vmem>>
      %dma_wait3A_1552 = tpu.memref_squeeze %dma_wait3A_1551 : memref<1x512xi32, #tpu.memory_space<vmem>> -> memref<512xi32, #tpu.memory_space<vmem>>
      %dma_wait3A_1553 = tpu.memref_slice %arg2[%add3A_1548] : memref<1048576xi32, #tpu.memory_space<hbm>> -> memref<512xi32, #tpu.memory_space<hbm>>
      %dma_wait3A_1554 = arith.constant 0 : i32
      %dma_wait3A_1555 = tpu.memref_slice %arg4[%dma_wait3A_1549, %dma_wait3A_1554] : memref<8x512xi32, #tpu.memory_space<vmem>> -> memref<1x512xi32, #tpu.memory_space<vmem>>
      %dma_wait3A_1556 = tpu.memref_squeeze %dma_wait3A_1555 : memref<1x512xi32, #tpu.memory_space<vmem>> -> memref<512xi32, #tpu.memory_space<vmem>>
      %dma_wait3A_1557 = tpu.memref_slice %arg2[%add3A_1548] : memref<1048576xi32, #tpu.memory_space<hbm>> -> memref<512xi32, #tpu.memory_space<hbm>>
      tpu.wait_dma2 semaphore(%arg20 : memref<!tpu.dma_semaphore, #tpu.memory_space<semaphore_mem>>) src(%dma_wait3A_1557 : memref<512xi32, #tpu.memory_space<hbm>>) dst(%dma_wait3A_1556 : memref<512xi32, #tpu.memory_space<vmem>>)
      %ge3A_1558 = arith.constant 1 : i32
      %ge3A_1559 = arith.cmpi sge, %scan3A_146, %ge3A_1558 : i32
      %convert_element_type3A_1560 = arith.extui %ge3A_1559 : i1 to i32
      %cond3A_1561 = arith.constant 0 : i32
      %cond3A_1562 = arith.cmpi ne, %convert_element_type3A_1560, %cond3A_1561 : i32
      scf.if %cond3A_1562 {
        %dma_wait3A_2009 = arith.constant 0 : i32
        %dma_wait3A_2010 = tpu.memref_slice %arg3[%dma_wait3A_2009] : memref<26214400xf32, #tpu.memory_space<hbm>> -> memref<12800xf32, #tpu.memory_space<hbm>>
        %dma_wait3A_2011 = arith.constant 0 : i32
        %dma_wait3A_2012 = tpu.memref_slice %arg3[%dma_wait3A_2011] : memref<26214400xf32, #tpu.memory_space<hbm>> -> memref<12800xf32, #tpu.memory_space<hbm>>
        tpu.wait_dma2 semaphore(%arg28 : memref<!tpu.dma_semaphore, #tpu.memory_space<semaphore_mem>>) src(%dma_wait3A_2012 : memref<12800xf32, #tpu.memory_space<hbm>>) dst(%arg11 : memref<12800xf32, #tpu.memory_space<vmem>>)
      } else {
      }
      %scan3A_1563 = arith.constant 0 : i32
      %scan3A_1564 = arith.constant 0 : i32
      %scan3A_1565 = arith.constant 32 : i32
      %scan3A_1566 = arith.addi %scan3A_1564, %scan3A_1565 : i32
      %scan3A_1567 = arith.constant 4 : i32
      %scan3A_1568 = scf.for %scan3A_2009 = %scan3A_1564 to %scan3A_1566 step %scan3A_1567 iter_args(%scan3A_2010 = %scan3A_1563) -> (i32)  : i32 {
        %mul3A_2011 = arith.constant 16 : i32
        %mul3A_2012 = arith.muli %scan3A_2009, %mul3A_2011 : i32
        %get3A = arith.constant 6 : i32
        %get3A_2013 = arith.index_cast %get3A : i32 to index
        %get3A_2014 = arith.index_cast %mul3A_2012 : i32 to index
        %get3A_2015 = tpu.vector_load %arg4[%get3A_2013, %get3A_2014] {strides = array<i32>} : memref<8x512xi32, #tpu.memory_space<vmem>>, vector<16xi32>,
        %get3A_2016 = arith.constant 6 : i32
        %get3A_2017 = arith.index_cast %get3A_2016 : i32 to index
        %get3A_2018 = arith.index_cast %mul3A_2012 : i32 to index
        %get3A_2019 = tpu.vector_load %arg13[%get3A_2017, %get3A_2018] {strides = array<i32>} : memref<8x512xi32, #tpu.memory_space<vmem>>, vector<16xi32>,
        tpu.vector_store_idx %arg11[%get3A_2019], %broadcast_in_dim3A_3 : memref<12800xf32, #tpu.memory_space<vmem>>[vector<16xi32>], vector<16xf32>,
        %mul3A_2020 = arith.constant 512 : i32
        %mul3A_2021 = vector.broadcast %mul3A_2020 : i32 to vector<16xi32>
        %mul3A_2022 = arith.muli %get3A_2015, %mul3A_2021 : vector<16xi32>
        %add3A_2023 = vector.broadcast %mul3A_2012 : i32 to vector<16xi32>
        %add3A_2024 = arith.addi %add3A_2023, %iota3A : vector<16xi32>
        %add3A_2025 = arith.addi %mul3A_2022, %add3A_2024 : vector<16xi32>
        %swap3A = arith.constant 6 : i32
        %swap3A_2026 = arith.index_cast %swap3A : i32 to index
        %swap3A_2027 = arith.index_cast %mul3A_2012 : i32 to index
        %swap3A_2028 = tpu.vector_load %arg13[%swap3A_2026, %swap3A_2027] {strides = array<i32>} : memref<8x512xi32, #tpu.memory_space<vmem>>, vector<16xi32>,
        tpu.vector_store %arg13[%swap3A_2026, %swap3A_2027], %add3A_2025 {strides = array<i32>} : memref<8x512xi32, #tpu.memory_space<vmem>>, vector<16xi32>,
        tpu.vector_store_idx %arg11[%add3A_2025], %broadcast_in_dim3A_5 : memref<12800xf32, #tpu.memory_space<vmem>>[vector<16xi32>], vector<16xf32>,
        %scan3A_2029 = arith.constant 0 : i32
        %scan3A_2030 = arith.constant 1 : i32
        %scan3A_2031 = arith.addi %scan3A_2009, %scan3A_2030 : i32
        %mul3A_2032 = arith.constant 16 : i32
        %mul3A_2033 = arith.muli %scan3A_2031, %mul3A_2032 : i32
        %get3A_2034 = arith.constant 6 : i32
        %get3A_2035 = arith.index_cast %get3A_2034 : i32 to index
        %get3A_2036 = arith.index_cast %mul3A_2033 : i32 to index
        %get3A_2037 = tpu.vector_load %arg4[%get3A_2035, %get3A_2036] {strides = array<i32>} : memref<8x512xi32, #tpu.memory_space<vmem>>, vector<16xi32>,
        %get3A_2038 = arith.constant 6 : i32
        %get3A_2039 = arith.index_cast %get3A_2038 : i32 to index
        %get3A_2040 = arith.index_cast %mul3A_2033 : i32 to index
        %get3A_2041 = tpu.vector_load %arg13[%get3A_2039, %get3A_2040] {strides = array<i32>} : memref<8x512xi32, #tpu.memory_space<vmem>>, vector<16xi32>,
        tpu.vector_store_idx %arg11[%get3A_2041], %broadcast_in_dim3A_3 : memref<12800xf32, #tpu.memory_space<vmem>>[vector<16xi32>], vector<16xf32>,
        %mul3A_2042 = arith.constant 512 : i32
        %mul3A_2043 = vector.broadcast %mul3A_2042 : i32 to vector<16xi32>
        %mul3A_2044 = arith.muli %get3A_2037, %mul3A_2043 : vector<16xi32>
        %add3A_2045 = vector.broadcast %mul3A_2033 : i32 to vector<16xi32>
        %add3A_2046 = arith.addi %add3A_2045, %iota3A : vector<16xi32>
        %add3A_2047 = arith.addi %mul3A_2044, %add3A_2046 : vector<16xi32>
        %swap3A_2048 = arith.constant 6 : i32
        %swap3A_2049 = arith.index_cast %swap3A_2048 : i32 to index
        %swap3A_2050 = arith.index_cast %mul3A_2033 : i32 to index
        %swap3A_2051 = tpu.vector_load %arg13[%swap3A_2049, %swap3A_2050] {strides = array<i32>} : memref<8x512xi32, #tpu.memory_space<vmem>>, vector<16xi32>,
        tpu.vector_store %arg13[%swap3A_2049, %swap3A_2050], %add3A_2047 {strides = array<i32>} : memref<8x512xi32, #tpu.memory_space<vmem>>, vector<16xi32>,
        tpu.vector_store_idx %arg11[%add3A_2047], %broadcast_in_dim3A_5 : memref<12800xf32, #tpu.memory_space<vmem>>[vector<16xi32>], vector<16xf32>,
        %scan3A_2052 = arith.constant 0 : i32
        %scan3A_2053 = arith.constant 2 : i32
        %scan3A_2054 = arith.addi %scan3A_2009, %scan3A_2053 : i32
        %mul3A_2055 = arith.constant 16 : i32
        %mul3A_2056 = arith.muli %scan3A_2054, %mul3A_2055 : i32
        %get3A_2057 = arith.constant 6 : i32
        %get3A_2058 = arith.index_cast %get3A_2057 : i32 to index
        %get3A_2059 = arith.index_cast %mul3A_2056 : i32 to index
        %get3A_2060 = tpu.vector_load %arg4[%get3A_2058, %get3A_2059] {strides = array<i32>} : memref<8x512xi32, #tpu.memory_space<vmem>>, vector<16xi32>,
        %get3A_2061 = arith.constant 6 : i32
        %get3A_2062 = arith.index_cast %get3A_2061 : i32 to index
        %get3A_2063 = arith.index_cast %mul3A_2056 : i32 to index
        %get3A_2064 = tpu.vector_load %arg13[%get3A_2062, %get3A_2063] {strides = array<i32>} : memref<8x512xi32, #tpu.memory_space<vmem>>, vector<16xi32>,
        tpu.vector_store_idx %arg11[%get3A_2064], %broadcast_in_dim3A_3 : memref<12800xf32, #tpu.memory_space<vmem>>[vector<16xi32>], vector<16xf32>,
        %mul3A_2065 = arith.constant 512 : i32
        %mul3A_2066 = vector.broadcast %mul3A_2065 : i32 to vector<16xi32>
        %mul3A_2067 = arith.muli %get3A_2060, %mul3A_2066 : vector<16xi32>
        %add3A_2068 = vector.broadcast %mul3A_2056 : i32 to vector<16xi32>
        %add3A_2069 = arith.addi %add3A_2068, %iota3A : vector<16xi32>
        %add3A_2070 = arith.addi %mul3A_2067, %add3A_2069 : vector<16xi32>
        %swap3A_2071 = arith.constant 6 : i32
        %swap3A_2072 = arith.index_cast %swap3A_2071 : i32 to index
        %swap3A_2073 = arith.index_cast %mul3A_2056 : i32 to index
        %swap3A_2074 = tpu.vector_load %arg13[%swap3A_2072, %swap3A_2073] {strides = array<i32>} : memref<8x512xi32, #tpu.memory_space<vmem>>, vector<16xi32>,
        tpu.vector_store %arg13[%swap3A_2072, %swap3A_2073], %add3A_2070 {strides = array<i32>} : memref<8x512xi32, #tpu.memory_space<vmem>>, vector<16xi32>,
        tpu.vector_store_idx %arg11[%add3A_2070], %broadcast_in_dim3A_5 : memref<12800xf32, #tpu.memory_space<vmem>>[vector<16xi32>], vector<16xf32>,
        %scan3A_2075 = arith.constant 0 : i32
        %scan3A_2076 = arith.constant 3 : i32
        %scan3A_2077 = arith.addi %scan3A_2009, %scan3A_2076 : i32
        %mul3A_2078 = arith.constant 16 : i32
        %mul3A_2079 = arith.muli %scan3A_2077, %mul3A_2078 : i32
        %get3A_2080 = arith.constant 6 : i32
        %get3A_2081 = arith.index_cast %get3A_2080 : i32 to index
        %get3A_2082 = arith.index_cast %mul3A_2079 : i32 to index
        %get3A_2083 = tpu.vector_load %arg4[%get3A_2081, %get3A_2082] {strides = array<i32>} : memref<8x512xi32, #tpu.memory_space<vmem>>, vector<16xi32>,
        %get3A_2084 = arith.constant 6 : i32
        %get3A_2085 = arith.index_cast %get3A_2084 : i32 to index
        %get3A_2086 = arith.index_cast %mul3A_2079 : i32 to index
        %get3A_2087 = tpu.vector_load %arg13[%get3A_2085, %get3A_2086] {strides = array<i32>} : memref<8x512xi32, #tpu.memory_space<vmem>>, vector<16xi32>,
        tpu.vector_store_idx %arg11[%get3A_2087], %broadcast_in_dim3A_3 : memref<12800xf32, #tpu.memory_space<vmem>>[vector<16xi32>], vector<16xf32>,
        %mul3A_2088 = arith.constant 512 : i32
        %mul3A_2089 = vector.broadcast %mul3A_2088 : i32 to vector<16xi32>
        %mul3A_2090 = arith.muli %get3A_2083, %mul3A_2089 : vector<16xi32>
        %add3A_2091 = vector.broadcast %mul3A_2079 : i32 to vector<16xi32>
        %add3A_2092 = arith.addi %add3A_2091, %iota3A : vector<16xi32>
        %add3A_2093 = arith.addi %mul3A_2090, %add3A_2092 : vector<16xi32>
        %swap3A_2094 = arith.constant 6 : i32
        %swap3A_2095 = arith.index_cast %swap3A_2094 : i32 to index
        %swap3A_2096 = arith.index_cast %mul3A_2079 : i32 to index
        %swap3A_2097 = tpu.vector_load %arg13[%swap3A_2095, %swap3A_2096] {strides = array<i32>} : memref<8x512xi32, #tpu.memory_space<vmem>>, vector<16xi32>,
        tpu.vector_store %arg13[%swap3A_2095, %swap3A_2096], %add3A_2093 {strides = array<i32>} : memref<8x512xi32, #tpu.memory_space<vmem>>, vector<16xi32>,
        tpu.vector_store_idx %arg11[%add3A_2093], %broadcast_in_dim3A_5 : memref<12800xf32, #tpu.memory_space<vmem>>[vector<16xi32>], vector<16xf32>,
        %scan3A_2098 = arith.constant 0 : i32
        scf.yield %scan3A_2098 : i32
      }
      %scan3A_1569 = arith.constant 32 : i32
      %lt3A_1570 = arith.constant 7 : i32
      %lt3A_1571 = arith.cmpi slt, %scan3A_146, %lt3A_1570 : i32
      %convert_element_type3A_1572 = arith.extui %lt3A_1571 : i1 to i32
      %cond3A_1573 = arith.constant 0 : i32
      %cond3A_1574 = arith.cmpi ne, %convert_element_type3A_1572, %cond3A_1573 : i32
      scf.if %cond3A_1574 {
        %add3A_2009 = arith.constant 4096 : i32
        %add3A_2010 = arith.addi %add3A_1548, %add3A_2009 : i32
        %dma_start3A_2011 = arith.constant 6 : i32
        %dma_start3A_2012 = arith.constant 0 : i32
        %dma_start3A_2013 = tpu.memref_slice %arg4[%dma_start3A_2011, %dma_start3A_2012] : memref<8x512xi32, #tpu.memory_space<vmem>> -> memref<1x512xi32, #tpu.memory_space<vmem>>
        %dma_start3A_2014 = tpu.memref_squeeze %dma_start3A_2013 : memref<1x512xi32, #tpu.memory_space<vmem>> -> memref<512xi32, #tpu.memory_space<vmem>>
        %dma_start3A_2015 = tpu.memref_slice %arg2[%add3A_2010] : memref<1048576xi32, #tpu.memory_space<hbm>> -> memref<512xi32, #tpu.memory_space<hbm>>
        %dma_start3A_2016 = arith.constant 0 : i32
        %dma_start3A_2017 = tpu.memref_slice %arg4[%dma_start3A_2011, %dma_start3A_2016] : memref<8x512xi32, #tpu.memory_space<vmem>> -> memref<1x512xi32, #tpu.memory_space<vmem>>
        %dma_start3A_2018 = tpu.memref_squeeze %dma_start3A_2017 : memref<1x512xi32, #tpu.memory_space<vmem>> -> memref<512xi32, #tpu.memory_space<vmem>>
        %dma_start3A_2019 = tpu.memref_slice %arg2[%add3A_2010] : memref<1048576xi32, #tpu.memory_space<hbm>> -> memref<512xi32, #tpu.memory_space<hbm>>
        tpu.enqueue_dma source(%dma_start3A_2019 : memref<512xi32, #tpu.memory_space<hbm>>) target(%dma_start3A_2018 : memref<512xi32, #tpu.memory_space<vmem>>) target_semaphore(%arg20 : memref<!tpu.dma_semaphore, #tpu.memory_space<semaphore_mem>>)
      } else {
      }
      %add3A_1575 = arith.constant 0 : i32
      %add3A_1576 = arith.addi %add3A_1575, %add3A_1548 : i32
      %dma_start3A_1577 = arith.constant 0 : i32
      %dma_start3A_1578 = tpu.memref_slice %arg11[%dma_start3A_1577] : memref<12800xf32, #tpu.memory_space<vmem>> -> memref<512xf32, #tpu.memory_space<vmem>>
      %dma_start3A_1579 = tpu.memref_slice %arg3[%add3A_1576] : memref<26214400xf32, #tpu.memory_space<hbm>> -> memref<512xf32, #tpu.memory_space<hbm>>
      %dma_start3A_1580 = tpu.memref_slice %arg3[%add3A_1576] : memref<26214400xf32, #tpu.memory_space<hbm>> -> memref<512xf32, #tpu.memory_space<hbm>>
      %dma_start3A_1581 = arith.constant 0 : i32
      %dma_start3A_1582 = tpu.memref_slice %arg11[%dma_start3A_1581] : memref<12800xf32, #tpu.memory_space<vmem>> -> memref<512xf32, #tpu.memory_space<vmem>>
      tpu.enqueue_dma source(%dma_start3A_1582 : memref<512xf32, #tpu.memory_space<vmem>>) target(%dma_start3A_1580 : memref<512xf32, #tpu.memory_space<hbm>>) target_semaphore(%arg28 : memref<!tpu.dma_semaphore, #tpu.memory_space<semaphore_mem>>)
      %add3A_1583 = arith.constant 1048576 : i32
      %add3A_1584 = arith.addi %add3A_1583, %add3A_1548 : i32
      %dma_start3A_1585 = arith.constant 512 : i32
      %dma_start3A_1586 = tpu.memref_slice %arg11[%dma_start3A_1585] : memref<12800xf32, #tpu.memory_space<vmem>> -> memref<512xf32, #tpu.memory_space<vmem>>
      %dma_start3A_1587 = tpu.memref_slice %arg3[%add3A_1584] : memref<26214400xf32, #tpu.memory_space<hbm>> -> memref<512xf32, #tpu.memory_space<hbm>>
      %dma_start3A_1588 = tpu.memref_slice %arg3[%add3A_1584] : memref<26214400xf32, #tpu.memory_space<hbm>> -> memref<512xf32, #tpu.memory_space<hbm>>
      %dma_start3A_1589 = arith.constant 512 : i32
      %dma_start3A_1590 = tpu.memref_slice %arg11[%dma_start3A_1589] : memref<12800xf32, #tpu.memory_space<vmem>> -> memref<512xf32, #tpu.memory_space<vmem>>
      tpu.enqueue_dma source(%dma_start3A_1590 : memref<512xf32, #tpu.memory_space<vmem>>) target(%dma_start3A_1588 : memref<512xf32, #tpu.memory_space<hbm>>) target_semaphore(%arg28 : memref<!tpu.dma_semaphore, #tpu.memory_space<semaphore_mem>>)
      %add3A_1591 = arith.constant 2097152 : i32
      %add3A_1592 = arith.addi %add3A_1591, %add3A_1548 : i32
      %dma_start3A_1593 = arith.constant 1024 : i32
      %dma_start3A_1594 = tpu.memref_slice %arg11[%dma_start3A_1593] : memref<12800xf32, #tpu.memory_space<vmem>> -> memref<512xf32, #tpu.memory_space<vmem>>
      %dma_start3A_1595 = tpu.memref_slice %arg3[%add3A_1592] : memref<26214400xf32, #tpu.memory_space<hbm>> -> memref<512xf32, #tpu.memory_space<hbm>>
      %dma_start3A_1596 = tpu.memref_slice %arg3[%add3A_1592] : memref<26214400xf32, #tpu.memory_space<hbm>> -> memref<512xf32, #tpu.memory_space<hbm>>
      %dma_start3A_1597 = arith.constant 1024 : i32
      %dma_start3A_1598 = tpu.memref_slice %arg11[%dma_start3A_1597] : memref<12800xf32, #tpu.memory_space<vmem>> -> memref<512xf32, #tpu.memory_space<vmem>>
      tpu.enqueue_dma source(%dma_start3A_1598 : memref<512xf32, #tpu.memory_space<vmem>>) target(%dma_start3A_1596 : memref<512xf32, #tpu.memory_space<hbm>>) target_semaphore(%arg28 : memref<!tpu.dma_semaphore, #tpu.memory_space<semaphore_mem>>)
      %add3A_1599 = arith.constant 3145728 : i32
      %add3A_1600 = arith.addi %add3A_1599, %add3A_1548 : i32
      %dma_start3A_1601 = arith.constant 1536 : i32
      %dma_start3A_1602 = tpu.memref_slice %arg11[%dma_start3A_1601] : memref<12800xf32, #tpu.memory_space<vmem>> -> memref<512xf32, #tpu.memory_space<vmem>>
      %dma_start3A_1603 = tpu.memref_slice %arg3[%add3A_1600] : memref<26214400xf32, #tpu.memory_space<hbm>> -> memref<512xf32, #tpu.memory_space<hbm>>
      %dma_start3A_1604 = tpu.memref_slice %arg3[%add3A_1600] : memref<26214400xf32, #tpu.memory_space<hbm>> -> memref<512xf32, #tpu.memory_space<hbm>>
      %dma_start3A_1605 = arith.constant 1536 : i32
      %dma_start3A_1606 = tpu.memref_slice %arg11[%dma_start3A_1605] : memref<12800xf32, #tpu.memory_space<vmem>> -> memref<512xf32, #tpu.memory_space<vmem>>
      tpu.enqueue_dma source(%dma_start3A_1606 : memref<512xf32, #tpu.memory_space<vmem>>) target(%dma_start3A_1604 : memref<512xf32, #tpu.memory_space<hbm>>) target_semaphore(%arg28 : memref<!tpu.dma_semaphore, #tpu.memory_space<semaphore_mem>>)
      %add3A_1607 = arith.constant 4194304 : i32
      %add3A_1608 = arith.addi %add3A_1607, %add3A_1548 : i32
      %dma_start3A_1609 = arith.constant 2048 : i32
      %dma_start3A_1610 = tpu.memref_slice %arg11[%dma_start3A_1609] : memref<12800xf32, #tpu.memory_space<vmem>> -> memref<512xf32, #tpu.memory_space<vmem>>
      %dma_start3A_1611 = tpu.memref_slice %arg3[%add3A_1608] : memref<26214400xf32, #tpu.memory_space<hbm>> -> memref<512xf32, #tpu.memory_space<hbm>>
      %dma_start3A_1612 = tpu.memref_slice %arg3[%add3A_1608] : memref<26214400xf32, #tpu.memory_space<hbm>> -> memref<512xf32, #tpu.memory_space<hbm>>
      %dma_start3A_1613 = arith.constant 2048 : i32
      %dma_start3A_1614 = tpu.memref_slice %arg11[%dma_start3A_1613] : memref<12800xf32, #tpu.memory_space<vmem>> -> memref<512xf32, #tpu.memory_space<vmem>>
      tpu.enqueue_dma source(%dma_start3A_1614 : memref<512xf32, #tpu.memory_space<vmem>>) target(%dma_start3A_1612 : memref<512xf32, #tpu.memory_space<hbm>>) target_semaphore(%arg28 : memref<!tpu.dma_semaphore, #tpu.memory_space<semaphore_mem>>)
      %add3A_1615 = arith.constant 5242880 : i32
      %add3A_1616 = arith.addi %add3A_1615, %add3A_1548 : i32
      %dma_start3A_1617 = arith.constant 2560 : i32
      %dma_start3A_1618 = tpu.memref_slice %arg11[%dma_start3A_1617] : memref<12800xf32, #tpu.memory_space<vmem>> -> memref<512xf32, #tpu.memory_space<vmem>>
      %dma_start3A_1619 = tpu.memref_slice %arg3[%add3A_1616] : memref<26214400xf32, #tpu.memory_space<hbm>> -> memref<512xf32, #tpu.memory_space<hbm>>
      %dma_start3A_1620 = tpu.memref_slice %arg3[%add3A_1616] : memref<26214400xf32, #tpu.memory_space<hbm>> -> memref<512xf32, #tpu.memory_space<hbm>>
      %dma_start3A_1621 = arith.constant 2560 : i32
      %dma_start3A_1622 = tpu.memref_slice %arg11[%dma_start3A_1621] : memref<12800xf32, #tpu.memory_space<vmem>> -> memref<512xf32, #tpu.memory_space<vmem>>
      tpu.enqueue_dma source(%dma_start3A_1622 : memref<512xf32, #tpu.memory_space<vmem>>) target(%dma_start3A_1620 : memref<512xf32, #tpu.memory_space<hbm>>) target_semaphore(%arg28 : memref<!tpu.dma_semaphore, #tpu.memory_space<semaphore_mem>>)
      %add3A_1623 = arith.constant 6291456 : i32
      %add3A_1624 = arith.addi %add3A_1623, %add3A_1548 : i32
      %dma_start3A_1625 = arith.constant 3072 : i32
      %dma_start3A_1626 = tpu.memref_slice %arg11[%dma_start3A_1625] : memref<12800xf32, #tpu.memory_space<vmem>> -> memref<512xf32, #tpu.memory_space<vmem>>
      %dma_start3A_1627 = tpu.memref_slice %arg3[%add3A_1624] : memref<26214400xf32, #tpu.memory_space<hbm>> -> memref<512xf32, #tpu.memory_space<hbm>>
      %dma_start3A_1628 = tpu.memref_slice %arg3[%add3A_1624] : memref<26214400xf32, #tpu.memory_space<hbm>> -> memref<512xf32, #tpu.memory_space<hbm>>
      %dma_start3A_1629 = arith.constant 3072 : i32
      %dma_start3A_1630 = tpu.memref_slice %arg11[%dma_start3A_1629] : memref<12800xf32, #tpu.memory_space<vmem>> -> memref<512xf32, #tpu.memory_space<vmem>>
      tpu.enqueue_dma source(%dma_start3A_1630 : memref<512xf32, #tpu.memory_space<vmem>>) target(%dma_start3A_1628 : memref<512xf32, #tpu.memory_space<hbm>>) target_semaphore(%arg28 : memref<!tpu.dma_semaphore, #tpu.memory_space<semaphore_mem>>)
      %add3A_1631 = arith.constant 7340032 : i32
      %add3A_1632 = arith.addi %add3A_1631, %add3A_1548 : i32
      %dma_start3A_1633 = arith.constant 3584 : i32
      %dma_start3A_1634 = tpu.memref_slice %arg11[%dma_start3A_1633] : memref<12800xf32, #tpu.memory_space<vmem>> -> memref<512xf32, #tpu.memory_space<vmem>>
      %dma_start3A_1635 = tpu.memref_slice %arg3[%add3A_1632] : memref<26214400xf32, #tpu.memory_space<hbm>> -> memref<512xf32, #tpu.memory_space<hbm>>
      %dma_start3A_1636 = tpu.memref_slice %arg3[%add3A_1632] : memref<26214400xf32, #tpu.memory_space<hbm>> -> memref<512xf32, #tpu.memory_space<hbm>>
      %dma_start3A_1637 = arith.constant 3584 : i32
      %dma_start3A_1638 = tpu.memref_slice %arg11[%dma_start3A_1637] : memref<12800xf32, #tpu.memory_space<vmem>> -> memref<512xf32, #tpu.memory_space<vmem>>
      tpu.enqueue_dma source(%dma_start3A_1638 : memref<512xf32, #tpu.memory_space<vmem>>) target(%dma_start3A_1636 : memref<512xf32, #tpu.memory_space<hbm>>) target_semaphore(%arg28 : memref<!tpu.dma_semaphore, #tpu.memory_space<semaphore_mem>>)
      %add3A_1639 = arith.constant 8388608 : i32
      %add3A_1640 = arith.addi %add3A_1639, %add3A_1548 : i32
      %dma_start3A_1641 = arith.constant 4096 : i32
      %dma_start3A_1642 = tpu.memref_slice %arg11[%dma_start3A_1641] : memref<12800xf32, #tpu.memory_space<vmem>> -> memref<512xf32, #tpu.memory_space<vmem>>
      %dma_start3A_1643 = tpu.memref_slice %arg3[%add3A_1640] : memref<26214400xf32, #tpu.memory_space<hbm>> -> memref<512xf32, #tpu.memory_space<hbm>>
      %dma_start3A_1644 = tpu.memref_slice %arg3[%add3A_1640] : memref<26214400xf32, #tpu.memory_space<hbm>> -> memref<512xf32, #tpu.memory_space<hbm>>
      %dma_start3A_1645 = arith.constant 4096 : i32
      %dma_start3A_1646 = tpu.memref_slice %arg11[%dma_start3A_1645] : memref<12800xf32, #tpu.memory_space<vmem>> -> memref<512xf32, #tpu.memory_space<vmem>>
      tpu.enqueue_dma source(%dma_start3A_1646 : memref<512xf32, #tpu.memory_space<vmem>>) target(%dma_start3A_1644 : memref<512xf32, #tpu.memory_space<hbm>>) target_semaphore(%arg28 : memref<!tpu.dma_semaphore, #tpu.memory_space<semaphore_mem>>)
      %add3A_1647 = arith.constant 9437184 : i32
      %add3A_1648 = arith.addi %add3A_1647, %add3A_1548 : i32
      %dma_start3A_1649 = arith.constant 4608 : i32
      %dma_start3A_1650 = tpu.memref_slice %arg11[%dma_start3A_1649] : memref<12800xf32, #tpu.memory_space<vmem>> -> memref<512xf32, #tpu.memory_space<vmem>>
      %dma_start3A_1651 = tpu.memref_slice %arg3[%add3A_1648] : memref<26214400xf32, #tpu.memory_space<hbm>> -> memref<512xf32, #tpu.memory_space<hbm>>
      %dma_start3A_1652 = tpu.memref_slice %arg3[%add3A_1648] : memref<26214400xf32, #tpu.memory_space<hbm>> -> memref<512xf32, #tpu.memory_space<hbm>>
      %dma_start3A_1653 = arith.constant 4608 : i32
      %dma_start3A_1654 = tpu.memref_slice %arg11[%dma_start3A_1653] : memref<12800xf32, #tpu.memory_space<vmem>> -> memref<512xf32, #tpu.memory_space<vmem>>
      tpu.enqueue_dma source(%dma_start3A_1654 : memref<512xf32, #tpu.memory_space<vmem>>) target(%dma_start3A_1652 : memref<512xf32, #tpu.memory_space<hbm>>) target_semaphore(%arg28 : memref<!tpu.dma_semaphore, #tpu.memory_space<semaphore_mem>>)
      %add3A_1655 = arith.constant 10485760 : i32
      %add3A_1656 = arith.addi %add3A_1655, %add3A_1548 : i32
      %dma_start3A_1657 = arith.constant 5120 : i32
      %dma_start3A_1658 = tpu.memref_slice %arg11[%dma_start3A_1657] : memref<12800xf32, #tpu.memory_space<vmem>> -> memref<512xf32, #tpu.memory_space<vmem>>
      %dma_start3A_1659 = tpu.memref_slice %arg3[%add3A_1656] : memref<26214400xf32, #tpu.memory_space<hbm>> -> memref<512xf32, #tpu.memory_space<hbm>>
      %dma_start3A_1660 = tpu.memref_slice %arg3[%add3A_1656] : memref<26214400xf32, #tpu.memory_space<hbm>> -> memref<512xf32, #tpu.memory_space<hbm>>
      %dma_start3A_1661 = arith.constant 5120 : i32
      %dma_start3A_1662 = tpu.memref_slice %arg11[%dma_start3A_1661] : memref<12800xf32, #tpu.memory_space<vmem>> -> memref<512xf32, #tpu.memory_space<vmem>>
      tpu.enqueue_dma source(%dma_start3A_1662 : memref<512xf32, #tpu.memory_space<vmem>>) target(%dma_start3A_1660 : memref<512xf32, #tpu.memory_space<hbm>>) target_semaphore(%arg28 : memref<!tpu.dma_semaphore, #tpu.memory_space<semaphore_mem>>)
      %add3A_1663 = arith.constant 11534336 : i32
      %add3A_1664 = arith.addi %add3A_1663, %add3A_1548 : i32
      %dma_start3A_1665 = arith.constant 5632 : i32
      %dma_start3A_1666 = tpu.memref_slice %arg11[%dma_start3A_1665] : memref<12800xf32, #tpu.memory_space<vmem>> -> memref<512xf32, #tpu.memory_space<vmem>>
      %dma_start3A_1667 = tpu.memref_slice %arg3[%add3A_1664] : memref<26214400xf32, #tpu.memory_space<hbm>> -> memref<512xf32, #tpu.memory_space<hbm>>
      %dma_start3A_1668 = tpu.memref_slice %arg3[%add3A_1664] : memref<26214400xf32, #tpu.memory_space<hbm>> -> memref<512xf32, #tpu.memory_space<hbm>>
      %dma_start3A_1669 = arith.constant 5632 : i32
      %dma_start3A_1670 = tpu.memref_slice %arg11[%dma_start3A_1669] : memref<12800xf32, #tpu.memory_space<vmem>> -> memref<512xf32, #tpu.memory_space<vmem>>
      tpu.enqueue_dma source(%dma_start3A_1670 : memref<512xf32, #tpu.memory_space<vmem>>) target(%dma_start3A_1668 : memref<512xf32, #tpu.memory_space<hbm>>) target_semaphore(%arg28 : memref<!tpu.dma_semaphore, #tpu.memory_space<semaphore_mem>>)
      %add3A_1671 = arith.constant 12582912 : i32
      %add3A_1672 = arith.addi %add3A_1671, %add3A_1548 : i32
      %dma_start3A_1673 = arith.constant 6144 : i32
      %dma_start3A_1674 = tpu.memref_slice %arg11[%dma_start3A_1673] : memref<12800xf32, #tpu.memory_space<vmem>> -> memref<512xf32, #tpu.memory_space<vmem>>
      %dma_start3A_1675 = tpu.memref_slice %arg3[%add3A_1672] : memref<26214400xf32, #tpu.memory_space<hbm>> -> memref<512xf32, #tpu.memory_space<hbm>>
      %dma_start3A_1676 = tpu.memref_slice %arg3[%add3A_1672] : memref<26214400xf32, #tpu.memory_space<hbm>> -> memref<512xf32, #tpu.memory_space<hbm>>
      %dma_start3A_1677 = arith.constant 6144 : i32
      %dma_start3A_1678 = tpu.memref_slice %arg11[%dma_start3A_1677] : memref<12800xf32, #tpu.memory_space<vmem>> -> memref<512xf32, #tpu.memory_space<vmem>>
      tpu.enqueue_dma source(%dma_start3A_1678 : memref<512xf32, #tpu.memory_space<vmem>>) target(%dma_start3A_1676 : memref<512xf32, #tpu.memory_space<hbm>>) target_semaphore(%arg28 : memref<!tpu.dma_semaphore, #tpu.memory_space<semaphore_mem>>)
      %add3A_1679 = arith.constant 13631488 : i32
      %add3A_1680 = arith.addi %add3A_1679, %add3A_1548 : i32
      %dma_start3A_1681 = arith.constant 6656 : i32
      %dma_start3A_1682 = tpu.memref_slice %arg11[%dma_start3A_1681] : memref<12800xf32, #tpu.memory_space<vmem>> -> memref<512xf32, #tpu.memory_space<vmem>>
      %dma_start3A_1683 = tpu.memref_slice %arg3[%add3A_1680] : memref<26214400xf32, #tpu.memory_space<hbm>> -> memref<512xf32, #tpu.memory_space<hbm>>
      %dma_start3A_1684 = tpu.memref_slice %arg3[%add3A_1680] : memref<26214400xf32, #tpu.memory_space<hbm>> -> memref<512xf32, #tpu.memory_space<hbm>>
      %dma_start3A_1685 = arith.constant 6656 : i32
      %dma_start3A_1686 = tpu.memref_slice %arg11[%dma_start3A_1685] : memref<12800xf32, #tpu.memory_space<vmem>> -> memref<512xf32, #tpu.memory_space<vmem>>
      tpu.enqueue_dma source(%dma_start3A_1686 : memref<512xf32, #tpu.memory_space<vmem>>) target(%dma_start3A_1684 : memref<512xf32, #tpu.memory_space<hbm>>) target_semaphore(%arg28 : memref<!tpu.dma_semaphore, #tpu.memory_space<semaphore_mem>>)
      %add3A_1687 = arith.constant 14680064 : i32
      %add3A_1688 = arith.addi %add3A_1687, %add3A_1548 : i32
      %dma_start3A_1689 = arith.constant 7168 : i32
      %dma_start3A_1690 = tpu.memref_slice %arg11[%dma_start3A_1689] : memref<12800xf32, #tpu.memory_space<vmem>> -> memref<512xf32, #tpu.memory_space<vmem>>
      %dma_start3A_1691 = tpu.memref_slice %arg3[%add3A_1688] : memref<26214400xf32, #tpu.memory_space<hbm>> -> memref<512xf32, #tpu.memory_space<hbm>>
      %dma_start3A_1692 = tpu.memref_slice %arg3[%add3A_1688] : memref<26214400xf32, #tpu.memory_space<hbm>> -> memref<512xf32, #tpu.memory_space<hbm>>
      %dma_start3A_1693 = arith.constant 7168 : i32
      %dma_start3A_1694 = tpu.memref_slice %arg11[%dma_start3A_1693] : memref<12800xf32, #tpu.memory_space<vmem>> -> memref<512xf32, #tpu.memory_space<vmem>>
      tpu.enqueue_dma source(%dma_start3A_1694 : memref<512xf32, #tpu.memory_space<vmem>>) target(%dma_start3A_1692 : memref<512xf32, #tpu.memory_space<hbm>>) target_semaphore(%arg28 : memref<!tpu.dma_semaphore, #tpu.memory_space<semaphore_mem>>)
      %add3A_1695 = arith.constant 15728640 : i32
      %add3A_1696 = arith.addi %add3A_1695, %add3A_1548 : i32
      %dma_start3A_1697 = arith.constant 7680 : i32
      %dma_start3A_1698 = tpu.memref_slice %arg11[%dma_start3A_1697] : memref<12800xf32, #tpu.memory_space<vmem>> -> memref<512xf32, #tpu.memory_space<vmem>>
      %dma_start3A_1699 = tpu.memref_slice %arg3[%add3A_1696] : memref<26214400xf32, #tpu.memory_space<hbm>> -> memref<512xf32, #tpu.memory_space<hbm>>
      %dma_start3A_1700 = tpu.memref_slice %arg3[%add3A_1696] : memref<26214400xf32, #tpu.memory_space<hbm>> -> memref<512xf32, #tpu.memory_space<hbm>>
      %dma_start3A_1701 = arith.constant 7680 : i32
      %dma_start3A_1702 = tpu.memref_slice %arg11[%dma_start3A_1701] : memref<12800xf32, #tpu.memory_space<vmem>> -> memref<512xf32, #tpu.memory_space<vmem>>
      tpu.enqueue_dma source(%dma_start3A_1702 : memref<512xf32, #tpu.memory_space<vmem>>) target(%dma_start3A_1700 : memref<512xf32, #tpu.memory_space<hbm>>) target_semaphore(%arg28 : memref<!tpu.dma_semaphore, #tpu.memory_space<semaphore_mem>>)
      %add3A_1703 = arith.constant 16777216 : i32
      %add3A_1704 = arith.addi %add3A_1703, %add3A_1548 : i32
      %dma_start3A_1705 = arith.constant 8192 : i32
      %dma_start3A_1706 = tpu.memref_slice %arg11[%dma_start3A_1705] : memref<12800xf32, #tpu.memory_space<vmem>> -> memref<512xf32, #tpu.memory_space<vmem>>
      %dma_start3A_1707 = tpu.memref_slice %arg3[%add3A_1704] : memref<26214400xf32, #tpu.memory_space<hbm>> -> memref<512xf32, #tpu.memory_space<hbm>>
      %dma_start3A_1708 = tpu.memref_slice %arg3[%add3A_1704] : memref<26214400xf32, #tpu.memory_space<hbm>> -> memref<512xf32, #tpu.memory_space<hbm>>
      %dma_start3A_1709 = arith.constant 8192 : i32
      %dma_start3A_1710 = tpu.memref_slice %arg11[%dma_start3A_1709] : memref<12800xf32, #tpu.memory_space<vmem>> -> memref<512xf32, #tpu.memory_space<vmem>>
      tpu.enqueue_dma source(%dma_start3A_1710 : memref<512xf32, #tpu.memory_space<vmem>>) target(%dma_start3A_1708 : memref<512xf32, #tpu.memory_space<hbm>>) target_semaphore(%arg28 : memref<!tpu.dma_semaphore, #tpu.memory_space<semaphore_mem>>)
      %add3A_1711 = arith.constant 17825792 : i32
      %add3A_1712 = arith.addi %add3A_1711, %add3A_1548 : i32
      %dma_start3A_1713 = arith.constant 8704 : i32
      %dma_start3A_1714 = tpu.memref_slice %arg11[%dma_start3A_1713] : memref<12800xf32, #tpu.memory_space<vmem>> -> memref<512xf32, #tpu.memory_space<vmem>>
      %dma_start3A_1715 = tpu.memref_slice %arg3[%add3A_1712] : memref<26214400xf32, #tpu.memory_space<hbm>> -> memref<512xf32, #tpu.memory_space<hbm>>
      %dma_start3A_1716 = tpu.memref_slice %arg3[%add3A_1712] : memref<26214400xf32, #tpu.memory_space<hbm>> -> memref<512xf32, #tpu.memory_space<hbm>>
      %dma_start3A_1717 = arith.constant 8704 : i32
      %dma_start3A_1718 = tpu.memref_slice %arg11[%dma_start3A_1717] : memref<12800xf32, #tpu.memory_space<vmem>> -> memref<512xf32, #tpu.memory_space<vmem>>
      tpu.enqueue_dma source(%dma_start3A_1718 : memref<512xf32, #tpu.memory_space<vmem>>) target(%dma_start3A_1716 : memref<512xf32, #tpu.memory_space<hbm>>) target_semaphore(%arg28 : memref<!tpu.dma_semaphore, #tpu.memory_space<semaphore_mem>>)
      %add3A_1719 = arith.constant 18874368 : i32
      %add3A_1720 = arith.addi %add3A_1719, %add3A_1548 : i32
      %dma_start3A_1721 = arith.constant 9216 : i32
      %dma_start3A_1722 = tpu.memref_slice %arg11[%dma_start3A_1721] : memref<12800xf32, #tpu.memory_space<vmem>> -> memref<512xf32, #tpu.memory_space<vmem>>
      %dma_start3A_1723 = tpu.memref_slice %arg3[%add3A_1720] : memref<26214400xf32, #tpu.memory_space<hbm>> -> memref<512xf32, #tpu.memory_space<hbm>>
      %dma_start3A_1724 = tpu.memref_slice %arg3[%add3A_1720] : memref<26214400xf32, #tpu.memory_space<hbm>> -> memref<512xf32, #tpu.memory_space<hbm>>
      %dma_start3A_1725 = arith.constant 9216 : i32
      %dma_start3A_1726 = tpu.memref_slice %arg11[%dma_start3A_1725] : memref<12800xf32, #tpu.memory_space<vmem>> -> memref<512xf32, #tpu.memory_space<vmem>>
      tpu.enqueue_dma source(%dma_start3A_1726 : memref<512xf32, #tpu.memory_space<vmem>>) target(%dma_start3A_1724 : memref<512xf32, #tpu.memory_space<hbm>>) target_semaphore(%arg28 : memref<!tpu.dma_semaphore, #tpu.memory_space<semaphore_mem>>)
      %add3A_1727 = arith.constant 19922944 : i32
      %add3A_1728 = arith.addi %add3A_1727, %add3A_1548 : i32
      %dma_start3A_1729 = arith.constant 9728 : i32
      %dma_start3A_1730 = tpu.memref_slice %arg11[%dma_start3A_1729] : memref<12800xf32, #tpu.memory_space<vmem>> -> memref<512xf32, #tpu.memory_space<vmem>>
      %dma_start3A_1731 = tpu.memref_slice %arg3[%add3A_1728] : memref<26214400xf32, #tpu.memory_space<hbm>> -> memref<512xf32, #tpu.memory_space<hbm>>
      %dma_start3A_1732 = tpu.memref_slice %arg3[%add3A_1728] : memref<26214400xf32, #tpu.memory_space<hbm>> -> memref<512xf32, #tpu.memory_space<hbm>>
      %dma_start3A_1733 = arith.constant 9728 : i32
      %dma_start3A_1734 = tpu.memref_slice %arg11[%dma_start3A_1733] : memref<12800xf32, #tpu.memory_space<vmem>> -> memref<512xf32, #tpu.memory_space<vmem>>
      tpu.enqueue_dma source(%dma_start3A_1734 : memref<512xf32, #tpu.memory_space<vmem>>) target(%dma_start3A_1732 : memref<512xf32, #tpu.memory_space<hbm>>) target_semaphore(%arg28 : memref<!tpu.dma_semaphore, #tpu.memory_space<semaphore_mem>>)
      %add3A_1735 = arith.constant 20971520 : i32
      %add3A_1736 = arith.addi %add3A_1735, %add3A_1548 : i32
      %dma_start3A_1737 = arith.constant 10240 : i32
      %dma_start3A_1738 = tpu.memref_slice %arg11[%dma_start3A_1737] : memref<12800xf32, #tpu.memory_space<vmem>> -> memref<512xf32, #tpu.memory_space<vmem>>
      %dma_start3A_1739 = tpu.memref_slice %arg3[%add3A_1736] : memref<26214400xf32, #tpu.memory_space<hbm>> -> memref<512xf32, #tpu.memory_space<hbm>>
      %dma_start3A_1740 = tpu.memref_slice %arg3[%add3A_1736] : memref<26214400xf32, #tpu.memory_space<hbm>> -> memref<512xf32, #tpu.memory_space<hbm>>
      %dma_start3A_1741 = arith.constant 10240 : i32
      %dma_start3A_1742 = tpu.memref_slice %arg11[%dma_start3A_1741] : memref<12800xf32, #tpu.memory_space<vmem>> -> memref<512xf32, #tpu.memory_space<vmem>>
      tpu.enqueue_dma source(%dma_start3A_1742 : memref<512xf32, #tpu.memory_space<vmem>>) target(%dma_start3A_1740 : memref<512xf32, #tpu.memory_space<hbm>>) target_semaphore(%arg28 : memref<!tpu.dma_semaphore, #tpu.memory_space<semaphore_mem>>)
      %add3A_1743 = arith.constant 22020096 : i32
      %add3A_1744 = arith.addi %add3A_1743, %add3A_1548 : i32
      %dma_start3A_1745 = arith.constant 10752 : i32
      %dma_start3A_1746 = tpu.memref_slice %arg11[%dma_start3A_1745] : memref<12800xf32, #tpu.memory_space<vmem>> -> memref<512xf32, #tpu.memory_space<vmem>>
      %dma_start3A_1747 = tpu.memref_slice %arg3[%add3A_1744] : memref<26214400xf32, #tpu.memory_space<hbm>> -> memref<512xf32, #tpu.memory_space<hbm>>
      %dma_start3A_1748 = tpu.memref_slice %arg3[%add3A_1744] : memref<26214400xf32, #tpu.memory_space<hbm>> -> memref<512xf32, #tpu.memory_space<hbm>>
      %dma_start3A_1749 = arith.constant 10752 : i32
      %dma_start3A_1750 = tpu.memref_slice %arg11[%dma_start3A_1749] : memref<12800xf32, #tpu.memory_space<vmem>> -> memref<512xf32, #tpu.memory_space<vmem>>
      tpu.enqueue_dma source(%dma_start3A_1750 : memref<512xf32, #tpu.memory_space<vmem>>) target(%dma_start3A_1748 : memref<512xf32, #tpu.memory_space<hbm>>) target_semaphore(%arg28 : memref<!tpu.dma_semaphore, #tpu.memory_space<semaphore_mem>>)
      %add3A_1751 = arith.constant 23068672 : i32
      %add3A_1752 = arith.addi %add3A_1751, %add3A_1548 : i32
      %dma_start3A_1753 = arith.constant 11264 : i32
      %dma_start3A_1754 = tpu.memref_slice %arg11[%dma_start3A_1753] : memref<12800xf32, #tpu.memory_space<vmem>> -> memref<512xf32, #tpu.memory_space<vmem>>
      %dma_start3A_1755 = tpu.memref_slice %arg3[%add3A_1752] : memref<26214400xf32, #tpu.memory_space<hbm>> -> memref<512xf32, #tpu.memory_space<hbm>>
      %dma_start3A_1756 = tpu.memref_slice %arg3[%add3A_1752] : memref<26214400xf32, #tpu.memory_space<hbm>> -> memref<512xf32, #tpu.memory_space<hbm>>
      %dma_start3A_1757 = arith.constant 11264 : i32
      %dma_start3A_1758 = tpu.memref_slice %arg11[%dma_start3A_1757] : memref<12800xf32, #tpu.memory_space<vmem>> -> memref<512xf32, #tpu.memory_space<vmem>>
      tpu.enqueue_dma source(%dma_start3A_1758 : memref<512xf32, #tpu.memory_space<vmem>>) target(%dma_start3A_1756 : memref<512xf32, #tpu.memory_space<hbm>>) target_semaphore(%arg28 : memref<!tpu.dma_semaphore, #tpu.memory_space<semaphore_mem>>)
      %add3A_1759 = arith.constant 24117248 : i32
      %add3A_1760 = arith.addi %add3A_1759, %add3A_1548 : i32
      %dma_start3A_1761 = arith.constant 11776 : i32
      %dma_start3A_1762 = tpu.memref_slice %arg11[%dma_start3A_1761] : memref<12800xf32, #tpu.memory_space<vmem>> -> memref<512xf32, #tpu.memory_space<vmem>>
      %dma_start3A_1763 = tpu.memref_slice %arg3[%add3A_1760] : memref<26214400xf32, #tpu.memory_space<hbm>> -> memref<512xf32, #tpu.memory_space<hbm>>
      %dma_start3A_1764 = tpu.memref_slice %arg3[%add3A_1760] : memref<26214400xf32, #tpu.memory_space<hbm>> -> memref<512xf32, #tpu.memory_space<hbm>>
      %dma_start3A_1765 = arith.constant 11776 : i32
      %dma_start3A_1766 = tpu.memref_slice %arg11[%dma_start3A_1765] : memref<12800xf32, #tpu.memory_space<vmem>> -> memref<512xf32, #tpu.memory_space<vmem>>
      tpu.enqueue_dma source(%dma_start3A_1766 : memref<512xf32, #tpu.memory_space<vmem>>) target(%dma_start3A_1764 : memref<512xf32, #tpu.memory_space<hbm>>) target_semaphore(%arg28 : memref<!tpu.dma_semaphore, #tpu.memory_space<semaphore_mem>>)
      %add3A_1767 = arith.constant 25165824 : i32
      %add3A_1768 = arith.addi %add3A_1767, %add3A_1548 : i32
      %dma_start3A_1769 = arith.constant 12288 : i32
      %dma_start3A_1770 = tpu.memref_slice %arg11[%dma_start3A_1769] : memref<12800xf32, #tpu.memory_space<vmem>> -> memref<512xf32, #tpu.memory_space<vmem>>
      %dma_start3A_1771 = tpu.memref_slice %arg3[%add3A_1768] : memref<26214400xf32, #tpu.memory_space<hbm>> -> memref<512xf32, #tpu.memory_space<hbm>>
      %dma_start3A_1772 = tpu.memref_slice %arg3[%add3A_1768] : memref<26214400xf32, #tpu.memory_space<hbm>> -> memref<512xf32, #tpu.memory_space<hbm>>
      %dma_start3A_1773 = arith.constant 12288 : i32
      %dma_start3A_1774 = tpu.memref_slice %arg11[%dma_start3A_1773] : memref<12800xf32, #tpu.memory_space<vmem>> -> memref<512xf32, #tpu.memory_space<vmem>>
      tpu.enqueue_dma source(%dma_start3A_1774 : memref<512xf32, #tpu.memory_space<vmem>>) target(%dma_start3A_1772 : memref<512xf32, #tpu.memory_space<hbm>>) target_semaphore(%arg28 : memref<!tpu.dma_semaphore, #tpu.memory_space<semaphore_mem>>)
      %mul3A_1775 = arith.constant 8 : i32
      %mul3A_1776 = arith.muli %scan3A_146, %mul3A_1775 : i32
      %add3A_1777 = arith.constant 7 : i32
      %add3A_1778 = arith.addi %mul3A_1776, %add3A_1777 : i32
      %mul3A_1779 = arith.constant 512 : i32
      %mul3A_1780 = arith.muli %add3A_1778, %mul3A_1779 : i32
      %add3A_1781 = arith.addi %mul3A_7, %mul3A_1780 : i32
      %dma_wait3A_1782 = arith.constant 7 : i32
      %dma_wait3A_1783 = arith.constant 0 : i32
      %dma_wait3A_1784 = tpu.memref_slice %arg4[%dma_wait3A_1782, %dma_wait3A_1783] : memref<8x512xi32, #tpu.memory_space<vmem>> -> memref<1x512xi32, #tpu.memory_space<vmem>>
      %dma_wait3A_1785 = tpu.memref_squeeze %dma_wait3A_1784 : memref<1x512xi32, #tpu.memory_space<vmem>> -> memref<512xi32, #tpu.memory_space<vmem>>
      %dma_wait3A_1786 = tpu.memref_slice %arg2[%add3A_1781] : memref<1048576xi32, #tpu.memory_space<hbm>> -> memref<512xi32, #tpu.memory_space<hbm>>
      %dma_wait3A_1787 = arith.constant 0 : i32
      %dma_wait3A_1788 = tpu.memref_slice %arg4[%dma_wait3A_1782, %dma_wait3A_1787] : memref<8x512xi32, #tpu.memory_space<vmem>> -> memref<1x512xi32, #tpu.memory_space<vmem>>
      %dma_wait3A_1789 = tpu.memref_squeeze %dma_wait3A_1788 : memref<1x512xi32, #tpu.memory_space<vmem>> -> memref<512xi32, #tpu.memory_space<vmem>>
      %dma_wait3A_1790 = tpu.memref_slice %arg2[%add3A_1781] : memref<1048576xi32, #tpu.memory_space<hbm>> -> memref<512xi32, #tpu.memory_space<hbm>>
      tpu.wait_dma2 semaphore(%arg21 : memref<!tpu.dma_semaphore, #tpu.memory_space<semaphore_mem>>) src(%dma_wait3A_1790 : memref<512xi32, #tpu.memory_space<hbm>>) dst(%dma_wait3A_1789 : memref<512xi32, #tpu.memory_space<vmem>>)
      %ge3A_1791 = arith.constant 1 : i32
      %ge3A_1792 = arith.cmpi sge, %scan3A_146, %ge3A_1791 : i32
      %convert_element_type3A_1793 = arith.extui %ge3A_1792 : i1 to i32
      %cond3A_1794 = arith.constant 0 : i32
      %cond3A_1795 = arith.cmpi ne, %convert_element_type3A_1793, %cond3A_1794 : i32
      scf.if %cond3A_1795 {
        %dma_wait3A_2009 = arith.constant 0 : i32
        %dma_wait3A_2010 = tpu.memref_slice %arg3[%dma_wait3A_2009] : memref<26214400xf32, #tpu.memory_space<hbm>> -> memref<12800xf32, #tpu.memory_space<hbm>>
        %dma_wait3A_2011 = arith.constant 0 : i32
        %dma_wait3A_2012 = tpu.memref_slice %arg3[%dma_wait3A_2011] : memref<26214400xf32, #tpu.memory_space<hbm>> -> memref<12800xf32, #tpu.memory_space<hbm>>
        tpu.wait_dma2 semaphore(%arg29 : memref<!tpu.dma_semaphore, #tpu.memory_space<semaphore_mem>>) src(%dma_wait3A_2012 : memref<12800xf32, #tpu.memory_space<hbm>>) dst(%arg12 : memref<12800xf32, #tpu.memory_space<vmem>>)
      } else {
      }
      %scan3A_1796 = arith.constant 0 : i32
      %scan3A_1797 = arith.constant 0 : i32
      %scan3A_1798 = arith.constant 32 : i32
      %scan3A_1799 = arith.addi %scan3A_1797, %scan3A_1798 : i32
      %scan3A_1800 = arith.constant 4 : i32
      %scan3A_1801 = scf.for %scan3A_2009 = %scan3A_1797 to %scan3A_1799 step %scan3A_1800 iter_args(%scan3A_2010 = %scan3A_1796) -> (i32)  : i32 {
        %mul3A_2011 = arith.constant 16 : i32
        %mul3A_2012 = arith.muli %scan3A_2009, %mul3A_2011 : i32
        %get3A = arith.constant 7 : i32
        %get3A_2013 = arith.index_cast %get3A : i32 to index
        %get3A_2014 = arith.index_cast %mul3A_2012 : i32 to index
        %get3A_2015 = tpu.vector_load %arg4[%get3A_2013, %get3A_2014] {strides = array<i32>} : memref<8x512xi32, #tpu.memory_space<vmem>>, vector<16xi32>,
        %get3A_2016 = arith.constant 7 : i32
        %get3A_2017 = arith.index_cast %get3A_2016 : i32 to index
        %get3A_2018 = arith.index_cast %mul3A_2012 : i32 to index
        %get3A_2019 = tpu.vector_load %arg13[%get3A_2017, %get3A_2018] {strides = array<i32>} : memref<8x512xi32, #tpu.memory_space<vmem>>, vector<16xi32>,
        tpu.vector_store_idx %arg12[%get3A_2019], %broadcast_in_dim3A_3 : memref<12800xf32, #tpu.memory_space<vmem>>[vector<16xi32>], vector<16xf32>,
        %mul3A_2020 = arith.constant 512 : i32
        %mul3A_2021 = vector.broadcast %mul3A_2020 : i32 to vector<16xi32>
        %mul3A_2022 = arith.muli %get3A_2015, %mul3A_2021 : vector<16xi32>
        %add3A_2023 = vector.broadcast %mul3A_2012 : i32 to vector<16xi32>
        %add3A_2024 = arith.addi %add3A_2023, %iota3A : vector<16xi32>
        %add3A_2025 = arith.addi %mul3A_2022, %add3A_2024 : vector<16xi32>
        %swap3A = arith.constant 7 : i32
        %swap3A_2026 = arith.index_cast %swap3A : i32 to index
        %swap3A_2027 = arith.index_cast %mul3A_2012 : i32 to index
        %swap3A_2028 = tpu.vector_load %arg13[%swap3A_2026, %swap3A_2027] {strides = array<i32>} : memref<8x512xi32, #tpu.memory_space<vmem>>, vector<16xi32>,
        tpu.vector_store %arg13[%swap3A_2026, %swap3A_2027], %add3A_2025 {strides = array<i32>} : memref<8x512xi32, #tpu.memory_space<vmem>>, vector<16xi32>,
        tpu.vector_store_idx %arg12[%add3A_2025], %broadcast_in_dim3A_5 : memref<12800xf32, #tpu.memory_space<vmem>>[vector<16xi32>], vector<16xf32>,
        %scan3A_2029 = arith.constant 0 : i32
        %scan3A_2030 = arith.constant 1 : i32
        %scan3A_2031 = arith.addi %scan3A_2009, %scan3A_2030 : i32
        %mul3A_2032 = arith.constant 16 : i32
        %mul3A_2033 = arith.muli %scan3A_2031, %mul3A_2032 : i32
        %get3A_2034 = arith.constant 7 : i32
        %get3A_2035 = arith.index_cast %get3A_2034 : i32 to index
        %get3A_2036 = arith.index_cast %mul3A_2033 : i32 to index
        %get3A_2037 = tpu.vector_load %arg4[%get3A_2035, %get3A_2036] {strides = array<i32>} : memref<8x512xi32, #tpu.memory_space<vmem>>, vector<16xi32>,
        %get3A_2038 = arith.constant 7 : i32
        %get3A_2039 = arith.index_cast %get3A_2038 : i32 to index
        %get3A_2040 = arith.index_cast %mul3A_2033 : i32 to index
        %get3A_2041 = tpu.vector_load %arg13[%get3A_2039, %get3A_2040] {strides = array<i32>} : memref<8x512xi32, #tpu.memory_space<vmem>>, vector<16xi32>,
        tpu.vector_store_idx %arg12[%get3A_2041], %broadcast_in_dim3A_3 : memref<12800xf32, #tpu.memory_space<vmem>>[vector<16xi32>], vector<16xf32>,
        %mul3A_2042 = arith.constant 512 : i32
        %mul3A_2043 = vector.broadcast %mul3A_2042 : i32 to vector<16xi32>
        %mul3A_2044 = arith.muli %get3A_2037, %mul3A_2043 : vector<16xi32>
        %add3A_2045 = vector.broadcast %mul3A_2033 : i32 to vector<16xi32>
        %add3A_2046 = arith.addi %add3A_2045, %iota3A : vector<16xi32>
        %add3A_2047 = arith.addi %mul3A_2044, %add3A_2046 : vector<16xi32>
        %swap3A_2048 = arith.constant 7 : i32
        %swap3A_2049 = arith.index_cast %swap3A_2048 : i32 to index
        %swap3A_2050 = arith.index_cast %mul3A_2033 : i32 to index
        %swap3A_2051 = tpu.vector_load %arg13[%swap3A_2049, %swap3A_2050] {strides = array<i32>} : memref<8x512xi32, #tpu.memory_space<vmem>>, vector<16xi32>,
        tpu.vector_store %arg13[%swap3A_2049, %swap3A_2050], %add3A_2047 {strides = array<i32>} : memref<8x512xi32, #tpu.memory_space<vmem>>, vector<16xi32>,
        tpu.vector_store_idx %arg12[%add3A_2047], %broadcast_in_dim3A_5 : memref<12800xf32, #tpu.memory_space<vmem>>[vector<16xi32>], vector<16xf32>,
        %scan3A_2052 = arith.constant 0 : i32
        %scan3A_2053 = arith.constant 2 : i32
        %scan3A_2054 = arith.addi %scan3A_2009, %scan3A_2053 : i32
        %mul3A_2055 = arith.constant 16 : i32
        %mul3A_2056 = arith.muli %scan3A_2054, %mul3A_2055 : i32
        %get3A_2057 = arith.constant 7 : i32
        %get3A_2058 = arith.index_cast %get3A_2057 : i32 to index
        %get3A_2059 = arith.index_cast %mul3A_2056 : i32 to index
        %get3A_2060 = tpu.vector_load %arg4[%get3A_2058, %get3A_2059] {strides = array<i32>} : memref<8x512xi32, #tpu.memory_space<vmem>>, vector<16xi32>,
        %get3A_2061 = arith.constant 7 : i32
        %get3A_2062 = arith.index_cast %get3A_2061 : i32 to index
        %get3A_2063 = arith.index_cast %mul3A_2056 : i32 to index
        %get3A_2064 = tpu.vector_load %arg13[%get3A_2062, %get3A_2063] {strides = array<i32>} : memref<8x512xi32, #tpu.memory_space<vmem>>, vector<16xi32>,
        tpu.vector_store_idx %arg12[%get3A_2064], %broadcast_in_dim3A_3 : memref<12800xf32, #tpu.memory_space<vmem>>[vector<16xi32>], vector<16xf32>,
        %mul3A_2065 = arith.constant 512 : i32
        %mul3A_2066 = vector.broadcast %mul3A_2065 : i32 to vector<16xi32>
        %mul3A_2067 = arith.muli %get3A_2060, %mul3A_2066 : vector<16xi32>
        %add3A_2068 = vector.broadcast %mul3A_2056 : i32 to vector<16xi32>
        %add3A_2069 = arith.addi %add3A_2068, %iota3A : vector<16xi32>
        %add3A_2070 = arith.addi %mul3A_2067, %add3A_2069 : vector<16xi32>
        %swap3A_2071 = arith.constant 7 : i32
        %swap3A_2072 = arith.index_cast %swap3A_2071 : i32 to index
        %swap3A_2073 = arith.index_cast %mul3A_2056 : i32 to index
        %swap3A_2074 = tpu.vector_load %arg13[%swap3A_2072, %swap3A_2073] {strides = array<i32>} : memref<8x512xi32, #tpu.memory_space<vmem>>, vector<16xi32>,
        tpu.vector_store %arg13[%swap3A_2072, %swap3A_2073], %add3A_2070 {strides = array<i32>} : memref<8x512xi32, #tpu.memory_space<vmem>>, vector<16xi32>,
        tpu.vector_store_idx %arg12[%add3A_2070], %broadcast_in_dim3A_5 : memref<12800xf32, #tpu.memory_space<vmem>>[vector<16xi32>], vector<16xf32>,
        %scan3A_2075 = arith.constant 0 : i32
        %scan3A_2076 = arith.constant 3 : i32
        %scan3A_2077 = arith.addi %scan3A_2009, %scan3A_2076 : i32
        %mul3A_2078 = arith.constant 16 : i32
        %mul3A_2079 = arith.muli %scan3A_2077, %mul3A_2078 : i32
        %get3A_2080 = arith.constant 7 : i32
        %get3A_2081 = arith.index_cast %get3A_2080 : i32 to index
        %get3A_2082 = arith.index_cast %mul3A_2079 : i32 to index
        %get3A_2083 = tpu.vector_load %arg4[%get3A_2081, %get3A_2082] {strides = array<i32>} : memref<8x512xi32, #tpu.memory_space<vmem>>, vector<16xi32>,
        %get3A_2084 = arith.constant 7 : i32
        %get3A_2085 = arith.index_cast %get3A_2084 : i32 to index
        %get3A_2086 = arith.index_cast %mul3A_2079 : i32 to index
        %get3A_2087 = tpu.vector_load %arg13[%get3A_2085, %get3A_2086] {strides = array<i32>} : memref<8x512xi32, #tpu.memory_space<vmem>>, vector<16xi32>,
        tpu.vector_store_idx %arg12[%get3A_2087], %broadcast_in_dim3A_3 : memref<12800xf32, #tpu.memory_space<vmem>>[vector<16xi32>], vector<16xf32>,
        %mul3A_2088 = arith.constant 512 : i32
        %mul3A_2089 = vector.broadcast %mul3A_2088 : i32 to vector<16xi32>
        %mul3A_2090 = arith.muli %get3A_2083, %mul3A_2089 : vector<16xi32>
        %add3A_2091 = vector.broadcast %mul3A_2079 : i32 to vector<16xi32>
        %add3A_2092 = arith.addi %add3A_2091, %iota3A : vector<16xi32>
        %add3A_2093 = arith.addi %mul3A_2090, %add3A_2092 : vector<16xi32>
        %swap3A_2094 = arith.constant 7 : i32
        %swap3A_2095 = arith.index_cast %swap3A_2094 : i32 to index
        %swap3A_2096 = arith.index_cast %mul3A_2079 : i32 to index
        %swap3A_2097 = tpu.vector_load %arg13[%swap3A_2095, %swap3A_2096] {strides = array<i32>} : memref<8x512xi32, #tpu.memory_space<vmem>>, vector<16xi32>,
        tpu.vector_store %arg13[%swap3A_2095, %swap3A_2096], %add3A_2093 {strides = array<i32>} : memref<8x512xi32, #tpu.memory_space<vmem>>, vector<16xi32>,
        tpu.vector_store_idx %arg12[%add3A_2093], %broadcast_in_dim3A_5 : memref<12800xf32, #tpu.memory_space<vmem>>[vector<16xi32>], vector<16xf32>,
        %scan3A_2098 = arith.constant 0 : i32
        scf.yield %scan3A_2098 : i32
      }
      %scan3A_1802 = arith.constant 32 : i32
      %lt3A_1803 = arith.constant 7 : i32
      %lt3A_1804 = arith.cmpi slt, %scan3A_146, %lt3A_1803 : i32
      %convert_element_type3A_1805 = arith.extui %lt3A_1804 : i1 to i32
      %cond3A_1806 = arith.constant 0 : i32
      %cond3A_1807 = arith.cmpi ne, %convert_element_type3A_1805, %cond3A_1806 : i32
      scf.if %cond3A_1807 {
        %add3A_2009 = arith.constant 4096 : i32
        %add3A_2010 = arith.addi %add3A_1781, %add3A_2009 : i32
        %dma_start3A_2011 = arith.constant 7 : i32
        %dma_start3A_2012 = arith.constant 0 : i32
        %dma_start3A_2013 = tpu.memref_slice %arg4[%dma_start3A_2011, %dma_start3A_2012] : memref<8x512xi32, #tpu.memory_space<vmem>> -> memref<1x512xi32, #tpu.memory_space<vmem>>
        %dma_start3A_2014 = tpu.memref_squeeze %dma_start3A_2013 : memref<1x512xi32, #tpu.memory_space<vmem>> -> memref<512xi32, #tpu.memory_space<vmem>>
        %dma_start3A_2015 = tpu.memref_slice %arg2[%add3A_2010] : memref<1048576xi32, #tpu.memory_space<hbm>> -> memref<512xi32, #tpu.memory_space<hbm>>
        %dma_start3A_2016 = arith.constant 0 : i32
        %dma_start3A_2017 = tpu.memref_slice %arg4[%dma_start3A_2011, %dma_start3A_2016] : memref<8x512xi32, #tpu.memory_space<vmem>> -> memref<1x512xi32, #tpu.memory_space<vmem>>
        %dma_start3A_2018 = tpu.memref_squeeze %dma_start3A_2017 : memref<1x512xi32, #tpu.memory_space<vmem>> -> memref<512xi32, #tpu.memory_space<vmem>>
        %dma_start3A_2019 = tpu.memref_slice %arg2[%add3A_2010] : memref<1048576xi32, #tpu.memory_space<hbm>> -> memref<512xi32, #tpu.memory_space<hbm>>
        tpu.enqueue_dma source(%dma_start3A_2019 : memref<512xi32, #tpu.memory_space<hbm>>) target(%dma_start3A_2018 : memref<512xi32, #tpu.memory_space<vmem>>) target_semaphore(%arg21 : memref<!tpu.dma_semaphore, #tpu.memory_space<semaphore_mem>>)
      } else {
      }
      %add3A_1808 = arith.constant 0 : i32
      %add3A_1809 = arith.addi %add3A_1808, %add3A_1781 : i32
      %dma_start3A_1810 = arith.constant 0 : i32
      %dma_start3A_1811 = tpu.memref_slice %arg12[%dma_start3A_1810] : memref<12800xf32, #tpu.memory_space<vmem>> -> memref<512xf32, #tpu.memory_space<vmem>>
      %dma_start3A_1812 = tpu.memref_slice %arg3[%add3A_1809] : memref<26214400xf32, #tpu.memory_space<hbm>> -> memref<512xf32, #tpu.memory_space<hbm>>
      %dma_start3A_1813 = tpu.memref_slice %arg3[%add3A_1809] : memref<26214400xf32, #tpu.memory_space<hbm>> -> memref<512xf32, #tpu.memory_space<hbm>>
      %dma_start3A_1814 = arith.constant 0 : i32
      %dma_start3A_1815 = tpu.memref_slice %arg12[%dma_start3A_1814] : memref<12800xf32, #tpu.memory_space<vmem>> -> memref<512xf32, #tpu.memory_space<vmem>>
      tpu.enqueue_dma source(%dma_start3A_1815 : memref<512xf32, #tpu.memory_space<vmem>>) target(%dma_start3A_1813 : memref<512xf32, #tpu.memory_space<hbm>>) target_semaphore(%arg29 : memref<!tpu.dma_semaphore, #tpu.memory_space<semaphore_mem>>)
      %add3A_1816 = arith.constant 1048576 : i32
      %add3A_1817 = arith.addi %add3A_1816, %add3A_1781 : i32
      %dma_start3A_1818 = arith.constant 512 : i32
      %dma_start3A_1819 = tpu.memref_slice %arg12[%dma_start3A_1818] : memref<12800xf32, #tpu.memory_space<vmem>> -> memref<512xf32, #tpu.memory_space<vmem>>
      %dma_start3A_1820 = tpu.memref_slice %arg3[%add3A_1817] : memref<26214400xf32, #tpu.memory_space<hbm>> -> memref<512xf32, #tpu.memory_space<hbm>>
      %dma_start3A_1821 = tpu.memref_slice %arg3[%add3A_1817] : memref<26214400xf32, #tpu.memory_space<hbm>> -> memref<512xf32, #tpu.memory_space<hbm>>
      %dma_start3A_1822 = arith.constant 512 : i32
      %dma_start3A_1823 = tpu.memref_slice %arg12[%dma_start3A_1822] : memref<12800xf32, #tpu.memory_space<vmem>> -> memref<512xf32, #tpu.memory_space<vmem>>
      tpu.enqueue_dma source(%dma_start3A_1823 : memref<512xf32, #tpu.memory_space<vmem>>) target(%dma_start3A_1821 : memref<512xf32, #tpu.memory_space<hbm>>) target_semaphore(%arg29 : memref<!tpu.dma_semaphore, #tpu.memory_space<semaphore_mem>>)
      %add3A_1824 = arith.constant 2097152 : i32
      %add3A_1825 = arith.addi %add3A_1824, %add3A_1781 : i32
      %dma_start3A_1826 = arith.constant 1024 : i32
      %dma_start3A_1827 = tpu.memref_slice %arg12[%dma_start3A_1826] : memref<12800xf32, #tpu.memory_space<vmem>> -> memref<512xf32, #tpu.memory_space<vmem>>
      %dma_start3A_1828 = tpu.memref_slice %arg3[%add3A_1825] : memref<26214400xf32, #tpu.memory_space<hbm>> -> memref<512xf32, #tpu.memory_space<hbm>>
      %dma_start3A_1829 = tpu.memref_slice %arg3[%add3A_1825] : memref<26214400xf32, #tpu.memory_space<hbm>> -> memref<512xf32, #tpu.memory_space<hbm>>
      %dma_start3A_1830 = arith.constant 1024 : i32
      %dma_start3A_1831 = tpu.memref_slice %arg12[%dma_start3A_1830] : memref<12800xf32, #tpu.memory_space<vmem>> -> memref<512xf32, #tpu.memory_space<vmem>>
      tpu.enqueue_dma source(%dma_start3A_1831 : memref<512xf32, #tpu.memory_space<vmem>>) target(%dma_start3A_1829 : memref<512xf32, #tpu.memory_space<hbm>>) target_semaphore(%arg29 : memref<!tpu.dma_semaphore, #tpu.memory_space<semaphore_mem>>)
      %add3A_1832 = arith.constant 3145728 : i32
      %add3A_1833 = arith.addi %add3A_1832, %add3A_1781 : i32
      %dma_start3A_1834 = arith.constant 1536 : i32
      %dma_start3A_1835 = tpu.memref_slice %arg12[%dma_start3A_1834] : memref<12800xf32, #tpu.memory_space<vmem>> -> memref<512xf32, #tpu.memory_space<vmem>>
      %dma_start3A_1836 = tpu.memref_slice %arg3[%add3A_1833] : memref<26214400xf32, #tpu.memory_space<hbm>> -> memref<512xf32, #tpu.memory_space<hbm>>
      %dma_start3A_1837 = tpu.memref_slice %arg3[%add3A_1833] : memref<26214400xf32, #tpu.memory_space<hbm>> -> memref<512xf32, #tpu.memory_space<hbm>>
      %dma_start3A_1838 = arith.constant 1536 : i32
      %dma_start3A_1839 = tpu.memref_slice %arg12[%dma_start3A_1838] : memref<12800xf32, #tpu.memory_space<vmem>> -> memref<512xf32, #tpu.memory_space<vmem>>
      tpu.enqueue_dma source(%dma_start3A_1839 : memref<512xf32, #tpu.memory_space<vmem>>) target(%dma_start3A_1837 : memref<512xf32, #tpu.memory_space<hbm>>) target_semaphore(%arg29 : memref<!tpu.dma_semaphore, #tpu.memory_space<semaphore_mem>>)
      %add3A_1840 = arith.constant 4194304 : i32
      %add3A_1841 = arith.addi %add3A_1840, %add3A_1781 : i32
      %dma_start3A_1842 = arith.constant 2048 : i32
      %dma_start3A_1843 = tpu.memref_slice %arg12[%dma_start3A_1842] : memref<12800xf32, #tpu.memory_space<vmem>> -> memref<512xf32, #tpu.memory_space<vmem>>
      %dma_start3A_1844 = tpu.memref_slice %arg3[%add3A_1841] : memref<26214400xf32, #tpu.memory_space<hbm>> -> memref<512xf32, #tpu.memory_space<hbm>>
      %dma_start3A_1845 = tpu.memref_slice %arg3[%add3A_1841] : memref<26214400xf32, #tpu.memory_space<hbm>> -> memref<512xf32, #tpu.memory_space<hbm>>
      %dma_start3A_1846 = arith.constant 2048 : i32
      %dma_start3A_1847 = tpu.memref_slice %arg12[%dma_start3A_1846] : memref<12800xf32, #tpu.memory_space<vmem>> -> memref<512xf32, #tpu.memory_space<vmem>>
      tpu.enqueue_dma source(%dma_start3A_1847 : memref<512xf32, #tpu.memory_space<vmem>>) target(%dma_start3A_1845 : memref<512xf32, #tpu.memory_space<hbm>>) target_semaphore(%arg29 : memref<!tpu.dma_semaphore, #tpu.memory_space<semaphore_mem>>)
      %add3A_1848 = arith.constant 5242880 : i32
      %add3A_1849 = arith.addi %add3A_1848, %add3A_1781 : i32
      %dma_start3A_1850 = arith.constant 2560 : i32
      %dma_start3A_1851 = tpu.memref_slice %arg12[%dma_start3A_1850] : memref<12800xf32, #tpu.memory_space<vmem>> -> memref<512xf32, #tpu.memory_space<vmem>>
      %dma_start3A_1852 = tpu.memref_slice %arg3[%add3A_1849] : memref<26214400xf32, #tpu.memory_space<hbm>> -> memref<512xf32, #tpu.memory_space<hbm>>
      %dma_start3A_1853 = tpu.memref_slice %arg3[%add3A_1849] : memref<26214400xf32, #tpu.memory_space<hbm>> -> memref<512xf32, #tpu.memory_space<hbm>>
      %dma_start3A_1854 = arith.constant 2560 : i32
      %dma_start3A_1855 = tpu.memref_slice %arg12[%dma_start3A_1854] : memref<12800xf32, #tpu.memory_space<vmem>> -> memref<512xf32, #tpu.memory_space<vmem>>
      tpu.enqueue_dma source(%dma_start3A_1855 : memref<512xf32, #tpu.memory_space<vmem>>) target(%dma_start3A_1853 : memref<512xf32, #tpu.memory_space<hbm>>) target_semaphore(%arg29 : memref<!tpu.dma_semaphore, #tpu.memory_space<semaphore_mem>>)
      %add3A_1856 = arith.constant 6291456 : i32
      %add3A_1857 = arith.addi %add3A_1856, %add3A_1781 : i32
      %dma_start3A_1858 = arith.constant 3072 : i32
      %dma_start3A_1859 = tpu.memref_slice %arg12[%dma_start3A_1858] : memref<12800xf32, #tpu.memory_space<vmem>> -> memref<512xf32, #tpu.memory_space<vmem>>
      %dma_start3A_1860 = tpu.memref_slice %arg3[%add3A_1857] : memref<26214400xf32, #tpu.memory_space<hbm>> -> memref<512xf32, #tpu.memory_space<hbm>>
      %dma_start3A_1861 = tpu.memref_slice %arg3[%add3A_1857] : memref<26214400xf32, #tpu.memory_space<hbm>> -> memref<512xf32, #tpu.memory_space<hbm>>
      %dma_start3A_1862 = arith.constant 3072 : i32
      %dma_start3A_1863 = tpu.memref_slice %arg12[%dma_start3A_1862] : memref<12800xf32, #tpu.memory_space<vmem>> -> memref<512xf32, #tpu.memory_space<vmem>>
      tpu.enqueue_dma source(%dma_start3A_1863 : memref<512xf32, #tpu.memory_space<vmem>>) target(%dma_start3A_1861 : memref<512xf32, #tpu.memory_space<hbm>>) target_semaphore(%arg29 : memref<!tpu.dma_semaphore, #tpu.memory_space<semaphore_mem>>)
      %add3A_1864 = arith.constant 7340032 : i32
      %add3A_1865 = arith.addi %add3A_1864, %add3A_1781 : i32
      %dma_start3A_1866 = arith.constant 3584 : i32
      %dma_start3A_1867 = tpu.memref_slice %arg12[%dma_start3A_1866] : memref<12800xf32, #tpu.memory_space<vmem>> -> memref<512xf32, #tpu.memory_space<vmem>>
      %dma_start3A_1868 = tpu.memref_slice %arg3[%add3A_1865] : memref<26214400xf32, #tpu.memory_space<hbm>> -> memref<512xf32, #tpu.memory_space<hbm>>
      %dma_start3A_1869 = tpu.memref_slice %arg3[%add3A_1865] : memref<26214400xf32, #tpu.memory_space<hbm>> -> memref<512xf32, #tpu.memory_space<hbm>>
      %dma_start3A_1870 = arith.constant 3584 : i32
      %dma_start3A_1871 = tpu.memref_slice %arg12[%dma_start3A_1870] : memref<12800xf32, #tpu.memory_space<vmem>> -> memref<512xf32, #tpu.memory_space<vmem>>
      tpu.enqueue_dma source(%dma_start3A_1871 : memref<512xf32, #tpu.memory_space<vmem>>) target(%dma_start3A_1869 : memref<512xf32, #tpu.memory_space<hbm>>) target_semaphore(%arg29 : memref<!tpu.dma_semaphore, #tpu.memory_space<semaphore_mem>>)
      %add3A_1872 = arith.constant 8388608 : i32
      %add3A_1873 = arith.addi %add3A_1872, %add3A_1781 : i32
      %dma_start3A_1874 = arith.constant 4096 : i32
      %dma_start3A_1875 = tpu.memref_slice %arg12[%dma_start3A_1874] : memref<12800xf32, #tpu.memory_space<vmem>> -> memref<512xf32, #tpu.memory_space<vmem>>
      %dma_start3A_1876 = tpu.memref_slice %arg3[%add3A_1873] : memref<26214400xf32, #tpu.memory_space<hbm>> -> memref<512xf32, #tpu.memory_space<hbm>>
      %dma_start3A_1877 = tpu.memref_slice %arg3[%add3A_1873] : memref<26214400xf32, #tpu.memory_space<hbm>> -> memref<512xf32, #tpu.memory_space<hbm>>
      %dma_start3A_1878 = arith.constant 4096 : i32
      %dma_start3A_1879 = tpu.memref_slice %arg12[%dma_start3A_1878] : memref<12800xf32, #tpu.memory_space<vmem>> -> memref<512xf32, #tpu.memory_space<vmem>>
      tpu.enqueue_dma source(%dma_start3A_1879 : memref<512xf32, #tpu.memory_space<vmem>>) target(%dma_start3A_1877 : memref<512xf32, #tpu.memory_space<hbm>>) target_semaphore(%arg29 : memref<!tpu.dma_semaphore, #tpu.memory_space<semaphore_mem>>)
      %add3A_1880 = arith.constant 9437184 : i32
      %add3A_1881 = arith.addi %add3A_1880, %add3A_1781 : i32
      %dma_start3A_1882 = arith.constant 4608 : i32
      %dma_start3A_1883 = tpu.memref_slice %arg12[%dma_start3A_1882] : memref<12800xf32, #tpu.memory_space<vmem>> -> memref<512xf32, #tpu.memory_space<vmem>>
      %dma_start3A_1884 = tpu.memref_slice %arg3[%add3A_1881] : memref<26214400xf32, #tpu.memory_space<hbm>> -> memref<512xf32, #tpu.memory_space<hbm>>
      %dma_start3A_1885 = tpu.memref_slice %arg3[%add3A_1881] : memref<26214400xf32, #tpu.memory_space<hbm>> -> memref<512xf32, #tpu.memory_space<hbm>>
      %dma_start3A_1886 = arith.constant 4608 : i32
      %dma_start3A_1887 = tpu.memref_slice %arg12[%dma_start3A_1886] : memref<12800xf32, #tpu.memory_space<vmem>> -> memref<512xf32, #tpu.memory_space<vmem>>
      tpu.enqueue_dma source(%dma_start3A_1887 : memref<512xf32, #tpu.memory_space<vmem>>) target(%dma_start3A_1885 : memref<512xf32, #tpu.memory_space<hbm>>) target_semaphore(%arg29 : memref<!tpu.dma_semaphore, #tpu.memory_space<semaphore_mem>>)
      %add3A_1888 = arith.constant 10485760 : i32
      %add3A_1889 = arith.addi %add3A_1888, %add3A_1781 : i32
      %dma_start3A_1890 = arith.constant 5120 : i32
      %dma_start3A_1891 = tpu.memref_slice %arg12[%dma_start3A_1890] : memref<12800xf32, #tpu.memory_space<vmem>> -> memref<512xf32, #tpu.memory_space<vmem>>
      %dma_start3A_1892 = tpu.memref_slice %arg3[%add3A_1889] : memref<26214400xf32, #tpu.memory_space<hbm>> -> memref<512xf32, #tpu.memory_space<hbm>>
      %dma_start3A_1893 = tpu.memref_slice %arg3[%add3A_1889] : memref<26214400xf32, #tpu.memory_space<hbm>> -> memref<512xf32, #tpu.memory_space<hbm>>
      %dma_start3A_1894 = arith.constant 5120 : i32
      %dma_start3A_1895 = tpu.memref_slice %arg12[%dma_start3A_1894] : memref<12800xf32, #tpu.memory_space<vmem>> -> memref<512xf32, #tpu.memory_space<vmem>>
      tpu.enqueue_dma source(%dma_start3A_1895 : memref<512xf32, #tpu.memory_space<vmem>>) target(%dma_start3A_1893 : memref<512xf32, #tpu.memory_space<hbm>>) target_semaphore(%arg29 : memref<!tpu.dma_semaphore, #tpu.memory_space<semaphore_mem>>)
      %add3A_1896 = arith.constant 11534336 : i32
      %add3A_1897 = arith.addi %add3A_1896, %add3A_1781 : i32
      %dma_start3A_1898 = arith.constant 5632 : i32
      %dma_start3A_1899 = tpu.memref_slice %arg12[%dma_start3A_1898] : memref<12800xf32, #tpu.memory_space<vmem>> -> memref<512xf32, #tpu.memory_space<vmem>>
      %dma_start3A_1900 = tpu.memref_slice %arg3[%add3A_1897] : memref<26214400xf32, #tpu.memory_space<hbm>> -> memref<512xf32, #tpu.memory_space<hbm>>
      %dma_start3A_1901 = tpu.memref_slice %arg3[%add3A_1897] : memref<26214400xf32, #tpu.memory_space<hbm>> -> memref<512xf32, #tpu.memory_space<hbm>>
      %dma_start3A_1902 = arith.constant 5632 : i32
      %dma_start3A_1903 = tpu.memref_slice %arg12[%dma_start3A_1902] : memref<12800xf32, #tpu.memory_space<vmem>> -> memref<512xf32, #tpu.memory_space<vmem>>
      tpu.enqueue_dma source(%dma_start3A_1903 : memref<512xf32, #tpu.memory_space<vmem>>) target(%dma_start3A_1901 : memref<512xf32, #tpu.memory_space<hbm>>) target_semaphore(%arg29 : memref<!tpu.dma_semaphore, #tpu.memory_space<semaphore_mem>>)
      %add3A_1904 = arith.constant 12582912 : i32
      %add3A_1905 = arith.addi %add3A_1904, %add3A_1781 : i32
      %dma_start3A_1906 = arith.constant 6144 : i32
      %dma_start3A_1907 = tpu.memref_slice %arg12[%dma_start3A_1906] : memref<12800xf32, #tpu.memory_space<vmem>> -> memref<512xf32, #tpu.memory_space<vmem>>
      %dma_start3A_1908 = tpu.memref_slice %arg3[%add3A_1905] : memref<26214400xf32, #tpu.memory_space<hbm>> -> memref<512xf32, #tpu.memory_space<hbm>>
      %dma_start3A_1909 = tpu.memref_slice %arg3[%add3A_1905] : memref<26214400xf32, #tpu.memory_space<hbm>> -> memref<512xf32, #tpu.memory_space<hbm>>
      %dma_start3A_1910 = arith.constant 6144 : i32
      %dma_start3A_1911 = tpu.memref_slice %arg12[%dma_start3A_1910] : memref<12800xf32, #tpu.memory_space<vmem>> -> memref<512xf32, #tpu.memory_space<vmem>>
      tpu.enqueue_dma source(%dma_start3A_1911 : memref<512xf32, #tpu.memory_space<vmem>>) target(%dma_start3A_1909 : memref<512xf32, #tpu.memory_space<hbm>>) target_semaphore(%arg29 : memref<!tpu.dma_semaphore, #tpu.memory_space<semaphore_mem>>)
      %add3A_1912 = arith.constant 13631488 : i32
      %add3A_1913 = arith.addi %add3A_1912, %add3A_1781 : i32
      %dma_start3A_1914 = arith.constant 6656 : i32
      %dma_start3A_1915 = tpu.memref_slice %arg12[%dma_start3A_1914] : memref<12800xf32, #tpu.memory_space<vmem>> -> memref<512xf32, #tpu.memory_space<vmem>>
      %dma_start3A_1916 = tpu.memref_slice %arg3[%add3A_1913] : memref<26214400xf32, #tpu.memory_space<hbm>> -> memref<512xf32, #tpu.memory_space<hbm>>
      %dma_start3A_1917 = tpu.memref_slice %arg3[%add3A_1913] : memref<26214400xf32, #tpu.memory_space<hbm>> -> memref<512xf32, #tpu.memory_space<hbm>>
      %dma_start3A_1918 = arith.constant 6656 : i32
      %dma_start3A_1919 = tpu.memref_slice %arg12[%dma_start3A_1918] : memref<12800xf32, #tpu.memory_space<vmem>> -> memref<512xf32, #tpu.memory_space<vmem>>
      tpu.enqueue_dma source(%dma_start3A_1919 : memref<512xf32, #tpu.memory_space<vmem>>) target(%dma_start3A_1917 : memref<512xf32, #tpu.memory_space<hbm>>) target_semaphore(%arg29 : memref<!tpu.dma_semaphore, #tpu.memory_space<semaphore_mem>>)
      %add3A_1920 = arith.constant 14680064 : i32
      %add3A_1921 = arith.addi %add3A_1920, %add3A_1781 : i32
      %dma_start3A_1922 = arith.constant 7168 : i32
      %dma_start3A_1923 = tpu.memref_slice %arg12[%dma_start3A_1922] : memref<12800xf32, #tpu.memory_space<vmem>> -> memref<512xf32, #tpu.memory_space<vmem>>
      %dma_start3A_1924 = tpu.memref_slice %arg3[%add3A_1921] : memref<26214400xf32, #tpu.memory_space<hbm>> -> memref<512xf32, #tpu.memory_space<hbm>>
      %dma_start3A_1925 = tpu.memref_slice %arg3[%add3A_1921] : memref<26214400xf32, #tpu.memory_space<hbm>> -> memref<512xf32, #tpu.memory_space<hbm>>
      %dma_start3A_1926 = arith.constant 7168 : i32
      %dma_start3A_1927 = tpu.memref_slice %arg12[%dma_start3A_1926] : memref<12800xf32, #tpu.memory_space<vmem>> -> memref<512xf32, #tpu.memory_space<vmem>>
      tpu.enqueue_dma source(%dma_start3A_1927 : memref<512xf32, #tpu.memory_space<vmem>>) target(%dma_start3A_1925 : memref<512xf32, #tpu.memory_space<hbm>>) target_semaphore(%arg29 : memref<!tpu.dma_semaphore, #tpu.memory_space<semaphore_mem>>)
      %add3A_1928 = arith.constant 15728640 : i32
      %add3A_1929 = arith.addi %add3A_1928, %add3A_1781 : i32
      %dma_start3A_1930 = arith.constant 7680 : i32
      %dma_start3A_1931 = tpu.memref_slice %arg12[%dma_start3A_1930] : memref<12800xf32, #tpu.memory_space<vmem>> -> memref<512xf32, #tpu.memory_space<vmem>>
      %dma_start3A_1932 = tpu.memref_slice %arg3[%add3A_1929] : memref<26214400xf32, #tpu.memory_space<hbm>> -> memref<512xf32, #tpu.memory_space<hbm>>
      %dma_start3A_1933 = tpu.memref_slice %arg3[%add3A_1929] : memref<26214400xf32, #tpu.memory_space<hbm>> -> memref<512xf32, #tpu.memory_space<hbm>>
      %dma_start3A_1934 = arith.constant 7680 : i32
      %dma_start3A_1935 = tpu.memref_slice %arg12[%dma_start3A_1934] : memref<12800xf32, #tpu.memory_space<vmem>> -> memref<512xf32, #tpu.memory_space<vmem>>
      tpu.enqueue_dma source(%dma_start3A_1935 : memref<512xf32, #tpu.memory_space<vmem>>) target(%dma_start3A_1933 : memref<512xf32, #tpu.memory_space<hbm>>) target_semaphore(%arg29 : memref<!tpu.dma_semaphore, #tpu.memory_space<semaphore_mem>>)
      %add3A_1936 = arith.constant 16777216 : i32
      %add3A_1937 = arith.addi %add3A_1936, %add3A_1781 : i32
      %dma_start3A_1938 = arith.constant 8192 : i32
      %dma_start3A_1939 = tpu.memref_slice %arg12[%dma_start3A_1938] : memref<12800xf32, #tpu.memory_space<vmem>> -> memref<512xf32, #tpu.memory_space<vmem>>
      %dma_start3A_1940 = tpu.memref_slice %arg3[%add3A_1937] : memref<26214400xf32, #tpu.memory_space<hbm>> -> memref<512xf32, #tpu.memory_space<hbm>>
      %dma_start3A_1941 = tpu.memref_slice %arg3[%add3A_1937] : memref<26214400xf32, #tpu.memory_space<hbm>> -> memref<512xf32, #tpu.memory_space<hbm>>
      %dma_start3A_1942 = arith.constant 8192 : i32
      %dma_start3A_1943 = tpu.memref_slice %arg12[%dma_start3A_1942] : memref<12800xf32, #tpu.memory_space<vmem>> -> memref<512xf32, #tpu.memory_space<vmem>>
      tpu.enqueue_dma source(%dma_start3A_1943 : memref<512xf32, #tpu.memory_space<vmem>>) target(%dma_start3A_1941 : memref<512xf32, #tpu.memory_space<hbm>>) target_semaphore(%arg29 : memref<!tpu.dma_semaphore, #tpu.memory_space<semaphore_mem>>)
      %add3A_1944 = arith.constant 17825792 : i32
      %add3A_1945 = arith.addi %add3A_1944, %add3A_1781 : i32
      %dma_start3A_1946 = arith.constant 8704 : i32
      %dma_start3A_1947 = tpu.memref_slice %arg12[%dma_start3A_1946] : memref<12800xf32, #tpu.memory_space<vmem>> -> memref<512xf32, #tpu.memory_space<vmem>>
      %dma_start3A_1948 = tpu.memref_slice %arg3[%add3A_1945] : memref<26214400xf32, #tpu.memory_space<hbm>> -> memref<512xf32, #tpu.memory_space<hbm>>
      %dma_start3A_1949 = tpu.memref_slice %arg3[%add3A_1945] : memref<26214400xf32, #tpu.memory_space<hbm>> -> memref<512xf32, #tpu.memory_space<hbm>>
      %dma_start3A_1950 = arith.constant 8704 : i32
      %dma_start3A_1951 = tpu.memref_slice %arg12[%dma_start3A_1950] : memref<12800xf32, #tpu.memory_space<vmem>> -> memref<512xf32, #tpu.memory_space<vmem>>
      tpu.enqueue_dma source(%dma_start3A_1951 : memref<512xf32, #tpu.memory_space<vmem>>) target(%dma_start3A_1949 : memref<512xf32, #tpu.memory_space<hbm>>) target_semaphore(%arg29 : memref<!tpu.dma_semaphore, #tpu.memory_space<semaphore_mem>>)
      %add3A_1952 = arith.constant 18874368 : i32
      %add3A_1953 = arith.addi %add3A_1952, %add3A_1781 : i32
      %dma_start3A_1954 = arith.constant 9216 : i32
      %dma_start3A_1955 = tpu.memref_slice %arg12[%dma_start3A_1954] : memref<12800xf32, #tpu.memory_space<vmem>> -> memref<512xf32, #tpu.memory_space<vmem>>
      %dma_start3A_1956 = tpu.memref_slice %arg3[%add3A_1953] : memref<26214400xf32, #tpu.memory_space<hbm>> -> memref<512xf32, #tpu.memory_space<hbm>>
      %dma_start3A_1957 = tpu.memref_slice %arg3[%add3A_1953] : memref<26214400xf32, #tpu.memory_space<hbm>> -> memref<512xf32, #tpu.memory_space<hbm>>
      %dma_start3A_1958 = arith.constant 9216 : i32
      %dma_start3A_1959 = tpu.memref_slice %arg12[%dma_start3A_1958] : memref<12800xf32, #tpu.memory_space<vmem>> -> memref<512xf32, #tpu.memory_space<vmem>>
      tpu.enqueue_dma source(%dma_start3A_1959 : memref<512xf32, #tpu.memory_space<vmem>>) target(%dma_start3A_1957 : memref<512xf32, #tpu.memory_space<hbm>>) target_semaphore(%arg29 : memref<!tpu.dma_semaphore, #tpu.memory_space<semaphore_mem>>)
      %add3A_1960 = arith.constant 19922944 : i32
      %add3A_1961 = arith.addi %add3A_1960, %add3A_1781 : i32
      %dma_start3A_1962 = arith.constant 9728 : i32
      %dma_start3A_1963 = tpu.memref_slice %arg12[%dma_start3A_1962] : memref<12800xf32, #tpu.memory_space<vmem>> -> memref<512xf32, #tpu.memory_space<vmem>>
      %dma_start3A_1964 = tpu.memref_slice %arg3[%add3A_1961] : memref<26214400xf32, #tpu.memory_space<hbm>> -> memref<512xf32, #tpu.memory_space<hbm>>
      %dma_start3A_1965 = tpu.memref_slice %arg3[%add3A_1961] : memref<26214400xf32, #tpu.memory_space<hbm>> -> memref<512xf32, #tpu.memory_space<hbm>>
      %dma_start3A_1966 = arith.constant 9728 : i32
      %dma_start3A_1967 = tpu.memref_slice %arg12[%dma_start3A_1966] : memref<12800xf32, #tpu.memory_space<vmem>> -> memref<512xf32, #tpu.memory_space<vmem>>
      tpu.enqueue_dma source(%dma_start3A_1967 : memref<512xf32, #tpu.memory_space<vmem>>) target(%dma_start3A_1965 : memref<512xf32, #tpu.memory_space<hbm>>) target_semaphore(%arg29 : memref<!tpu.dma_semaphore, #tpu.memory_space<semaphore_mem>>)
      %add3A_1968 = arith.constant 20971520 : i32
      %add3A_1969 = arith.addi %add3A_1968, %add3A_1781 : i32
      %dma_start3A_1970 = arith.constant 10240 : i32
      %dma_start3A_1971 = tpu.memref_slice %arg12[%dma_start3A_1970] : memref<12800xf32, #tpu.memory_space<vmem>> -> memref<512xf32, #tpu.memory_space<vmem>>
      %dma_start3A_1972 = tpu.memref_slice %arg3[%add3A_1969] : memref<26214400xf32, #tpu.memory_space<hbm>> -> memref<512xf32, #tpu.memory_space<hbm>>
      %dma_start3A_1973 = tpu.memref_slice %arg3[%add3A_1969] : memref<26214400xf32, #tpu.memory_space<hbm>> -> memref<512xf32, #tpu.memory_space<hbm>>
      %dma_start3A_1974 = arith.constant 10240 : i32
      %dma_start3A_1975 = tpu.memref_slice %arg12[%dma_start3A_1974] : memref<12800xf32, #tpu.memory_space<vmem>> -> memref<512xf32, #tpu.memory_space<vmem>>
      tpu.enqueue_dma source(%dma_start3A_1975 : memref<512xf32, #tpu.memory_space<vmem>>) target(%dma_start3A_1973 : memref<512xf32, #tpu.memory_space<hbm>>) target_semaphore(%arg29 : memref<!tpu.dma_semaphore, #tpu.memory_space<semaphore_mem>>)
      %add3A_1976 = arith.constant 22020096 : i32
      %add3A_1977 = arith.addi %add3A_1976, %add3A_1781 : i32
      %dma_start3A_1978 = arith.constant 10752 : i32
      %dma_start3A_1979 = tpu.memref_slice %arg12[%dma_start3A_1978] : memref<12800xf32, #tpu.memory_space<vmem>> -> memref<512xf32, #tpu.memory_space<vmem>>
      %dma_start3A_1980 = tpu.memref_slice %arg3[%add3A_1977] : memref<26214400xf32, #tpu.memory_space<hbm>> -> memref<512xf32, #tpu.memory_space<hbm>>
      %dma_start3A_1981 = tpu.memref_slice %arg3[%add3A_1977] : memref<26214400xf32, #tpu.memory_space<hbm>> -> memref<512xf32, #tpu.memory_space<hbm>>
      %dma_start3A_1982 = arith.constant 10752 : i32
      %dma_start3A_1983 = tpu.memref_slice %arg12[%dma_start3A_1982] : memref<12800xf32, #tpu.memory_space<vmem>> -> memref<512xf32, #tpu.memory_space<vmem>>
      tpu.enqueue_dma source(%dma_start3A_1983 : memref<512xf32, #tpu.memory_space<vmem>>) target(%dma_start3A_1981 : memref<512xf32, #tpu.memory_space<hbm>>) target_semaphore(%arg29 : memref<!tpu.dma_semaphore, #tpu.memory_space<semaphore_mem>>)
      %add3A_1984 = arith.constant 23068672 : i32
      %add3A_1985 = arith.addi %add3A_1984, %add3A_1781 : i32
      %dma_start3A_1986 = arith.constant 11264 : i32
      %dma_start3A_1987 = tpu.memref_slice %arg12[%dma_start3A_1986] : memref<12800xf32, #tpu.memory_space<vmem>> -> memref<512xf32, #tpu.memory_space<vmem>>
      %dma_start3A_1988 = tpu.memref_slice %arg3[%add3A_1985] : memref<26214400xf32, #tpu.memory_space<hbm>> -> memref<512xf32, #tpu.memory_space<hbm>>
      %dma_start3A_1989 = tpu.memref_slice %arg3[%add3A_1985] : memref<26214400xf32, #tpu.memory_space<hbm>> -> memref<512xf32, #tpu.memory_space<hbm>>
      %dma_start3A_1990 = arith.constant 11264 : i32
      %dma_start3A_1991 = tpu.memref_slice %arg12[%dma_start3A_1990] : memref<12800xf32, #tpu.memory_space<vmem>> -> memref<512xf32, #tpu.memory_space<vmem>>
      tpu.enqueue_dma source(%dma_start3A_1991 : memref<512xf32, #tpu.memory_space<vmem>>) target(%dma_start3A_1989 : memref<512xf32, #tpu.memory_space<hbm>>) target_semaphore(%arg29 : memref<!tpu.dma_semaphore, #tpu.memory_space<semaphore_mem>>)
      %add3A_1992 = arith.constant 24117248 : i32
      %add3A_1993 = arith.addi %add3A_1992, %add3A_1781 : i32
      %dma_start3A_1994 = arith.constant 11776 : i32
      %dma_start3A_1995 = tpu.memref_slice %arg12[%dma_start3A_1994] : memref<12800xf32, #tpu.memory_space<vmem>> -> memref<512xf32, #tpu.memory_space<vmem>>
      %dma_start3A_1996 = tpu.memref_slice %arg3[%add3A_1993] : memref<26214400xf32, #tpu.memory_space<hbm>> -> memref<512xf32, #tpu.memory_space<hbm>>
      %dma_start3A_1997 = tpu.memref_slice %arg3[%add3A_1993] : memref<26214400xf32, #tpu.memory_space<hbm>> -> memref<512xf32, #tpu.memory_space<hbm>>
      %dma_start3A_1998 = arith.constant 11776 : i32
      %dma_start3A_1999 = tpu.memref_slice %arg12[%dma_start3A_1998] : memref<12800xf32, #tpu.memory_space<vmem>> -> memref<512xf32, #tpu.memory_space<vmem>>
      tpu.enqueue_dma source(%dma_start3A_1999 : memref<512xf32, #tpu.memory_space<vmem>>) target(%dma_start3A_1997 : memref<512xf32, #tpu.memory_space<hbm>>) target_semaphore(%arg29 : memref<!tpu.dma_semaphore, #tpu.memory_space<semaphore_mem>>)
      %add3A_2000 = arith.constant 25165824 : i32
      %add3A_2001 = arith.addi %add3A_2000, %add3A_1781 : i32
      %dma_start3A_2002 = arith.constant 12288 : i32
      %dma_start3A_2003 = tpu.memref_slice %arg12[%dma_start3A_2002] : memref<12800xf32, #tpu.memory_space<vmem>> -> memref<512xf32, #tpu.memory_space<vmem>>
      %dma_start3A_2004 = tpu.memref_slice %arg3[%add3A_2001] : memref<26214400xf32, #tpu.memory_space<hbm>> -> memref<512xf32, #tpu.memory_space<hbm>>
      %dma_start3A_2005 = tpu.memref_slice %arg3[%add3A_2001] : memref<26214400xf32, #tpu.memory_space<hbm>> -> memref<512xf32, #tpu.memory_space<hbm>>
      %dma_start3A_2006 = arith.constant 12288 : i32
      %dma_start3A_2007 = tpu.memref_slice %arg12[%dma_start3A_2006] : memref<12800xf32, #tpu.memory_space<vmem>> -> memref<512xf32, #tpu.memory_space<vmem>>
      tpu.enqueue_dma source(%dma_start3A_2007 : memref<512xf32, #tpu.memory_space<vmem>>) target(%dma_start3A_2005 : memref<512xf32, #tpu.memory_space<hbm>>) target_semaphore(%arg29 : memref<!tpu.dma_semaphore, #tpu.memory_space<semaphore_mem>>)
      %scan3A_2008 = arith.constant 0 : i32
      scf.yield %scan3A_2008 : i32
    }
    %scan3A_114 = arith.constant 8 : i32
    %dma_wait3A = arith.constant 0 : i32
    %dma_wait3A_115 = tpu.memref_slice %arg3[%dma_wait3A] : memref<26214400xf32, #tpu.memory_space<hbm>> -> memref<12800xf32, #tpu.memory_space<hbm>>
    %dma_wait3A_116 = arith.constant 0 : i32
    %dma_wait3A_117 = tpu.memref_slice %arg3[%dma_wait3A_116] : memref<26214400xf32, #tpu.memory_space<hbm>> -> memref<12800xf32, #tpu.memory_space<hbm>>
    tpu.wait_dma2 semaphore(%arg22 : memref<!tpu.dma_semaphore, #tpu.memory_space<semaphore_mem>>) src(%dma_wait3A_117 : memref<12800xf32, #tpu.memory_space<hbm>>) dst(%arg5 : memref<12800xf32, #tpu.memory_space<vmem>>)
    %dma_wait3A_118 = arith.constant 0 : i32
    %dma_wait3A_119 = tpu.memref_slice %arg3[%dma_wait3A_118] : memref<26214400xf32, #tpu.memory_space<hbm>> -> memref<12800xf32, #tpu.memory_space<hbm>>
    %dma_wait3A_120 = arith.constant 0 : i32
    %dma_wait3A_121 = tpu.memref_slice %arg3[%dma_wait3A_120] : memref<26214400xf32, #tpu.memory_space<hbm>> -> memref<12800xf32, #tpu.memory_space<hbm>>
    tpu.wait_dma2 semaphore(%arg23 : memref<!tpu.dma_semaphore, #tpu.memory_space<semaphore_mem>>) src(%dma_wait3A_121 : memref<12800xf32, #tpu.memory_space<hbm>>) dst(%arg6 : memref<12800xf32, #tpu.memory_space<vmem>>)
    %dma_wait3A_122 = arith.constant 0 : i32
    %dma_wait3A_123 = tpu.memref_slice %arg3[%dma_wait3A_122] : memref<26214400xf32, #tpu.memory_space<hbm>> -> memref<12800xf32, #tpu.memory_space<hbm>>
    %dma_wait3A_124 = arith.constant 0 : i32
    %dma_wait3A_125 = tpu.memref_slice %arg3[%dma_wait3A_124] : memref<26214400xf32, #tpu.memory_space<hbm>> -> memref<12800xf32, #tpu.memory_space<hbm>>
    tpu.wait_dma2 semaphore(%arg24 : memref<!tpu.dma_semaphore, #tpu.memory_space<semaphore_mem>>) src(%dma_wait3A_125 : memref<12800xf32, #tpu.memory_space<hbm>>) dst(%arg7 : memref<12800xf32, #tpu.memory_space<vmem>>)
    %dma_wait3A_126 = arith.constant 0 : i32
    %dma_wait3A_127 = tpu.memref_slice %arg3[%dma_wait3A_126] : memref<26214400xf32, #tpu.memory_space<hbm>> -> memref<12800xf32, #tpu.memory_space<hbm>>
    %dma_wait3A_128 = arith.constant 0 : i32
    %dma_wait3A_129 = tpu.memref_slice %arg3[%dma_wait3A_128] : memref<26214400xf32, #tpu.memory_space<hbm>> -> memref<12800xf32, #tpu.memory_space<hbm>>
    tpu.wait_dma2 semaphore(%arg25 : memref<!tpu.dma_semaphore, #tpu.memory_space<semaphore_mem>>) src(%dma_wait3A_129 : memref<12800xf32, #tpu.memory_space<hbm>>) dst(%arg8 : memref<12800xf32, #tpu.memory_space<vmem>>)
    %dma_wait3A_130 = arith.constant 0 : i32
    %dma_wait3A_131 = tpu.memref_slice %arg3[%dma_wait3A_130] : memref<26214400xf32, #tpu.memory_space<hbm>> -> memref<12800xf32, #tpu.memory_space<hbm>>
    %dma_wait3A_132 = arith.constant 0 : i32
    %dma_wait3A_133 = tpu.memref_slice %arg3[%dma_wait3A_132] : memref<26214400xf32, #tpu.memory_space<hbm>> -> memref<12800xf32, #tpu.memory_space<hbm>>
    tpu.wait_dma2 semaphore(%arg26 : memref<!tpu.dma_semaphore, #tpu.memory_space<semaphore_mem>>) src(%dma_wait3A_133 : memref<12800xf32, #tpu.memory_space<hbm>>) dst(%arg9 : memref<12800xf32, #tpu.memory_space<vmem>>)
    %dma_wait3A_134 = arith.constant 0 : i32
    %dma_wait3A_135 = tpu.memref_slice %arg3[%dma_wait3A_134] : memref<26214400xf32, #tpu.memory_space<hbm>> -> memref<12800xf32, #tpu.memory_space<hbm>>
    %dma_wait3A_136 = arith.constant 0 : i32
    %dma_wait3A_137 = tpu.memref_slice %arg3[%dma_wait3A_136] : memref<26214400xf32, #tpu.memory_space<hbm>> -> memref<12800xf32, #tpu.memory_space<hbm>>
    tpu.wait_dma2 semaphore(%arg27 : memref<!tpu.dma_semaphore, #tpu.memory_space<semaphore_mem>>) src(%dma_wait3A_137 : memref<12800xf32, #tpu.memory_space<hbm>>) dst(%arg10 : memref<12800xf32, #tpu.memory_space<vmem>>)
    %dma_wait3A_138 = arith.constant 0 : i32
    %dma_wait3A_139 = tpu.memref_slice %arg3[%dma_wait3A_138] : memref<26214400xf32, #tpu.memory_space<hbm>> -> memref<12800xf32, #tpu.memory_space<hbm>>
    %dma_wait3A_140 = arith.constant 0 : i32
    %dma_wait3A_141 = tpu.memref_slice %arg3[%dma_wait3A_140] : memref<26214400xf32, #tpu.memory_space<hbm>> -> memref<12800xf32, #tpu.memory_space<hbm>>
    tpu.wait_dma2 semaphore(%arg28 : memref<!tpu.dma_semaphore, #tpu.memory_space<semaphore_mem>>) src(%dma_wait3A_141 : memref<12800xf32, #tpu.memory_space<hbm>>) dst(%arg11 : memref<12800xf32, #tpu.memory_space<vmem>>)
    %dma_wait3A_142 = arith.constant 0 : i32
    %dma_wait3A_143 = tpu.memref_slice %arg3[%dma_wait3A_142] : memref<26214400xf32, #tpu.memory_space<hbm>> -> memref<12800xf32, #tpu.memory_space<hbm>>
    %dma_wait3A_144 = arith.constant 0 : i32
    %dma_wait3A_145 = tpu.memref_slice %arg3[%dma_wait3A_144] : memref<26214400xf32, #tpu.memory_space<hbm>> -> memref<12800xf32, #tpu.memory_space<hbm>>
    tpu.wait_dma2 semaphore(%arg29 : memref<!tpu.dma_semaphore, #tpu.memory_space<semaphore_mem>>) src(%dma_wait3A_145 : memref<12800xf32, #tpu.memory_space<hbm>>) dst(%arg12 : memref<12800xf32, #tpu.memory_space<vmem>>)
    return
  }
}

</mosaic_0001>

<sc_bundles>
// kernel: kernel.3.cloned.1.call-start
scs
__scs_entry_jumppad:
0x0: {  	(pc) =	sbr.rel $0x88, $3  }
0x1: {  	(tag) =	ssettag $0x0;
	lr =	simm.s32 $0x1  }
0x2: {  	[smem:$0x3FA0] =	sst lr;
	_ =	strace $0xD0000000  }
0x3: {  	_ = 	snop  }
0x4: {  	_ = 	snop  }
0x5: {  	_ = 	snop  }
0x6: {  	_ = 	snop  }
0x7: {  	_ = 	snop  }
__scs_overlays_trampoline_lowered:
0x8: {  	[smem:$0x3FAF] =	sst s0  }
0x9: {  	[smem:$0x3FB0] =	sst s1  }
0xa: {  	[smem:$0x3FB1] =	sst s2  }
0xb: {  	[smem:$0x3FB2] =	sst s3  }
0xc: {  	[smem:$0x3FB3] =	sst s4  }
0xd: {  	[smem:$0x3FB4] =	sst s5  }
0xe: {  	[smem:$0x3FB5] =	sst s6  }
0xf: {  	[smem:$0x3FB6] =	sst s7  }
0x10: {  	[smem:$0x3FB7] =	sst s8  }
0x11: {  	[smem:$0x3FB8] =	sst s9;
	s0 =	simm.s32 @!p0 $0x0  }
0x12: {  	s1 =	sld [smem:$0x3F9E];
	s0 =	simm.s32 @p0 $0x1  }
0x13: {  	[smem:$0x3FB9] =	sst s0;
	s0 =	simm.s32 @!p1 $0x0  }
0x14: {  	s2 =	sld [smem:$0x3F9D];
	s0 =	simm.s32 @p1 $0x1  }
0x15: {  	[smem:$0x3FBA] =	sst s0;
	s0 =	simm.s32 @!p2 $0x0  }
0x16: {  	s3 =	sld [smem:$0x3FDB];
	s0 =	simm.s32 @p2 $0x1  }
0x17: {  	s4 =	simm.s32 $0x1BF5;
	[smem:$0x3FBC] =	sst s0  }
0x18: {  	s0 =	sld [smem:$0x3F9F];
	_ =	swait.ge [sflag:s4], $0x0  }
0x19: {  	s7 =	sld [smem:$0x3FA0]  }
0x1a: {  	s8 =	sadd.s32 $0xFFFFE003, lr  }
0x1b: {  	s9 =	sadd.s32 $0xFFFFFEF7, lr;
	s5 =	simm.s32 $0xFFFFFFFF;
	p2 =	slt.u32 s8, $0xFFFFF086  }
0x1c: {  	p1 =	slt.u32 s9, $0xF7A;
	s5 =	simm.s32 @!p2 $0x0  }
0x1d: {  	s5 =	simm.s32 @p1 $0x1;
	p0 =	seq.s32 s7, s2  }
0x1e: {  	s7 =	smul.u32 @!p0 $0xF7A, s2;
	p2 =	seq.s32 @!p0 s5, $0x0  }
0x1f: {  	s9 =	smul.u32 $0xF7A, s1;
	s8 =	simm.s32 @!p0 $0x1BF5;
	p2 =	por !p2, p0  }
0x20: {  	[sflag:s8] =	ssyncset.s32 @!p0 $0xFFFFF086;
	s6 =	sadd.s32 @!p0 s3, s7;
	s7 =	simm.s32 @!p0 $0x108  }
0x21: {  	s3 =	sadd.s32 s3, s9;
	s6 =	sadd.s32 @!p0 $0x88, s6;
	s7 =	simm.s32 @p2 $0x1082  }
0x22: {  	[simem:s7], [sflag:s8] =	dma.local @!p0 [hbm:s6], $0xF7A  }
0x23: {  	s9 =	sor.u32 $0xD0000000, s2;
	s6 =	simm.s32 $0x108;
	_ =	swait.ge @!p0 [sflag:s8], $0x0  }
0x24: {  	s3 =	sadd.s32 $0x88, s3;
	s6 =	simm.s32 @!p1 $0x1082;
	[sflag:s4] =	ssyncset.s32 $0xFFFFF086  }
0x25: {  	[simem:s6], [sflag:s4] =	dma.local [hbm:s3], $0xF7A  }
0x26: {  	[smem:$0x3FA0] =	sst s1;
	(tag) =	ssettag s2;
	_ =	strace s9  }
0x27: {  	s1 =	sld [smem:$0x3FB0]  }
0x28: {  	s2 =	sld [smem:$0x3FB1]  }
0x29: {  	s4 =	sld [smem:$0x3FB3]  }
0x2a: {  	p0 =	seq.s32 s5, $0x0;
	s5 =	sld [smem:$0x3FB4]  }
0x2b: {  	s6 =	sld [smem:$0x3FB5]  }
0x2c: {  	s7 =	sld [smem:$0x3FB6]  }
0x2d: {  	s3 =	simm.s32 $0x108;
	s8 =	sld [smem:$0x3FB7]  }
0x2e: {  	s3 =	simm.s32 @!p0 $0x1082;
	s9 =	sld [smem:$0x3FB8]  }
0x2f: {  	lr =	sadd.s32 s0, s3;
	s0 =	sld [smem:$0x3FAF]  }
0x30: {  	s3 =	sld [smem:$0x3FB2]  }
0x31: {  	[smem:$0x3FBB] =	sst s10  }
0x32: {  	s10 =	sld [smem:$0x3FB9];
	_ =	sdelay $0x3  }
0x33: {  	p0 =	seq.s32 s10, $0x1;
	s10 =	sld [smem:$0x3FBB];
	_ =	sdelay $0x3  }
0x34: {  	[smem:$0x3FBB] =	sst s10  }
0x35: {  	s10 =	sld [smem:$0x3FBA];
	_ =	sdelay $0x3  }
0x36: {  	p1 =	seq.s32 s10, $0x1;
	s10 =	sld [smem:$0x3FBB];
	_ =	sdelay $0x3  }
0x37: {  	[smem:$0x3FBB] =	sst s10  }
0x38: {  	s10 =	sld [smem:$0x3FBC]  }
0x39: {  	_ = 	snop;
	(pc) =	sbr.ind lr, $3  }
0x3a: {  	_ = 	snop  }
0x3b: {  	_ = 	snop  }
0x3c: {  	p2 =	seq.s32 s10, $0x1;
	s10 =	sld [smem:$0x3FBB]  }
0x3d: {  	_ =	shalt  }
0x3e: {  	_ =	shalt  }
0x3f: {  	_ =	shalt  }
0x40: {  	_ =	shalt  }
0x41: {  	_ =	shalt  }
0x42: {  	_ =	shalt  }
0x43: {  	_ =	shalt  }
0x44: {  	_ =	shalt  }
0x45: {  	_ =	shalt  }
0x46: {  	_ =	shalt  }
0x47: {  	_ =	shalt  }
0x48: {  	_ =	shalt  }
0x49: {  	_ =	shalt  }
0x4a: {  	_ =	shalt  }
0x4b: {  	_ =	shalt  }
0x4c: {  	_ =	shalt  }
0x4d: {  	_ =	shalt  }
0x4e: {  	_ =	shalt  }
0x4f: {  	_ =	shalt  }
0x50: {  	_ =	shalt  }
0x51: {  	_ =	shalt  }
0x52: {  	_ =	shalt  }
0x53: {  	_ =	shalt  }
0x54: {  	_ =	shalt  }
0x55: {  	_ =	shalt  }
0x56: {  	_ =	shalt  }
0x57: {  	_ =	shalt  }
0x58: {  	_ =	shalt  }
0x59: {  	_ =	shalt  }
0x5a: {  	_ =	shalt  }
0x5b: {  	_ =	shalt  }
0x5c: {  	_ =	shalt  }
0x5d: {  	_ =	shalt  }
0x5e: {  	_ =	shalt  }
0x5f: {  	_ =	shalt  }
0x60: {  	_ =	shalt  }
0x61: {  	_ =	shalt  }
0x62: {  	_ =	shalt  }
0x63: {  	_ =	shalt  }
0x64: {  	_ =	shalt  }
0x65: {  	_ =	shalt  }
0x66: {  	_ =	shalt  }
0x67: {  	_ =	shalt  }
0x68: {  	_ =	shalt  }
0x69: {  	_ =	shalt  }
0x6a: {  	_ =	shalt  }
0x6b: {  	_ =	shalt  }
0x6c: {  	_ =	shalt  }
0x6d: {  	_ =	shalt  }
0x6e: {  	_ =	shalt  }
0x6f: {  	_ =	shalt  }
0x70: {  	_ =	shalt  }
0x71: {  	_ =	shalt  }
0x72: {  	_ =	shalt  }
0x73: {  	_ =	shalt  }
0x74: {  	_ =	shalt  }
0x75: {  	_ =	shalt  }
0x76: {  	_ =	shalt  }
0x77: {  	_ =	shalt  }
0x78: {  	_ =	shalt  }
0x79: {  	_ =	shalt  }
0x7a: {  	_ =	shalt  }
0x7b: {  	_ =	shalt  }
0x7c: {  	_ =	shalt  }
0x7d: {  	_ =	shalt  }
0x7e: {  	_ =	shalt  }
0x7f: {  	_ =	shalt  }
0x80: {  	_ =	shalt  }
0x81: {  	_ =	shalt  }
0x82: {  	_ =	shalt  }
0x83: {  	_ =	shalt  }
0x84: {  	_ =	shalt  }
0x85: {  	_ =	shalt  }
0x86: {  	_ =	shalt  }
0x87: {  	_ =	shalt  }
.Lfunc_end0:
.L_simem_size_0:
called_computation_lowered:
.L_overlay_start_0:
0x88: {  	s2 =	sld [smem:$0x3FD9]  }
0x89: {  	s3 =	sld [smem:$0x3FFE];
	_ =	sdelay $0x1  }
0x8a: {  	s1 =	srdreg.scid  }
0x8b: {  	s0 =	sand.u32 $0x1, s1  }
0x8c: {  	s18 =	sshll.u32 s0, $0xA;
	s2 =	sadd.s32 s3, s2  }
0x8d: {  	s2 =	sadd.s32 s2, s18  }
0x8e: {  	[smem:$0x3FC7] =	sst s2  }
0x8f: {  	_ = 	snop  }
0x90: {  	s2 =	sld [smem:$0x3FC9]  }
0x91: {  	s19 =	sld [smem:$0x3FD0];
	(tm) =	ssettm $0x1  }
0x92: {  	s4 =	sld [smem:$0x3FFB];
	_ =	sdelay $0x3  }
0x93: {  	_ =	strace s4  }
0x94: {  	s4 =	sld [smem:$0x3FFC];
	_ =	sdelay $0x3  }
0x95: {  	_ =	strace s4  }
0x96: {  	s4 =	sld [smem:$0x3FFD];
	_ =	sdelay $0x3  }
0x97: {  	_ =	strace s4  }
0x98: {  	_ =	strace $0x8FFFFFFF  }
0x99: {  	s20 =	sld [smem:$0x3FDB];
	_ =	sdelay $0x1  }
0x9a: {  	s5 =	simm.s32 $_scs_section_size  }
0x9b: {  	s6 =	simm.s32 $_size__tile_overlayer_lowered;
	s7 =	simm.s32 $_tile_overlayer_lowered  }
0x9c: {  	s23 =	simm.s32 $0x1BFF;
	s22 =	sshll.u32 s7, $0x1;
	s4 =	sadd.s32 s5, s20  }
0x9d: {  	s8 =	simm.s32 $0x0;
	s21 =	sshll.u32 s6, $0x1;
	s6 =	sadd.s32 s22, s4  }
0x9e: {  	[timem:s8], [sflag:s23] =	dma.local [hbm:s6], s21  }
0x9f: {  	_ =	swait.ge [sflag:s23], s21  }
0xa0: {  	s5 =	ssub.s32 $0x0, s21;
	[sflag:s23] =	ssyncset.done $0x0  }
0xa1: {  	[sflag:s23] =	ssyncadd.s32 s5;
	_ =	sdelay $0x1  }
0xa2: {  	s24 =	simm.s32 $0x1B8B  }
0xa3: {  	_ =	swait.ge [sflag:s24], $0x1  }
0xa4: {  	[sflag:s24] =	ssyncset.done $0x0  }
0xa5: {  	s25 =	simm.s32 $0x1B8E;
	[sflag:s24] =	ssyncadd.s32 $0xFFFFFFFF  }
0xa6: {  	s26 =	simm.s32 $execute0_lowered;
	[smem:$0x3FD2] =	sst s25  }
0xa7: {  	s5 =	sshll.u32 s26, $0x1;
	_ =	strace $0x80000046;
	[dreg:$0x1] =	wrdreg $0xFFFFFFFF  }
0xa8: {  	s28 =	simm.s32 $_size_execute0_lowered;
	s4 =	sadd.s32 s4, s5;
	[dreg:$0x0] =	wrdreg $0x0  }
0xa9: {  	s5 =	sshll.u32 s28, $0x1;
	[dreg:$0x2] =	wrdreg s4  }
0xaa: {  	[dreg:$0x3] =	wrdreg s5  }
0xab: {  	[dreg:$0x4] =	wrdreg $0xC0  }
0xac: {  	_ =	task [dreg:s8], $0x5FFFF  }
0xad: {  	[dreg:$0x1] =	wrdreg $0xFFFFFFFF  }
0xae: {  	[dreg:$0x0] =	wrdreg $0x60  }
0xaf: {  	[dreg:$0x2] =	wrdreg s2  }
0xb0: {  	[dreg:$0x3] =	wrdreg s19  }
0xb1: {  	[dreg:$0x4] =	wrdreg $0x9  }
0xb2: {  	_ =	task.clear_ibuf [dreg:s8], $0x5FFFF;
	_ =	strace $0x90000046  }
0xb3: {  	s29 =	simm.s32 $0x9;
	_ =	strace $0x80000048  }
0xb4: {  	_ =	swait.ge [sflag:s29], $0x1  }
0xb5: {  	[sflag:s29] =	ssyncadd.s32 $0xFFFFFFFF  }
0xb6: {  	_ =	strace $0x90000048  }
0xb7: {  	_ =	sfence  }
0xb8: {  	s30 =	sld [smem:$0x0];
	_ =	sdelay $0x2  }
0xb9: {  	s31 =	sshll.u32 s1, $0xD;
	s1 =	sshrl.u32 s1, $0x2  }
0xba: {  	s3 =	sand.u32 $0x4000, s31;
	s1 =	sadd.s32 s1, s30  }
0xbb: {  	s0 =	sor.u32 s3, s0;
	s1 =	sshll.u32 s1, $0x11  }
0xbc: {  	s0 =	sor.u32 s1, s0  }
0xbd: {  	s0 =	sadd.s32 $0x8F2B, s0  }
0xbe: {  	[sflag:s0] =	ssyncadd.remote.s32 $0x1  }
0xbf: {  	_ =	sfence.sel $0xFFFF  }
0xc0: {  	[dreg:$0x0] =	wrdreg $0xFFFFFFFF;
	(pc) =	sbr.abs _section_cstart, $3  }
0xc1: {  	[dreg:$0x1] =	wrdreg $0xFFFFFFFF  }
0xc2: {  	_ =	task.clear_ibuf [dreg:s8], $0x2FFFF;
	_ =	strace $0x9FFFFFFF  }
0xc3: {  	(tm) =	ssettm $0x7FFFFFFF  }
tec
execute0_lowered:
.L_overlay_start_1:
0x0: {  	(tag) =	ssettag $0x1  }
0x1: {  	s0 =	srdreg.scid;
	s3 =	rddreg [dreg:$0x0]  }
0x2: {  	s1 =	stileid.u32;
	s4 =	rddreg [dreg:$0x1];
	s0 =	sand.u32 $0x1, s0  }
0x3: {  	s5 =	simm.s32 $0x0;
	s1 =	sshll.u32 s1, $0x10;
	s2 =	sshll.u32 s0, $0xF  }
0x4: {  	[smem:$0x7FF] =	sst s5;
	s1 =	sor.u32 s2, s1  }
0x5: {  	s8 =	sadd.s32 $0x60000, s4;
	[dreg:$0x3] =	wrdreg s1  }
0x6: {  	s9 =	sadd.s32 $0x80000, s4;
	_ =	strace $0x80000047;
	[dreg:$0xe] =	wrdreg s8  }
0x7: {  	s10 =	sadd.s32 $0xA0000, s4;
	[dreg:$0xf] =	wrdreg s9  }
0x8: {  	s11 =	sadd.s32 $0xC0000, s4;
	[dreg:$0x10] =	wrdreg s10  }
0x9: {  	s12 =	sadd.s32 $0xE0000, s4;
	[dreg:$0x11] =	wrdreg s11  }
0xa: {  	s13 =	sadd.s32 $0x100000, s4;
	[dreg:$0x12] =	wrdreg s12  }
0xb: {  	s14 =	sadd.s32 $0x120000, s4;
	[dreg:$0x13] =	wrdreg s13  }
0xc: {  	s15 =	sadd.s32 $0x140000, s4;
	[dreg:$0x14] =	wrdreg s14  }
0xd: {  	s16 =	sadd.s32 $0x160000, s4;
	[dreg:$0x15] =	wrdreg s15  }
0xe: {  	s17 =	sadd.s32 $0x180000, s4;
	[dreg:$0x16] =	wrdreg s16  }
0xf: {  	s18 =	sadd.s32 $0x1A0000, s4;
	s0 =	ssub.s32 $0x2, s0;
	[dreg:$0x18] =	wrdreg s17  }
0x10: {  	s19 =	sadd.s32 $0x1C0000, s4;
	s26 =	sshrl.u32 s0, $0x1;
	[dreg:$0x19] =	wrdreg s18  }
0x11: {  	s20 =	sadd.s32 $0x1E0000, s4;
	s0 =	ssub.s32 s0, s26;
	[dreg:$0x1a] =	wrdreg s19  }
0x12: {  	s1 =	sshrl.u32 s1, $0x3;
	s0 =	smax.u32 s0, $0x1;
	[dreg:$0x1b] =	wrdreg s20  }
0x13: {  	s3 =	sadd.s32 s3, s1;
	[dreg:$0x17] =	wrdreg s0  }
0x14: {  	s1 =	sadd.s32 $0x40, s3;
	[dreg:$0x4] =	wrdreg s3  }
0x15: {  	s28 =	sadd.s32 $0x80, s3;
	[dreg:$0x5] =	wrdreg s1  }
0x16: {  	s29 =	sadd.s32 $0xC0, s3;
	[dreg:$0x6] =	wrdreg s28  }
0x17: {  	s30 =	sadd.s32 $0x100, s3;
	[dreg:$0x7] =	wrdreg s29  }
0x18: {  	s2 =	sadd.s32 $0x140, s3;
	[dreg:$0x8] =	wrdreg s30  }
0x19: {  	s6 =	sadd.s32 $0x180, s3;
	[dreg:$0x9] =	wrdreg s2  }
0x1a: {  	s7 =	sadd.s32 $0x1C0, s3;
	[dreg:$0xa] =	wrdreg s6  }
0x1b: {  	s21 =	sadd.s32 $0x10, s3;
	[dreg:$0xb] =	wrdreg s7  }
0x1c: {  	s22 =	sadd.s32 $0x20, s3;
	[dreg:$0x1c] =	wrdreg s21  }
0x1d: {  	s23 =	sadd.s32 $0x30, s3;
	[dreg:$0x1d] =	wrdreg s22  }
0x1e: {  	s24 =	sadd.s32 $0x50, s3;
	[dreg:$0x1e] =	wrdreg s23  }
0x1f: {  	s25 =	sadd.s32 $0x60, s3;
	[dreg:$0x1f] =	wrdreg s24  }
0x20: {  	s31 =	sadd.s32 $0x200000, s4;
	s26 =	sadd.s32 $0x70, s3;
	[smem:$0x7EA] =	sst s25  }
0x21: {  	s8 =	sadd.s32 $0x280000, s4;
	s13 =	sadd.s32 $0xD0, s3;
	[smem:$0x7EB] =	sst s26  }
0x22: {  	s9 =	sadd.s32 $0x2A0000, s4;
	s14 =	sadd.s32 $0xE0, s3;
	[smem:$0x7EF] =	sst s13  }
0x23: {  	s10 =	sadd.s32 $0x2C0000, s4;
	s15 =	sadd.s32 $0xF0, s3;
	[smem:$0x7F0] =	sst s14  }
0x24: {  	s11 =	sadd.s32 $0x2E0000, s4;
	s16 =	sadd.s32 $0x110, s3;
	[smem:$0x7F1] =	sst s15  }
0x25: {  	s12 =	sadd.s32 $0x300000, s4;
	s17 =	sadd.s32 $0x120, s3;
	[smem:$0x7F2] =	sst s16  }
0x26: {  	s0 =	sadd.s32 $0x240000, s4;
	s18 =	sadd.s32 $0x130, s3;
	[smem:$0x7F3] =	sst s17  }
0x27: {  	s19 =	sadd.s32 $0x150, s3;
	s20 =	sadd.s32 $0x160, s3;
	[smem:$0x7F4] =	sst s18  }
0x28: {  	s28 =	sadd.s32 $0x20000, s4;
	s29 =	sadd.s32 $0x40000, s4;
	[smem:$0x7F5] =	sst s19  }
0x29: {  	s1 =	sadd.s32 $0x220000, s4;
	s30 =	sadd.s32 $0x90, s3;
	[smem:$0x7F6] =	sst s20  }
0x2a: {  	s7 =	sadd.s32 $0x260000, s4;
	s4 =	sadd.s32 $0xA0, s3;
	[smem:$0x7EC] =	sst s30  }
0x2b: {  	s6 =	sadd.s32 $0xB0, s3;
	[smem:$0x7ED] =	sst s4  }
0x2c: {  	s21 =	sadd.s32 $0x170, s3;
	[smem:$0x7EE] =	sst s6  }
0x2d: {  	s22 =	sadd.s32 $0x190, s3;
	[smem:$0x7F7] =	sst s21  }
0x2e: {  	s23 =	sadd.s32 $0x1A0, s3;
	[smem:$0x7F8] =	sst s22  }
0x2f: {  	s24 =	sadd.s32 $0x1B0, s3;
	[smem:$0x7F9] =	sst s23  }
0x30: {  	s25 =	sadd.s32 $0x1D0, s3;
	s26 =	sadd.s32 $0x1E0, s3;
	[smem:$0x7FA] =	sst s24  }
0x31: {  	s2 =	simm.s32 $0x4200;
	s13 =	simm.s32 $0x7400;
	[smem:$0x7FB] =	sst s25  }
0x32: {  	s14 =	simm.s32 $0x13C00;
	s15 =	simm.s32 $0x16E00;
	[smem:$0x7FC] =	sst s26  }
0x33: {  	s18 =	simm.s32 $0x0;
	s30 =	sadd.s32 $0x1F0, s3;
	[dreg:$0xc] =	wrdreg s28  }
0x34: {  	s25 =	simm.s32 $0x1000;
	s4 =	simm.s32 $0xA600;
	[dreg:$0xd] =	wrdreg s29  }
0x35: {  	v0 =	vimm.f32 $0.0e+00;
	v1 =	vlaneseq.u32;
	v2 =	vimm.f32 $1.000000000e+00;
	s6 =	simm.s32 $0xD800;
	s3 =	simm.s32 $0x10A00;
	[smem:$0x7FD] =	sst s30  }
.LBB2_1:
0x36: {  	[smem:$0x7E9] =	sst s18  }
0x37: {  	s16 =	rddreg [dreg:$0x4]  }
0x38: {  	s22 =	rddreg [dreg:$0x1c]  }
0x39: {  	[tilespmem:s5], [sflag:$0x1] =	stream.linear.gather [hbm4b:s16+s5], $0x80, $0x38;
	[tilespmem:$0x1B000] =	vst v63  }
0x3a: {  	s17 =	simm.s32 $0x400;
	s23 =	rddreg [dreg:$0x1d]  }
0x3b: {  	[tilespmem:s17], [sflag:$0x1] =	stream.linear.gather [hbm4b:s22+s5], $0x80, $0x38;
	[tilespmem:$0x1B000] =	vst v63  }
0x3c: {  	s24 =	simm.s32 $0x800;
	s26 =	rddreg [dreg:$0x1e]  }
0x3d: {  	[tilespmem:s24], [sflag:$0x1] =	stream.linear.gather [hbm4b:s23+s5], $0x80, $0x38;
	[tilespmem:$0x1B000] =	vst v63  }
0x3e: {  	s30 =	simm.s32 $0xC00;
	s19 =	rddreg [dreg:$0x1f]  }
0x3f: {  	[tilespmem:s30], [sflag:$0x1] =	stream.linear.gather [hbm4b:s26+s5], $0x80, $0x38;
	[tilespmem:$0x1B000] =	vst v63  }
0x40: {  	s18 =	simm.s32 $0x80;
	s17 =	rddreg [dreg:$0x5]  }
0x41: {  	[tilespmem:s18], [sflag:$0x2] =	stream.linear.gather [hbm4b:s17+s5], $0x80, $0x38;
	[tilespmem:$0x1B000] =	vst v63  }
0x42: {  	s20 =	simm.s32 $0x480;
	s21 =	sld [smem:$0x7EA]  }
0x43: {  	[tilespmem:s20], [sflag:$0x2] =	stream.linear.gather [hbm4b:s19+s5], $0x80, $0x38;
	[tilespmem:$0x1B000] =	vst v63  }
0x44: {  	s22 =	simm.s32 $0x880;
	s23 =	sld [smem:$0x7EB]  }
0x45: {  	[tilespmem:s22], [sflag:$0x2] =	stream.linear.gather [hbm4b:s21+s5], $0x80, $0x38;
	[tilespmem:$0x1B000] =	vst v63  }
0x46: {  	s24 =	simm.s32 $0xC80;
	s26 =	rddreg [dreg:$0x6]  }
0x47: {  	[tilespmem:s24], [sflag:$0x2] =	stream.linear.gather [hbm4b:s23+s5], $0x80, $0x38;
	[tilespmem:$0x1B000] =	vst v63  }
0x48: {  	s30 =	simm.s32 $0x100;
	s17 =	sld [smem:$0x7EC]  }
0x49: {  	[tilespmem:s30], [sflag:$0x3] =	stream.linear.gather [hbm4b:s26+s5], $0x80, $0x38;
	[tilespmem:$0x1B000] =	vst v63  }
0x4a: {  	s18 =	simm.s32 $0x500;
	s19 =	sld [smem:$0x7ED]  }
0x4b: {  	[tilespmem:s18], [sflag:$0x3] =	stream.linear.gather [hbm4b:s17+s5], $0x80, $0x38;
	[tilespmem:$0x1B000] =	vst v63  }
0x4c: {  	s20 =	simm.s32 $0x900;
	s21 =	sld [smem:$0x7EE]  }
0x4d: {  	[tilespmem:s20], [sflag:$0x3] =	stream.linear.gather [hbm4b:s19+s5], $0x80, $0x38;
	[tilespmem:$0x1B000] =	vst v63  }
0x4e: {  	s22 =	simm.s32 $0xD00;
	s23 =	rddreg [dreg:$0x7]  }
0x4f: {  	[tilespmem:s22], [sflag:$0x3] =	stream.linear.gather [hbm4b:s21+s5], $0x80, $0x38;
	[tilespmem:$0x1B000] =	vst v63  }
0x50: {  	s24 =	simm.s32 $0x180;
	s26 =	sld [smem:$0x7EF]  }
0x51: {  	[tilespmem:s24], [sflag:$0x4] =	stream.linear.gather [hbm4b:s23+s5], $0x80, $0x38;
	[tilespmem:$0x1B000] =	vst v63  }
0x52: {  	s30 =	simm.s32 $0x580;
	s17 =	sld [smem:$0x7F0]  }
0x53: {  	[tilespmem:s30], [sflag:$0x4] =	stream.linear.gather [hbm4b:s26+s5], $0x80, $0x38;
	[tilespmem:$0x1B000] =	vst v63  }
0x54: {  	s18 =	simm.s32 $0x980;
	s19 =	sld [smem:$0x7F1]  }
0x55: {  	[tilespmem:s18], [sflag:$0x4] =	stream.linear.gather [hbm4b:s17+s5], $0x80, $0x38;
	[tilespmem:$0x1B000] =	vst v63  }
0x56: {  	s20 =	simm.s32 $0xD80;
	s21 =	rddreg [dreg:$0x8]  }
0x57: {  	[tilespmem:s20], [sflag:$0x4] =	stream.linear.gather [hbm4b:s19+s5], $0x80, $0x38;
	[tilespmem:$0x1B000] =	vst v63  }
0x58: {  	s22 =	simm.s32 $0x200;
	s23 =	sld [smem:$0x7F2]  }
0x59: {  	[tilespmem:s22], [sflag:$0x5] =	stream.linear.gather [hbm4b:s21+s5], $0x80, $0x38;
	[tilespmem:$0x1B000] =	vst v63  }
0x5a: {  	s24 =	simm.s32 $0x600;
	s26 =	sld [smem:$0x7F3]  }
0x5b: {  	[tilespmem:s24], [sflag:$0x5] =	stream.linear.gather [hbm4b:s23+s5], $0x80, $0x38;
	[tilespmem:$0x1B000] =	vst v63  }
0x5c: {  	s30 =	simm.s32 $0xA00;
	s17 =	sld [smem:$0x7F4]  }
0x5d: {  	[tilespmem:s30], [sflag:$0x5] =	stream.linear.gather [hbm4b:s26+s5], $0x80, $0x38;
	[tilespmem:$0x1B000] =	vst v63  }
0x5e: {  	s18 =	simm.s32 $0xE00;
	s19 =	rddreg [dreg:$0x9]  }
0x5f: {  	[tilespmem:s18], [sflag:$0x5] =	stream.linear.gather [hbm4b:s17+s5], $0x80, $0x38;
	[tilespmem:$0x1B000] =	vst v63  }
0x60: {  	s20 =	simm.s32 $0x280;
	s21 =	sld [smem:$0x7F5]  }
0x61: {  	[tilespmem:s20], [sflag:$0x6] =	stream.linear.gather [hbm4b:s19+s5], $0x80, $0x38;
	[tilespmem:$0x1B000] =	vst v63  }
0x62: {  	s22 =	simm.s32 $0x680;
	s23 =	sld [smem:$0x7F6]  }
0x63: {  	[tilespmem:s22], [sflag:$0x6] =	stream.linear.gather [hbm4b:s21+s5], $0x80, $0x38;
	[tilespmem:$0x1B000] =	vst v63  }
0x64: {  	s24 =	simm.s32 $0xA80;
	s26 =	sld [smem:$0x7F7]  }
0x65: {  	[tilespmem:s24], [sflag:$0x6] =	stream.linear.gather [hbm4b:s23+s5], $0x80, $0x38;
	[tilespmem:$0x1B000] =	vst v63  }
0x66: {  	s30 =	simm.s32 $0xE80;
	s17 =	rddreg [dreg:$0xa]  }
0x67: {  	[tilespmem:s30], [sflag:$0x6] =	stream.linear.gather [hbm4b:s26+s5], $0x80, $0x38;
	[tilespmem:$0x1B000] =	vst v63  }
0x68: {  	s18 =	simm.s32 $0x300;
	s19 =	sld [smem:$0x7F8]  }
0x69: {  	[tilespmem:s18], [sflag:$0x7] =	stream.linear.gather [hbm4b:s17+s5], $0x80, $0x38;
	[tilespmem:$0x1B000] =	vst v63  }
0x6a: {  	s20 =	simm.s32 $0x700;
	s21 =	sld [smem:$0x7F9]  }
0x6b: {  	[tilespmem:s20], [sflag:$0x7] =	stream.linear.gather [hbm4b:s19+s5], $0x80, $0x38;
	[tilespmem:$0x1B000] =	vst v63  }
0x6c: {  	s22 =	simm.s32 $0xB00;
	s23 =	sld [smem:$0x7FA]  }
0x6d: {  	[tilespmem:s22], [sflag:$0x7] =	stream.linear.gather [hbm4b:s21+s5], $0x80, $0x38;
	[tilespmem:$0x1B000] =	vst v63  }
0x6e: {  	s24 =	simm.s32 $0xF00;
	s26 =	rddreg [dreg:$0xb]  }
0x6f: {  	[tilespmem:s24], [sflag:$0x7] =	stream.linear.gather [hbm4b:s23+s5], $0x80, $0x38;
	[tilespmem:$0x1B000] =	vst v63  }
0x70: {  	s30 =	simm.s32 $0x380;
	s18 =	sld [smem:$0x7FB]  }
0x71: {  	[tilespmem:s30], [sflag:$0x8] =	stream.linear.gather [hbm4b:s26+s5], $0x80, $0x38;
	[tilespmem:$0x1B000] =	vst v63  }
0x72: {  	s19 =	simm.s32 $0x780;
	s20 =	sld [smem:$0x7FC]  }
0x73: {  	[tilespmem:s19], [sflag:$0x8] =	stream.linear.gather [hbm4b:s18+s5], $0x80, $0x38;
	[tilespmem:$0x1B000] =	vst v63  }
0x74: {  	s21 =	simm.s32 $0xB80;
	s22 =	sld [smem:$0x7FD]  }
0x75: {  	[tilespmem:s21], [sflag:$0x8] =	stream.linear.gather [hbm4b:s20+s5], $0x80, $0x38;
	[tilespmem:$0x1B000] =	vst v63  }
0x76: {  	s16 =	simm.s32 $0x1040;
	s23 =	simm.s32 $0xF80  }
0x77: {  	[tilespmem:s23], [sflag:$0x8] =	stream.linear.gather [hbm4b:s22+s5], $0x80, $0x38;
	[tilespmem:$0x1B000] =	vst v63  }
0x78: {  	s19 =	simm.s32 $0x4240;
	[tilespmem:s16+$0xFFFFFFC0] =	vst v0  }
0x79: {  	s24 =	simm.s32 $0x7440;
	[tilespmem:s19+$0xFFFFFFC0] =	vst v0  }
0x7a: {  	s30 =	simm.s32 $0xA640;
	[tilespmem:s24+$0xFFFFFFC0] =	vst v0  }
0x7b: {  	s23 =	simm.s32 $0xD840;
	[tilespmem:s30+$0xFFFFFFC0] =	vst v0  }
0x7c: {  	s22 =	simm.s32 $0x10A40;
	[tilespmem:s23+$0xFFFFFFC0] =	vst v0  }
0x7d: {  	s26 =	simm.s32 $0x13C40;
	[tilespmem:s22+$0xFFFFFFC0] =	vst v0  }
0x7e: {  	s20 =	simm.s32 $0x16E40;
	[tilespmem:s26+$0xFFFFFFC0] =	vst v0  }
0x7f: {  	[tilespmem:s20+$0xFFFFFFC0] =	vst v0  }
0x80: {  	[tilespmem:s16+$0xFFFFFFD0] =	vst v0  }
0x81: {  	[tilespmem:s19+$0xFFFFFFD0] =	vst v0  }
0x82: {  	[tilespmem:s24+$0xFFFFFFD0] =	vst v0  }
0x83: {  	[tilespmem:s30+$0xFFFFFFD0] =	vst v0  }
0x84: {  	[tilespmem:s23+$0xFFFFFFD0] =	vst v0  }
0x85: {  	[tilespmem:s22+$0xFFFFFFD0] =	vst v0  }
0x86: {  	[tilespmem:s26+$0xFFFFFFD0] =	vst v0  }
0x87: {  	[tilespmem:s20+$0xFFFFFFD0] =	vst v0  }
0x88: {  	[tilespmem:s16+$0xFFFFFFE0] =	vst v0  }
0x89: {  	[tilespmem:s19+$0xFFFFFFE0] =	vst v0  }
0x8a: {  	[tilespmem:s24+$0xFFFFFFE0] =	vst v0  }
0x8b: {  	[tilespmem:s30+$0xFFFFFFE0] =	vst v0  }
0x8c: {  	[tilespmem:s23+$0xFFFFFFE0] =	vst v0  }
0x8d: {  	[tilespmem:s22+$0xFFFFFFE0] =	vst v0  }
0x8e: {  	[tilespmem:s26+$0xFFFFFFE0] =	vst v0  }
0x8f: {  	[tilespmem:s20+$0xFFFFFFE0] =	vst v0  }
0x90: {  	[tilespmem:s16+$0xFFFFFFF0] =	vst v0  }
0x91: {  	[tilespmem:s19+$0xFFFFFFF0] =	vst v0  }
0x92: {  	[tilespmem:s24+$0xFFFFFFF0] =	vst v0  }
0x93: {  	[tilespmem:s30+$0xFFFFFFF0] =	vst v0  }
0x94: {  	[tilespmem:s23+$0xFFFFFFF0] =	vst v0  }
0x95: {  	[tilespmem:s22+$0xFFFFFFF0] =	vst v0  }
0x96: {  	[tilespmem:s26+$0xFFFFFFF0] =	vst v0  }
0x97: {  	[tilespmem:s20+$0xFFFFFFF0] =	vst v0  }
0x98: {  	[tilespmem:s16+$0x0] =	vst v0  }
0x99: {  	[tilespmem:s19+$0x0] =	vst v0  }
0x9a: {  	[tilespmem:s24+$0x0] =	vst v0  }
0x9b: {  	[tilespmem:s30+$0x0] =	vst v0  }
0x9c: {  	[tilespmem:s23+$0x0] =	vst v0  }
0x9d: {  	[tilespmem:s22+$0x0] =	vst v0  }
0x9e: {  	[tilespmem:s26+$0x0] =	vst v0  }
0x9f: {  	[tilespmem:s20+$0x0] =	vst v0  }
0xa0: {  	[tilespmem:s16+$0x10] =	vst v0  }
0xa1: {  	[tilespmem:s19+$0x10] =	vst v0  }
0xa2: {  	[tilespmem:s24+$0x10] =	vst v0  }
0xa3: {  	[tilespmem:s30+$0x10] =	vst v0  }
0xa4: {  	[tilespmem:s23+$0x10] =	vst v0  }
0xa5: {  	[tilespmem:s22+$0x10] =	vst v0  }
0xa6: {  	[tilespmem:s26+$0x10] =	vst v0  }
0xa7: {  	[tilespmem:s20+$0x10] =	vst v0  }
0xa8: {  	[tilespmem:s16+$0x20] =	vst v0  }
0xa9: {  	[tilespmem:s19+$0x20] =	vst v0  }
0xaa: {  	[tilespmem:s24+$0x20] =	vst v0  }
0xab: {  	[tilespmem:s30+$0x20] =	vst v0  }
0xac: {  	[tilespmem:s23+$0x20] =	vst v0  }
0xad: {  	[tilespmem:s22+$0x20] =	vst v0  }
0xae: {  	[tilespmem:s26+$0x20] =	vst v0  }
0xaf: {  	[tilespmem:s20+$0x20] =	vst v0  }
0xb0: {  	[tilespmem:s16+$0x30] =	vst v0  }
0xb1: {  	[tilespmem:s19+$0x30] =	vst v0  }
0xb2: {  	[tilespmem:s24+$0x30] =	vst v0  }
0xb3: {  	[tilespmem:s30+$0x30] =	vst v0  }
0xb4: {  	s28 =	simm.s32 $0xA6C0;
	s29 =	simm.s32 $0xD8C0;
	s17 =	simm.s32 $0x1A200;
	[tilespmem:s23+$0x30] =	vst v0  }
0xb5: {  	s18 =	simm.s32 $0x70;
	s21 =	simm.s32 $0x0;
	s24 =	simm.s32 $0x16EC0;
	[tilespmem:s22+$0x30] =	vst v0  }
0xb6: {  	s23 =	simm.s32 $0x13CC0;
	s22 =	simm.s32 $0x10AC0;
	[tilespmem:s26+$0x30] =	vst v0;
	s26 =	simm.s32 $0x74C0  }
.LBB2_2:
0xb7: {  	s21 =	sadd.s32 $0x8, s21;
	[tilespmem:s20+$0x30] =	vst v0;
	s16 =	sadd.s32 $0x80, s16;
	s19 =	sadd.s32 $0x80, s19  }
0xb8: {  	s30 =	smov.u32 s23;
	s20 =	smov.u32 s24;
	[tilespmem:s16+$0xFFFFFFC0] =	vst v0;
	p0 =	slt.u32 s21, $0x318  }
0xb9: {  	[tilespmem:s19+$0xFFFFFFC0] =	vst v0  }
0xba: {  	[tilespmem:s26+$0xFFFFFFC0] =	vst v0  }
0xbb: {  	[tilespmem:s28+$0xFFFFFFC0] =	vst v0  }
0xbc: {  	[tilespmem:s29+$0xFFFFFFC0] =	vst v0  }
0xbd: {  	[tilespmem:s22+$0xFFFFFFC0] =	vst v0  }
0xbe: {  	[tilespmem:s23+$0xFFFFFFC0] =	vst v0  }
0xbf: {  	[tilespmem:s24+$0xFFFFFFC0] =	vst v0  }
0xc0: {  	[tilespmem:s16+$0xFFFFFFD0] =	vst v0  }
0xc1: {  	[tilespmem:s19+$0xFFFFFFD0] =	vst v0  }
0xc2: {  	[tilespmem:s26+$0xFFFFFFD0] =	vst v0  }
0xc3: {  	[tilespmem:s28+$0xFFFFFFD0] =	vst v0  }
0xc4: {  	[tilespmem:s29+$0xFFFFFFD0] =	vst v0  }
0xc5: {  	[tilespmem:s22+$0xFFFFFFD0] =	vst v0  }
0xc6: {  	[tilespmem:s23+$0xFFFFFFD0] =	vst v0  }
0xc7: {  	[tilespmem:s24+$0xFFFFFFD0] =	vst v0  }
0xc8: {  	[tilespmem:s16+$0xFFFFFFE0] =	vst v0  }
0xc9: {  	[tilespmem:s19+$0xFFFFFFE0] =	vst v0  }
0xca: {  	[tilespmem:s26+$0xFFFFFFE0] =	vst v0  }
0xcb: {  	[tilespmem:s28+$0xFFFFFFE0] =	vst v0  }
0xcc: {  	[tilespmem:s29+$0xFFFFFFE0] =	vst v0  }
0xcd: {  	[tilespmem:s22+$0xFFFFFFE0] =	vst v0  }
0xce: {  	[tilespmem:s23+$0xFFFFFFE0] =	vst v0  }
0xcf: {  	[tilespmem:s24+$0xFFFFFFE0] =	vst v0  }
0xd0: {  	[tilespmem:s16+$0xFFFFFFF0] =	vst v0  }
0xd1: {  	[tilespmem:s19+$0xFFFFFFF0] =	vst v0  }
0xd2: {  	[tilespmem:s26+$0xFFFFFFF0] =	vst v0  }
0xd3: {  	[tilespmem:s28+$0xFFFFFFF0] =	vst v0  }
0xd4: {  	[tilespmem:s29+$0xFFFFFFF0] =	vst v0  }
0xd5: {  	[tilespmem:s22+$0xFFFFFFF0] =	vst v0  }
0xd6: {  	[tilespmem:s23+$0xFFFFFFF0] =	vst v0  }
0xd7: {  	[tilespmem:s24+$0xFFFFFFF0] =	vst v0  }
0xd8: {  	[tilespmem:s16+$0x0] =	vst v0  }
0xd9: {  	[tilespmem:s19+$0x0] =	vst v0  }
0xda: {  	[tilespmem:s26+$0x0] =	vst v0  }
0xdb: {  	[tilespmem:s28+$0x0] =	vst v0  }
0xdc: {  	[tilespmem:s29+$0x0] =	vst v0  }
0xdd: {  	[tilespmem:s22+$0x0] =	vst v0  }
0xde: {  	[tilespmem:s23+$0x0] =	vst v0  }
0xdf: {  	[tilespmem:s24+$0x0] =	vst v0  }
0xe0: {  	[tilespmem:s16+$0x10] =	vst v0  }
0xe1: {  	[tilespmem:s19+$0x10] =	vst v0  }
0xe2: {  	[tilespmem:s26+$0x10] =	vst v0  }
0xe3: {  	[tilespmem:s28+$0x10] =	vst v0  }
0xe4: {  	[tilespmem:s29+$0x10] =	vst v0  }
0xe5: {  	[tilespmem:s22+$0x10] =	vst v0  }
0xe6: {  	[tilespmem:s23+$0x10] =	vst v0  }
0xe7: {  	[tilespmem:s24+$0x10] =	vst v0  }
0xe8: {  	[tilespmem:s16+$0x20] =	vst v0  }
0xe9: {  	[tilespmem:s19+$0x20] =	vst v0  }
0xea: {  	[tilespmem:s26+$0x20] =	vst v0  }
0xeb: {  	[tilespmem:s28+$0x20] =	vst v0  }
0xec: {  	[tilespmem:s29+$0x20] =	vst v0  }
0xed: {  	[tilespmem:s22+$0x20] =	vst v0  }
0xee: {  	[tilespmem:s23+$0x20] =	vst v0  }
0xef: {  	[tilespmem:s24+$0x20] =	vst v0  }
0xf0: {  	[tilespmem:s16+$0x30] =	vst v0  }
0xf1: {  	[tilespmem:s19+$0x30] =	vst v0  }
.Ltmp0:
0xf2: {  	[tilespmem:s26+$0x30] =	vst v0;
	(pc) =	sbr.rel @p0 .LBB2_2-.Ltmp0, $4  }
0xf3: {  	[tilespmem:s28+$0x30] =	vst v0  }
0xf4: {  	[tilespmem:s29+$0x30] =	vst v0  }
0xf5: {  	s23 =	sadd.s32 $0x80, s23;
	s24 =	sadd.s32 $0x80, s24;
	[tilespmem:s22+$0x30] =	vst v0;
	s22 =	sadd.s32 $0x80, s22  }
0xf6: {  	s26 =	sadd.s32 $0x80, s26;
	s28 =	sadd.s32 $0x80, s28;
	s29 =	sadd.s32 $0x80, s29;
	[tilespmem:s30+$0x30] =	vst v0  }
0xf7: {  	s16 =	simm.s32 $0x60  }
0xf8: {  	[tilespmem:s20+$0x30] =	vst v0;
	s19 =	simm.s32 $0x10;
	v4 =	vor.u32 s16, v1  }
0xf9: {  	v3 =	vor.u32 s19, v1;
	[tilespmem:s17+$0x1E0] =	vst v4  }
0xfa: {  	s24 =	simm.s32 $0x0;
	[tilespmem:s17+$0xFFFFFE10] =	vst v3  }
0xfb: {  	v5 =	vor.u32 s24, v1;
	[tilespmem:s17+$0xFFFFFE90] =	vst v3  }
0xfc: {  	[tilespmem:s17+$0xFFFFFE00] =	vst v5  }
0xfd: {  	[tilespmem:s17+$0xFFFFFE80] =	vst v5  }
0xfe: {  	[tilespmem:s17+$0xFFFFFF00] =	vst v5  }
0xff: {  	[tilespmem:s17+$0xFFFFFF80] =	vst v5  }
0x100: {  	[tilespmem:s17+$0x0] =	vst v5  }
0x101: {  	[tilespmem:s17+$0x80] =	vst v5  }
0x102: {  	[tilespmem:s17+$0x100] =	vst v5  }
0x103: {  	[tilespmem:s17+$0x180] =	vst v5  }
0x104: {  	[tilespmem:s17+$0xFFFFFF10] =	vst v3  }
0x105: {  	[tilespmem:s17+$0xFFFFFF90] =	vst v3  }
0x106: {  	[tilespmem:s17+$0x10] =	vst v3  }
0x107: {  	[tilespmem:s17+$0x90] =	vst v3  }
0x108: {  	[tilespmem:s17+$0x110] =	vst v3  }
0x109: {  	[tilespmem:s17+$0x190] =	vst v3  }
0x10a: {  	[tilespmem:s17+$0xFFFFFE60] =	vst v4  }
0x10b: {  	[tilespmem:s17+$0xFFFFFEE0] =	vst v4  }
0x10c: {  	[tilespmem:s17+$0xFFFFFF60] =	vst v4  }
0x10d: {  	[tilespmem:s17+$0xFFFFFFE0] =	vst v4  }
0x10e: {  	[tilespmem:s17+$0x60] =	vst v4  }
0x10f: {  	s26 =	simm.s32 $0x20;
	[tilespmem:s17+$0xE0] =	vst v4  }
0x110: {  	v5 =	vor.u32 s26, v1;
	[tilespmem:s17+$0x160] =	vst v4  }
0x111: {  	[tilespmem:s17+$0xFFFFFE20] =	vst v5  }
0x112: {  	[tilespmem:s17+$0xFFFFFEA0] =	vst v5  }
0x113: {  	[tilespmem:s17+$0xFFFFFF20] =	vst v5  }
0x114: {  	[tilespmem:s17+$0xFFFFFFA0] =	vst v5  }
0x115: {  	[tilespmem:s17+$0x20] =	vst v5  }
0x116: {  	[tilespmem:s17+$0xA0] =	vst v5  }
0x117: {  	s28 =	simm.s32 $0x30;
	[tilespmem:s17+$0x120] =	vst v5  }
0x118: {  	v3 =	vor.u32 s28, v1;
	[tilespmem:s17+$0x1A0] =	vst v5  }
0x119: {  	[tilespmem:s17+$0xFFFFFE30] =	vst v3  }
0x11a: {  	[tilespmem:s17+$0xFFFFFEB0] =	vst v3  }
0x11b: {  	[tilespmem:s17+$0xFFFFFF30] =	vst v3  }
0x11c: {  	[tilespmem:s17+$0xFFFFFFB0] =	vst v3  }
0x11d: {  	[tilespmem:s17+$0x30] =	vst v3  }
0x11e: {  	[tilespmem:s17+$0xB0] =	vst v3  }
0x11f: {  	s29 =	simm.s32 $0x40;
	[tilespmem:s17+$0x130] =	vst v3  }
0x120: {  	v5 =	vor.u32 s29, v1;
	[tilespmem:s17+$0x1B0] =	vst v3  }
0x121: {  	[tilespmem:s17+$0xFFFFFE40] =	vst v5  }
0x122: {  	[tilespmem:s17+$0xFFFFFEC0] =	vst v5  }
0x123: {  	[tilespmem:s17+$0xFFFFFF40] =	vst v5  }
0x124: {  	[tilespmem:s17+$0xFFFFFFC0] =	vst v5  }
0x125: {  	[tilespmem:s17+$0x40] =	vst v5  }
0x126: {  	[tilespmem:s17+$0xC0] =	vst v5  }
0x127: {  	s30 =	simm.s32 $0x50;
	[tilespmem:s17+$0x140] =	vst v5  }
0x128: {  	v3 =	vor.u32 s30, v1;
	[tilespmem:s17+$0x1C0] =	vst v5  }
0x129: {  	[tilespmem:s17+$0xFFFFFE50] =	vst v3  }
0x12a: {  	[tilespmem:s17+$0xFFFFFED0] =	vst v3  }
0x12b: {  	[tilespmem:s17+$0xFFFFFF50] =	vst v3  }
0x12c: {  	[tilespmem:s17+$0xFFFFFFD0] =	vst v3  }
0x12d: {  	[tilespmem:s17+$0x50] =	vst v3  }
0x12e: {  	[tilespmem:s17+$0xD0] =	vst v3  }
0x12f: {  	[tilespmem:s17+$0x150] =	vst v3  }
0x130: {  	[tilespmem:s17+$0x1D0] =	vst v3;
	v3 =	vor.u32 s18, v1  }
0x131: {  	[tilespmem:s17+$0xFFFFFE70] =	vst v3  }
0x132: {  	[tilespmem:s17+$0xFFFFFEF0] =	vst v3  }
0x133: {  	[tilespmem:s17+$0xFFFFFF70] =	vst v3  }
0x134: {  	[tilespmem:s17+$0xFFFFFFF0] =	vst v3  }
0x135: {  	s19 =	simm.s32 $0x0;
	[tilespmem:s17+$0x70] =	vst v3  }
.LBB2_4:
0x136: {  	s16 =	simm.s32 $0x0;
	[tilespmem:s17+$0xF0] =	vst v3;
	s18 =	sadd.s32 $0x80, s18  }
0x137: {  	s19 =	sadd.s32 $0x8, s19;
	s20 =	sadd.s32 $0xFFFFFFA0, s18;
	s21 =	sadd.s32 $0xFFFFFFF0, s18;
	v4 =	vor.u32 s18, v1;
	[tilespmem:s17+$0x170] =	vst v3  }
0x138: {  	p0 =	slt.u32 s19, $0x18;
	v5 =	vor.u32 s20, v1;
	s20 =	sadd.s32 $0xFFFFFFB0, s18;
	v6 =	vor.u32 s21, v1;
	[tilespmem:s17+$0x1F0] =	vst v3;
	s17 =	sadd.s32 $0x400, s17;
	v3 =	vmov v4  }
0x139: {  	s22 =	sadd.s32 $0xFFFFFFE0, s18;
	s21 =	sadd.s32 $0xFFFFFFD0, s18;
	v4 =	vor.u32 s20, v1;
	s20 =	sadd.s32 $0xFFFFFFC0, s18;
	[tilespmem:s17+$0x1E0] =	vst v6  }
0x13a: {  	s23 =	sadd.s32 $0xFFFFFF90, s18;
	v9 =	vor.u32 s22, v1;
	v8 =	vor.u32 s21, v1;
	[tilespmem:s17+$0xFFFFFE10] =	vst v5;
	v7 =	vor.u32 s20, v1  }
0x13b: {  	v10 =	vor.u32 s23, v1;
	[tilespmem:s17+$0xFFFFFE90] =	vst v5  }
0x13c: {  	[tilespmem:s17+$0xFFFFFE00] =	vst v10  }
0x13d: {  	[tilespmem:s17+$0xFFFFFE80] =	vst v10  }
0x13e: {  	[tilespmem:s17+$0xFFFFFF00] =	vst v10  }
0x13f: {  	[tilespmem:s17+$0xFFFFFF80] =	vst v10  }
0x140: {  	[tilespmem:s17+$0x0] =	vst v10  }
0x141: {  	[tilespmem:s17+$0x80] =	vst v10  }
0x142: {  	[tilespmem:s17+$0x100] =	vst v10  }
0x143: {  	[tilespmem:s17+$0x180] =	vst v10  }
0x144: {  	[tilespmem:s17+$0xFFFFFF10] =	vst v5  }
0x145: {  	[tilespmem:s17+$0xFFFFFF90] =	vst v5  }
0x146: {  	[tilespmem:s17+$0x10] =	vst v5  }
0x147: {  	[tilespmem:s17+$0x90] =	vst v5  }
0x148: {  	[tilespmem:s17+$0x110] =	vst v5  }
0x149: {  	[tilespmem:s17+$0x190] =	vst v5  }
0x14a: {  	[tilespmem:s17+$0xFFFFFE20] =	vst v4  }
0x14b: {  	[tilespmem:s17+$0xFFFFFEA0] =	vst v4  }
0x14c: {  	[tilespmem:s17+$0xFFFFFF20] =	vst v4  }
0x14d: {  	[tilespmem:s17+$0xFFFFFFA0] =	vst v4  }
0x14e: {  	[tilespmem:s17+$0x20] =	vst v4  }
0x14f: {  	[tilespmem:s17+$0xA0] =	vst v4  }
0x150: {  	[tilespmem:s17+$0x120] =	vst v4  }
0x151: {  	[tilespmem:s17+$0x1A0] =	vst v4  }
0x152: {  	[tilespmem:s17+$0xFFFFFE30] =	vst v7  }
0x153: {  	[tilespmem:s17+$0xFFFFFEB0] =	vst v7  }
0x154: {  	[tilespmem:s17+$0xFFFFFF30] =	vst v7  }
0x155: {  	[tilespmem:s17+$0xFFFFFFB0] =	vst v7  }
0x156: {  	[tilespmem:s17+$0x30] =	vst v7  }
0x157: {  	[tilespmem:s17+$0xB0] =	vst v7  }
0x158: {  	[tilespmem:s17+$0x130] =	vst v7  }
0x159: {  	[tilespmem:s17+$0x1B0] =	vst v7  }
0x15a: {  	[tilespmem:s17+$0xFFFFFE40] =	vst v8  }
0x15b: {  	[tilespmem:s17+$0xFFFFFEC0] =	vst v8  }
0x15c: {  	[tilespmem:s17+$0xFFFFFF40] =	vst v8  }
0x15d: {  	[tilespmem:s17+$0xFFFFFFC0] =	vst v8  }
0x15e: {  	[tilespmem:s17+$0x40] =	vst v8  }
0x15f: {  	[tilespmem:s17+$0xC0] =	vst v8  }
0x160: {  	[tilespmem:s17+$0x140] =	vst v8  }
0x161: {  	[tilespmem:s17+$0x1C0] =	vst v8  }
0x162: {  	[tilespmem:s17+$0xFFFFFE50] =	vst v9  }
0x163: {  	[tilespmem:s17+$0xFFFFFED0] =	vst v9  }
0x164: {  	[tilespmem:s17+$0xFFFFFF50] =	vst v9  }
0x165: {  	[tilespmem:s17+$0xFFFFFFD0] =	vst v9  }
0x166: {  	[tilespmem:s17+$0x50] =	vst v9  }
0x167: {  	[tilespmem:s17+$0xD0] =	vst v9  }
0x168: {  	[tilespmem:s17+$0x150] =	vst v9  }
0x169: {  	[tilespmem:s17+$0x1D0] =	vst v9  }
0x16a: {  	[tilespmem:s17+$0xFFFFFE60] =	vst v6  }
0x16b: {  	[tilespmem:s17+$0xFFFFFEE0] =	vst v6  }
0x16c: {  	[tilespmem:s17+$0xFFFFFF60] =	vst v6  }
0x16d: {  	[tilespmem:s17+$0xFFFFFFE0] =	vst v6  }
0x16e: {  	[tilespmem:s17+$0x60] =	vst v6  }
0x16f: {  	[tilespmem:s17+$0xE0] =	vst v6  }
0x170: {  	[tilespmem:s17+$0x160] =	vst v6  }
.Ltmp1:
0x171: {  	[tilespmem:s17+$0xFFFFFE70] =	vst v3;
	(pc) =	sbr.rel @p0 .LBB2_4-.Ltmp1, $4  }
0x172: {  	[tilespmem:s17+$0xFFFFFEF0] =	vst v3  }
0x173: {  	[tilespmem:s17+$0xFFFFFF70] =	vst v3  }
0x174: {  	[tilespmem:s17+$0xFFFFFFF0] =	vst v3  }
0x175: {  	[tilespmem:s17+$0x70] =	vst v3  }
0x176: {  	s30 =	rddreg [dreg:$0x0]  }
0x177: {  	[tilespmem:s17+$0xF0] =	vst v3;
	s26 =	rddreg [dreg:$0x1]  }
0x178: {  	[tilespmem:s17+$0x170] =	vst v3;
	s28 =	rddreg [dreg:$0xc]  }
0x179: {  	[tilespmem:s17+$0x1F0] =	vst v3;
	s29 =	rddreg [dreg:$0xd]  }
.LBB2_6:
0x17a: {  	s17 =	simm.s32 $0x1  }
0x17b: {  	_ =	swait.ge [sflag:s17], $0x200  }
0x17c: {  	p1 =	seq.s32 s16, $0x0;
	[sflag:s17] =	ssyncset.done $0x0  }
0x17d: {  	[sflag:s17] =	ssyncadd.s32 $0xFFFFFE00;
	s17 =	simm.s32 @!p1 $0x9  }
0x17e: {  	_ =	swait.ge @!p1 [sflag:s17], $0x3200  }
0x17f: {  	s18 =	sshll.u32 s16, $0xC;
	s19 =	rddreg [dreg:$0x3]  }
0x180: {  	s20 =	simm.s32 $0x0;
	[sflag:s17] =	ssyncset.done @!p1 $0x0;
	s18 =	sor.u32 s19, s18  }
0x181: {  	[sflag:s17] =	ssyncadd.s32 @!p1 $0xFFFFCE00;
	s17 =	simm.s32 $0xFFFFFFFC;
	s19 =	simm.s32 $0x30  }
.LBB2_7:
0x182: {  	s21 =	sadd.s32 $0xFFFFFFD0, s19  }
0x183: {  	s23 =	sand.u32 $0xC00, s20;
	s22 =	sand.u32 $0x40, s21  }
0x184: {  	s22 =	sor.u32 s22, s23  }
0x185: {  	v3 =	vld [tilespmem:s22+$0x0];
	_ =	sdelay $0x1  }
0x186: {  	v4 =	vld [tilespmem:s22+$0x1A000];
	_ =	sdelay $0x2  }
0x187: {  	v3 =	vshll.u32 v3, $0x9  }
0x188: {  	v3 =	vadd.s32 s21, v3  }
0x189: {  	v3 =	vadd.s32 v1, v3;
	_ =	sdelay $0x2  }
0x18a: {  	s21 =	sadd.s32 $0xFFFFFFE0, s19;
	[tilespmem:v4+s25+$0x0] =	vst.idx.msk $0xffff, v0  }
0x18b: {  	s24 =	sand.u32 $0x50, s21;
	[tilespmem:s22+$0x1A000] =	vst v3  }
0x18c: {  	s22 =	sor.u32 s23, s24;
	[tilespmem:v3+s25+$0x0] =	vst.idx.msk $0xffff, v2  }
0x18d: {  	v3 =	vld [tilespmem:s22+$0x0];
	_ =	sdelay $0x2  }
0x18e: {  	v4 =	vld [tilespmem:s22+$0x1A000];
	_ =	sdelay $0x1  }
0x18f: {  	v3 =	vshll.u32 v3, $0x9  }
0x190: {  	v3 =	vadd.s32 s21, v3  }
0x191: {  	v3 =	vadd.s32 v1, v3  }
0x192: {  	v5 =	vand.u32 $0xFFFFFFDF, v3;
	_ =	sdelay $0x2  }
0x193: {  	s21 =	sadd.s32 $0xFFFFFFF0, s19;
	[tilespmem:v4+s25+$0x0] =	vst.idx.msk $0xffff, v0  }
0x194: {  	s24 =	sand.u32 $0x60, s21;
	[tilespmem:s22+$0x1A000] =	vst v3  }
0x195: {  	s22 =	sor.u32 s23, s24;
	[tilespmem:v5+s25+$0x0] =	vst.idx.msk $0xffff, v2  }
0x196: {  	v3 =	vld [tilespmem:s22+$0x0];
	_ =	sdelay $0x2  }
0x197: {  	v4 =	vld [tilespmem:s22+$0x1A000];
	_ =	sdelay $0x1  }
0x198: {  	v3 =	vshll.u32 v3, $0x9  }
0x199: {  	v3 =	vadd.s32 s21, v3  }
0x19a: {  	v3 =	vadd.s32 v1, v3  }
0x19b: {  	v63 =	vand.u32 $0xFFFFFFEF, v3;
	_ =	sdelay $0x2  }
0x19c: {  	[tilespmem:v4+s25+$0x0] =	vst.idx.msk $0xffff, v0  }
0x19d: {  	s24 =	sand.u32 $0x70, s19;
	[tilespmem:s22+$0x1A000] =	vst v3  }
0x19e: {  	s21 =	sor.u32 s23, s24;
	[tilespmem:v63+s25+$0x0] =	vst.idx.msk $0xffff, v2  }
0x19f: {  	v3 =	vld [tilespmem:s21+$0x0];
	_ =	sdelay $0x1  }
0x1a0: {  	v4 =	vld [tilespmem:s21+$0x1A000];
	_ =	sdelay $0x2  }
0x1a1: {  	v3 =	vshll.u32 v3, $0x9  }
0x1a2: {  	s17 =	sadd.s32 $0x4, s17;
	v3 =	vadd.s32 s19, v3  }
0x1a3: {  	p0 =	slt.u32 s17, $0x1C;
	v3 =	vadd.s32 v1, v3  }
.Ltmp2:
0x1a4: {  	_ = 	snop;
	(pc) =	sbr.rel @p0 .LBB2_7-.Ltmp2, $4  }
0x1a5: {  	_ = 	snop  }
0x1a6: {  	[tilespmem:v4+s25+$0x0] =	vst.idx.msk $0xffff, v0  }
0x1a7: {  	[tilespmem:s21+$0x1A000] =	vst v3  }
0x1a8: {  	s20 =	sadd.s32 $0x200, s20;
	s19 =	sadd.s32 $0x40, s19;
	[tilespmem:v3+s25+$0x0] =	vst.idx.msk $0xffff, v2  }
0x1a9: {  	p0 =	seq.s32 s16, $0x7  }
0x1aa: {  	s17 =	sshrl.u32 @!p0 s18, $0x3  }
0x1ab: {  	s17 =	sadd.s32 @!p0 s30, s17  }
0x1ac: {  	s20 =	simm.s32 @!p0 $0x0;
	s19 =	sadd.s32 @!p0 $0x200, s17  }
0x1ad: {  	[tilespmem:s20], [sflag:$0x1] =	stream.linear.gather @!p0 [hbm4b:s19+s20], $0x80, $0x38;
	[tilespmem:$0x1B000] =	vst v63  }
0x1ae: {  	s21 =	simm.s32 @!p0 $0x400;
	s19 =	sadd.s32 @!p0 $0x210, s17  }
0x1af: {  	[tilespmem:s21], [sflag:$0x1] =	stream.linear.gather @!p0 [hbm4b:s19+s20], $0x80, $0x38;
	[tilespmem:$0x1B000] =	vst v63  }
0x1b0: {  	s19 =	sadd.s32 @!p0 $0x220, s17;
	s21 =	simm.s32 @!p0 $0x800  }
0x1b1: {  	[tilespmem:s21], [sflag:$0x1] =	stream.linear.gather @!p0 [hbm4b:s19+s20], $0x80, $0x38;
	[tilespmem:$0x1B000] =	vst v63  }
0x1b2: {  	s18 =	sshrl.u32 s18, $0x3;
	s19 =	sadd.s32 @!p0 $0x230, s17;
	s21 =	simm.s32 @!p0 $0xC00  }
0x1b3: {  	[tilespmem:s21], [sflag:$0x1] =	stream.linear.gather @!p0 [hbm4b:s19+s20], $0x80, $0x38;
	[tilespmem:$0x1B000] =	vst v63  }
0x1b4: {  	s20 =	sadd.s32 s26, s18  }
0x1b5: {  	[hbm4b:s20+s5] =	stream.linear.scatter [tilespmem:s25], [sflag:$0x9], $0x200, $0x38;
	[tilespmem:$0x1B000] =	vst v63  }
0x1b6: {  	s22 =	simm.s32 $0x1200;
	s21 =	sadd.s32 s18, s28  }
0x1b7: {  	[hbm4b:s21+s5] =	stream.linear.scatter [tilespmem:s22], [sflag:$0x9], $0x200, $0x38;
	[tilespmem:$0x1B000] =	vst v63  }
0x1b8: {  	s24 =	simm.s32 $0x1400;
	s23 =	sadd.s32 s18, s29;
	s21 =	rddreg [dreg:$0xe]  }
0x1b9: {  	[hbm4b:s23+s5] =	stream.linear.scatter [tilespmem:s24], [sflag:$0x9], $0x200, $0x38;
	[tilespmem:$0x1B000] =	vst v63  }
0x1ba: {  	s22 =	simm.s32 $0x1600;
	s19 =	sadd.s32 s18, s21;
	s23 =	rddreg [dreg:$0xf]  }
0x1bb: {  	[hbm4b:s19+s5] =	stream.linear.scatter [tilespmem:s22], [sflag:$0x9], $0x200, $0x38;
	[tilespmem:$0x1B000] =	vst v63  }
0x1bc: {  	s21 =	rddreg [dreg:$0x10];
	s24 =	simm.s32 $0x1800;
	s19 =	sadd.s32 s18, s23  }
0x1bd: {  	[hbm4b:s19+s5] =	stream.linear.scatter [tilespmem:s24], [sflag:$0x9], $0x200, $0x38;
	[tilespmem:$0x1B000] =	vst v63  }
0x1be: {  	s22 =	simm.s32 $0x1A00;
	s23 =	rddreg [dreg:$0x11];
	s19 =	sadd.s32 s18, s21  }
0x1bf: {  	[hbm4b:s19+s5] =	stream.linear.scatter [tilespmem:s22], [sflag:$0x9], $0x200, $0x38;
	[tilespmem:$0x1B000] =	vst v63  }
0x1c0: {  	s24 =	simm.s32 $0x1C00;
	s21 =	rddreg [dreg:$0x12];
	s19 =	sadd.s32 s18, s23  }
0x1c1: {  	[hbm4b:s19+s5] =	stream.linear.scatter [tilespmem:s24], [sflag:$0x9], $0x200, $0x38;
	[tilespmem:$0x1B000] =	vst v63  }
0x1c2: {  	s22 =	simm.s32 $0x1E00;
	s23 =	rddreg [dreg:$0x13];
	s19 =	sadd.s32 s18, s21  }
0x1c3: {  	[hbm4b:s19+s5] =	stream.linear.scatter [tilespmem:s22], [sflag:$0x9], $0x200, $0x38;
	[tilespmem:$0x1B000] =	vst v63  }
0x1c4: {  	s24 =	simm.s32 $0x2000;
	s21 =	rddreg [dreg:$0x14];
	s19 =	sadd.s32 s18, s23  }
0x1c5: {  	[hbm4b:s19+s5] =	stream.linear.scatter [tilespmem:s24], [sflag:$0x9], $0x200, $0x38;
	[tilespmem:$0x1B000] =	vst v63  }
0x1c6: {  	s22 =	simm.s32 $0x2200;
	s23 =	rddreg [dreg:$0x15];
	s19 =	sadd.s32 s18, s21  }
0x1c7: {  	[hbm4b:s19+s5] =	stream.linear.scatter [tilespmem:s22], [sflag:$0x9], $0x200, $0x38;
	[tilespmem:$0x1B000] =	vst v63  }
0x1c8: {  	s24 =	simm.s32 $0x2400;
	s21 =	rddreg [dreg:$0x16];
	s19 =	sadd.s32 s18, s23  }
0x1c9: {  	[hbm4b:s19+s5] =	stream.linear.scatter [tilespmem:s24], [sflag:$0x9], $0x200, $0x38;
	[tilespmem:$0x1B000] =	vst v63  }
0x1ca: {  	s22 =	simm.s32 $0x2600;
	s23 =	rddreg [dreg:$0x18];
	s19 =	sadd.s32 s18, s21  }
0x1cb: {  	[hbm4b:s19+s5] =	stream.linear.scatter [tilespmem:s22], [sflag:$0x9], $0x200, $0x38;
	[tilespmem:$0x1B000] =	vst v63  }
0x1cc: {  	s24 =	simm.s32 $0x2800;
	s21 =	rddreg [dreg:$0x19];
	s19 =	sadd.s32 s18, s23  }
0x1cd: {  	[hbm4b:s19+s5] =	stream.linear.scatter [tilespmem:s24], [sflag:$0x9], $0x200, $0x38;
	[tilespmem:$0x1B000] =	vst v63  }
0x1ce: {  	s22 =	simm.s32 $0x2A00;
	s23 =	rddreg [dreg:$0x1a];
	s19 =	sadd.s32 s18, s21  }
0x1cf: {  	[hbm4b:s19+s5] =	stream.linear.scatter [tilespmem:s22], [sflag:$0x9], $0x200, $0x38;
	[tilespmem:$0x1B000] =	vst v63  }
0x1d0: {  	s24 =	simm.s32 $0x2C00;
	s21 =	rddreg [dreg:$0x1b];
	s19 =	sadd.s32 s18, s23  }
0x1d1: {  	[hbm4b:s19+s5] =	stream.linear.scatter [tilespmem:s24], [sflag:$0x9], $0x200, $0x38;
	[tilespmem:$0x1B000] =	vst v63  }
0x1d2: {  	s22 =	simm.s32 $0x2E00;
	s19 =	sadd.s32 s18, s21  }
0x1d3: {  	[hbm4b:s19+s5] =	stream.linear.scatter [tilespmem:s22], [sflag:$0x9], $0x200, $0x38;
	[tilespmem:$0x1B000] =	vst v63  }
0x1d4: {  	s23 =	sadd.s32 s18, s31;
	s24 =	simm.s32 $0x3000  }
0x1d5: {  	[hbm4b:s23+s5] =	stream.linear.scatter [tilespmem:s24], [sflag:$0x9], $0x200, $0x38;
	[tilespmem:$0x1B000] =	vst v63  }
0x1d6: {  	s21 =	sadd.s32 s18, s1;
	s22 =	simm.s32 $0x3200  }
0x1d7: {  	[hbm4b:s21+s5] =	stream.linear.scatter [tilespmem:s22], [sflag:$0x9], $0x200, $0x38;
	[tilespmem:$0x1B000] =	vst v63  }
0x1d8: {  	s23 =	sadd.s32 s18, s0;
	s24 =	simm.s32 $0x3400  }
0x1d9: {  	[hbm4b:s23+s5] =	stream.linear.scatter [tilespmem:s24], [sflag:$0x9], $0x200, $0x38;
	[tilespmem:$0x1B000] =	vst v63  }
0x1da: {  	s21 =	sadd.s32 s18, s7;
	s22 =	simm.s32 $0x3600  }
0x1db: {  	[hbm4b:s21+s5] =	stream.linear.scatter [tilespmem:s22], [sflag:$0x9], $0x200, $0x38;
	[tilespmem:$0x1B000] =	vst v63  }
0x1dc: {  	s23 =	sadd.s32 s18, s8;
	s24 =	simm.s32 $0x3800  }
0x1dd: {  	[hbm4b:s23+s5] =	stream.linear.scatter [tilespmem:s24], [sflag:$0x9], $0x200, $0x38;
	[tilespmem:$0x1B000] =	vst v63  }
0x1de: {  	s21 =	sadd.s32 s18, s9;
	s22 =	simm.s32 $0x3A00  }
0x1df: {  	[hbm4b:s21+s5] =	stream.linear.scatter [tilespmem:s22], [sflag:$0x9], $0x200, $0x38;
	[tilespmem:$0x1B000] =	vst v63  }
0x1e0: {  	s23 =	sadd.s32 s18, s10;
	s24 =	simm.s32 $0x3C00  }
0x1e1: {  	[hbm4b:s23+s5] =	stream.linear.scatter [tilespmem:s24], [sflag:$0x9], $0x200, $0x38;
	[tilespmem:$0x1B000] =	vst v63  }
0x1e2: {  	s20 =	sadd.s32 s18, s11;
	s21 =	simm.s32 $0x3E00  }
0x1e3: {  	[hbm4b:s20+s5] =	stream.linear.scatter [tilespmem:s21], [sflag:$0x9], $0x200, $0x38;
	[tilespmem:$0x1B000] =	vst v63  }
0x1e4: {  	s22 =	sadd.s32 s18, s12;
	s23 =	simm.s32 $0x4000;
	s24 =	simm.s32 $0x2  }
0x1e5: {  	[hbm4b:s22+s5] =	stream.linear.scatter [tilespmem:s23], [sflag:$0x9], $0x200, $0x38;
	[tilespmem:$0x1B000] =	vst v63  }
0x1e6: {  	_ =	swait.ge [sflag:s24], $0x200  }
0x1e7: {  	[sflag:s24] =	ssyncset.done $0x0  }
0x1e8: {  	s19 =	simm.s32 @!p1 $0xA;
	[sflag:s24] =	ssyncadd.s32 $0xFFFFFE00  }
0x1e9: {  	_ =	swait.ge @!p1 [sflag:s19], $0x3200  }
0x1ea: {  	s20 =	simm.s32 $0x0;
	[sflag:s19] =	ssyncset.done @!p1 $0x0  }
0x1eb: {  	s21 =	simm.s32 $0x30;
	[sflag:s19] =	ssyncadd.s32 @!p1 $0xFFFFCE00;
	s19 =	simm.s32 $0xFFFFFFFC  }
.LBB2_9:
0x1ec: {  	s22 =	sadd.s32 $0xFFFFFFD0, s21  }
0x1ed: {  	s24 =	sand.u32 $0xC00, s20;
	s23 =	sand.u32 $0x40, s22  }
0x1ee: {  	s23 =	sor.u32 s23, s24  }
0x1ef: {  	v3 =	vld [tilespmem:s23+$0x80];
	_ =	sdelay $0x1  }
0x1f0: {  	v4 =	vld [tilespmem:s23+$0x1A080];
	_ =	sdelay $0x2  }
0x1f1: {  	v3 =	vshll.u32 v3, $0x9  }
0x1f2: {  	v3 =	vadd.s32 s22, v3  }
0x1f3: {  	v3 =	vadd.s32 v1, v3;
	_ =	sdelay $0x2  }
0x1f4: {  	s22 =	sadd.s32 $0xFFFFFFE0, s21;
	[tilespmem:v4+s2+$0x0] =	vst.idx.msk $0xffff, v0  }
0x1f5: {  	[tilespmem:s23+$0x1A080] =	vst v3;
	s23 =	sand.u32 $0x50, s22  }
0x1f6: {  	s23 =	sor.u32 s23, s24;
	[tilespmem:v3+s2+$0x0] =	vst.idx.msk $0xffff, v2  }
0x1f7: {  	v3 =	vld [tilespmem:s23+$0x80];
	_ =	sdelay $0x2  }
0x1f8: {  	v4 =	vld [tilespmem:s23+$0x1A080];
	_ =	sdelay $0x1  }
0x1f9: {  	v3 =	vshll.u32 v3, $0x9  }
0x1fa: {  	v3 =	vadd.s32 s22, v3  }
0x1fb: {  	v3 =	vadd.s32 v1, v3  }
0x1fc: {  	v5 =	vand.u32 $0xFFFFFFDF, v3;
	_ =	sdelay $0x2  }
0x1fd: {  	s22 =	sadd.s32 $0xFFFFFFF0, s21;
	[tilespmem:v4+s2+$0x0] =	vst.idx.msk $0xffff, v0  }
0x1fe: {  	[tilespmem:s23+$0x1A080] =	vst v3;
	s23 =	sand.u32 $0x60, s22  }
0x1ff: {  	s23 =	sor.u32 s23, s24;
	[tilespmem:v5+s2+$0x0] =	vst.idx.msk $0xffff, v2  }
0x200: {  	v3 =	vld [tilespmem:s23+$0x80];
	_ =	sdelay $0x2  }
0x201: {  	v4 =	vld [tilespmem:s23+$0x1A080];
	_ =	sdelay $0x1  }
0x202: {  	v3 =	vshll.u32 v3, $0x9  }
0x203: {  	v3 =	vadd.s32 s22, v3  }
0x204: {  	v3 =	vadd.s32 v1, v3  }
0x205: {  	v63 =	vand.u32 $0xFFFFFFEF, v3;
	_ =	sdelay $0x2  }
0x206: {  	[tilespmem:v4+s2+$0x0] =	vst.idx.msk $0xffff, v0  }
0x207: {  	[tilespmem:s23+$0x1A080] =	vst v3;
	s23 =	sand.u32 $0x70, s21  }
0x208: {  	s22 =	sor.u32 s23, s24;
	[tilespmem:v63+s2+$0x0] =	vst.idx.msk $0xffff, v2  }
0x209: {  	v3 =	vld [tilespmem:s22+$0x80];
	_ =	sdelay $0x1  }
0x20a: {  	v4 =	vld [tilespmem:s22+$0x1A080];
	_ =	sdelay $0x2  }
0x20b: {  	v3 =	vshll.u32 v3, $0x9  }
0x20c: {  	s19 =	sadd.s32 $0x4, s19;
	v3 =	vadd.s32 s21, v3  }
0x20d: {  	p2 =	slt.u32 s19, $0x1C;
	v3 =	vadd.s32 v1, v3  }
.Ltmp3:
0x20e: {  	_ = 	snop;
	(pc) =	sbr.rel @p2 .LBB2_9-.Ltmp3, $4  }
0x20f: {  	_ = 	snop  }
0x210: {  	[tilespmem:v4+s2+$0x0] =	vst.idx.msk $0xffff, v0  }
0x211: {  	[tilespmem:s22+$0x1A080] =	vst v3  }
0x212: {  	s20 =	sadd.s32 $0x200, s20;
	s21 =	sadd.s32 $0x40, s21;
	[tilespmem:v3+s2+$0x0] =	vst.idx.msk $0xffff, v2  }
0x213: {  	s19 =	sadd.s32 @!p0 $0x240, s17;
	s20 =	simm.s32 @!p0 $0x0;
	s21 =	simm.s32 @!p0 $0x80  }
0x214: {  	[tilespmem:s21], [sflag:$0x2] =	stream.linear.gather @!p0 [hbm4b:s19+s20], $0x80, $0x38;
	[tilespmem:$0x1B000] =	vst v63  }
0x215: {  	s19 =	sadd.s32 @!p0 $0x250, s17;
	s21 =	simm.s32 @!p0 $0x480  }
0x216: {  	[tilespmem:s21], [sflag:$0x2] =	stream.linear.gather @!p0 [hbm4b:s19+s20], $0x80, $0x38;
	[tilespmem:$0x1B000] =	vst v63  }
0x217: {  	s19 =	sadd.s32 @!p0 $0x260, s17;
	s21 =	simm.s32 @!p0 $0x880  }
0x218: {  	[tilespmem:s21], [sflag:$0x2] =	stream.linear.gather @!p0 [hbm4b:s19+s20], $0x80, $0x38;
	[tilespmem:$0x1B000] =	vst v63  }
0x219: {  	s19 =	sadd.s32 @!p0 $0x270, s17;
	s21 =	simm.s32 @!p0 $0xC80  }
0x21a: {  	[tilespmem:s21], [sflag:$0x2] =	stream.linear.gather @!p0 [hbm4b:s19+s20], $0x80, $0x38;
	[tilespmem:$0x1B000] =	vst v63  }
0x21b: {  	s19 =	sor.u32 $0x40, s18  }
0x21c: {  	s24 =	sadd.s32 s26, s19  }
0x21d: {  	[hbm4b:s24+s5] =	stream.linear.scatter [tilespmem:s2], [sflag:$0xA], $0x200, $0x38;
	[tilespmem:$0x1B000] =	vst v63  }
0x21e: {  	s22 =	simm.s32 $0x4400;
	s21 =	sadd.s32 s19, s28  }
0x21f: {  	[hbm4b:s21+s5] =	stream.linear.scatter [tilespmem:s22], [sflag:$0xA], $0x200, $0x38;
	[tilespmem:$0x1B000] =	vst v63  }
0x220: {  	s23 =	sadd.s32 s19, s29;
	s24 =	simm.s32 $0x4600;
	s21 =	rddreg [dreg:$0xe]  }
0x221: {  	[hbm4b:s23+s5] =	stream.linear.scatter [tilespmem:s24], [sflag:$0xA], $0x200, $0x38;
	[tilespmem:$0x1B000] =	vst v63  }
0x222: {  	s22 =	simm.s32 $0x4800;
	s20 =	sadd.s32 s19, s21;
	s23 =	rddreg [dreg:$0xf]  }
0x223: {  	[hbm4b:s20+s5] =	stream.linear.scatter [tilespmem:s22], [sflag:$0xA], $0x200, $0x38;
	[tilespmem:$0x1B000] =	vst v63  }
0x224: {  	s21 =	rddreg [dreg:$0x10];
	s24 =	simm.s32 $0x4A00;
	s20 =	sadd.s32 s19, s23  }
0x225: {  	[hbm4b:s20+s5] =	stream.linear.scatter [tilespmem:s24], [sflag:$0xA], $0x200, $0x38;
	[tilespmem:$0x1B000] =	vst v63  }
0x226: {  	s22 =	simm.s32 $0x4C00;
	s23 =	rddreg [dreg:$0x11];
	s20 =	sadd.s32 s19, s21  }
0x227: {  	[hbm4b:s20+s5] =	stream.linear.scatter [tilespmem:s22], [sflag:$0xA], $0x200, $0x38;
	[tilespmem:$0x1B000] =	vst v63  }
0x228: {  	s24 =	simm.s32 $0x4E00;
	s21 =	rddreg [dreg:$0x12];
	s20 =	sadd.s32 s19, s23  }
0x229: {  	[hbm4b:s20+s5] =	stream.linear.scatter [tilespmem:s24], [sflag:$0xA], $0x200, $0x38;
	[tilespmem:$0x1B000] =	vst v63  }
0x22a: {  	s22 =	simm.s32 $0x5000;
	s23 =	rddreg [dreg:$0x13];
	s20 =	sadd.s32 s19, s21  }
0x22b: {  	[hbm4b:s20+s5] =	stream.linear.scatter [tilespmem:s22], [sflag:$0xA], $0x200, $0x38;
	[tilespmem:$0x1B000] =	vst v63  }
0x22c: {  	s24 =	simm.s32 $0x5200;
	s21 =	rddreg [dreg:$0x14];
	s20 =	sadd.s32 s19, s23  }
0x22d: {  	[hbm4b:s20+s5] =	stream.linear.scatter [tilespmem:s24], [sflag:$0xA], $0x200, $0x38;
	[tilespmem:$0x1B000] =	vst v63  }
0x22e: {  	s22 =	simm.s32 $0x5400;
	s23 =	rddreg [dreg:$0x15];
	s20 =	sadd.s32 s19, s21  }
0x22f: {  	[hbm4b:s20+s5] =	stream.linear.scatter [tilespmem:s22], [sflag:$0xA], $0x200, $0x38;
	[tilespmem:$0x1B000] =	vst v63  }
0x230: {  	s24 =	simm.s32 $0x5600;
	s21 =	rddreg [dreg:$0x16];
	s20 =	sadd.s32 s19, s23  }
0x231: {  	[hbm4b:s20+s5] =	stream.linear.scatter [tilespmem:s24], [sflag:$0xA], $0x200, $0x38;
	[tilespmem:$0x1B000] =	vst v63  }
0x232: {  	s22 =	simm.s32 $0x5800;
	s23 =	rddreg [dreg:$0x18];
	s20 =	sadd.s32 s19, s21  }
0x233: {  	[hbm4b:s20+s5] =	stream.linear.scatter [tilespmem:s22], [sflag:$0xA], $0x200, $0x38;
	[tilespmem:$0x1B000] =	vst v63  }
0x234: {  	s24 =	simm.s32 $0x5A00;
	s21 =	rddreg [dreg:$0x19];
	s20 =	sadd.s32 s19, s23  }
0x235: {  	[hbm4b:s20+s5] =	stream.linear.scatter [tilespmem:s24], [sflag:$0xA], $0x200, $0x38;
	[tilespmem:$0x1B000] =	vst v63  }
0x236: {  	s22 =	simm.s32 $0x5C00;
	s23 =	rddreg [dreg:$0x1a];
	s20 =	sadd.s32 s19, s21  }
0x237: {  	[hbm4b:s20+s5] =	stream.linear.scatter [tilespmem:s22], [sflag:$0xA], $0x200, $0x38;
	[tilespmem:$0x1B000] =	vst v63  }
0x238: {  	s24 =	simm.s32 $0x5E00;
	s21 =	rddreg [dreg:$0x1b];
	s20 =	sadd.s32 s19, s23  }
0x239: {  	[hbm4b:s20+s5] =	stream.linear.scatter [tilespmem:s24], [sflag:$0xA], $0x200, $0x38;
	[tilespmem:$0x1B000] =	vst v63  }
0x23a: {  	s22 =	simm.s32 $0x6000;
	s20 =	sadd.s32 s19, s21  }
0x23b: {  	[hbm4b:s20+s5] =	stream.linear.scatter [tilespmem:s22], [sflag:$0xA], $0x200, $0x38;
	[tilespmem:$0x1B000] =	vst v63  }
0x23c: {  	s23 =	sadd.s32 s19, s31;
	s24 =	simm.s32 $0x6200  }
0x23d: {  	[hbm4b:s23+s5] =	stream.linear.scatter [tilespmem:s24], [sflag:$0xA], $0x200, $0x38;
	[tilespmem:$0x1B000] =	vst v63  }
0x23e: {  	s21 =	sadd.s32 s19, s1;
	s22 =	simm.s32 $0x6400  }
0x23f: {  	[hbm4b:s21+s5] =	stream.linear.scatter [tilespmem:s22], [sflag:$0xA], $0x200, $0x38;
	[tilespmem:$0x1B000] =	vst v63  }
0x240: {  	s23 =	sadd.s32 s19, s0;
	s24 =	simm.s32 $0x6600  }
0x241: {  	[hbm4b:s23+s5] =	stream.linear.scatter [tilespmem:s24], [sflag:$0xA], $0x200, $0x38;
	[tilespmem:$0x1B000] =	vst v63  }
0x242: {  	s21 =	sadd.s32 s19, s7;
	s22 =	simm.s32 $0x6800  }
0x243: {  	[hbm4b:s21+s5] =	stream.linear.scatter [tilespmem:s22], [sflag:$0xA], $0x200, $0x38;
	[tilespmem:$0x1B000] =	vst v63  }
0x244: {  	s23 =	sadd.s32 s19, s8;
	s24 =	simm.s32 $0x6A00  }
0x245: {  	[hbm4b:s23+s5] =	stream.linear.scatter [tilespmem:s24], [sflag:$0xA], $0x200, $0x38;
	[tilespmem:$0x1B000] =	vst v63  }
0x246: {  	s21 =	sadd.s32 s19, s9;
	s22 =	simm.s32 $0x6C00  }
0x247: {  	[hbm4b:s21+s5] =	stream.linear.scatter [tilespmem:s22], [sflag:$0xA], $0x200, $0x38;
	[tilespmem:$0x1B000] =	vst v63  }
0x248: {  	s23 =	sadd.s32 s19, s10;
	s24 =	simm.s32 $0x6E00  }
0x249: {  	[hbm4b:s23+s5] =	stream.linear.scatter [tilespmem:s24], [sflag:$0xA], $0x200, $0x38;
	[tilespmem:$0x1B000] =	vst v63  }
0x24a: {  	s21 =	sadd.s32 s19, s11;
	s22 =	simm.s32 $0x7000  }
0x24b: {  	[hbm4b:s21+s5] =	stream.linear.scatter [tilespmem:s22], [sflag:$0xA], $0x200, $0x38;
	[tilespmem:$0x1B000] =	vst v63  }
0x24c: {  	s19 =	sadd.s32 s19, s12;
	s23 =	simm.s32 $0x7200;
	s24 =	simm.s32 $0x3  }
0x24d: {  	[hbm4b:s19+s5] =	stream.linear.scatter [tilespmem:s23], [sflag:$0xA], $0x200, $0x38;
	[tilespmem:$0x1B000] =	vst v63  }
0x24e: {  	_ =	swait.ge [sflag:s24], $0x200  }
0x24f: {  	[sflag:s24] =	ssyncset.done $0x0  }
0x250: {  	s19 =	simm.s32 @!p1 $0xB;
	[sflag:s24] =	ssyncadd.s32 $0xFFFFFE00  }
0x251: {  	_ =	swait.ge @!p1 [sflag:s19], $0x3200  }
0x252: {  	s20 =	simm.s32 $0x0;
	[sflag:s19] =	ssyncset.done @!p1 $0x0  }
0x253: {  	s21 =	simm.s32 $0x30;
	[sflag:s19] =	ssyncadd.s32 @!p1 $0xFFFFCE00;
	s19 =	simm.s32 $0xFFFFFFFC  }
.LBB2_11:
0x254: {  	s22 =	sadd.s32 $0xFFFFFFD0, s21  }
0x255: {  	s24 =	sand.u32 $0xC00, s20;
	s23 =	sand.u32 $0x40, s22  }
0x256: {  	s23 =	sor.u32 s23, s24  }
0x257: {  	v3 =	vld [tilespmem:s23+$0x100];
	_ =	sdelay $0x1  }
0x258: {  	v4 =	vld [tilespmem:s23+$0x1A100];
	_ =	sdelay $0x2  }
0x259: {  	v3 =	vshll.u32 v3, $0x9  }
0x25a: {  	v3 =	vadd.s32 s22, v3  }
0x25b: {  	v3 =	vadd.s32 v1, v3;
	_ =	sdelay $0x2  }
0x25c: {  	s22 =	sadd.s32 $0xFFFFFFE0, s21;
	[tilespmem:v4+s13+$0x0] =	vst.idx.msk $0xffff, v0  }
0x25d: {  	[tilespmem:s23+$0x1A100] =	vst v3;
	s23 =	sand.u32 $0x50, s22  }
0x25e: {  	s23 =	sor.u32 s23, s24;
	[tilespmem:v3+s13+$0x0] =	vst.idx.msk $0xffff, v2  }
0x25f: {  	v3 =	vld [tilespmem:s23+$0x100];
	_ =	sdelay $0x2  }
0x260: {  	v4 =	vld [tilespmem:s23+$0x1A100];
	_ =	sdelay $0x1  }
0x261: {  	v3 =	vshll.u32 v3, $0x9  }
0x262: {  	v3 =	vadd.s32 s22, v3  }
0x263: {  	v3 =	vadd.s32 v1, v3  }
0x264: {  	v5 =	vand.u32 $0xFFFFFFDF, v3;
	_ =	sdelay $0x2  }
0x265: {  	s22 =	sadd.s32 $0xFFFFFFF0, s21;
	[tilespmem:v4+s13+$0x0] =	vst.idx.msk $0xffff, v0  }
0x266: {  	[tilespmem:s23+$0x1A100] =	vst v3;
	s23 =	sand.u32 $0x60, s22  }
0x267: {  	s23 =	sor.u32 s23, s24;
	[tilespmem:v5+s13+$0x0] =	vst.idx.msk $0xffff, v2  }
0x268: {  	v3 =	vld [tilespmem:s23+$0x100];
	_ =	sdelay $0x2  }
0x269: {  	v4 =	vld [tilespmem:s23+$0x1A100];
	_ =	sdelay $0x1  }
0x26a: {  	v3 =	vshll.u32 v3, $0x9  }
0x26b: {  	v3 =	vadd.s32 s22, v3  }
0x26c: {  	v3 =	vadd.s32 v1, v3  }
0x26d: {  	v63 =	vand.u32 $0xFFFFFFEF, v3;
	_ =	sdelay $0x2  }
0x26e: {  	[tilespmem:v4+s13+$0x0] =	vst.idx.msk $0xffff, v0  }
0x26f: {  	[tilespmem:s23+$0x1A100] =	vst v3;
	s23 =	sand.u32 $0x70, s21  }
0x270: {  	s22 =	sor.u32 s23, s24;
	[tilespmem:v63+s13+$0x0] =	vst.idx.msk $0xffff, v2  }
0x271: {  	v3 =	vld [tilespmem:s22+$0x100];
	_ =	sdelay $0x1  }
0x272: {  	v4 =	vld [tilespmem:s22+$0x1A100];
	_ =	sdelay $0x2  }
0x273: {  	v3 =	vshll.u32 v3, $0x9  }
0x274: {  	s19 =	sadd.s32 $0x4, s19;
	v3 =	vadd.s32 s21, v3  }
0x275: {  	p2 =	slt.u32 s19, $0x1C;
	v3 =	vadd.s32 v1, v3  }
.Ltmp4:
0x276: {  	_ = 	snop;
	(pc) =	sbr.rel @p2 .LBB2_11-.Ltmp4, $4  }
0x277: {  	_ = 	snop  }
0x278: {  	[tilespmem:v4+s13+$0x0] =	vst.idx.msk $0xffff, v0  }
0x279: {  	[tilespmem:s22+$0x1A100] =	vst v3  }
0x27a: {  	s20 =	sadd.s32 $0x200, s20;
	s21 =	sadd.s32 $0x40, s21;
	[tilespmem:v3+s13+$0x0] =	vst.idx.msk $0xffff, v2  }
0x27b: {  	s19 =	sadd.s32 @!p0 $0x280, s17;
	s20 =	simm.s32 @!p0 $0x0;
	s21 =	simm.s32 @!p0 $0x100  }
0x27c: {  	[tilespmem:s21], [sflag:$0x3] =	stream.linear.gather @!p0 [hbm4b:s19+s20], $0x80, $0x38;
	[tilespmem:$0x1B000] =	vst v63  }
0x27d: {  	s19 =	sadd.s32 @!p0 $0x290, s17;
	s21 =	simm.s32 @!p0 $0x500  }
0x27e: {  	[tilespmem:s21], [sflag:$0x3] =	stream.linear.gather @!p0 [hbm4b:s19+s20], $0x80, $0x38;
	[tilespmem:$0x1B000] =	vst v63  }
0x27f: {  	s19 =	sadd.s32 @!p0 $0x2A0, s17;
	s21 =	simm.s32 @!p0 $0x900  }
0x280: {  	[tilespmem:s21], [sflag:$0x3] =	stream.linear.gather @!p0 [hbm4b:s19+s20], $0x80, $0x38;
	[tilespmem:$0x1B000] =	vst v63  }
0x281: {  	s19 =	sadd.s32 @!p0 $0x2B0, s17;
	s21 =	simm.s32 @!p0 $0xD00  }
0x282: {  	[tilespmem:s21], [sflag:$0x3] =	stream.linear.gather @!p0 [hbm4b:s19+s20], $0x80, $0x38;
	[tilespmem:$0x1B000] =	vst v63  }
0x283: {  	s19 =	sor.u32 $0x80, s18  }
0x284: {  	s24 =	sadd.s32 s26, s19  }
0x285: {  	[hbm4b:s24+s5] =	stream.linear.scatter [tilespmem:s13], [sflag:$0xB], $0x200, $0x38;
	[tilespmem:$0x1B000] =	vst v63  }
0x286: {  	s22 =	simm.s32 $0x7600;
	s21 =	sadd.s32 s19, s28  }
0x287: {  	[hbm4b:s21+s5] =	stream.linear.scatter [tilespmem:s22], [sflag:$0xB], $0x200, $0x38;
	[tilespmem:$0x1B000] =	vst v63  }
0x288: {  	s23 =	sadd.s32 s19, s29;
	s24 =	simm.s32 $0x7800;
	s21 =	rddreg [dreg:$0xe]  }
0x289: {  	[hbm4b:s23+s5] =	stream.linear.scatter [tilespmem:s24], [sflag:$0xB], $0x200, $0x38;
	[tilespmem:$0x1B000] =	vst v63  }
0x28a: {  	s22 =	simm.s32 $0x7A00;
	s20 =	sadd.s32 s19, s21;
	s23 =	rddreg [dreg:$0xf]  }
0x28b: {  	[hbm4b:s20+s5] =	stream.linear.scatter [tilespmem:s22], [sflag:$0xB], $0x200, $0x38;
	[tilespmem:$0x1B000] =	vst v63  }
0x28c: {  	s21 =	rddreg [dreg:$0x10];
	s24 =	simm.s32 $0x7C00;
	s20 =	sadd.s32 s19, s23  }
0x28d: {  	[hbm4b:s20+s5] =	stream.linear.scatter [tilespmem:s24], [sflag:$0xB], $0x200, $0x38;
	[tilespmem:$0x1B000] =	vst v63  }
0x28e: {  	s22 =	simm.s32 $0x7E00;
	s23 =	rddreg [dreg:$0x11];
	s20 =	sadd.s32 s19, s21  }
0x28f: {  	[hbm4b:s20+s5] =	stream.linear.scatter [tilespmem:s22], [sflag:$0xB], $0x200, $0x38;
	[tilespmem:$0x1B000] =	vst v63  }
0x290: {  	s24 =	simm.s32 $0x8000;
	s21 =	rddreg [dreg:$0x12];
	s20 =	sadd.s32 s19, s23  }
0x291: {  	[hbm4b:s20+s5] =	stream.linear.scatter [tilespmem:s24], [sflag:$0xB], $0x200, $0x38;
	[tilespmem:$0x1B000] =	vst v63  }
0x292: {  	s22 =	simm.s32 $0x8200;
	s23 =	rddreg [dreg:$0x13];
	s20 =	sadd.s32 s19, s21  }
0x293: {  	[hbm4b:s20+s5] =	stream.linear.scatter [tilespmem:s22], [sflag:$0xB], $0x200, $0x38;
	[tilespmem:$0x1B000] =	vst v63  }
0x294: {  	s24 =	simm.s32 $0x8400;
	s21 =	rddreg [dreg:$0x14];
	s20 =	sadd.s32 s19, s23  }
0x295: {  	[hbm4b:s20+s5] =	stream.linear.scatter [tilespmem:s24], [sflag:$0xB], $0x200, $0x38;
	[tilespmem:$0x1B000] =	vst v63  }
0x296: {  	s22 =	simm.s32 $0x8600;
	s23 =	rddreg [dreg:$0x15];
	s20 =	sadd.s32 s19, s21  }
0x297: {  	[hbm4b:s20+s5] =	stream.linear.scatter [tilespmem:s22], [sflag:$0xB], $0x200, $0x38;
	[tilespmem:$0x1B000] =	vst v63  }
0x298: {  	s24 =	simm.s32 $0x8800;
	s21 =	rddreg [dreg:$0x16];
	s20 =	sadd.s32 s19, s23  }
0x299: {  	[hbm4b:s20+s5] =	stream.linear.scatter [tilespmem:s24], [sflag:$0xB], $0x200, $0x38;
	[tilespmem:$0x1B000] =	vst v63  }
0x29a: {  	s22 =	simm.s32 $0x8A00;
	s23 =	rddreg [dreg:$0x18];
	s20 =	sadd.s32 s19, s21  }
0x29b: {  	[hbm4b:s20+s5] =	stream.linear.scatter [tilespmem:s22], [sflag:$0xB], $0x200, $0x38;
	[tilespmem:$0x1B000] =	vst v63  }
0x29c: {  	s24 =	simm.s32 $0x8C00;
	s21 =	rddreg [dreg:$0x19];
	s20 =	sadd.s32 s19, s23  }
0x29d: {  	[hbm4b:s20+s5] =	stream.linear.scatter [tilespmem:s24], [sflag:$0xB], $0x200, $0x38;
	[tilespmem:$0x1B000] =	vst v63  }
0x29e: {  	s22 =	simm.s32 $0x8E00;
	s23 =	rddreg [dreg:$0x1a];
	s20 =	sadd.s32 s19, s21  }
0x29f: {  	[hbm4b:s20+s5] =	stream.linear.scatter [tilespmem:s22], [sflag:$0xB], $0x200, $0x38;
	[tilespmem:$0x1B000] =	vst v63  }
0x2a0: {  	s24 =	simm.s32 $0x9000;
	s21 =	rddreg [dreg:$0x1b];
	s20 =	sadd.s32 s19, s23  }
0x2a1: {  	[hbm4b:s20+s5] =	stream.linear.scatter [tilespmem:s24], [sflag:$0xB], $0x200, $0x38;
	[tilespmem:$0x1B000] =	vst v63  }
0x2a2: {  	s22 =	simm.s32 $0x9200;
	s20 =	sadd.s32 s19, s21  }
0x2a3: {  	[hbm4b:s20+s5] =	stream.linear.scatter [tilespmem:s22], [sflag:$0xB], $0x200, $0x38;
	[tilespmem:$0x1B000] =	vst v63  }
0x2a4: {  	s23 =	sadd.s32 s19, s31;
	s24 =	simm.s32 $0x9400  }
0x2a5: {  	[hbm4b:s23+s5] =	stream.linear.scatter [tilespmem:s24], [sflag:$0xB], $0x200, $0x38;
	[tilespmem:$0x1B000] =	vst v63  }
0x2a6: {  	s21 =	sadd.s32 s19, s1;
	s22 =	simm.s32 $0x9600  }
0x2a7: {  	[hbm4b:s21+s5] =	stream.linear.scatter [tilespmem:s22], [sflag:$0xB], $0x200, $0x38;
	[tilespmem:$0x1B000] =	vst v63  }
0x2a8: {  	s23 =	sadd.s32 s19, s0;
	s24 =	simm.s32 $0x9800  }
0x2a9: {  	[hbm4b:s23+s5] =	stream.linear.scatter [tilespmem:s24], [sflag:$0xB], $0x200, $0x38;
	[tilespmem:$0x1B000] =	vst v63  }
0x2aa: {  	s21 =	sadd.s32 s19, s7;
	s22 =	simm.s32 $0x9A00  }
0x2ab: {  	[hbm4b:s21+s5] =	stream.linear.scatter [tilespmem:s22], [sflag:$0xB], $0x200, $0x38;
	[tilespmem:$0x1B000] =	vst v63  }
0x2ac: {  	s23 =	sadd.s32 s19, s8;
	s24 =	simm.s32 $0x9C00  }
0x2ad: {  	[hbm4b:s23+s5] =	stream.linear.scatter [tilespmem:s24], [sflag:$0xB], $0x200, $0x38;
	[tilespmem:$0x1B000] =	vst v63  }
0x2ae: {  	s21 =	sadd.s32 s19, s9;
	s22 =	simm.s32 $0x9E00  }
0x2af: {  	[hbm4b:s21+s5] =	stream.linear.scatter [tilespmem:s22], [sflag:$0xB], $0x200, $0x38;
	[tilespmem:$0x1B000] =	vst v63  }
0x2b0: {  	s23 =	sadd.s32 s19, s10;
	s24 =	simm.s32 $0xA000  }
0x2b1: {  	[hbm4b:s23+s5] =	stream.linear.scatter [tilespmem:s24], [sflag:$0xB], $0x200, $0x38;
	[tilespmem:$0x1B000] =	vst v63  }
0x2b2: {  	s21 =	sadd.s32 s19, s11;
	s22 =	simm.s32 $0xA200  }
0x2b3: {  	[hbm4b:s21+s5] =	stream.linear.scatter [tilespmem:s22], [sflag:$0xB], $0x200, $0x38;
	[tilespmem:$0x1B000] =	vst v63  }
0x2b4: {  	s19 =	sadd.s32 s19, s12;
	s23 =	simm.s32 $0xA400;
	s24 =	simm.s32 $0x4  }
0x2b5: {  	[hbm4b:s19+s5] =	stream.linear.scatter [tilespmem:s23], [sflag:$0xB], $0x200, $0x38;
	[tilespmem:$0x1B000] =	vst v63  }
0x2b6: {  	_ =	swait.ge [sflag:s24], $0x200  }
0x2b7: {  	[sflag:s24] =	ssyncset.done $0x0  }
0x2b8: {  	s19 =	simm.s32 @!p1 $0xC;
	[sflag:s24] =	ssyncadd.s32 $0xFFFFFE00  }
0x2b9: {  	_ =	swait.ge @!p1 [sflag:s19], $0x3200  }
0x2ba: {  	s20 =	simm.s32 $0x0;
	[sflag:s19] =	ssyncset.done @!p1 $0x0  }
0x2bb: {  	s21 =	simm.s32 $0x0;
	[sflag:s19] =	ssyncadd.s32 @!p1 $0xFFFFCE00;
	s19 =	simm.s32 $0xFFFFFFFC  }
.LBB2_13:
0x2bc: {  	s22 =	sand.u32 $0xC00, s21  }
0x2bd: {  	s23 =	sor.u32 s20, s22  }
0x2be: {  	s23 =	sor.u32 $0x180, s23  }
0x2bf: {  	v3 =	vld [tilespmem:s23+$0x0];
	_ =	sdelay $0x1  }
0x2c0: {  	v4 =	vld [tilespmem:s23+$0x1A000];
	_ =	sdelay $0x2  }
0x2c1: {  	v3 =	vshll.u32 v3, $0x9  }
0x2c2: {  	v3 =	vadd.s32 s20, v3  }
0x2c3: {  	v3 =	vadd.s32 v1, v3;
	_ =	sdelay $0x2  }
0x2c4: {  	s24 =	sadd.s32 $0x10, s20;
	[tilespmem:v4+s4+$0x0] =	vst.idx.msk $0xffff, v0  }
0x2c5: {  	[tilespmem:s23+$0x1A000] =	vst v3;
	s23 =	sor.u32 s24, s22  }
0x2c6: {  	s23 =	sor.u32 $0x180, s23;
	[tilespmem:v3+s4+$0x0] =	vst.idx.msk $0xffff, v2  }
0x2c7: {  	v3 =	vld [tilespmem:s23+$0x0];
	_ =	sdelay $0x2  }
0x2c8: {  	v4 =	vld [tilespmem:s23+$0x1A000];
	_ =	sdelay $0x1  }
0x2c9: {  	v3 =	vshll.u32 v3, $0x9  }
0x2ca: {  	v3 =	vadd.s32 s24, v3  }
0x2cb: {  	v3 =	vadd.s32 v1, v3  }
0x2cc: {  	v5 =	vand.u32 $0xFFFFFFDF, v3;
	_ =	sdelay $0x2  }
0x2cd: {  	s24 =	sadd.s32 $0x20, s20;
	[tilespmem:v4+s4+$0x0] =	vst.idx.msk $0xffff, v0  }
0x2ce: {  	[tilespmem:s23+$0x1A000] =	vst v3;
	s23 =	sor.u32 s24, s22  }
0x2cf: {  	s23 =	sor.u32 $0x180, s23;
	[tilespmem:v5+s4+$0x0] =	vst.idx.msk $0xffff, v2  }
0x2d0: {  	v3 =	vld [tilespmem:s23+$0x0];
	_ =	sdelay $0x2  }
0x2d1: {  	v4 =	vld [tilespmem:s23+$0x1A000];
	_ =	sdelay $0x1  }
0x2d2: {  	v3 =	vshll.u32 v3, $0x9  }
0x2d3: {  	v3 =	vadd.s32 s24, v3  }
0x2d4: {  	v3 =	vadd.s32 v1, v3  }
0x2d5: {  	v63 =	vand.u32 $0xFFFFFFEF, v3;
	_ =	sdelay $0x2  }
0x2d6: {  	s24 =	sadd.s32 $0x30, s20;
	[tilespmem:v4+s4+$0x0] =	vst.idx.msk $0xffff, v0  }
0x2d7: {  	s22 =	sor.u32 s24, s22;
	[tilespmem:s23+$0x1A000] =	vst v3  }
0x2d8: {  	s22 =	sor.u32 $0x180, s22;
	[tilespmem:v63+s4+$0x0] =	vst.idx.msk $0xffff, v2  }
0x2d9: {  	v3 =	vld [tilespmem:s22+$0x0];
	_ =	sdelay $0x1  }
0x2da: {  	v4 =	vld [tilespmem:s22+$0x1A000];
	_ =	sdelay $0x2  }
0x2db: {  	v3 =	vshll.u32 v3, $0x9  }
0x2dc: {  	s19 =	sadd.s32 $0x4, s19;
	v3 =	vadd.s32 s24, v3  }
0x2dd: {  	p2 =	slt.u32 s19, $0x1C;
	v3 =	vadd.s32 v1, v3  }
.Ltmp5:
0x2de: {  	_ = 	snop;
	(pc) =	sbr.rel @p2 .LBB2_13-.Ltmp5, $4  }
0x2df: {  	_ = 	snop  }
0x2e0: {  	[tilespmem:v4+s4+$0x0] =	vst.idx.msk $0xffff, v0  }
0x2e1: {  	[tilespmem:s22+$0x1A000] =	vst v3  }
0x2e2: {  	s21 =	sadd.s32 $0x200, s21;
	s20 =	sadd.s32 $0x40, s20;
	[tilespmem:v3+s4+$0x0] =	vst.idx.msk $0xffff, v2  }
0x2e3: {  	s19 =	sadd.s32 @!p0 $0x2C0, s17;
	s20 =	simm.s32 @!p0 $0x0;
	s21 =	simm.s32 @!p0 $0x180  }
0x2e4: {  	[tilespmem:s21], [sflag:$0x4] =	stream.linear.gather @!p0 [hbm4b:s19+s20], $0x80, $0x38;
	[tilespmem:$0x1B000] =	vst v63  }
0x2e5: {  	s19 =	sadd.s32 @!p0 $0x2D0, s17;
	s21 =	simm.s32 @!p0 $0x580  }
0x2e6: {  	[tilespmem:s21], [sflag:$0x4] =	stream.linear.gather @!p0 [hbm4b:s19+s20], $0x80, $0x38;
	[tilespmem:$0x1B000] =	vst v63  }
0x2e7: {  	s19 =	sadd.s32 @!p0 $0x2E0, s17;
	s21 =	simm.s32 @!p0 $0x980  }
0x2e8: {  	[tilespmem:s21], [sflag:$0x4] =	stream.linear.gather @!p0 [hbm4b:s19+s20], $0x80, $0x38;
	[tilespmem:$0x1B000] =	vst v63  }
0x2e9: {  	s19 =	sadd.s32 @!p0 $0x2F0, s17;
	s21 =	simm.s32 @!p0 $0xD80  }
0x2ea: {  	[tilespmem:s21], [sflag:$0x4] =	stream.linear.gather @!p0 [hbm4b:s19+s20], $0x80, $0x38;
	[tilespmem:$0x1B000] =	vst v63  }
0x2eb: {  	s19 =	sor.u32 $0xC0, s18  }
0x2ec: {  	s21 =	sadd.s32 s26, s19  }
0x2ed: {  	[hbm4b:s21+s5] =	stream.linear.scatter [tilespmem:s4], [sflag:$0xC], $0x200, $0x38;
	[tilespmem:$0x1B000] =	vst v63  }
0x2ee: {  	s23 =	simm.s32 $0xA800;
	s22 =	sadd.s32 s19, s28  }
0x2ef: {  	[hbm4b:s22+s5] =	stream.linear.scatter [tilespmem:s23], [sflag:$0xC], $0x200, $0x38;
	[tilespmem:$0x1B000] =	vst v63  }
0x2f0: {  	s24 =	sadd.s32 s19, s29;
	s26 =	simm.s32 $0xAA00;
	s28 =	rddreg [dreg:$0xe]  }
0x2f1: {  	[hbm4b:s24+s5] =	stream.linear.scatter [tilespmem:s26], [sflag:$0xC], $0x200, $0x38;
	[tilespmem:$0x1B000] =	vst v63  }
0x2f2: {  	s29 =	simm.s32 $0xAC00;
	s20 =	sadd.s32 s19, s28;
	s22 =	rddreg [dreg:$0xf]  }
0x2f3: {  	[hbm4b:s20+s5] =	stream.linear.scatter [tilespmem:s29], [sflag:$0xC], $0x200, $0x38;
	[tilespmem:$0x1B000] =	vst v63  }
0x2f4: {  	s23 =	simm.s32 $0xAE00;
	s24 =	rddreg [dreg:$0x10];
	s20 =	sadd.s32 s19, s22  }
0x2f5: {  	[hbm4b:s20+s5] =	stream.linear.scatter [tilespmem:s23], [sflag:$0xC], $0x200, $0x38;
	[tilespmem:$0x1B000] =	vst v63  }
0x2f6: {  	s28 =	rddreg [dreg:$0x11];
	s26 =	simm.s32 $0xB000;
	s20 =	sadd.s32 s19, s24  }
0x2f7: {  	[hbm4b:s20+s5] =	stream.linear.scatter [tilespmem:s26], [sflag:$0xC], $0x200, $0x38;
	[tilespmem:$0x1B000] =	vst v63  }
0x2f8: {  	s29 =	simm.s32 $0xB200;
	s22 =	rddreg [dreg:$0x12];
	s20 =	sadd.s32 s19, s28  }
0x2f9: {  	[hbm4b:s20+s5] =	stream.linear.scatter [tilespmem:s29], [sflag:$0xC], $0x200, $0x38;
	[tilespmem:$0x1B000] =	vst v63  }
0x2fa: {  	s23 =	simm.s32 $0xB400;
	s24 =	rddreg [dreg:$0x13];
	s20 =	sadd.s32 s19, s22  }
0x2fb: {  	[hbm4b:s20+s5] =	stream.linear.scatter [tilespmem:s23], [sflag:$0xC], $0x200, $0x38;
	[tilespmem:$0x1B000] =	vst v63  }
0x2fc: {  	s26 =	simm.s32 $0xB600;
	s28 =	rddreg [dreg:$0x14];
	s20 =	sadd.s32 s19, s24  }
0x2fd: {  	[hbm4b:s20+s5] =	stream.linear.scatter [tilespmem:s26], [sflag:$0xC], $0x200, $0x38;
	[tilespmem:$0x1B000] =	vst v63  }
0x2fe: {  	s29 =	simm.s32 $0xB800;
	s22 =	rddreg [dreg:$0x15];
	s20 =	sadd.s32 s19, s28  }
0x2ff: {  	[hbm4b:s20+s5] =	stream.linear.scatter [tilespmem:s29], [sflag:$0xC], $0x200, $0x38;
	[tilespmem:$0x1B000] =	vst v63  }
0x300: {  	s23 =	simm.s32 $0xBA00;
	s24 =	rddreg [dreg:$0x16];
	s20 =	sadd.s32 s19, s22  }
0x301: {  	[hbm4b:s20+s5] =	stream.linear.scatter [tilespmem:s23], [sflag:$0xC], $0x200, $0x38;
	[tilespmem:$0x1B000] =	vst v63  }
0x302: {  	s26 =	simm.s32 $0xBC00;
	s28 =	rddreg [dreg:$0x18];
	s20 =	sadd.s32 s19, s24  }
0x303: {  	[hbm4b:s20+s5] =	stream.linear.scatter [tilespmem:s26], [sflag:$0xC], $0x200, $0x38;
	[tilespmem:$0x1B000] =	vst v63  }
0x304: {  	s29 =	simm.s32 $0xBE00;
	s22 =	rddreg [dreg:$0x19];
	s20 =	sadd.s32 s19, s28  }
0x305: {  	[hbm4b:s20+s5] =	stream.linear.scatter [tilespmem:s29], [sflag:$0xC], $0x200, $0x38;
	[tilespmem:$0x1B000] =	vst v63  }
0x306: {  	s23 =	simm.s32 $0xC000;
	s24 =	rddreg [dreg:$0x1a];
	s20 =	sadd.s32 s19, s22  }
0x307: {  	[hbm4b:s20+s5] =	stream.linear.scatter [tilespmem:s23], [sflag:$0xC], $0x200, $0x38;
	[tilespmem:$0x1B000] =	vst v63  }
0x308: {  	s26 =	simm.s32 $0xC200;
	s28 =	rddreg [dreg:$0x1b];
	s20 =	sadd.s32 s19, s24  }
0x309: {  	[hbm4b:s20+s5] =	stream.linear.scatter [tilespmem:s26], [sflag:$0xC], $0x200, $0x38;
	[tilespmem:$0x1B000] =	vst v63  }
0x30a: {  	s29 =	simm.s32 $0xC400;
	s20 =	sadd.s32 s19, s28  }
0x30b: {  	[hbm4b:s20+s5] =	stream.linear.scatter [tilespmem:s29], [sflag:$0xC], $0x200, $0x38;
	[tilespmem:$0x1B000] =	vst v63  }
0x30c: {  	s22 =	sadd.s32 s19, s31;
	s23 =	simm.s32 $0xC600  }
0x30d: {  	[hbm4b:s22+s5] =	stream.linear.scatter [tilespmem:s23], [sflag:$0xC], $0x200, $0x38;
	[tilespmem:$0x1B000] =	vst v63  }
0x30e: {  	s24 =	sadd.s32 s19, s1;
	s26 =	simm.s32 $0xC800  }
0x30f: {  	[hbm4b:s24+s5] =	stream.linear.scatter [tilespmem:s26], [sflag:$0xC], $0x200, $0x38;
	[tilespmem:$0x1B000] =	vst v63  }
0x310: {  	s28 =	sadd.s32 s19, s0;
	s29 =	simm.s32 $0xCA00  }
0x311: {  	[hbm4b:s28+s5] =	stream.linear.scatter [tilespmem:s29], [sflag:$0xC], $0x200, $0x38;
	[tilespmem:$0x1B000] =	vst v63  }
0x312: {  	s22 =	sadd.s32 s19, s7;
	s23 =	simm.s32 $0xCC00  }
0x313: {  	[hbm4b:s22+s5] =	stream.linear.scatter [tilespmem:s23], [sflag:$0xC], $0x200, $0x38;
	[tilespmem:$0x1B000] =	vst v63  }
0x314: {  	s24 =	sadd.s32 s19, s8;
	s26 =	simm.s32 $0xCE00  }
0x315: {  	[hbm4b:s24+s5] =	stream.linear.scatter [tilespmem:s26], [sflag:$0xC], $0x200, $0x38;
	[tilespmem:$0x1B000] =	vst v63  }
0x316: {  	s28 =	sadd.s32 s19, s9;
	s29 =	simm.s32 $0xD000  }
0x317: {  	[hbm4b:s28+s5] =	stream.linear.scatter [tilespmem:s29], [sflag:$0xC], $0x200, $0x38;
	[tilespmem:$0x1B000] =	vst v63  }
0x318: {  	s22 =	sadd.s32 s19, s10;
	s23 =	simm.s32 $0xD200  }
0x319: {  	[hbm4b:s22+s5] =	stream.linear.scatter [tilespmem:s23], [sflag:$0xC], $0x200, $0x38;
	[tilespmem:$0x1B000] =	vst v63  }
0x31a: {  	s24 =	sadd.s32 s19, s11;
	s26 =	simm.s32 $0xD400  }
0x31b: {  	[hbm4b:s24+s5] =	stream.linear.scatter [tilespmem:s26], [sflag:$0xC], $0x200, $0x38;
	[tilespmem:$0x1B000] =	vst v63  }
0x31c: {  	s19 =	sadd.s32 s19, s12;
	s28 =	simm.s32 $0xD600;
	s29 =	simm.s32 $0x5  }
0x31d: {  	[hbm4b:s19+s5] =	stream.linear.scatter [tilespmem:s28], [sflag:$0xC], $0x200, $0x38;
	[tilespmem:$0x1B000] =	vst v63  }
0x31e: {  	_ =	swait.ge [sflag:s29], $0x200  }
0x31f: {  	[sflag:s29] =	ssyncset.done $0x0  }
0x320: {  	p2 =	por $0x0, $0x0;
	s19 =	simm.s32 @!p1 $0xD;
	[sflag:s29] =	ssyncadd.s32 $0xFFFFFE00  }
0x321: {  	s21 =	simm.s32 $0x20;
	s20 =	simm.s32 $0x0;
	_ =	swait.ge @!p1 [sflag:s19], $0x3200  }
0x322: {  	s22 =	simm.s32 $0x30;
	s23 =	simm.s32 $0x0;
	[sflag:s19] =	ssyncset.done @!p1 $0x0  }
0x323: {  	s24 =	simm.s32 $0x0;
	[sflag:s19] =	ssyncadd.s32 @!p1 $0xFFFFCE00;
	s19 =	simm.s32 $0xFFFFFFFC  }
.LBB2_15:
0x324: {  	s26 =	simm.s32 $0x1  }
0x325: {  	s26 =	simm.s32 @!p2 $0x0  }
0x326: {  	s26 =	sshll.u32 s26, $0x6  }
0x327: {  	s26 =	sadd.s32 s26, s24  }
0x328: {  	s26 =	sor.u32 $0x200, s26  }
0x329: {  	v3 =	vld [tilespmem:s26+$0x0];
	_ =	sdelay $0x1  }
0x32a: {  	v4 =	vld [tilespmem:s26+$0x1A000];
	_ =	sdelay $0x2  }
0x32b: {  	s28 =	sadd.s32 $0xFFFFFFD0, s22;
	v3 =	vshll.u32 v3, $0x9  }
0x32c: {  	v3 =	vadd.s32 s28, v3  }
0x32d: {  	v3 =	vadd.s32 v1, v3  }
0x32e: {  	s29 =	sand.u32 $0x7, s23  }
0x32f: {  	s28 =	sshll.u32 s29, $0x4  }
0x330: {  	s28 =	sadd.s32 s28, s24;
	[tilespmem:v4+s6+$0x0] =	vst.idx.msk $0xffff, v0  }
0x331: {  	s29 =	sadd.s32 $0x10, s28;
	[tilespmem:s26+$0x1A000] =	vst v3  }
0x332: {  	s26 =	sor.u32 $0x200, s29;
	[tilespmem:v3+s6+$0x0] =	vst.idx.msk $0xffff, v2  }
0x333: {  	v3 =	vld [tilespmem:s26+$0x0];
	_ =	sdelay $0x2  }
0x334: {  	v4 =	vld [tilespmem:s26+$0x1A000];
	_ =	sdelay $0x1  }
0x335: {  	s29 =	sadd.s32 $0xFFFFFFE0, s22;
	v3 =	vshll.u32 v3, $0x9  }
0x336: {  	v3 =	vadd.s32 s29, v3  }
0x337: {  	v3 =	vadd.s32 v1, v3  }
0x338: {  	v5 =	vand.u32 $0xFFFFFFDF, v3;
	_ =	sdelay $0x1  }
0x339: {  	s29 =	sand.u32 $0x3, s20  }
0x33a: {  	s29 =	sshll.u32 s29, $0x5;
	[tilespmem:v4+s6+$0x0] =	vst.idx.msk $0xffff, v0  }
0x33b: {  	s29 =	sadd.s32 s29, s21;
	[tilespmem:s26+$0x1A000] =	vst v3  }
0x33c: {  	s26 =	sor.u32 $0x200, s29;
	[tilespmem:v5+s6+$0x0] =	vst.idx.msk $0xffff, v2  }
0x33d: {  	v3 =	vld [tilespmem:s26+$0x0];
	_ =	sdelay $0x2  }
0x33e: {  	v4 =	vld [tilespmem:s26+$0x1A000];
	_ =	sdelay $0x1  }
0x33f: {  	s29 =	sadd.s32 $0xFFFFFFF0, s22;
	v3 =	vshll.u32 v3, $0x9  }
0x340: {  	v3 =	vadd.s32 s29, v3  }
0x341: {  	v3 =	vadd.s32 v1, v3  }
0x342: {  	v63 =	vand.u32 $0xFFFFFFEF, v3;
	_ =	sdelay $0x2  }
0x343: {  	[tilespmem:v4+s6+$0x0] =	vst.idx.msk $0xffff, v0  }
0x344: {  	s29 =	sadd.s32 $0x30, s28;
	[tilespmem:s26+$0x1A000] =	vst v3  }
0x345: {  	s26 =	sor.u32 $0x200, s29;
	[tilespmem:v63+s6+$0x0] =	vst.idx.msk $0xffff, v2  }
0x346: {  	v3 =	vld [tilespmem:s26+$0x0];
	_ =	sdelay $0x1  }
0x347: {  	v4 =	vld [tilespmem:s26+$0x1A000];
	_ =	sdelay $0x2  }
0x348: {  	v3 =	vshll.u32 v3, $0x9  }
0x349: {  	s19 =	sadd.s32 $0x4, s19;
	v3 =	vadd.s32 s22, v3  }
0x34a: {  	p3 =	slt.u32 s19, $0x1C;
	v3 =	vadd.s32 v1, v3  }
.Ltmp6:
0x34b: {  	_ = 	snop;
	(pc) =	sbr.rel @p3 .LBB2_15-.Ltmp6, $4  }
0x34c: {  	_ = 	snop  }
0x34d: {  	[tilespmem:v4+s6+$0x0] =	vst.idx.msk $0xffff, v0  }
0x34e: {  	s23 =	sadd.s32 $0x4, s23;
	p2 =	por !p2, !p2;
	s24 =	sadd.s32 $0x200, s24;
	[tilespmem:s26+$0x1A000] =	vst v3  }
0x34f: {  	s20 =	sadd.s32 $0x2, s20;
	s21 =	sadd.s32 $0x200, s21;
	s22 =	sadd.s32 $0x40, s22;
	[tilespmem:v3+s6+$0x0] =	vst.idx.msk $0xffff, v2  }
0x350: {  	s19 =	sadd.s32 @!p0 $0x300, s17;
	s20 =	simm.s32 @!p0 $0x0;
	s21 =	simm.s32 @!p0 $0x200  }
0x351: {  	[tilespmem:s21], [sflag:$0x5] =	stream.linear.gather @!p0 [hbm4b:s19+s20], $0x80, $0x38;
	[tilespmem:$0x1B000] =	vst v63  }
0x352: {  	s19 =	sadd.s32 @!p0 $0x310, s17;
	s21 =	simm.s32 @!p0 $0x600  }
0x353: {  	[tilespmem:s21], [sflag:$0x5] =	stream.linear.gather @!p0 [hbm4b:s19+s20], $0x80, $0x38;
	[tilespmem:$0x1B000] =	vst v63  }
0x354: {  	s19 =	sadd.s32 @!p0 $0x320, s17;
	s21 =	simm.s32 @!p0 $0xA00  }
0x355: {  	[tilespmem:s21], [sflag:$0x5] =	stream.linear.gather @!p0 [hbm4b:s19+s20], $0x80, $0x38;
	[tilespmem:$0x1B000] =	vst v63  }
0x356: {  	s19 =	sadd.s32 @!p0 $0x330, s17;
	s21 =	simm.s32 @!p0 $0xE00  }
0x357: {  	[tilespmem:s21], [sflag:$0x5] =	stream.linear.gather @!p0 [hbm4b:s19+s20], $0x80, $0x38;
	[tilespmem:$0x1B000] =	vst v63  }
0x358: {  	s19 =	sor.u32 $0x100, s18;
	s21 =	rddreg [dreg:$0x1]  }
0x359: {  	s22 =	rddreg [dreg:$0xc];
	s20 =	sadd.s32 s21, s19  }
0x35a: {  	[hbm4b:s20+s5] =	stream.linear.scatter [tilespmem:s6], [sflag:$0xD], $0x200, $0x38;
	[tilespmem:$0x1B000] =	vst v63  }
0x35b: {  	s23 =	simm.s32 $0xDA00;
	s24 =	rddreg [dreg:$0xd];
	s20 =	sadd.s32 s19, s22  }
0x35c: {  	[hbm4b:s20+s5] =	stream.linear.scatter [tilespmem:s23], [sflag:$0xD], $0x200, $0x38;
	[tilespmem:$0x1B000] =	vst v63  }
0x35d: {  	s26 =	simm.s32 $0xDC00;
	s28 =	rddreg [dreg:$0xe];
	s20 =	sadd.s32 s19, s24  }
0x35e: {  	[hbm4b:s20+s5] =	stream.linear.scatter [tilespmem:s26], [sflag:$0xD], $0x200, $0x38;
	[tilespmem:$0x1B000] =	vst v63  }
0x35f: {  	s29 =	simm.s32 $0xDE00;
	s22 =	rddreg [dreg:$0xf];
	s20 =	sadd.s32 s19, s28  }
0x360: {  	[hbm4b:s20+s5] =	stream.linear.scatter [tilespmem:s29], [sflag:$0xD], $0x200, $0x38;
	[tilespmem:$0x1B000] =	vst v63  }
0x361: {  	s23 =	simm.s32 $0xE000;
	s24 =	rddreg [dreg:$0x10];
	s20 =	sadd.s32 s19, s22  }
0x362: {  	[hbm4b:s20+s5] =	stream.linear.scatter [tilespmem:s23], [sflag:$0xD], $0x200, $0x38;
	[tilespmem:$0x1B000] =	vst v63  }
0x363: {  	s26 =	simm.s32 $0xE200;
	s28 =	rddreg [dreg:$0x11];
	s20 =	sadd.s32 s19, s24  }
0x364: {  	[hbm4b:s20+s5] =	stream.linear.scatter [tilespmem:s26], [sflag:$0xD], $0x200, $0x38;
	[tilespmem:$0x1B000] =	vst v63  }
0x365: {  	s29 =	simm.s32 $0xE400;
	s22 =	rddreg [dreg:$0x12];
	s20 =	sadd.s32 s19, s28  }
0x366: {  	[hbm4b:s20+s5] =	stream.linear.scatter [tilespmem:s29], [sflag:$0xD], $0x200, $0x38;
	[tilespmem:$0x1B000] =	vst v63  }
0x367: {  	s23 =	simm.s32 $0xE600;
	s24 =	rddreg [dreg:$0x13];
	s20 =	sadd.s32 s19, s22  }
0x368: {  	[hbm4b:s20+s5] =	stream.linear.scatter [tilespmem:s23], [sflag:$0xD], $0x200, $0x38;
	[tilespmem:$0x1B000] =	vst v63  }
0x369: {  	s26 =	simm.s32 $0xE800;
	s28 =	rddreg [dreg:$0x14];
	s20 =	sadd.s32 s19, s24  }
0x36a: {  	[hbm4b:s20+s5] =	stream.linear.scatter [tilespmem:s26], [sflag:$0xD], $0x200, $0x38;
	[tilespmem:$0x1B000] =	vst v63  }
0x36b: {  	s29 =	simm.s32 $0xEA00;
	s22 =	rddreg [dreg:$0x15];
	s20 =	sadd.s32 s19, s28  }
0x36c: {  	[hbm4b:s20+s5] =	stream.linear.scatter [tilespmem:s29], [sflag:$0xD], $0x200, $0x38;
	[tilespmem:$0x1B000] =	vst v63  }
0x36d: {  	s23 =	simm.s32 $0xEC00;
	s24 =	rddreg [dreg:$0x16];
	s20 =	sadd.s32 s19, s22  }
0x36e: {  	[hbm4b:s20+s5] =	stream.linear.scatter [tilespmem:s23], [sflag:$0xD], $0x200, $0x38;
	[tilespmem:$0x1B000] =	vst v63  }
0x36f: {  	s26 =	simm.s32 $0xEE00;
	s28 =	rddreg [dreg:$0x18];
	s20 =	sadd.s32 s19, s24  }
0x370: {  	[hbm4b:s20+s5] =	stream.linear.scatter [tilespmem:s26], [sflag:$0xD], $0x200, $0x38;
	[tilespmem:$0x1B000] =	vst v63  }
0x371: {  	s29 =	simm.s32 $0xF000;
	s22 =	rddreg [dreg:$0x19];
	s20 =	sadd.s32 s19, s28  }
0x372: {  	[hbm4b:s20+s5] =	stream.linear.scatter [tilespmem:s29], [sflag:$0xD], $0x200, $0x38;
	[tilespmem:$0x1B000] =	vst v63  }
0x373: {  	s23 =	simm.s32 $0xF200;
	s24 =	rddreg [dreg:$0x1a];
	s20 =	sadd.s32 s19, s22  }
0x374: {  	[hbm4b:s20+s5] =	stream.linear.scatter [tilespmem:s23], [sflag:$0xD], $0x200, $0x38;
	[tilespmem:$0x1B000] =	vst v63  }
0x375: {  	s26 =	simm.s32 $0xF400;
	s28 =	rddreg [dreg:$0x1b];
	s20 =	sadd.s32 s19, s24  }
0x376: {  	[hbm4b:s20+s5] =	stream.linear.scatter [tilespmem:s26], [sflag:$0xD], $0x200, $0x38;
	[tilespmem:$0x1B000] =	vst v63  }
0x377: {  	s29 =	simm.s32 $0xF600;
	s20 =	sadd.s32 s19, s28  }
0x378: {  	[hbm4b:s20+s5] =	stream.linear.scatter [tilespmem:s29], [sflag:$0xD], $0x200, $0x38;
	[tilespmem:$0x1B000] =	vst v63  }
0x379: {  	s22 =	sadd.s32 s19, s31;
	s23 =	simm.s32 $0xF800  }
0x37a: {  	[hbm4b:s22+s5] =	stream.linear.scatter [tilespmem:s23], [sflag:$0xD], $0x200, $0x38;
	[tilespmem:$0x1B000] =	vst v63  }
0x37b: {  	s24 =	sadd.s32 s19, s1;
	s26 =	simm.s32 $0xFA00  }
0x37c: {  	[hbm4b:s24+s5] =	stream.linear.scatter [tilespmem:s26], [sflag:$0xD], $0x200, $0x38;
	[tilespmem:$0x1B000] =	vst v63  }
0x37d: {  	s28 =	sadd.s32 s19, s0;
	s29 =	simm.s32 $0xFC00  }
0x37e: {  	[hbm4b:s28+s5] =	stream.linear.scatter [tilespmem:s29], [sflag:$0xD], $0x200, $0x38;
	[tilespmem:$0x1B000] =	vst v63  }
0x37f: {  	s22 =	sadd.s32 s19, s7;
	s23 =	simm.s32 $0xFE00  }
0x380: {  	[hbm4b:s22+s5] =	stream.linear.scatter [tilespmem:s23], [sflag:$0xD], $0x200, $0x38;
	[tilespmem:$0x1B000] =	vst v63  }
0x381: {  	s24 =	sadd.s32 s19, s8;
	s26 =	simm.s32 $0x10000  }
0x382: {  	[hbm4b:s24+s5] =	stream.linear.scatter [tilespmem:s26], [sflag:$0xD], $0x200, $0x38;
	[tilespmem:$0x1B000] =	vst v63  }
0x383: {  	s28 =	sadd.s32 s19, s9;
	s29 =	simm.s32 $0x10200  }
0x384: {  	[hbm4b:s28+s5] =	stream.linear.scatter [tilespmem:s29], [sflag:$0xD], $0x200, $0x38;
	[tilespmem:$0x1B000] =	vst v63  }
0x385: {  	s22 =	sadd.s32 s19, s10;
	s23 =	simm.s32 $0x10400  }
0x386: {  	[hbm4b:s22+s5] =	stream.linear.scatter [tilespmem:s23], [sflag:$0xD], $0x200, $0x38;
	[tilespmem:$0x1B000] =	vst v63  }
0x387: {  	s24 =	sadd.s32 s19, s11;
	s26 =	simm.s32 $0x10600  }
0x388: {  	[hbm4b:s24+s5] =	stream.linear.scatter [tilespmem:s26], [sflag:$0xD], $0x200, $0x38;
	[tilespmem:$0x1B000] =	vst v63  }
0x389: {  	s19 =	sadd.s32 s19, s12;
	s28 =	simm.s32 $0x10800;
	s29 =	simm.s32 $0x6  }
0x38a: {  	[hbm4b:s19+s5] =	stream.linear.scatter [tilespmem:s28], [sflag:$0xD], $0x200, $0x38;
	[tilespmem:$0x1B000] =	vst v63  }
0x38b: {  	_ =	swait.ge [sflag:s29], $0x200  }
0x38c: {  	[sflag:s29] =	ssyncset.done $0x0  }
0x38d: {  	p2 =	por $0x0, $0x0;
	s19 =	simm.s32 @!p1 $0xE;
	[sflag:s29] =	ssyncadd.s32 $0xFFFFFE00  }
0x38e: {  	s21 =	simm.s32 $0x20;
	s20 =	simm.s32 $0x0;
	_ =	swait.ge @!p1 [sflag:s19], $0x3200  }
0x38f: {  	s22 =	simm.s32 $0x30;
	s23 =	simm.s32 $0x0;
	[sflag:s19] =	ssyncset.done @!p1 $0x0  }
0x390: {  	s24 =	simm.s32 $0x0;
	[sflag:s19] =	ssyncadd.s32 @!p1 $0xFFFFCE00;
	s19 =	simm.s32 $0xFFFFFFFC  }
.LBB2_17:
0x391: {  	s26 =	simm.s32 $0x1  }
0x392: {  	s26 =	simm.s32 @!p2 $0x0  }
0x393: {  	s26 =	sshll.u32 s26, $0x6  }
0x394: {  	s26 =	sadd.s32 s26, s24  }
0x395: {  	s26 =	sor.u32 $0x280, s26  }
0x396: {  	v3 =	vld [tilespmem:s26+$0x0];
	_ =	sdelay $0x1  }
0x397: {  	v4 =	vld [tilespmem:s26+$0x1A000];
	_ =	sdelay $0x2  }
0x398: {  	s28 =	sadd.s32 $0xFFFFFFD0, s22;
	v3 =	vshll.u32 v3, $0x9  }
0x399: {  	v3 =	vadd.s32 s28, v3  }
0x39a: {  	v3 =	vadd.s32 v1, v3  }
0x39b: {  	s29 =	sand.u32 $0x7, s23  }
0x39c: {  	s28 =	sshll.u32 s29, $0x4  }
0x39d: {  	s28 =	sadd.s32 s28, s24;
	[tilespmem:v4+s3+$0x0] =	vst.idx.msk $0xffff, v0  }
0x39e: {  	s29 =	sadd.s32 $0x10, s28;
	[tilespmem:s26+$0x1A000] =	vst v3  }
0x39f: {  	s26 =	sor.u32 $0x280, s29;
	[tilespmem:v3+s3+$0x0] =	vst.idx.msk $0xffff, v2  }
0x3a0: {  	v3 =	vld [tilespmem:s26+$0x0];
	_ =	sdelay $0x2  }
0x3a1: {  	v4 =	vld [tilespmem:s26+$0x1A000];
	_ =	sdelay $0x1  }
0x3a2: {  	s29 =	sadd.s32 $0xFFFFFFE0, s22;
	v3 =	vshll.u32 v3, $0x9  }
0x3a3: {  	v3 =	vadd.s32 s29, v3  }
0x3a4: {  	v3 =	vadd.s32 v1, v3  }
0x3a5: {  	v5 =	vand.u32 $0xFFFFFFDF, v3;
	_ =	sdelay $0x1  }
0x3a6: {  	s29 =	sand.u32 $0x3, s20  }
0x3a7: {  	s29 =	sshll.u32 s29, $0x5;
	[tilespmem:v4+s3+$0x0] =	vst.idx.msk $0xffff, v0  }
0x3a8: {  	s29 =	sadd.s32 s29, s21;
	[tilespmem:s26+$0x1A000] =	vst v3  }
0x3a9: {  	s26 =	sor.u32 $0x280, s29;
	[tilespmem:v5+s3+$0x0] =	vst.idx.msk $0xffff, v2  }
0x3aa: {  	v3 =	vld [tilespmem:s26+$0x0];
	_ =	sdelay $0x2  }
0x3ab: {  	v4 =	vld [tilespmem:s26+$0x1A000];
	_ =	sdelay $0x1  }
0x3ac: {  	s29 =	sadd.s32 $0xFFFFFFF0, s22;
	v3 =	vshll.u32 v3, $0x9  }
0x3ad: {  	v3 =	vadd.s32 s29, v3  }
0x3ae: {  	v3 =	vadd.s32 v1, v3  }
0x3af: {  	v63 =	vand.u32 $0xFFFFFFEF, v3;
	_ =	sdelay $0x2  }
0x3b0: {  	[tilespmem:v4+s3+$0x0] =	vst.idx.msk $0xffff, v0  }
0x3b1: {  	s29 =	sadd.s32 $0x30, s28;
	[tilespmem:s26+$0x1A000] =	vst v3  }
0x3b2: {  	s26 =	sor.u32 $0x280, s29;
	[tilespmem:v63+s3+$0x0] =	vst.idx.msk $0xffff, v2  }
0x3b3: {  	v3 =	vld [tilespmem:s26+$0x0];
	_ =	sdelay $0x1  }
0x3b4: {  	v4 =	vld [tilespmem:s26+$0x1A000];
	_ =	sdelay $0x2  }
0x3b5: {  	v3 =	vshll.u32 v3, $0x9  }
0x3b6: {  	s19 =	sadd.s32 $0x4, s19;
	v3 =	vadd.s32 s22, v3  }
0x3b7: {  	p3 =	slt.u32 s19, $0x1C;
	v3 =	vadd.s32 v1, v3  }
.Ltmp7:
0x3b8: {  	_ = 	snop;
	(pc) =	sbr.rel @p3 .LBB2_17-.Ltmp7, $4  }
0x3b9: {  	_ = 	snop  }
0x3ba: {  	[tilespmem:v4+s3+$0x0] =	vst.idx.msk $0xffff, v0  }
0x3bb: {  	s23 =	sadd.s32 $0x4, s23;
	p2 =	por !p2, !p2;
	s24 =	sadd.s32 $0x200, s24;
	[tilespmem:s26+$0x1A000] =	vst v3  }
0x3bc: {  	s20 =	sadd.s32 $0x2, s20;
	s21 =	sadd.s32 $0x200, s21;
	s22 =	sadd.s32 $0x40, s22;
	[tilespmem:v3+s3+$0x0] =	vst.idx.msk $0xffff, v2  }
0x3bd: {  	s19 =	sadd.s32 @!p0 $0x340, s17;
	s20 =	simm.s32 @!p0 $0x0;
	s21 =	simm.s32 @!p0 $0x280  }
0x3be: {  	[tilespmem:s21], [sflag:$0x6] =	stream.linear.gather @!p0 [hbm4b:s19+s20], $0x80, $0x38;
	[tilespmem:$0x1B000] =	vst v63  }
0x3bf: {  	s19 =	sadd.s32 @!p0 $0x350, s17;
	s21 =	simm.s32 @!p0 $0x680  }
0x3c0: {  	[tilespmem:s21], [sflag:$0x6] =	stream.linear.gather @!p0 [hbm4b:s19+s20], $0x80, $0x38;
	[tilespmem:$0x1B000] =	vst v63  }
0x3c1: {  	s19 =	sadd.s32 @!p0 $0x360, s17;
	s21 =	simm.s32 @!p0 $0xA80  }
0x3c2: {  	[tilespmem:s21], [sflag:$0x6] =	stream.linear.gather @!p0 [hbm4b:s19+s20], $0x80, $0x38;
	[tilespmem:$0x1B000] =	vst v63  }
0x3c3: {  	s19 =	sadd.s32 @!p0 $0x370, s17;
	s21 =	simm.s32 @!p0 $0xE80  }
0x3c4: {  	[tilespmem:s21], [sflag:$0x6] =	stream.linear.gather @!p0 [hbm4b:s19+s20], $0x80, $0x38;
	[tilespmem:$0x1B000] =	vst v63  }
0x3c5: {  	s19 =	sor.u32 $0x140, s18;
	s21 =	rddreg [dreg:$0x1]  }
0x3c6: {  	s22 =	rddreg [dreg:$0xc];
	s20 =	sadd.s32 s21, s19  }
0x3c7: {  	[hbm4b:s20+s5] =	stream.linear.scatter [tilespmem:s3], [sflag:$0xE], $0x200, $0x38;
	[tilespmem:$0x1B000] =	vst v63  }
0x3c8: {  	s23 =	simm.s32 $0x10C00;
	s24 =	rddreg [dreg:$0xd];
	s20 =	sadd.s32 s19, s22  }
0x3c9: {  	[hbm4b:s20+s5] =	stream.linear.scatter [tilespmem:s23], [sflag:$0xE], $0x200, $0x38;
	[tilespmem:$0x1B000] =	vst v63  }
0x3ca: {  	s26 =	simm.s32 $0x10E00;
	s28 =	rddreg [dreg:$0xe];
	s20 =	sadd.s32 s19, s24  }
0x3cb: {  	[hbm4b:s20+s5] =	stream.linear.scatter [tilespmem:s26], [sflag:$0xE], $0x200, $0x38;
	[tilespmem:$0x1B000] =	vst v63  }
0x3cc: {  	s29 =	simm.s32 $0x11000;
	s22 =	rddreg [dreg:$0xf];
	s20 =	sadd.s32 s19, s28  }
0x3cd: {  	[hbm4b:s20+s5] =	stream.linear.scatter [tilespmem:s29], [sflag:$0xE], $0x200, $0x38;
	[tilespmem:$0x1B000] =	vst v63  }
0x3ce: {  	s23 =	simm.s32 $0x11200;
	s24 =	rddreg [dreg:$0x10];
	s20 =	sadd.s32 s19, s22  }
0x3cf: {  	[hbm4b:s20+s5] =	stream.linear.scatter [tilespmem:s23], [sflag:$0xE], $0x200, $0x38;
	[tilespmem:$0x1B000] =	vst v63  }
0x3d0: {  	s26 =	simm.s32 $0x11400;
	s28 =	rddreg [dreg:$0x11];
	s20 =	sadd.s32 s19, s24  }
0x3d1: {  	[hbm4b:s20+s5] =	stream.linear.scatter [tilespmem:s26], [sflag:$0xE], $0x200, $0x38;
	[tilespmem:$0x1B000] =	vst v63  }
0x3d2: {  	s29 =	simm.s32 $0x11600;
	s22 =	rddreg [dreg:$0x12];
	s20 =	sadd.s32 s19, s28  }
0x3d3: {  	[hbm4b:s20+s5] =	stream.linear.scatter [tilespmem:s29], [sflag:$0xE], $0x200, $0x38;
	[tilespmem:$0x1B000] =	vst v63  }
0x3d4: {  	s23 =	simm.s32 $0x11800;
	s24 =	rddreg [dreg:$0x13];
	s20 =	sadd.s32 s19, s22  }
0x3d5: {  	[hbm4b:s20+s5] =	stream.linear.scatter [tilespmem:s23], [sflag:$0xE], $0x200, $0x38;
	[tilespmem:$0x1B000] =	vst v63  }
0x3d6: {  	s26 =	simm.s32 $0x11A00;
	s28 =	rddreg [dreg:$0x14];
	s20 =	sadd.s32 s19, s24  }
0x3d7: {  	[hbm4b:s20+s5] =	stream.linear.scatter [tilespmem:s26], [sflag:$0xE], $0x200, $0x38;
	[tilespmem:$0x1B000] =	vst v63  }
0x3d8: {  	s29 =	simm.s32 $0x11C00;
	s22 =	rddreg [dreg:$0x15];
	s20 =	sadd.s32 s19, s28  }
0x3d9: {  	[hbm4b:s20+s5] =	stream.linear.scatter [tilespmem:s29], [sflag:$0xE], $0x200, $0x38;
	[tilespmem:$0x1B000] =	vst v63  }
0x3da: {  	s23 =	simm.s32 $0x11E00;
	s24 =	rddreg [dreg:$0x16];
	s20 =	sadd.s32 s19, s22  }
0x3db: {  	[hbm4b:s20+s5] =	stream.linear.scatter [tilespmem:s23], [sflag:$0xE], $0x200, $0x38;
	[tilespmem:$0x1B000] =	vst v63  }
0x3dc: {  	s26 =	simm.s32 $0x12000;
	s28 =	rddreg [dreg:$0x18];
	s20 =	sadd.s32 s19, s24  }
0x3dd: {  	[hbm4b:s20+s5] =	stream.linear.scatter [tilespmem:s26], [sflag:$0xE], $0x200, $0x38;
	[tilespmem:$0x1B000] =	vst v63  }
0x3de: {  	s29 =	simm.s32 $0x12200;
	s22 =	rddreg [dreg:$0x19];
	s20 =	sadd.s32 s19, s28  }
0x3df: {  	[hbm4b:s20+s5] =	stream.linear.scatter [tilespmem:s29], [sflag:$0xE], $0x200, $0x38;
	[tilespmem:$0x1B000] =	vst v63  }
0x3e0: {  	s23 =	simm.s32 $0x12400;
	s24 =	rddreg [dreg:$0x1a];
	s20 =	sadd.s32 s19, s22  }
0x3e1: {  	[hbm4b:s20+s5] =	stream.linear.scatter [tilespmem:s23], [sflag:$0xE], $0x200, $0x38;
	[tilespmem:$0x1B000] =	vst v63  }
0x3e2: {  	s26 =	simm.s32 $0x12600;
	s28 =	rddreg [dreg:$0x1b];
	s20 =	sadd.s32 s19, s24  }
0x3e3: {  	[hbm4b:s20+s5] =	stream.linear.scatter [tilespmem:s26], [sflag:$0xE], $0x200, $0x38;
	[tilespmem:$0x1B000] =	vst v63  }
0x3e4: {  	s29 =	simm.s32 $0x12800;
	s20 =	sadd.s32 s19, s28  }
0x3e5: {  	[hbm4b:s20+s5] =	stream.linear.scatter [tilespmem:s29], [sflag:$0xE], $0x200, $0x38;
	[tilespmem:$0x1B000] =	vst v63  }
0x3e6: {  	s22 =	sadd.s32 s19, s31;
	s23 =	simm.s32 $0x12A00  }
0x3e7: {  	[hbm4b:s22+s5] =	stream.linear.scatter [tilespmem:s23], [sflag:$0xE], $0x200, $0x38;
	[tilespmem:$0x1B000] =	vst v63  }
0x3e8: {  	s24 =	sadd.s32 s19, s1;
	s26 =	simm.s32 $0x12C00  }
0x3e9: {  	[hbm4b:s24+s5] =	stream.linear.scatter [tilespmem:s26], [sflag:$0xE], $0x200, $0x38;
	[tilespmem:$0x1B000] =	vst v63  }
0x3ea: {  	s28 =	sadd.s32 s19, s0;
	s29 =	simm.s32 $0x12E00  }
0x3eb: {  	[hbm4b:s28+s5] =	stream.linear.scatter [tilespmem:s29], [sflag:$0xE], $0x200, $0x38;
	[tilespmem:$0x1B000] =	vst v63  }
0x3ec: {  	s22 =	sadd.s32 s19, s7;
	s23 =	simm.s32 $0x13000  }
0x3ed: {  	[hbm4b:s22+s5] =	stream.linear.scatter [tilespmem:s23], [sflag:$0xE], $0x200, $0x38;
	[tilespmem:$0x1B000] =	vst v63  }
0x3ee: {  	s24 =	sadd.s32 s19, s8;
	s26 =	simm.s32 $0x13200  }
0x3ef: {  	[hbm4b:s24+s5] =	stream.linear.scatter [tilespmem:s26], [sflag:$0xE], $0x200, $0x38;
	[tilespmem:$0x1B000] =	vst v63  }
0x3f0: {  	s28 =	sadd.s32 s19, s9;
	s29 =	simm.s32 $0x13400  }
0x3f1: {  	[hbm4b:s28+s5] =	stream.linear.scatter [tilespmem:s29], [sflag:$0xE], $0x200, $0x38;
	[tilespmem:$0x1B000] =	vst v63  }
0x3f2: {  	s22 =	sadd.s32 s19, s10;
	s23 =	simm.s32 $0x13600  }
0x3f3: {  	[hbm4b:s22+s5] =	stream.linear.scatter [tilespmem:s23], [sflag:$0xE], $0x200, $0x38;
	[tilespmem:$0x1B000] =	vst v63  }
0x3f4: {  	s24 =	sadd.s32 s19, s11;
	s26 =	simm.s32 $0x13800  }
0x3f5: {  	[hbm4b:s24+s5] =	stream.linear.scatter [tilespmem:s26], [sflag:$0xE], $0x200, $0x38;
	[tilespmem:$0x1B000] =	vst v63  }
0x3f6: {  	s19 =	sadd.s32 s19, s12;
	s28 =	simm.s32 $0x13A00;
	s29 =	simm.s32 $0x7  }
0x3f7: {  	[hbm4b:s19+s5] =	stream.linear.scatter [tilespmem:s28], [sflag:$0xE], $0x200, $0x38;
	[tilespmem:$0x1B000] =	vst v63  }
0x3f8: {  	_ =	swait.ge [sflag:s29], $0x200  }
0x3f9: {  	[sflag:s29] =	ssyncset.done $0x0  }
0x3fa: {  	p2 =	por $0x0, $0x0;
	s19 =	simm.s32 @!p1 $0xF;
	[sflag:s29] =	ssyncadd.s32 $0xFFFFFE00  }
0x3fb: {  	s21 =	simm.s32 $0x20;
	s20 =	simm.s32 $0x0;
	_ =	swait.ge @!p1 [sflag:s19], $0x3200  }
0x3fc: {  	s22 =	simm.s32 $0x30;
	s23 =	simm.s32 $0x0;
	[sflag:s19] =	ssyncset.done @!p1 $0x0  }
0x3fd: {  	s24 =	simm.s32 $0x0;
	[sflag:s19] =	ssyncadd.s32 @!p1 $0xFFFFCE00;
	s19 =	simm.s32 $0xFFFFFFFC  }
.LBB2_19:
0x3fe: {  	s26 =	simm.s32 $0x1  }
0x3ff: {  	s26 =	simm.s32 @!p2 $0x0  }
0x400: {  	s26 =	sshll.u32 s26, $0x6  }
0x401: {  	s26 =	sadd.s32 s26, s24  }
0x402: {  	s26 =	sor.u32 $0x300, s26  }
0x403: {  	v3 =	vld [tilespmem:s26+$0x0];
	_ =	sdelay $0x1  }
0x404: {  	v4 =	vld [tilespmem:s26+$0x1A000];
	_ =	sdelay $0x2  }
0x405: {  	s28 =	sadd.s32 $0xFFFFFFD0, s22;
	v3 =	vshll.u32 v3, $0x9  }
0x406: {  	v3 =	vadd.s32 s28, v3  }
0x407: {  	v3 =	vadd.s32 v1, v3  }
0x408: {  	s29 =	sand.u32 $0x7, s23  }
0x409: {  	s28 =	sshll.u32 s29, $0x4  }
0x40a: {  	s28 =	sadd.s32 s28, s24;
	[tilespmem:v4+s14+$0x0] =	vst.idx.msk $0xffff, v0  }
0x40b: {  	s29 =	sadd.s32 $0x10, s28;
	[tilespmem:s26+$0x1A000] =	vst v3  }
0x40c: {  	s26 =	sor.u32 $0x300, s29;
	[tilespmem:v3+s14+$0x0] =	vst.idx.msk $0xffff, v2  }
0x40d: {  	v3 =	vld [tilespmem:s26+$0x0];
	_ =	sdelay $0x2  }
0x40e: {  	v4 =	vld [tilespmem:s26+$0x1A000];
	_ =	sdelay $0x1  }
0x40f: {  	s29 =	sadd.s32 $0xFFFFFFE0, s22;
	v3 =	vshll.u32 v3, $0x9  }
0x410: {  	v3 =	vadd.s32 s29, v3  }
0x411: {  	v3 =	vadd.s32 v1, v3  }
0x412: {  	v5 =	vand.u32 $0xFFFFFFDF, v3;
	_ =	sdelay $0x1  }
0x413: {  	s29 =	sand.u32 $0x3, s20  }
0x414: {  	s29 =	sshll.u32 s29, $0x5;
	[tilespmem:v4+s14+$0x0] =	vst.idx.msk $0xffff, v0  }
0x415: {  	s29 =	sadd.s32 s29, s21;
	[tilespmem:s26+$0x1A000] =	vst v3  }
0x416: {  	s26 =	sor.u32 $0x300, s29;
	[tilespmem:v5+s14+$0x0] =	vst.idx.msk $0xffff, v2  }
0x417: {  	v3 =	vld [tilespmem:s26+$0x0];
	_ =	sdelay $0x2  }
0x418: {  	v4 =	vld [tilespmem:s26+$0x1A000];
	_ =	sdelay $0x1  }
0x419: {  	s29 =	sadd.s32 $0xFFFFFFF0, s22;
	v3 =	vshll.u32 v3, $0x9  }
0x41a: {  	v3 =	vadd.s32 s29, v3  }
0x41b: {  	v3 =	vadd.s32 v1, v3  }
0x41c: {  	v63 =	vand.u32 $0xFFFFFFEF, v3;
	_ =	sdelay $0x2  }
0x41d: {  	[tilespmem:v4+s14+$0x0] =	vst.idx.msk $0xffff, v0  }
0x41e: {  	s29 =	sadd.s32 $0x30, s28;
	[tilespmem:s26+$0x1A000] =	vst v3  }
0x41f: {  	s26 =	sor.u32 $0x300, s29;
	[tilespmem:v63+s14+$0x0] =	vst.idx.msk $0xffff, v2  }
0x420: {  	v3 =	vld [tilespmem:s26+$0x0];
	_ =	sdelay $0x1  }
0x421: {  	v4 =	vld [tilespmem:s26+$0x1A000];
	_ =	sdelay $0x2  }
0x422: {  	v3 =	vshll.u32 v3, $0x9  }
0x423: {  	s19 =	sadd.s32 $0x4, s19;
	v3 =	vadd.s32 s22, v3  }
0x424: {  	p3 =	slt.u32 s19, $0x1C;
	v3 =	vadd.s32 v1, v3  }
.Ltmp8:
0x425: {  	_ = 	snop;
	(pc) =	sbr.rel @p3 .LBB2_19-.Ltmp8, $4  }
0x426: {  	_ = 	snop  }
0x427: {  	[tilespmem:v4+s14+$0x0] =	vst.idx.msk $0xffff, v0  }
0x428: {  	s23 =	sadd.s32 $0x4, s23;
	p2 =	por !p2, !p2;
	s24 =	sadd.s32 $0x200, s24;
	[tilespmem:s26+$0x1A000] =	vst v3  }
0x429: {  	s20 =	sadd.s32 $0x2, s20;
	s21 =	sadd.s32 $0x200, s21;
	s22 =	sadd.s32 $0x40, s22;
	[tilespmem:v3+s14+$0x0] =	vst.idx.msk $0xffff, v2  }
0x42a: {  	s19 =	sadd.s32 @!p0 $0x380, s17;
	s20 =	simm.s32 @!p0 $0x0;
	s21 =	simm.s32 @!p0 $0x300  }
0x42b: {  	[tilespmem:s21], [sflag:$0x7] =	stream.linear.gather @!p0 [hbm4b:s19+s20], $0x80, $0x38;
	[tilespmem:$0x1B000] =	vst v63  }
0x42c: {  	s19 =	sadd.s32 @!p0 $0x390, s17;
	s21 =	simm.s32 @!p0 $0x700  }
0x42d: {  	[tilespmem:s21], [sflag:$0x7] =	stream.linear.gather @!p0 [hbm4b:s19+s20], $0x80, $0x38;
	[tilespmem:$0x1B000] =	vst v63  }
0x42e: {  	s19 =	sadd.s32 @!p0 $0x3A0, s17;
	s21 =	simm.s32 @!p0 $0xB00  }
0x42f: {  	[tilespmem:s21], [sflag:$0x7] =	stream.linear.gather @!p0 [hbm4b:s19+s20], $0x80, $0x38;
	[tilespmem:$0x1B000] =	vst v63  }
0x430: {  	s19 =	sadd.s32 @!p0 $0x3B0, s17;
	s21 =	simm.s32 @!p0 $0xF00  }
0x431: {  	[tilespmem:s21], [sflag:$0x7] =	stream.linear.gather @!p0 [hbm4b:s19+s20], $0x80, $0x38;
	[tilespmem:$0x1B000] =	vst v63  }
0x432: {  	s26 =	rddreg [dreg:$0x1];
	s19 =	sor.u32 $0x180, s18  }
0x433: {  	s28 =	rddreg [dreg:$0xc];
	s24 =	sadd.s32 s26, s19  }
0x434: {  	[hbm4b:s24+s5] =	stream.linear.scatter [tilespmem:s14], [sflag:$0xF], $0x200, $0x38;
	[tilespmem:$0x1B000] =	vst v63  }
0x435: {  	s22 =	simm.s32 $0x13E00;
	s29 =	rddreg [dreg:$0xd];
	s21 =	sadd.s32 s19, s28  }
0x436: {  	[hbm4b:s21+s5] =	stream.linear.scatter [tilespmem:s22], [sflag:$0xF], $0x200, $0x38;
	[tilespmem:$0x1B000] =	vst v63  }
0x437: {  	s23 =	sadd.s32 s19, s29;
	s24 =	simm.s32 $0x14000;
	s21 =	rddreg [dreg:$0xe]  }
0x438: {  	[hbm4b:s23+s5] =	stream.linear.scatter [tilespmem:s24], [sflag:$0xF], $0x200, $0x38;
	[tilespmem:$0x1B000] =	vst v63  }
0x439: {  	s22 =	simm.s32 $0x14200;
	s20 =	sadd.s32 s19, s21;
	s23 =	rddreg [dreg:$0xf]  }
0x43a: {  	[hbm4b:s20+s5] =	stream.linear.scatter [tilespmem:s22], [sflag:$0xF], $0x200, $0x38;
	[tilespmem:$0x1B000] =	vst v63  }
0x43b: {  	s21 =	rddreg [dreg:$0x10];
	s24 =	simm.s32 $0x14400;
	s20 =	sadd.s32 s19, s23  }
0x43c: {  	[hbm4b:s20+s5] =	stream.linear.scatter [tilespmem:s24], [sflag:$0xF], $0x200, $0x38;
	[tilespmem:$0x1B000] =	vst v63  }
0x43d: {  	s22 =	simm.s32 $0x14600;
	s23 =	rddreg [dreg:$0x11];
	s20 =	sadd.s32 s19, s21  }
0x43e: {  	[hbm4b:s20+s5] =	stream.linear.scatter [tilespmem:s22], [sflag:$0xF], $0x200, $0x38;
	[tilespmem:$0x1B000] =	vst v63  }
0x43f: {  	s24 =	simm.s32 $0x14800;
	s21 =	rddreg [dreg:$0x12];
	s20 =	sadd.s32 s19, s23  }
0x440: {  	[hbm4b:s20+s5] =	stream.linear.scatter [tilespmem:s24], [sflag:$0xF], $0x200, $0x38;
	[tilespmem:$0x1B000] =	vst v63  }
0x441: {  	s22 =	simm.s32 $0x14A00;
	s23 =	rddreg [dreg:$0x13];
	s20 =	sadd.s32 s19, s21  }
0x442: {  	[hbm4b:s20+s5] =	stream.linear.scatter [tilespmem:s22], [sflag:$0xF], $0x200, $0x38;
	[tilespmem:$0x1B000] =	vst v63  }
0x443: {  	s24 =	simm.s32 $0x14C00;
	s21 =	rddreg [dreg:$0x14];
	s20 =	sadd.s32 s19, s23  }
0x444: {  	[hbm4b:s20+s5] =	stream.linear.scatter [tilespmem:s24], [sflag:$0xF], $0x200, $0x38;
	[tilespmem:$0x1B000] =	vst v63  }
0x445: {  	s22 =	simm.s32 $0x14E00;
	s23 =	rddreg [dreg:$0x15];
	s20 =	sadd.s32 s19, s21  }
0x446: {  	[hbm4b:s20+s5] =	stream.linear.scatter [tilespmem:s22], [sflag:$0xF], $0x200, $0x38;
	[tilespmem:$0x1B000] =	vst v63  }
0x447: {  	s24 =	simm.s32 $0x15000;
	s21 =	rddreg [dreg:$0x16];
	s20 =	sadd.s32 s19, s23  }
0x448: {  	[hbm4b:s20+s5] =	stream.linear.scatter [tilespmem:s24], [sflag:$0xF], $0x200, $0x38;
	[tilespmem:$0x1B000] =	vst v63  }
0x449: {  	s22 =	simm.s32 $0x15200;
	s23 =	rddreg [dreg:$0x18];
	s20 =	sadd.s32 s19, s21  }
0x44a: {  	[hbm4b:s20+s5] =	stream.linear.scatter [tilespmem:s22], [sflag:$0xF], $0x200, $0x38;
	[tilespmem:$0x1B000] =	vst v63  }
0x44b: {  	s24 =	simm.s32 $0x15400;
	s21 =	rddreg [dreg:$0x19];
	s20 =	sadd.s32 s19, s23  }
0x44c: {  	[hbm4b:s20+s5] =	stream.linear.scatter [tilespmem:s24], [sflag:$0xF], $0x200, $0x38;
	[tilespmem:$0x1B000] =	vst v63  }
0x44d: {  	s22 =	simm.s32 $0x15600;
	s23 =	rddreg [dreg:$0x1a];
	s20 =	sadd.s32 s19, s21  }
0x44e: {  	[hbm4b:s20+s5] =	stream.linear.scatter [tilespmem:s22], [sflag:$0xF], $0x200, $0x38;
	[tilespmem:$0x1B000] =	vst v63  }
0x44f: {  	s24 =	simm.s32 $0x15800;
	s21 =	rddreg [dreg:$0x1b];
	s20 =	sadd.s32 s19, s23  }
0x450: {  	[hbm4b:s20+s5] =	stream.linear.scatter [tilespmem:s24], [sflag:$0xF], $0x200, $0x38;
	[tilespmem:$0x1B000] =	vst v63  }
0x451: {  	s22 =	simm.s32 $0x15A00;
	s20 =	sadd.s32 s19, s21  }
0x452: {  	[hbm4b:s20+s5] =	stream.linear.scatter [tilespmem:s22], [sflag:$0xF], $0x200, $0x38;
	[tilespmem:$0x1B000] =	vst v63  }
0x453: {  	s23 =	sadd.s32 s19, s31;
	s24 =	simm.s32 $0x15C00  }
0x454: {  	[hbm4b:s23+s5] =	stream.linear.scatter [tilespmem:s24], [sflag:$0xF], $0x200, $0x38;
	[tilespmem:$0x1B000] =	vst v63  }
0x455: {  	s21 =	sadd.s32 s19, s1;
	s22 =	simm.s32 $0x15E00  }
0x456: {  	[hbm4b:s21+s5] =	stream.linear.scatter [tilespmem:s22], [sflag:$0xF], $0x200, $0x38;
	[tilespmem:$0x1B000] =	vst v63  }
0x457: {  	s23 =	sadd.s32 s19, s0;
	s24 =	simm.s32 $0x16000  }
0x458: {  	[hbm4b:s23+s5] =	stream.linear.scatter [tilespmem:s24], [sflag:$0xF], $0x200, $0x38;
	[tilespmem:$0x1B000] =	vst v63  }
0x459: {  	s21 =	sadd.s32 s19, s7;
	s22 =	simm.s32 $0x16200  }
0x45a: {  	[hbm4b:s21+s5] =	stream.linear.scatter [tilespmem:s22], [sflag:$0xF], $0x200, $0x38;
	[tilespmem:$0x1B000] =	vst v63  }
0x45b: {  	s23 =	sadd.s32 s19, s8;
	s24 =	simm.s32 $0x16400  }
0x45c: {  	[hbm4b:s23+s5] =	stream.linear.scatter [tilespmem:s24], [sflag:$0xF], $0x200, $0x38;
	[tilespmem:$0x1B000] =	vst v63  }
0x45d: {  	s21 =	sadd.s32 s19, s9;
	s22 =	simm.s32 $0x16600  }
0x45e: {  	[hbm4b:s21+s5] =	stream.linear.scatter [tilespmem:s22], [sflag:$0xF], $0x200, $0x38;
	[tilespmem:$0x1B000] =	vst v63  }
0x45f: {  	s23 =	sadd.s32 s19, s10;
	s24 =	simm.s32 $0x16800  }
0x460: {  	[hbm4b:s23+s5] =	stream.linear.scatter [tilespmem:s24], [sflag:$0xF], $0x200, $0x38;
	[tilespmem:$0x1B000] =	vst v63  }
0x461: {  	s21 =	sadd.s32 s19, s11;
	s22 =	simm.s32 $0x16A00  }
0x462: {  	[hbm4b:s21+s5] =	stream.linear.scatter [tilespmem:s22], [sflag:$0xF], $0x200, $0x38;
	[tilespmem:$0x1B000] =	vst v63  }
0x463: {  	s19 =	sadd.s32 s19, s12;
	s23 =	simm.s32 $0x16C00;
	s24 =	simm.s32 $0x8  }
0x464: {  	[hbm4b:s19+s5] =	stream.linear.scatter [tilespmem:s23], [sflag:$0xF], $0x200, $0x38;
	[tilespmem:$0x1B000] =	vst v63  }
0x465: {  	_ =	swait.ge [sflag:s24], $0x200  }
0x466: {  	[sflag:s24] =	ssyncset.done $0x0  }
0x467: {  	s19 =	simm.s32 @!p1 $0x10;
	[sflag:s24] =	ssyncadd.s32 $0xFFFFFE00  }
0x468: {  	_ =	swait.ge @!p1 [sflag:s19], $0x3200  }
0x469: {  	s20 =	simm.s32 $0x0;
	[sflag:s19] =	ssyncset.done @!p1 $0x0  }
0x46a: {  	s21 =	simm.s32 $0x0;
	[sflag:s19] =	ssyncadd.s32 @!p1 $0xFFFFCE00;
	s19 =	simm.s32 $0xFFFFFFFC  }
.LBB2_21:
0x46b: {  	s22 =	sor.u32 s20, s21  }
0x46c: {  	s22 =	sor.u32 $0x380, s22  }
0x46d: {  	v3 =	vld [tilespmem:s22+$0x0];
	_ =	sdelay $0x1  }
0x46e: {  	v4 =	vld [tilespmem:s22+$0x1A000];
	_ =	sdelay $0x2  }
0x46f: {  	v3 =	vshll.u32 v3, $0x9  }
0x470: {  	v3 =	vadd.s32 s20, v3  }
0x471: {  	v3 =	vadd.s32 v1, v3;
	_ =	sdelay $0x2  }
0x472: {  	s23 =	sadd.s32 $0x10, s20;
	[tilespmem:v4+s15+$0x0] =	vst.idx.msk $0xffff, v0  }
0x473: {  	s24 =	sor.u32 s23, s21;
	[tilespmem:s22+$0x1A000] =	vst v3  }
0x474: {  	s22 =	sor.u32 $0x380, s24;
	[tilespmem:v3+s15+$0x0] =	vst.idx.msk $0xffff, v2  }
0x475: {  	v3 =	vld [tilespmem:s22+$0x0];
	_ =	sdelay $0x2  }
0x476: {  	v4 =	vld [tilespmem:s22+$0x1A000];
	_ =	sdelay $0x1  }
0x477: {  	v3 =	vshll.u32 v3, $0x9  }
0x478: {  	v3 =	vadd.s32 s23, v3  }
0x479: {  	v3 =	vadd.s32 v1, v3  }
0x47a: {  	v5 =	vand.u32 $0xFFFFFFDF, v3;
	_ =	sdelay $0x2  }
0x47b: {  	s23 =	sadd.s32 $0x20, s20;
	[tilespmem:v4+s15+$0x0] =	vst.idx.msk $0xffff, v0  }
0x47c: {  	s24 =	sor.u32 s23, s21;
	[tilespmem:s22+$0x1A000] =	vst v3  }
0x47d: {  	s22 =	sor.u32 $0x380, s24;
	[tilespmem:v5+s15+$0x0] =	vst.idx.msk $0xffff, v2  }
0x47e: {  	v3 =	vld [tilespmem:s22+$0x0];
	_ =	sdelay $0x2  }
0x47f: {  	v4 =	vld [tilespmem:s22+$0x1A000];
	_ =	sdelay $0x1  }
0x480: {  	v3 =	vshll.u32 v3, $0x9  }
0x481: {  	v3 =	vadd.s32 s23, v3  }
0x482: {  	v3 =	vadd.s32 v1, v3  }
0x483: {  	v63 =	vand.u32 $0xFFFFFFEF, v3;
	_ =	sdelay $0x2  }
0x484: {  	s23 =	sadd.s32 $0x30, s20;
	[tilespmem:v4+s15+$0x0] =	vst.idx.msk $0xffff, v0  }
0x485: {  	s24 =	sor.u32 s23, s21;
	[tilespmem:s22+$0x1A000] =	vst v3  }
0x486: {  	s22 =	sor.u32 $0x380, s24;
	[tilespmem:v63+s15+$0x0] =	vst.idx.msk $0xffff, v2  }
0x487: {  	v3 =	vld [tilespmem:s22+$0x0];
	_ =	sdelay $0x1  }
0x488: {  	v4 =	vld [tilespmem:s22+$0x1A000];
	_ =	sdelay $0x2  }
0x489: {  	v3 =	vshll.u32 v3, $0x9  }
0x48a: {  	s19 =	sadd.s32 $0x4, s19;
	v3 =	vadd.s32 s23, v3  }
0x48b: {  	p1 =	slt.u32 s19, $0x1C;
	v3 =	vadd.s32 v1, v3  }
.Ltmp9:
0x48c: {  	_ = 	snop;
	(pc) =	sbr.rel @p1 .LBB2_21-.Ltmp9, $4  }
0x48d: {  	_ = 	snop  }
0x48e: {  	[tilespmem:v4+s15+$0x0] =	vst.idx.msk $0xffff, v0  }
0x48f: {  	[tilespmem:s22+$0x1A000] =	vst v3  }
0x490: {  	s20 =	sadd.s32 $0x40, s20;
	s21 =	sadd.s32 $0x200, s21;
	[tilespmem:v3+s15+$0x0] =	vst.idx.msk $0xffff, v2  }
0x491: {  	s19 =	sadd.s32 @!p0 $0x3C0, s17;
	s20 =	simm.s32 @!p0 $0x0;
	s21 =	simm.s32 @!p0 $0x380  }
0x492: {  	[tilespmem:s21], [sflag:$0x8] =	stream.linear.gather @!p0 [hbm4b:s19+s20], $0x80, $0x38;
	[tilespmem:$0x1B000] =	vst v63  }
0x493: {  	s19 =	sadd.s32 @!p0 $0x3D0, s17;
	s21 =	simm.s32 @!p0 $0x780  }
0x494: {  	[tilespmem:s21], [sflag:$0x8] =	stream.linear.gather @!p0 [hbm4b:s19+s20], $0x80, $0x38;
	[tilespmem:$0x1B000] =	vst v63  }
0x495: {  	s19 =	sadd.s32 @!p0 $0x3E0, s17;
	s21 =	simm.s32 @!p0 $0xB80  }
0x496: {  	[tilespmem:s21], [sflag:$0x8] =	stream.linear.gather @!p0 [hbm4b:s19+s20], $0x80, $0x38;
	[tilespmem:$0x1B000] =	vst v63  }
0x497: {  	s17 =	sadd.s32 @!p0 $0x3F0, s17;
	s19 =	simm.s32 @!p0 $0xF80  }
0x498: {  	[tilespmem:s19], [sflag:$0x8] =	stream.linear.gather @!p0 [hbm4b:s17+s20], $0x80, $0x38;
	[tilespmem:$0x1B000] =	vst v63  }
0x499: {  	s17 =	sor.u32 $0x1C0, s18  }
0x49a: {  	s18 =	sadd.s32 s26, s17  }
0x49b: {  	[hbm4b:s18+s5] =	stream.linear.scatter [tilespmem:s15], [sflag:$0x10], $0x200, $0x38;
	[tilespmem:$0x1B000] =	vst v63  }
0x49c: {  	s20 =	simm.s32 $0x17000;
	s19 =	sadd.s32 s17, s28  }
0x49d: {  	[hbm4b:s19+s5] =	stream.linear.scatter [tilespmem:s20], [sflag:$0x10], $0x200, $0x38;
	[tilespmem:$0x1B000] =	vst v63  }
0x49e: {  	s22 =	simm.s32 $0x17200;
	s23 =	rddreg [dreg:$0xe];
	s21 =	sadd.s32 s17, s29  }
0x49f: {  	[hbm4b:s21+s5] =	stream.linear.scatter [tilespmem:s22], [sflag:$0x10], $0x200, $0x38;
	[tilespmem:$0x1B000] =	vst v63  }
0x4a0: {  	s24 =	simm.s32 $0x17400;
	s18 =	sadd.s32 s17, s23;
	s19 =	rddreg [dreg:$0xf]  }
0x4a1: {  	[hbm4b:s18+s5] =	stream.linear.scatter [tilespmem:s24], [sflag:$0x10], $0x200, $0x38;
	[tilespmem:$0x1B000] =	vst v63  }
0x4a2: {  	s20 =	simm.s32 $0x17600;
	s21 =	rddreg [dreg:$0x10];
	s18 =	sadd.s32 s17, s19  }
0x4a3: {  	[hbm4b:s18+s5] =	stream.linear.scatter [tilespmem:s20], [sflag:$0x10], $0x200, $0x38;
	[tilespmem:$0x1B000] =	vst v63  }
0x4a4: {  	s23 =	rddreg [dreg:$0x11];
	s22 =	simm.s32 $0x17800;
	s18 =	sadd.s32 s17, s21  }
0x4a5: {  	[hbm4b:s18+s5] =	stream.linear.scatter [tilespmem:s22], [sflag:$0x10], $0x200, $0x38;
	[tilespmem:$0x1B000] =	vst v63  }
0x4a6: {  	s24 =	simm.s32 $0x17A00;
	s19 =	rddreg [dreg:$0x12];
	s18 =	sadd.s32 s17, s23  }
0x4a7: {  	[hbm4b:s18+s5] =	stream.linear.scatter [tilespmem:s24], [sflag:$0x10], $0x200, $0x38;
	[tilespmem:$0x1B000] =	vst v63  }
0x4a8: {  	s20 =	simm.s32 $0x17C00;
	s21 =	rddreg [dreg:$0x13];
	s18 =	sadd.s32 s17, s19  }
0x4a9: {  	[hbm4b:s18+s5] =	stream.linear.scatter [tilespmem:s20], [sflag:$0x10], $0x200, $0x38;
	[tilespmem:$0x1B000] =	vst v63  }
0x4aa: {  	s22 =	simm.s32 $0x17E00;
	s23 =	rddreg [dreg:$0x14];
	s18 =	sadd.s32 s17, s21  }
0x4ab: {  	[hbm4b:s18+s5] =	stream.linear.scatter [tilespmem:s22], [sflag:$0x10], $0x200, $0x38;
	[tilespmem:$0x1B000] =	vst v63  }
0x4ac: {  	s24 =	simm.s32 $0x18000;
	s19 =	rddreg [dreg:$0x15];
	s18 =	sadd.s32 s17, s23  }
0x4ad: {  	[hbm4b:s18+s5] =	stream.linear.scatter [tilespmem:s24], [sflag:$0x10], $0x200, $0x38;
	[tilespmem:$0x1B000] =	vst v63  }
0x4ae: {  	s20 =	simm.s32 $0x18200;
	s21 =	rddreg [dreg:$0x16];
	s18 =	sadd.s32 s17, s19  }
0x4af: {  	[hbm4b:s18+s5] =	stream.linear.scatter [tilespmem:s20], [sflag:$0x10], $0x200, $0x38;
	[tilespmem:$0x1B000] =	vst v63  }
0x4b0: {  	s22 =	simm.s32 $0x18400;
	s23 =	rddreg [dreg:$0x18];
	s18 =	sadd.s32 s17, s21  }
0x4b1: {  	[hbm4b:s18+s5] =	stream.linear.scatter [tilespmem:s22], [sflag:$0x10], $0x200, $0x38;
	[tilespmem:$0x1B000] =	vst v63  }
0x4b2: {  	s24 =	simm.s32 $0x18600;
	s19 =	rddreg [dreg:$0x19];
	s18 =	sadd.s32 s17, s23  }
0x4b3: {  	[hbm4b:s18+s5] =	stream.linear.scatter [tilespmem:s24], [sflag:$0x10], $0x200, $0x38;
	[tilespmem:$0x1B000] =	vst v63  }
0x4b4: {  	s20 =	simm.s32 $0x18800;
	s21 =	rddreg [dreg:$0x1a];
	s18 =	sadd.s32 s17, s19  }
0x4b5: {  	[hbm4b:s18+s5] =	stream.linear.scatter [tilespmem:s20], [sflag:$0x10], $0x200, $0x38;
	[tilespmem:$0x1B000] =	vst v63  }
0x4b6: {  	s22 =	simm.s32 $0x18A00;
	s23 =	rddreg [dreg:$0x1b];
	s18 =	sadd.s32 s17, s21  }
0x4b7: {  	[hbm4b:s18+s5] =	stream.linear.scatter [tilespmem:s22], [sflag:$0x10], $0x200, $0x38;
	[tilespmem:$0x1B000] =	vst v63  }
0x4b8: {  	s24 =	simm.s32 $0x18C00;
	s18 =	sadd.s32 s17, s23  }
0x4b9: {  	[hbm4b:s18+s5] =	stream.linear.scatter [tilespmem:s24], [sflag:$0x10], $0x200, $0x38;
	[tilespmem:$0x1B000] =	vst v63  }
0x4ba: {  	s19 =	sadd.s32 s17, s31;
	s20 =	simm.s32 $0x18E00  }
0x4bb: {  	[hbm4b:s19+s5] =	stream.linear.scatter [tilespmem:s20], [sflag:$0x10], $0x200, $0x38;
	[tilespmem:$0x1B000] =	vst v63  }
0x4bc: {  	s21 =	sadd.s32 s17, s1;
	s22 =	simm.s32 $0x19000  }
0x4bd: {  	[hbm4b:s21+s5] =	stream.linear.scatter [tilespmem:s22], [sflag:$0x10], $0x200, $0x38;
	[tilespmem:$0x1B000] =	vst v63  }
0x4be: {  	s23 =	sadd.s32 s17, s0;
	s24 =	simm.s32 $0x19200  }
0x4bf: {  	[hbm4b:s23+s5] =	stream.linear.scatter [tilespmem:s24], [sflag:$0x10], $0x200, $0x38;
	[tilespmem:$0x1B000] =	vst v63  }
0x4c0: {  	s19 =	sadd.s32 s17, s7;
	s20 =	simm.s32 $0x19400  }
0x4c1: {  	[hbm4b:s19+s5] =	stream.linear.scatter [tilespmem:s20], [sflag:$0x10], $0x200, $0x38;
	[tilespmem:$0x1B000] =	vst v63  }
0x4c2: {  	s21 =	sadd.s32 s17, s8;
	s22 =	simm.s32 $0x19600  }
0x4c3: {  	[hbm4b:s21+s5] =	stream.linear.scatter [tilespmem:s22], [sflag:$0x10], $0x200, $0x38;
	[tilespmem:$0x1B000] =	vst v63  }
0x4c4: {  	s16 =	sadd.s32 $0x1, s16;
	s23 =	sadd.s32 s17, s9;
	s24 =	simm.s32 $0x19800  }
0x4c5: {  	[hbm4b:s23+s5] =	stream.linear.scatter [tilespmem:s24], [sflag:$0x10], $0x200, $0x38;
	[tilespmem:$0x1B000] =	vst v63  }
0x4c6: {  	p0 =	sne.s32 s16, $0x8;
	s20 =	sadd.s32 s17, s10;
	s21 =	simm.s32 $0x19A00  }
0x4c7: {  	[hbm4b:s20+s5] =	stream.linear.scatter [tilespmem:s21], [sflag:$0x10], $0x200, $0x38;
	[tilespmem:$0x1B000] =	vst v63  }
.Ltmp10:
0x4c8: {  	_ = 	snop;
	(pc) =	sbr.rel @p0 .LBB2_6-.Ltmp10, $4  }
0x4c9: {  	s22 =	sadd.s32 s17, s11;
	s23 =	simm.s32 $0x19C00  }
0x4ca: {  	[hbm4b:s22+s5] =	stream.linear.scatter [tilespmem:s23], [sflag:$0x10], $0x200, $0x38;
	[tilespmem:$0x1B000] =	vst v63  }
0x4cb: {  	s17 =	sadd.s32 s17, s12;
	s24 =	simm.s32 $0x19E00  }
0x4cc: {  	[hbm4b:s17+s5] =	stream.linear.scatter [tilespmem:s24], [sflag:$0x10], $0x200, $0x38;
	[tilespmem:$0x1B000] =	vst v63  }
0x4cd: {  	s16 =	simm.s32 $0x9  }
0x4ce: {  	_ =	swait.ge [sflag:s16], $0x3200  }
0x4cf: {  	[sflag:s16] =	ssyncset.done $0x0  }
0x4d0: {  	s22 =	simm.s32 $0xA;
	[sflag:s16] =	ssyncadd.s32 $0xFFFFCE00  }
0x4d1: {  	_ =	swait.ge [sflag:s22], $0x3200  }
0x4d2: {  	[sflag:s22] =	ssyncset.done $0x0  }
0x4d3: {  	s23 =	simm.s32 $0xB;
	[sflag:s22] =	ssyncadd.s32 $0xFFFFCE00  }
0x4d4: {  	_ =	swait.ge [sflag:s23], $0x3200  }
0x4d5: {  	[sflag:s23] =	ssyncset.done $0x0  }
0x4d6: {  	s24 =	simm.s32 $0xC;
	[sflag:s23] =	ssyncadd.s32 $0xFFFFCE00  }
0x4d7: {  	_ =	swait.ge [sflag:s24], $0x3200  }
0x4d8: {  	[sflag:s24] =	ssyncset.done $0x0  }
0x4d9: {  	s26 =	simm.s32 $0xD;
	[sflag:s24] =	ssyncadd.s32 $0xFFFFCE00  }
0x4da: {  	_ =	swait.ge [sflag:s26], $0x3200  }
0x4db: {  	[sflag:s26] =	ssyncset.done $0x0  }
0x4dc: {  	s28 =	simm.s32 $0xE;
	[sflag:s26] =	ssyncadd.s32 $0xFFFFCE00  }
0x4dd: {  	_ =	swait.ge [sflag:s28], $0x3200  }
0x4de: {  	[sflag:s28] =	ssyncset.done $0x0  }
0x4df: {  	s29 =	simm.s32 $0xF;
	[sflag:s28] =	ssyncadd.s32 $0xFFFFCE00  }
0x4e0: {  	_ =	swait.ge [sflag:s29], $0x3200  }
0x4e1: {  	[sflag:s29] =	ssyncset.done $0x0  }
0x4e2: {  	s17 =	simm.s32 $0x10;
	[sflag:s29] =	ssyncadd.s32 $0xFFFFCE00  }
0x4e3: {  	_ =	swait.ge [sflag:s17], $0x3200  }
0x4e4: {  	s18 =	sld [smem:$0x7E9];
	_ =	sdelay $0x2  }
0x4e5: {  	s30 =	rddreg [dreg:$0x17];
	s18 =	sadd.s32 $0x1, s18  }
0x4e6: {  	p0 =	sne.s32 s18, s30  }
.Ltmp11:
0x4e7: {  	_ = 	snop;
	(pc) =	sbr.rel @p0 .LBB2_1-.Ltmp11, $3  }
0x4e8: {  	_ =	sdelay $0x1  }
0x4e9: {  	[sflag:s17] =	ssyncset.done $0x0  }
0x4ea: {  	[sflag:s17] =	ssyncadd.s32 $0xFFFFCE00  }
0x4eb: {  	_ =	sfence.sel $0x180000  }
0x4ec: {  	[bflag:$0x0] =	sbarrier.arrive $0xFFFF  }
0x4ed: {  	_ =	strace $0x90000047  }
0x4ee: {  	s0 =	stileid.u32;
	[bflag:$0x2] =	sbarrier.arrive $0xFFFF  }
0x4ef: {  	p0 =	sne.s32 s0, $0x0;
	s0 =	rddreg [dreg:$0x2]  }
0x4f0: {  	s0 =	sadd.s32 @!p0 $0x100000, s0  }
0x4f1: {  	[sflag:s0] =	ssyncadd.tile.s32 @!p0 $0x1;
	_ =	shalt  }
.Lfunc_end2:
_tile_overlayer_lowered:
.L_overlay_start_2:
0x4f2: {  	(tag) =	ssettag $0x2  }
0x4f3: {  	s0 =	rddreg [dreg:$0x0];
	s2 =	stileid.u32  }
0x4f4: {  	s1 =	rddreg [dreg:$0x1];
	p0 =	sne.s32 s2, $0x0  }
0x4f5: {  	s3 =	rddreg [dreg:$0x2];
	[bflag:$0x3] =	sbarrier.arrive $0xFFFF;
	s2 =	simm.s32 @!p0 $0x1C11  }
0x4f6: {  	[timem:s3], [sflag:s2] =	dma.local @!p0 [hbm:s0], s1  }
0x4f7: {  	s0 =	simm.s32 @!p0 $0x11  }
0x4f8: {  	_ =	swait.ge @!p0 [sflag:s0], s1  }
0x4f9: {  	s1 =	ssub.s32 @!p0 $0x0, s1;
	[sflag:s0] =	ssyncset.done @!p0 $0x0  }
0x4fa: {  	[sflag:s0] =	ssyncadd.s32 @!p0 s1  }
0x4fb: {  	[bflag:$0x3] =	sbarrier.arrive $0xFFFF  }
0x4fc: {  	_ =	shalt  }

</sc_bundles>
